<compile_context>
chip_gen: v7x
topology: tpu7x:2x2x1
jax: 0.10.2.dev20260603
libtpu: 0.0.44.dev20260713+nightly
codegen_flags: <defaults>
</compile_context>

<pallas_src>
import functools

import jax
import jax.numpy as jnp
from jax import lax
from jax.experimental import pallas as pl
from jax.experimental.pallas import tpu as pltpu
from jax.experimental.pallas import tpu_sc as plsc

N = 10000
E = 320000
D = 128
NC = 2
NS = 16
NW = NC * NS
K = 80
NCH2 = 250
EPS = NCH2 * K
E_PAD = NS * EPS
NPAD = 10240
HALF = NPAD // NC
TRASH = HALF
RPT = HALF // NS
RB = 32

_mesh = plsc.VectorSubcoreMesh(core_axis_name="c", subcore_axis_name="s")


def _deg_body(col_hbm, ones_hbm, zeros_hbm, out_hbm,
              col_v, ones_v, blk_v, acc, sem):
    c = lax.axis_index("c")
    s = lax.axis_index("s")
    pltpu.sync_copy(col_hbm.at[s], col_v)
    pltpu.sync_copy(ones_hbm, ones_v)

    base = jnp.broadcast_to((c * HALF).astype(jnp.int32), (16,))
    trash = jnp.broadcast_to(jnp.int32(TRASH), (16,))

    def remap(j, _):
        for m in range(K // 16):
            v = col_v[j, pl.ds(m * 16, 16)]
            t = v - base
            ok = (t >= 0) & (t < HALF)
            col_v[j, pl.ds(m * 16, 16)] = jnp.where(ok, t, trash)
        return 0
    lax.fori_loop(0, NCH2, remap, 0)

    pltpu.sync_copy(zeros_hbm, blk_v)
    for k in range(RPT // RB):
        pltpu.sync_copy(blk_v, acc.at[pl.ds(s * RPT + k * RB, RB)])
    plsc.subcore_barrier()

    def chunk(j, _):
        pltpu.sync_copy(ones_v, acc.at[col_v.at[j]], add=True)
        return 0
    lax.fori_loop(0, NCH2, chunk, 0)

    plsc.subcore_barrier()
    for k in range(RPT // RB):
        r0 = s * RPT + k * RB
        pltpu.sync_copy(acc.at[pl.ds(r0, RB)], blk_v)
        pltpu.sync_copy(blk_v, out_hbm.at[pl.ds(c * HALF + r0, RB)])


@functools.partial(
    pl.kernel,
    out_type=jax.ShapeDtypeStruct((NPAD, D), jnp.float32),
    mesh=_mesh,
    scratch_types=[
        pltpu.VMEM((NCH2, K), jnp.int32),
        pltpu.VMEM((K, D), jnp.float32),
        pltpu.VMEM((RB, D), jnp.float32),
        pltpu.MemorySpace.VMEM_SHARED((HALF + 8, D), jnp.float32),
        pltpu.SemaphoreType.DMA,
    ],
)
def _deg_kernel(*refs):
    _deg_body(*refs)


def _scatter_body(h_hbm, row_hbm, col_hbm, zeros_hbm, out_hbm,
                  row_v, col_v, rows_a, rows_b, blk_v, acc,
                  gsem_a, gsem_b):
    c = lax.axis_index("c")
    s = lax.axis_index("s")
    pltpu.sync_copy(row_hbm.at[pl.ds(s * EPS, EPS)], row_v)
    pltpu.sync_copy(col_hbm.at[s], col_v)

    base = jnp.broadcast_to((c * HALF).astype(jnp.int32), (16,))
    trash = jnp.broadcast_to(jnp.int32(TRASH), (16,))

    def remap(j, _):
        for m in range(K // 16):
            v = col_v[j, pl.ds(m * 16, 16)]
            t = v - base
            ok = (t >= 0) & (t < HALF)
            col_v[j, pl.ds(m * 16, 16)] = jnp.where(ok, t, trash)
        return 0
    lax.fori_loop(0, NCH2, remap, 0)

    pltpu.sync_copy(zeros_hbm, blk_v)
    for k in range(RPT // RB):
        pltpu.sync_copy(blk_v, acc.at[pl.ds(s * RPT + k * RB, RB)])
    plsc.subcore_barrier()

    def gather(j, buf, sem):
        pltpu.async_copy(h_hbm.at[row_v.at[pl.ds(j * K, K)]], buf, sem)

    def gwait(buf, sem):
        pltpu.make_async_copy(h_hbm.at[row_v.at[pl.ds(0, K)]], buf, sem).wait()

    def scat(j, buf):
        pltpu.sync_copy(buf, acc.at[col_v.at[j]], add=True)

    gather(0, rows_a, gsem_a)

    def step(i, _):
        j = i * 2
        gwait(rows_a, gsem_a)
        gather(j + 1, rows_b, gsem_b)
        scat(j, rows_a)
        gwait(rows_b, gsem_b)
        gather(j + 2, rows_a, gsem_a)
        scat(j + 1, rows_b)
        return 0

    lax.fori_loop(0, NCH2 // 2 - 1, step, 0)
    j = NCH2 - 2
    gwait(rows_a, gsem_a)
    gather(j + 1, rows_b, gsem_b)
    scat(j, rows_a)
    gwait(rows_b, gsem_b)
    scat(j + 1, rows_b)

    plsc.subcore_barrier()
    for k in range(RPT // RB):
        r0 = s * RPT + k * RB
        pltpu.sync_copy(acc.at[pl.ds(r0, RB)], blk_v)
        pltpu.sync_copy(blk_v, out_hbm.at[pl.ds(c * HALF + r0, RB)])


@functools.partial(
    pl.kernel,
    out_type=jax.ShapeDtypeStruct((NPAD, D), jnp.float32),
    mesh=_mesh,
    scratch_types=[
        pltpu.VMEM((EPS,), jnp.int32),
        pltpu.VMEM((NCH2, K), jnp.int32),
        pltpu.VMEM((K, D), jnp.float32),
        pltpu.VMEM((K, D), jnp.float32),
        pltpu.VMEM((RB, D), jnp.float32),
        pltpu.MemorySpace.VMEM_SHARED((HALF + 8, D), jnp.float32),
        pltpu.SemaphoreType.DMA,
        pltpu.SemaphoreType.DMA,
    ],
)
def _edge_scatter(*refs):
    _scatter_body(*refs)



BS = 2000


def _mm_scale_body(x_ref, w_ref, b_ref, dis_ref, o_ref):
    acc = lax.dot_general(x_ref[...], w_ref[...], (((1,), (1,)), ((), ())),
                          preferred_element_type=jnp.float32)
    o_ref[...] = (acc + b_ref[...]) * dis_ref[...]


def _mm1(x, W, b2d, dis):
    return pl.pallas_call(
        _mm_scale_body,
        grid=(N // BS,),
        in_specs=[
            pl.BlockSpec((BS, D), lambda i: (i, 0)),
            pl.BlockSpec((D, D), lambda i: (0, 0)),
            pl.BlockSpec((1, D), lambda i: (0, 0)),
            pl.BlockSpec((BS, 1), lambda i: (i, 0)),
        ],
        out_specs=pl.BlockSpec((BS, D), lambda i: (i, 0)),
        out_shape=jax.ShapeDtypeStruct((N, D), jnp.float32),
    )(x, W, b2d, dis)


def _mid_body(sp_ref, h_ref, w_ref, b_ref, dis_ref, o_ref):
    u = jnp.maximum((sp_ref[...] + h_ref[...]) * dis_ref[...], 0.0)
    acc = lax.dot_general(u, w_ref[...], (((1,), (1,)), ((), ())),
                          preferred_element_type=jnp.float32)
    o_ref[...] = (acc + b_ref[...]) * dis_ref[...]


def _mm2(sp, h, W, b2d, dis):
    return pl.pallas_call(
        _mid_body,
        grid=(N // BS,),
        in_specs=[
            pl.BlockSpec((BS, D), lambda i: (i, 0)),
            pl.BlockSpec((BS, D), lambda i: (i, 0)),
            pl.BlockSpec((D, D), lambda i: (0, 0)),
            pl.BlockSpec((1, D), lambda i: (0, 0)),
            pl.BlockSpec((BS, 1), lambda i: (i, 0)),
        ],
        out_specs=pl.BlockSpec((BS, D), lambda i: (i, 0)),
        out_shape=jax.ShapeDtypeStruct((N, D), jnp.float32),
    )(sp, h, W, b2d, dis)


def _final_body(sp_ref, h_ref, dis_ref, o_ref):
    o_ref[...] = jnp.maximum((sp_ref[...] + h_ref[...]) * dis_ref[...], 0.0)


def _mm3(sp, h, dis):
    return pl.pallas_call(
        _final_body,
        grid=(N // BS,),
        in_specs=[
            pl.BlockSpec((BS, D), lambda i: (i, 0)),
            pl.BlockSpec((BS, D), lambda i: (i, 0)),
            pl.BlockSpec((BS, 1), lambda i: (i, 0)),
        ],
        out_specs=pl.BlockSpec((BS, D), lambda i: (i, 0)),
        out_shape=jax.ShapeDtypeStruct((N, D), jnp.float32),
    )(sp, h, dis)


def kernel(x, edge_index, W1, b1, W2, b2):
    x2 = x[0]
    row = edge_index[0].astype(jnp.int32)
    col = edge_index[1].astype(jnp.int32)
    rowd_s = row.reshape(NS, NCH2, K)
    col_s = col.reshape(NS, NCH2, K)
    zeros128 = jnp.zeros((RB, D), jnp.float32)
    ones128 = jnp.ones((K, D), jnp.float32)
    b1_2d = b1.reshape(1, D)
    b2_2d = b2.reshape(1, D)

    degw = _deg_kernel(rowd_s, ones128, zeros128)
    deg = degw[:N, 0] + 1.0
    dis = lax.rsqrt(deg)[:, None]

    h1 = _mm1(x2, W1, b1_2d, dis)
    s1 = _edge_scatter(h1, row, col_s, zeros128)
    h2 = _mm2(s1, h1, W2, b2_2d, dis)
    s2 = _edge_scatter(h2, row, col_s, zeros128)
    out = _mm3(s2, h2, dis)
    return out[None]

# --- scband reference (transcript-rebuilt; emitter-appended) ---
"""Pipeline reference for scband-gconv-seq-7859790152279 (READ-ONLY COPY).

The authoritative reference and input builder live on the scoring server;
editing this copy changes nothing except your own understanding.
"""

import jax, jax.numpy as jnp
import numpy as np

N_NODES = 10000


def _gconv(x, edge_index, W, b):
    # add self loops
    n = N_NODES
    loops = jnp.arange(n, dtype=edge_index.dtype)
    ei = jnp.concatenate([edge_index, jnp.stack([loops, loops], axis=0)], axis=1)
    # linear layer
    x = x @ W.T + b
    row, col = ei[0], ei[1]
    # degree over row (source) nodes
    deg = jnp.zeros((n,), dtype=x.dtype).at[row].add(1.0)
    deg_inv_sqrt = deg ** -0.5
    norm = deg_inv_sqrt[row] * deg_inv_sqrt[col]
    # message: norm * x_j where x_j = x gathered at source nodes (node_dim=-2)
    msg = norm[None, :, None] * x[:, row, :]
    # aggregate (add) at target nodes
    out = jnp.zeros_like(x).at[:, col, :].add(msg)
    return out


def setup_inputs(seed: int = 0) -> dict:
    key = jax.random.key(seed)
    k1, k2, k3, k4 = jax.random.split(key, 4)
    x = jax.random.normal(k1, (1, N_NODES, 128), dtype=jnp.float32)
    edge_index = jax.random.randint(k2, (2, 320000), 0, N_NODES, dtype=jnp.int64)
    # xavier-uniform init for linear weights
    limit = np.sqrt(6.0 / (128 + 128))
    W1 = jax.random.uniform(k3, (128, 128), dtype=jnp.float32, minval=-limit, maxval=limit)
    b1 = jnp.zeros((128,), dtype=jnp.float32)
    W2 = jax.random.uniform(k4, (128, 128), dtype=jnp.float32, minval=-limit, maxval=limit)
    b2 = jnp.zeros((128,), dtype=jnp.float32)
    return {"x": x, "edge_index": edge_index, "W1": W1, "b1": b1, "W2": W2, "b2": b2}


def reference(x, edge_index, W1, b1, W2, b2):
    x = _gconv(x, edge_index, W1, b1)
    x = jax.nn.relu(x)
    x = _gconv(x, edge_index, W2, b2)
    x = jax.nn.relu(x)
    return x

if __name__ == "__main__":
    import jax
    _d = setup_inputs()
    print(jax.jit(kernel)(*tuple(_d.values())))

</pallas_src>

<mosaic_0001>
#map = affine_map<(d0, d1) -> (0, 0)>
#map1 = affine_map<(d0, d1) -> (0)>
#map2 = affine_map<(d0, d1) -> (0, 0, 0)>
module attributes {stable_mosaic.version = 14 : i64} {
  func.func @_edge_scatter(%arg0: i32, %arg1: i32, %arg2: memref<10000x128xf32, #tpu.memory_space<hbm>>, %arg3: memref<320000xi32, #tpu.memory_space<hbm>>, %arg4: memref<16x250x80xi32, #tpu.memory_space<hbm>>, %arg5: memref<32x128xf32, #tpu.memory_space<hbm>>, %arg6: memref<10240x128xf32, #tpu.memory_space<hbm>>, %arg7: memref<20000xi32, #tpu.memory_space<vmem>>, %arg8: memref<250x80xi32, #tpu.memory_space<vmem>>, %arg9: memref<80x128xf32, #tpu.memory_space<vmem>>, %arg10: memref<80x128xf32, #tpu.memory_space<vmem>>, %arg11: memref<32x128xf32, #tpu.memory_space<vmem>>, %arg12: memref<5128x128xf32, #tpu.memory_space<vmem_shared>>, %arg13: memref<!tpu.dma_semaphore, #tpu.memory_space<semaphore_mem>>, %arg14: memref<!tpu.dma_semaphore, #tpu.memory_space<semaphore_mem>>) attributes {dimension_semantics = [#tpu.dimension_semantics<core_parallel>, #tpu.dimension_semantics<subcore_parallel>], iteration_bounds = array<i64: 2, 16>, scalar_prefetch = 0 : i64, scratch_operands = 8 : i64, tpu.core_type = #tpu.core_type<sc_vector_subcore>, window_params = [{transform_indices = #map}, {transform_indices = #map1}, {transform_indices = #map2}, {transform_indices = #map}, {transform_indices = #map}]} {
    %mul3A = arith.constant 20000 : i32
    %mul3A_0 = arith.muli %arg1, %mul3A : i32
    "tpu.region"() ({
      %run_scoped3A_147 = tpu.sem_alloc : memref<!tpu.dma_semaphore, #tpu.memory_space<semaphore_mem>>
      %dma_start3A_148 = tpu.memref_slice %arg3[%mul3A_0] : memref<320000xi32, #tpu.memory_space<hbm>> -> memref<20000xi32, #tpu.memory_space<hbm>>
      %dma_start3A_149 = tpu.memref_slice %arg3[%mul3A_0] : memref<320000xi32, #tpu.memory_space<hbm>> -> memref<20000xi32, #tpu.memory_space<hbm>>
      tpu.enqueue_dma source(%dma_start3A_149 : memref<20000xi32, #tpu.memory_space<hbm>>) target(%arg7 : memref<20000xi32, #tpu.memory_space<vmem>>) target_semaphore(%run_scoped3A_147 : memref<!tpu.dma_semaphore, #tpu.memory_space<semaphore_mem>>)
      %dma_wait3A_150 = tpu.memref_slice %arg3[%mul3A_0] : memref<320000xi32, #tpu.memory_space<hbm>> -> memref<20000xi32, #tpu.memory_space<hbm>>
      %dma_wait3A_151 = tpu.memref_slice %arg3[%mul3A_0] : memref<320000xi32, #tpu.memory_space<hbm>> -> memref<20000xi32, #tpu.memory_space<hbm>>
      tpu.wait_dma2 semaphore(%run_scoped3A_147 : memref<!tpu.dma_semaphore, #tpu.memory_space<semaphore_mem>>) src(%dma_wait3A_151 : memref<20000xi32, #tpu.memory_space<hbm>>) dst(%arg7 : memref<20000xi32, #tpu.memory_space<vmem>>)
      tpu.yield
    }) : () -> ()
    "tpu.region"() ({
      %run_scoped3A_147 = tpu.sem_alloc : memref<!tpu.dma_semaphore, #tpu.memory_space<semaphore_mem>>
      %dma_start3A_148 = arith.constant 0 : i32
      %dma_start3A_149 = arith.constant 0 : i32
      %dma_start3A_150 = tpu.memref_slice %arg4[%arg1, %dma_start3A_148, %dma_start3A_149] : memref<16x250x80xi32, #tpu.memory_space<hbm>> -> memref<1x250x80xi32, #tpu.memory_space<hbm>>
      %dma_start3A_151 = tpu.memref_squeeze %dma_start3A_150 : memref<1x250x80xi32, #tpu.memory_space<hbm>> -> memref<250x80xi32, #tpu.memory_space<hbm>>
      %dma_start3A_152 = arith.constant 0 : i32
      %dma_start3A_153 = arith.constant 0 : i32
      %dma_start3A_154 = tpu.memref_slice %arg4[%arg1, %dma_start3A_152, %dma_start3A_153] : memref<16x250x80xi32, #tpu.memory_space<hbm>> -> memref<1x250x80xi32, #tpu.memory_space<hbm>>
      %dma_start3A_155 = tpu.memref_squeeze %dma_start3A_154 : memref<1x250x80xi32, #tpu.memory_space<hbm>> -> memref<250x80xi32, #tpu.memory_space<hbm>>
      tpu.enqueue_dma source(%dma_start3A_155 : memref<250x80xi32, #tpu.memory_space<hbm>>) target(%arg8 : memref<250x80xi32, #tpu.memory_space<vmem>>) target_semaphore(%run_scoped3A_147 : memref<!tpu.dma_semaphore, #tpu.memory_space<semaphore_mem>>)
      %dma_wait3A_156 = arith.constant 0 : i32
      %dma_wait3A_157 = arith.constant 0 : i32
      %dma_wait3A_158 = tpu.memref_slice %arg4[%arg1, %dma_wait3A_156, %dma_wait3A_157] : memref<16x250x80xi32, #tpu.memory_space<hbm>> -> memref<1x250x80xi32, #tpu.memory_space<hbm>>
      %dma_wait3A_159 = tpu.memref_squeeze %dma_wait3A_158 : memref<1x250x80xi32, #tpu.memory_space<hbm>> -> memref<250x80xi32, #tpu.memory_space<hbm>>
      %dma_wait3A_160 = arith.constant 0 : i32
      %dma_wait3A_161 = arith.constant 0 : i32
      %dma_wait3A_162 = tpu.memref_slice %arg4[%arg1, %dma_wait3A_160, %dma_wait3A_161] : memref<16x250x80xi32, #tpu.memory_space<hbm>> -> memref<1x250x80xi32, #tpu.memory_space<hbm>>
      %dma_wait3A_163 = tpu.memref_squeeze %dma_wait3A_162 : memref<1x250x80xi32, #tpu.memory_space<hbm>> -> memref<250x80xi32, #tpu.memory_space<hbm>>
      tpu.wait_dma2 semaphore(%run_scoped3A_147 : memref<!tpu.dma_semaphore, #tpu.memory_space<semaphore_mem>>) src(%dma_wait3A_163 : memref<250x80xi32, #tpu.memory_space<hbm>>) dst(%arg8 : memref<250x80xi32, #tpu.memory_space<vmem>>)
      tpu.yield
    }) : () -> ()
    %mul3A_1 = arith.constant 5120 : i32
    %mul3A_2 = arith.muli %arg0, %mul3A_1 : i32
    %broadcast_in_dim3A = vector.broadcast %mul3A_2 : i32 to vector<16xi32>
    %broadcast_in_dim3A_3 = arith.constant 5120 : i32
    %broadcast_in_dim3A_4 = vector.broadcast %broadcast_in_dim3A_3 : i32 to vector<16xi32>
    %scan3A = arith.constant 0 : i32
    %scan3A_5 = arith.constant 0 : i32
    %scan3A_6 = arith.constant 250 : i32
    %scan3A_7 = arith.addi %scan3A_5, %scan3A_6 : i32
    %scan3A_8 = arith.constant 1 : i32
    %scan3A_9 = scf.for %scan3A_147 = %scan3A_5 to %scan3A_7 step %scan3A_8 iter_args(%scan3A_148 = %scan3A) -> (i32)  : i32 {
      %get3A = arith.index_cast %scan3A_147 : i32 to index
      %get3A_149 = arith.constant 0 : index
      %get3A_150 = tpu.vector_load %arg8[%get3A, %get3A_149] {strides = array<i32>} : memref<250x80xi32, #tpu.memory_space<vmem>>, vector<1x16xi32>,
      %get3A_151 = vector.shape_cast %get3A_150 : vector<1x16xi32> to vector<16xi32>
      %sub3A = arith.subi %get3A_151, %broadcast_in_dim3A : vector<16xi32>
      %ge3A = arith.constant 0 : i32
      %ge3A_152 = vector.broadcast %ge3A : i32 to vector<16xi32>
      %ge3A_153 = arith.cmpi sge, %sub3A, %ge3A_152 : vector<16xi32>
      %lt3A = arith.constant 5120 : i32
      %lt3A_154 = vector.broadcast %lt3A : i32 to vector<16xi32>
      %lt3A_155 = arith.cmpi slt, %sub3A, %lt3A_154 : vector<16xi32>
      %and3A = arith.andi %ge3A_153, %lt3A_155 : vector<16xi1>
      %select_n3A = arith.select %and3A, %sub3A, %broadcast_in_dim3A_4 : vector<16xi1>, vector<16xi32>
      %swap3A = arith.index_cast %scan3A_147 : i32 to index
      %swap3A_156 = arith.constant 0 : index
      %swap3A_157 = tpu.vector_load %arg8[%swap3A, %swap3A_156] {strides = array<i32>} : memref<250x80xi32, #tpu.memory_space<vmem>>, vector<1x16xi32>,
      %swap3A_158 = vector.shape_cast %swap3A_157 : vector<1x16xi32> to vector<16xi32>
      %swap3A_159 = vector.shape_cast %select_n3A : vector<16xi32> to vector<1x16xi32>
      tpu.vector_store %arg8[%swap3A, %swap3A_156], %swap3A_159 {strides = array<i32>} : memref<250x80xi32, #tpu.memory_space<vmem>>, vector<1x16xi32>,
      %get3A_160 = arith.index_cast %scan3A_147 : i32 to index
      %get3A_161 = arith.constant 16 : index
      %get3A_162 = tpu.vector_load %arg8[%get3A_160, %get3A_161] {strides = array<i32>} : memref<250x80xi32, #tpu.memory_space<vmem>>, vector<1x16xi32>,
      %get3A_163 = vector.shape_cast %get3A_162 : vector<1x16xi32> to vector<16xi32>
      %sub3A_164 = arith.subi %get3A_163, %broadcast_in_dim3A : vector<16xi32>
      %ge3A_165 = arith.constant 0 : i32
      %ge3A_166 = vector.broadcast %ge3A_165 : i32 to vector<16xi32>
      %ge3A_167 = arith.cmpi sge, %sub3A_164, %ge3A_166 : vector<16xi32>
      %lt3A_168 = arith.constant 5120 : i32
      %lt3A_169 = vector.broadcast %lt3A_168 : i32 to vector<16xi32>
      %lt3A_170 = arith.cmpi slt, %sub3A_164, %lt3A_169 : vector<16xi32>
      %and3A_171 = arith.andi %ge3A_167, %lt3A_170 : vector<16xi1>
      %select_n3A_172 = arith.select %and3A_171, %sub3A_164, %broadcast_in_dim3A_4 : vector<16xi1>, vector<16xi32>
      %swap3A_173 = arith.index_cast %scan3A_147 : i32 to index
      %swap3A_174 = arith.constant 16 : index
      %swap3A_175 = tpu.vector_load %arg8[%swap3A_173, %swap3A_174] {strides = array<i32>} : memref<250x80xi32, #tpu.memory_space<vmem>>, vector<1x16xi32>,
      %swap3A_176 = vector.shape_cast %swap3A_175 : vector<1x16xi32> to vector<16xi32>
      %swap3A_177 = vector.shape_cast %select_n3A_172 : vector<16xi32> to vector<1x16xi32>
      tpu.vector_store %arg8[%swap3A_173, %swap3A_174], %swap3A_177 {strides = array<i32>} : memref<250x80xi32, #tpu.memory_space<vmem>>, vector<1x16xi32>,
      %get3A_178 = arith.index_cast %scan3A_147 : i32 to index
      %get3A_179 = arith.constant 32 : index
      %get3A_180 = tpu.vector_load %arg8[%get3A_178, %get3A_179] {strides = array<i32>} : memref<250x80xi32, #tpu.memory_space<vmem>>, vector<1x16xi32>,
      %get3A_181 = vector.shape_cast %get3A_180 : vector<1x16xi32> to vector<16xi32>
      %sub3A_182 = arith.subi %get3A_181, %broadcast_in_dim3A : vector<16xi32>
      %ge3A_183 = arith.constant 0 : i32
      %ge3A_184 = vector.broadcast %ge3A_183 : i32 to vector<16xi32>
      %ge3A_185 = arith.cmpi sge, %sub3A_182, %ge3A_184 : vector<16xi32>
      %lt3A_186 = arith.constant 5120 : i32
      %lt3A_187 = vector.broadcast %lt3A_186 : i32 to vector<16xi32>
      %lt3A_188 = arith.cmpi slt, %sub3A_182, %lt3A_187 : vector<16xi32>
      %and3A_189 = arith.andi %ge3A_185, %lt3A_188 : vector<16xi1>
      %select_n3A_190 = arith.select %and3A_189, %sub3A_182, %broadcast_in_dim3A_4 : vector<16xi1>, vector<16xi32>
      %swap3A_191 = arith.index_cast %scan3A_147 : i32 to index
      %swap3A_192 = arith.constant 32 : index
      %swap3A_193 = tpu.vector_load %arg8[%swap3A_191, %swap3A_192] {strides = array<i32>} : memref<250x80xi32, #tpu.memory_space<vmem>>, vector<1x16xi32>,
      %swap3A_194 = vector.shape_cast %swap3A_193 : vector<1x16xi32> to vector<16xi32>
      %swap3A_195 = vector.shape_cast %select_n3A_190 : vector<16xi32> to vector<1x16xi32>
      tpu.vector_store %arg8[%swap3A_191, %swap3A_192], %swap3A_195 {strides = array<i32>} : memref<250x80xi32, #tpu.memory_space<vmem>>, vector<1x16xi32>,
      %get3A_196 = arith.index_cast %scan3A_147 : i32 to index
      %get3A_197 = arith.constant 48 : index
      %get3A_198 = tpu.vector_load %arg8[%get3A_196, %get3A_197] {strides = array<i32>} : memref<250x80xi32, #tpu.memory_space<vmem>>, vector<1x16xi32>,
      %get3A_199 = vector.shape_cast %get3A_198 : vector<1x16xi32> to vector<16xi32>
      %sub3A_200 = arith.subi %get3A_199, %broadcast_in_dim3A : vector<16xi32>
      %ge3A_201 = arith.constant 0 : i32
      %ge3A_202 = vector.broadcast %ge3A_201 : i32 to vector<16xi32>
      %ge3A_203 = arith.cmpi sge, %sub3A_200, %ge3A_202 : vector<16xi32>
      %lt3A_204 = arith.constant 5120 : i32
      %lt3A_205 = vector.broadcast %lt3A_204 : i32 to vector<16xi32>
      %lt3A_206 = arith.cmpi slt, %sub3A_200, %lt3A_205 : vector<16xi32>
      %and3A_207 = arith.andi %ge3A_203, %lt3A_206 : vector<16xi1>
      %select_n3A_208 = arith.select %and3A_207, %sub3A_200, %broadcast_in_dim3A_4 : vector<16xi1>, vector<16xi32>
      %swap3A_209 = arith.index_cast %scan3A_147 : i32 to index
      %swap3A_210 = arith.constant 48 : index
      %swap3A_211 = tpu.vector_load %arg8[%swap3A_209, %swap3A_210] {strides = array<i32>} : memref<250x80xi32, #tpu.memory_space<vmem>>, vector<1x16xi32>,
      %swap3A_212 = vector.shape_cast %swap3A_211 : vector<1x16xi32> to vector<16xi32>
      %swap3A_213 = vector.shape_cast %select_n3A_208 : vector<16xi32> to vector<1x16xi32>
      tpu.vector_store %arg8[%swap3A_209, %swap3A_210], %swap3A_213 {strides = array<i32>} : memref<250x80xi32, #tpu.memory_space<vmem>>, vector<1x16xi32>,
      %get3A_214 = arith.index_cast %scan3A_147 : i32 to index
      %get3A_215 = arith.constant 64 : index
      %get3A_216 = tpu.vector_load %arg8[%get3A_214, %get3A_215] {strides = array<i32>} : memref<250x80xi32, #tpu.memory_space<vmem>>, vector<1x16xi32>,
      %get3A_217 = vector.shape_cast %get3A_216 : vector<1x16xi32> to vector<16xi32>
      %sub3A_218 = arith.subi %get3A_217, %broadcast_in_dim3A : vector<16xi32>
      %ge3A_219 = arith.constant 0 : i32
      %ge3A_220 = vector.broadcast %ge3A_219 : i32 to vector<16xi32>
      %ge3A_221 = arith.cmpi sge, %sub3A_218, %ge3A_220 : vector<16xi32>
      %lt3A_222 = arith.constant 5120 : i32
      %lt3A_223 = vector.broadcast %lt3A_222 : i32 to vector<16xi32>
      %lt3A_224 = arith.cmpi slt, %sub3A_218, %lt3A_223 : vector<16xi32>
      %and3A_225 = arith.andi %ge3A_221, %lt3A_224 : vector<16xi1>
      %select_n3A_226 = arith.select %and3A_225, %sub3A_218, %broadcast_in_dim3A_4 : vector<16xi1>, vector<16xi32>
      %swap3A_227 = arith.index_cast %scan3A_147 : i32 to index
      %swap3A_228 = arith.constant 64 : index
      %swap3A_229 = tpu.vector_load %arg8[%swap3A_227, %swap3A_228] {strides = array<i32>} : memref<250x80xi32, #tpu.memory_space<vmem>>, vector<1x16xi32>,
      %swap3A_230 = vector.shape_cast %swap3A_229 : vector<1x16xi32> to vector<16xi32>
      %swap3A_231 = vector.shape_cast %select_n3A_226 : vector<16xi32> to vector<1x16xi32>
      tpu.vector_store %arg8[%swap3A_227, %swap3A_228], %swap3A_231 {strides = array<i32>} : memref<250x80xi32, #tpu.memory_space<vmem>>, vector<1x16xi32>,
      %scan3A_232 = arith.constant 0 : i32
      scf.yield %scan3A_232 : i32
    }
    %scan3A_10 = arith.constant 250 : i32
    "tpu.region"() ({
      %run_scoped3A_147 = tpu.sem_alloc : memref<!tpu.dma_semaphore, #tpu.memory_space<semaphore_mem>>
      tpu.enqueue_dma source(%arg5 : memref<32x128xf32, #tpu.memory_space<hbm>>) target(%arg11 : memref<32x128xf32, #tpu.memory_space<vmem>>) target_semaphore(%run_scoped3A_147 : memref<!tpu.dma_semaphore, #tpu.memory_space<semaphore_mem>>)
      tpu.wait_dma2 semaphore(%run_scoped3A_147 : memref<!tpu.dma_semaphore, #tpu.memory_space<semaphore_mem>>) src(%arg5 : memref<32x128xf32, #tpu.memory_space<hbm>>) dst(%arg11 : memref<32x128xf32, #tpu.memory_space<vmem>>)
      tpu.yield
    }) : () -> ()
    %mul3A_11 = arith.constant 320 : i32
    %mul3A_12 = arith.muli %arg1, %mul3A_11 : i32
    %add3A = arith.constant 0 : i32
    %add3A_13 = arith.addi %mul3A_12, %add3A : i32
    "tpu.region"() ({
      %run_scoped3A_147 = tpu.sem_alloc : memref<!tpu.dma_semaphore, #tpu.memory_space<semaphore_mem>>
      %dma_start3A_148 = arith.constant 0 : i32
      %dma_start3A_149 = tpu.memref_slice %arg12[%add3A_13, %dma_start3A_148] : memref<5128x128xf32, #tpu.memory_space<vmem_shared>> -> memref<32x128xf32, #tpu.memory_space<vmem_shared>>
      %dma_start3A_150 = arith.constant 0 : i32
      %dma_start3A_151 = tpu.memref_slice %arg12[%add3A_13, %dma_start3A_150] : memref<5128x128xf32, #tpu.memory_space<vmem_shared>> -> memref<32x128xf32, #tpu.memory_space<vmem_shared>>
      tpu.enqueue_dma source(%arg11 : memref<32x128xf32, #tpu.memory_space<vmem>>) target(%dma_start3A_151 : memref<32x128xf32, #tpu.memory_space<vmem_shared>>) target_semaphore(%run_scoped3A_147 : memref<!tpu.dma_semaphore, #tpu.memory_space<semaphore_mem>>)
      %dma_wait3A_152 = arith.constant 0 : i32
      %dma_wait3A_153 = tpu.memref_slice %arg12[%add3A_13, %dma_wait3A_152] : memref<5128x128xf32, #tpu.memory_space<vmem_shared>> -> memref<32x128xf32, #tpu.memory_space<vmem_shared>>
      %dma_wait3A_154 = arith.constant 0 : i32
      %dma_wait3A_155 = tpu.memref_slice %arg12[%add3A_13, %dma_wait3A_154] : memref<5128x128xf32, #tpu.memory_space<vmem_shared>> -> memref<32x128xf32, #tpu.memory_space<vmem_shared>>
      tpu.wait_dma2 semaphore(%run_scoped3A_147 : memref<!tpu.dma_semaphore, #tpu.memory_space<semaphore_mem>>) src(%arg11 : memref<32x128xf32, #tpu.memory_space<vmem>>) dst(%dma_wait3A_155 : memref<32x128xf32, #tpu.memory_space<vmem_shared>>)
      tpu.yield
    }) : () -> ()
    %mul3A_14 = arith.constant 320 : i32
    %mul3A_15 = arith.muli %arg1, %mul3A_14 : i32
    %add3A_16 = arith.constant 32 : i32
    %add3A_17 = arith.addi %mul3A_15, %add3A_16 : i32
    "tpu.region"() ({
      %run_scoped3A_147 = tpu.sem_alloc : memref<!tpu.dma_semaphore, #tpu.memory_space<semaphore_mem>>
      %dma_start3A_148 = arith.constant 0 : i32
      %dma_start3A_149 = tpu.memref_slice %arg12[%add3A_17, %dma_start3A_148] : memref<5128x128xf32, #tpu.memory_space<vmem_shared>> -> memref<32x128xf32, #tpu.memory_space<vmem_shared>>
      %dma_start3A_150 = arith.constant 0 : i32
      %dma_start3A_151 = tpu.memref_slice %arg12[%add3A_17, %dma_start3A_150] : memref<5128x128xf32, #tpu.memory_space<vmem_shared>> -> memref<32x128xf32, #tpu.memory_space<vmem_shared>>
      tpu.enqueue_dma source(%arg11 : memref<32x128xf32, #tpu.memory_space<vmem>>) target(%dma_start3A_151 : memref<32x128xf32, #tpu.memory_space<vmem_shared>>) target_semaphore(%run_scoped3A_147 : memref<!tpu.dma_semaphore, #tpu.memory_space<semaphore_mem>>)
      %dma_wait3A_152 = arith.constant 0 : i32
      %dma_wait3A_153 = tpu.memref_slice %arg12[%add3A_17, %dma_wait3A_152] : memref<5128x128xf32, #tpu.memory_space<vmem_shared>> -> memref<32x128xf32, #tpu.memory_space<vmem_shared>>
      %dma_wait3A_154 = arith.constant 0 : i32
      %dma_wait3A_155 = tpu.memref_slice %arg12[%add3A_17, %dma_wait3A_154] : memref<5128x128xf32, #tpu.memory_space<vmem_shared>> -> memref<32x128xf32, #tpu.memory_space<vmem_shared>>
      tpu.wait_dma2 semaphore(%run_scoped3A_147 : memref<!tpu.dma_semaphore, #tpu.memory_space<semaphore_mem>>) src(%arg11 : memref<32x128xf32, #tpu.memory_space<vmem>>) dst(%dma_wait3A_155 : memref<32x128xf32, #tpu.memory_space<vmem_shared>>)
      tpu.yield
    }) : () -> ()
    %mul3A_18 = arith.constant 320 : i32
    %mul3A_19 = arith.muli %arg1, %mul3A_18 : i32
    %add3A_20 = arith.constant 64 : i32
    %add3A_21 = arith.addi %mul3A_19, %add3A_20 : i32
    "tpu.region"() ({
      %run_scoped3A_147 = tpu.sem_alloc : memref<!tpu.dma_semaphore, #tpu.memory_space<semaphore_mem>>
      %dma_start3A_148 = arith.constant 0 : i32
      %dma_start3A_149 = tpu.memref_slice %arg12[%add3A_21, %dma_start3A_148] : memref<5128x128xf32, #tpu.memory_space<vmem_shared>> -> memref<32x128xf32, #tpu.memory_space<vmem_shared>>
      %dma_start3A_150 = arith.constant 0 : i32
      %dma_start3A_151 = tpu.memref_slice %arg12[%add3A_21, %dma_start3A_150] : memref<5128x128xf32, #tpu.memory_space<vmem_shared>> -> memref<32x128xf32, #tpu.memory_space<vmem_shared>>
      tpu.enqueue_dma source(%arg11 : memref<32x128xf32, #tpu.memory_space<vmem>>) target(%dma_start3A_151 : memref<32x128xf32, #tpu.memory_space<vmem_shared>>) target_semaphore(%run_scoped3A_147 : memref<!tpu.dma_semaphore, #tpu.memory_space<semaphore_mem>>)
      %dma_wait3A_152 = arith.constant 0 : i32
      %dma_wait3A_153 = tpu.memref_slice %arg12[%add3A_21, %dma_wait3A_152] : memref<5128x128xf32, #tpu.memory_space<vmem_shared>> -> memref<32x128xf32, #tpu.memory_space<vmem_shared>>
      %dma_wait3A_154 = arith.constant 0 : i32
      %dma_wait3A_155 = tpu.memref_slice %arg12[%add3A_21, %dma_wait3A_154] : memref<5128x128xf32, #tpu.memory_space<vmem_shared>> -> memref<32x128xf32, #tpu.memory_space<vmem_shared>>
      tpu.wait_dma2 semaphore(%run_scoped3A_147 : memref<!tpu.dma_semaphore, #tpu.memory_space<semaphore_mem>>) src(%arg11 : memref<32x128xf32, #tpu.memory_space<vmem>>) dst(%dma_wait3A_155 : memref<32x128xf32, #tpu.memory_space<vmem_shared>>)
      tpu.yield
    }) : () -> ()
    %mul3A_22 = arith.constant 320 : i32
    %mul3A_23 = arith.muli %arg1, %mul3A_22 : i32
    %add3A_24 = arith.constant 96 : i32
    %add3A_25 = arith.addi %mul3A_23, %add3A_24 : i32
    "tpu.region"() ({
      %run_scoped3A_147 = tpu.sem_alloc : memref<!tpu.dma_semaphore, #tpu.memory_space<semaphore_mem>>
      %dma_start3A_148 = arith.constant 0 : i32
      %dma_start3A_149 = tpu.memref_slice %arg12[%add3A_25, %dma_start3A_148] : memref<5128x128xf32, #tpu.memory_space<vmem_shared>> -> memref<32x128xf32, #tpu.memory_space<vmem_shared>>
      %dma_start3A_150 = arith.constant 0 : i32
      %dma_start3A_151 = tpu.memref_slice %arg12[%add3A_25, %dma_start3A_150] : memref<5128x128xf32, #tpu.memory_space<vmem_shared>> -> memref<32x128xf32, #tpu.memory_space<vmem_shared>>
      tpu.enqueue_dma source(%arg11 : memref<32x128xf32, #tpu.memory_space<vmem>>) target(%dma_start3A_151 : memref<32x128xf32, #tpu.memory_space<vmem_shared>>) target_semaphore(%run_scoped3A_147 : memref<!tpu.dma_semaphore, #tpu.memory_space<semaphore_mem>>)
      %dma_wait3A_152 = arith.constant 0 : i32
      %dma_wait3A_153 = tpu.memref_slice %arg12[%add3A_25, %dma_wait3A_152] : memref<5128x128xf32, #tpu.memory_space<vmem_shared>> -> memref<32x128xf32, #tpu.memory_space<vmem_shared>>
      %dma_wait3A_154 = arith.constant 0 : i32
      %dma_wait3A_155 = tpu.memref_slice %arg12[%add3A_25, %dma_wait3A_154] : memref<5128x128xf32, #tpu.memory_space<vmem_shared>> -> memref<32x128xf32, #tpu.memory_space<vmem_shared>>
      tpu.wait_dma2 semaphore(%run_scoped3A_147 : memref<!tpu.dma_semaphore, #tpu.memory_space<semaphore_mem>>) src(%arg11 : memref<32x128xf32, #tpu.memory_space<vmem>>) dst(%dma_wait3A_155 : memref<32x128xf32, #tpu.memory_space<vmem_shared>>)
      tpu.yield
    }) : () -> ()
    %mul3A_26 = arith.constant 320 : i32
    %mul3A_27 = arith.muli %arg1, %mul3A_26 : i32
    %add3A_28 = arith.constant 128 : i32
    %add3A_29 = arith.addi %mul3A_27, %add3A_28 : i32
    "tpu.region"() ({
      %run_scoped3A_147 = tpu.sem_alloc : memref<!tpu.dma_semaphore, #tpu.memory_space<semaphore_mem>>
      %dma_start3A_148 = arith.constant 0 : i32
      %dma_start3A_149 = tpu.memref_slice %arg12[%add3A_29, %dma_start3A_148] : memref<5128x128xf32, #tpu.memory_space<vmem_shared>> -> memref<32x128xf32, #tpu.memory_space<vmem_shared>>
      %dma_start3A_150 = arith.constant 0 : i32
      %dma_start3A_151 = tpu.memref_slice %arg12[%add3A_29, %dma_start3A_150] : memref<5128x128xf32, #tpu.memory_space<vmem_shared>> -> memref<32x128xf32, #tpu.memory_space<vmem_shared>>
      tpu.enqueue_dma source(%arg11 : memref<32x128xf32, #tpu.memory_space<vmem>>) target(%dma_start3A_151 : memref<32x128xf32, #tpu.memory_space<vmem_shared>>) target_semaphore(%run_scoped3A_147 : memref<!tpu.dma_semaphore, #tpu.memory_space<semaphore_mem>>)
      %dma_wait3A_152 = arith.constant 0 : i32
      %dma_wait3A_153 = tpu.memref_slice %arg12[%add3A_29, %dma_wait3A_152] : memref<5128x128xf32, #tpu.memory_space<vmem_shared>> -> memref<32x128xf32, #tpu.memory_space<vmem_shared>>
      %dma_wait3A_154 = arith.constant 0 : i32
      %dma_wait3A_155 = tpu.memref_slice %arg12[%add3A_29, %dma_wait3A_154] : memref<5128x128xf32, #tpu.memory_space<vmem_shared>> -> memref<32x128xf32, #tpu.memory_space<vmem_shared>>
      tpu.wait_dma2 semaphore(%run_scoped3A_147 : memref<!tpu.dma_semaphore, #tpu.memory_space<semaphore_mem>>) src(%arg11 : memref<32x128xf32, #tpu.memory_space<vmem>>) dst(%dma_wait3A_155 : memref<32x128xf32, #tpu.memory_space<vmem_shared>>)
      tpu.yield
    }) : () -> ()
    %mul3A_30 = arith.constant 320 : i32
    %mul3A_31 = arith.muli %arg1, %mul3A_30 : i32
    %add3A_32 = arith.constant 160 : i32
    %add3A_33 = arith.addi %mul3A_31, %add3A_32 : i32
    "tpu.region"() ({
      %run_scoped3A_147 = tpu.sem_alloc : memref<!tpu.dma_semaphore, #tpu.memory_space<semaphore_mem>>
      %dma_start3A_148 = arith.constant 0 : i32
      %dma_start3A_149 = tpu.memref_slice %arg12[%add3A_33, %dma_start3A_148] : memref<5128x128xf32, #tpu.memory_space<vmem_shared>> -> memref<32x128xf32, #tpu.memory_space<vmem_shared>>
      %dma_start3A_150 = arith.constant 0 : i32
      %dma_start3A_151 = tpu.memref_slice %arg12[%add3A_33, %dma_start3A_150] : memref<5128x128xf32, #tpu.memory_space<vmem_shared>> -> memref<32x128xf32, #tpu.memory_space<vmem_shared>>
      tpu.enqueue_dma source(%arg11 : memref<32x128xf32, #tpu.memory_space<vmem>>) target(%dma_start3A_151 : memref<32x128xf32, #tpu.memory_space<vmem_shared>>) target_semaphore(%run_scoped3A_147 : memref<!tpu.dma_semaphore, #tpu.memory_space<semaphore_mem>>)
      %dma_wait3A_152 = arith.constant 0 : i32
      %dma_wait3A_153 = tpu.memref_slice %arg12[%add3A_33, %dma_wait3A_152] : memref<5128x128xf32, #tpu.memory_space<vmem_shared>> -> memref<32x128xf32, #tpu.memory_space<vmem_shared>>
      %dma_wait3A_154 = arith.constant 0 : i32
      %dma_wait3A_155 = tpu.memref_slice %arg12[%add3A_33, %dma_wait3A_154] : memref<5128x128xf32, #tpu.memory_space<vmem_shared>> -> memref<32x128xf32, #tpu.memory_space<vmem_shared>>
      tpu.wait_dma2 semaphore(%run_scoped3A_147 : memref<!tpu.dma_semaphore, #tpu.memory_space<semaphore_mem>>) src(%arg11 : memref<32x128xf32, #tpu.memory_space<vmem>>) dst(%dma_wait3A_155 : memref<32x128xf32, #tpu.memory_space<vmem_shared>>)
      tpu.yield
    }) : () -> ()
    %mul3A_34 = arith.constant 320 : i32
    %mul3A_35 = arith.muli %arg1, %mul3A_34 : i32
    %add3A_36 = arith.constant 192 : i32
    %add3A_37 = arith.addi %mul3A_35, %add3A_36 : i32
    "tpu.region"() ({
      %run_scoped3A_147 = tpu.sem_alloc : memref<!tpu.dma_semaphore, #tpu.memory_space<semaphore_mem>>
      %dma_start3A_148 = arith.constant 0 : i32
      %dma_start3A_149 = tpu.memref_slice %arg12[%add3A_37, %dma_start3A_148] : memref<5128x128xf32, #tpu.memory_space<vmem_shared>> -> memref<32x128xf32, #tpu.memory_space<vmem_shared>>
      %dma_start3A_150 = arith.constant 0 : i32
      %dma_start3A_151 = tpu.memref_slice %arg12[%add3A_37, %dma_start3A_150] : memref<5128x128xf32, #tpu.memory_space<vmem_shared>> -> memref<32x128xf32, #tpu.memory_space<vmem_shared>>
      tpu.enqueue_dma source(%arg11 : memref<32x128xf32, #tpu.memory_space<vmem>>) target(%dma_start3A_151 : memref<32x128xf32, #tpu.memory_space<vmem_shared>>) target_semaphore(%run_scoped3A_147 : memref<!tpu.dma_semaphore, #tpu.memory_space<semaphore_mem>>)
      %dma_wait3A_152 = arith.constant 0 : i32
      %dma_wait3A_153 = tpu.memref_slice %arg12[%add3A_37, %dma_wait3A_152] : memref<5128x128xf32, #tpu.memory_space<vmem_shared>> -> memref<32x128xf32, #tpu.memory_space<vmem_shared>>
      %dma_wait3A_154 = arith.constant 0 : i32
      %dma_wait3A_155 = tpu.memref_slice %arg12[%add3A_37, %dma_wait3A_154] : memref<5128x128xf32, #tpu.memory_space<vmem_shared>> -> memref<32x128xf32, #tpu.memory_space<vmem_shared>>
      tpu.wait_dma2 semaphore(%run_scoped3A_147 : memref<!tpu.dma_semaphore, #tpu.memory_space<semaphore_mem>>) src(%arg11 : memref<32x128xf32, #tpu.memory_space<vmem>>) dst(%dma_wait3A_155 : memref<32x128xf32, #tpu.memory_space<vmem_shared>>)
      tpu.yield
    }) : () -> ()
    %mul3A_38 = arith.constant 320 : i32
    %mul3A_39 = arith.muli %arg1, %mul3A_38 : i32
    %add3A_40 = arith.constant 224 : i32
    %add3A_41 = arith.addi %mul3A_39, %add3A_40 : i32
    "tpu.region"() ({
      %run_scoped3A_147 = tpu.sem_alloc : memref<!tpu.dma_semaphore, #tpu.memory_space<semaphore_mem>>
      %dma_start3A_148 = arith.constant 0 : i32
      %dma_start3A_149 = tpu.memref_slice %arg12[%add3A_41, %dma_start3A_148] : memref<5128x128xf32, #tpu.memory_space<vmem_shared>> -> memref<32x128xf32, #tpu.memory_space<vmem_shared>>
      %dma_start3A_150 = arith.constant 0 : i32
      %dma_start3A_151 = tpu.memref_slice %arg12[%add3A_41, %dma_start3A_150] : memref<5128x128xf32, #tpu.memory_space<vmem_shared>> -> memref<32x128xf32, #tpu.memory_space<vmem_shared>>
      tpu.enqueue_dma source(%arg11 : memref<32x128xf32, #tpu.memory_space<vmem>>) target(%dma_start3A_151 : memref<32x128xf32, #tpu.memory_space<vmem_shared>>) target_semaphore(%run_scoped3A_147 : memref<!tpu.dma_semaphore, #tpu.memory_space<semaphore_mem>>)
      %dma_wait3A_152 = arith.constant 0 : i32
      %dma_wait3A_153 = tpu.memref_slice %arg12[%add3A_41, %dma_wait3A_152] : memref<5128x128xf32, #tpu.memory_space<vmem_shared>> -> memref<32x128xf32, #tpu.memory_space<vmem_shared>>
      %dma_wait3A_154 = arith.constant 0 : i32
      %dma_wait3A_155 = tpu.memref_slice %arg12[%add3A_41, %dma_wait3A_154] : memref<5128x128xf32, #tpu.memory_space<vmem_shared>> -> memref<32x128xf32, #tpu.memory_space<vmem_shared>>
      tpu.wait_dma2 semaphore(%run_scoped3A_147 : memref<!tpu.dma_semaphore, #tpu.memory_space<semaphore_mem>>) src(%arg11 : memref<32x128xf32, #tpu.memory_space<vmem>>) dst(%dma_wait3A_155 : memref<32x128xf32, #tpu.memory_space<vmem_shared>>)
      tpu.yield
    }) : () -> ()
    %mul3A_42 = arith.constant 320 : i32
    %mul3A_43 = arith.muli %arg1, %mul3A_42 : i32
    %add3A_44 = arith.constant 256 : i32
    %add3A_45 = arith.addi %mul3A_43, %add3A_44 : i32
    "tpu.region"() ({
      %run_scoped3A_147 = tpu.sem_alloc : memref<!tpu.dma_semaphore, #tpu.memory_space<semaphore_mem>>
      %dma_start3A_148 = arith.constant 0 : i32
      %dma_start3A_149 = tpu.memref_slice %arg12[%add3A_45, %dma_start3A_148] : memref<5128x128xf32, #tpu.memory_space<vmem_shared>> -> memref<32x128xf32, #tpu.memory_space<vmem_shared>>
      %dma_start3A_150 = arith.constant 0 : i32
      %dma_start3A_151 = tpu.memref_slice %arg12[%add3A_45, %dma_start3A_150] : memref<5128x128xf32, #tpu.memory_space<vmem_shared>> -> memref<32x128xf32, #tpu.memory_space<vmem_shared>>
      tpu.enqueue_dma source(%arg11 : memref<32x128xf32, #tpu.memory_space<vmem>>) target(%dma_start3A_151 : memref<32x128xf32, #tpu.memory_space<vmem_shared>>) target_semaphore(%run_scoped3A_147 : memref<!tpu.dma_semaphore, #tpu.memory_space<semaphore_mem>>)
      %dma_wait3A_152 = arith.constant 0 : i32
      %dma_wait3A_153 = tpu.memref_slice %arg12[%add3A_45, %dma_wait3A_152] : memref<5128x128xf32, #tpu.memory_space<vmem_shared>> -> memref<32x128xf32, #tpu.memory_space<vmem_shared>>
      %dma_wait3A_154 = arith.constant 0 : i32
      %dma_wait3A_155 = tpu.memref_slice %arg12[%add3A_45, %dma_wait3A_154] : memref<5128x128xf32, #tpu.memory_space<vmem_shared>> -> memref<32x128xf32, #tpu.memory_space<vmem_shared>>
      tpu.wait_dma2 semaphore(%run_scoped3A_147 : memref<!tpu.dma_semaphore, #tpu.memory_space<semaphore_mem>>) src(%arg11 : memref<32x128xf32, #tpu.memory_space<vmem>>) dst(%dma_wait3A_155 : memref<32x128xf32, #tpu.memory_space<vmem_shared>>)
      tpu.yield
    }) : () -> ()
    %mul3A_46 = arith.constant 320 : i32
    %mul3A_47 = arith.muli %arg1, %mul3A_46 : i32
    %add3A_48 = arith.constant 288 : i32
    %add3A_49 = arith.addi %mul3A_47, %add3A_48 : i32
    "tpu.region"() ({
      %run_scoped3A_147 = tpu.sem_alloc : memref<!tpu.dma_semaphore, #tpu.memory_space<semaphore_mem>>
      %dma_start3A_148 = arith.constant 0 : i32
      %dma_start3A_149 = tpu.memref_slice %arg12[%add3A_49, %dma_start3A_148] : memref<5128x128xf32, #tpu.memory_space<vmem_shared>> -> memref<32x128xf32, #tpu.memory_space<vmem_shared>>
      %dma_start3A_150 = arith.constant 0 : i32
      %dma_start3A_151 = tpu.memref_slice %arg12[%add3A_49, %dma_start3A_150] : memref<5128x128xf32, #tpu.memory_space<vmem_shared>> -> memref<32x128xf32, #tpu.memory_space<vmem_shared>>
      tpu.enqueue_dma source(%arg11 : memref<32x128xf32, #tpu.memory_space<vmem>>) target(%dma_start3A_151 : memref<32x128xf32, #tpu.memory_space<vmem_shared>>) target_semaphore(%run_scoped3A_147 : memref<!tpu.dma_semaphore, #tpu.memory_space<semaphore_mem>>)
      %dma_wait3A_152 = arith.constant 0 : i32
      %dma_wait3A_153 = tpu.memref_slice %arg12[%add3A_49, %dma_wait3A_152] : memref<5128x128xf32, #tpu.memory_space<vmem_shared>> -> memref<32x128xf32, #tpu.memory_space<vmem_shared>>
      %dma_wait3A_154 = arith.constant 0 : i32
      %dma_wait3A_155 = tpu.memref_slice %arg12[%add3A_49, %dma_wait3A_154] : memref<5128x128xf32, #tpu.memory_space<vmem_shared>> -> memref<32x128xf32, #tpu.memory_space<vmem_shared>>
      tpu.wait_dma2 semaphore(%run_scoped3A_147 : memref<!tpu.dma_semaphore, #tpu.memory_space<semaphore_mem>>) src(%arg11 : memref<32x128xf32, #tpu.memory_space<vmem>>) dst(%dma_wait3A_155 : memref<32x128xf32, #tpu.memory_space<vmem_shared>>)
      tpu.yield
    }) : () -> ()
    %barrier3A = arith.constant 0 : index
    tpu.barrier barrier_id(%barrier3A)
    %dma_start3A = arith.constant 0 : i32
    %dma_start3A_50 = tpu.memref_slice %arg7[%dma_start3A] : memref<20000xi32, #tpu.memory_space<vmem>> -> memref<80xi32, #tpu.memory_space<vmem>>
    %dma_start3A_51 = arith.constant 0 : i32
    %dma_start3A_52 = arith.constant 0 : i32
    %dma_start3A_53 = tpu.memref_slice %arg2[%dma_start3A_51, %dma_start3A_52] : memref<10000x128xf32, #tpu.memory_space<hbm>> -> memref<10000x128xf32, #tpu.memory_space<hbm>>
    tpu.enqueue_indirect_dma source(%dma_start3A_53 : memref<10000x128xf32, #tpu.memory_space<hbm>>) target(%arg9 : memref<80x128xf32, #tpu.memory_space<vmem>>) offsets(%dma_start3A_50 : memref<80xi32, #tpu.memory_space<vmem>>) semaphore(%arg13 : memref<!tpu.dma_semaphore, #tpu.memory_space<semaphore_mem>>)
    %scan3A_54 = arith.constant 0 : i32
    %scan3A_55 = arith.constant 0 : i32
    %scan3A_56 = arith.constant 124 : i32
    %scan3A_57 = arith.addi %scan3A_55, %scan3A_56 : i32
    %scan3A_58 = arith.constant 1 : i32
    %scan3A_59 = scf.for %scan3A_147 = %scan3A_55 to %scan3A_57 step %scan3A_58 iter_args(%scan3A_148 = %scan3A_54) -> (i32)  : i32 {
      %mul3A_149 = arith.constant 2 : i32
      %mul3A_150 = arith.muli %scan3A_147, %mul3A_149 : i32
      %dma_wait3A_151 = arith.constant 0 : i32
      %dma_wait3A_152 = tpu.memref_slice %arg7[%dma_wait3A_151] : memref<20000xi32, #tpu.memory_space<vmem>> -> memref<80xi32, #tpu.memory_space<vmem>>
      %dma_wait3A_153 = arith.constant 0 : i32
      %dma_wait3A_154 = arith.constant 0 : i32
      %dma_wait3A_155 = tpu.memref_slice %arg2[%dma_wait3A_153, %dma_wait3A_154] : memref<10000x128xf32, #tpu.memory_space<hbm>> -> memref<10000x128xf32, #tpu.memory_space<hbm>>
      tpu.wait_indirect_dma semaphore(%arg13 : memref<!tpu.dma_semaphore, #tpu.memory_space<semaphore_mem>>) src(%dma_wait3A_155 : memref<10000x128xf32, #tpu.memory_space<hbm>>) dst(%arg9 : memref<80x128xf32, #tpu.memory_space<vmem>>)
      %add3A_156 = arith.constant 1 : i32
      %add3A_157 = arith.addi %mul3A_150, %add3A_156 : i32
      %mul3A_158 = arith.constant 80 : i32
      %mul3A_159 = arith.muli %add3A_157, %mul3A_158 : i32
      %dma_start3A_160 = tpu.memref_slice %arg7[%mul3A_159] : memref<20000xi32, #tpu.memory_space<vmem>> -> memref<80xi32, #tpu.memory_space<vmem>>
      %dma_start3A_161 = arith.constant 0 : i32
      %dma_start3A_162 = arith.constant 0 : i32
      %dma_start3A_163 = tpu.memref_slice %arg2[%dma_start3A_161, %dma_start3A_162] : memref<10000x128xf32, #tpu.memory_space<hbm>> -> memref<10000x128xf32, #tpu.memory_space<hbm>>
      tpu.enqueue_indirect_dma source(%dma_start3A_163 : memref<10000x128xf32, #tpu.memory_space<hbm>>) target(%arg10 : memref<80x128xf32, #tpu.memory_space<vmem>>) offsets(%dma_start3A_160 : memref<80xi32, #tpu.memory_space<vmem>>) semaphore(%arg14 : memref<!tpu.dma_semaphore, #tpu.memory_space<semaphore_mem>>)
      "tpu.region"() ({
        %run_scoped3A_180 = tpu.sem_alloc : memref<!tpu.dma_semaphore, #tpu.memory_space<semaphore_mem>>
        %dma_start3A_181 = arith.constant 0 : i32
        %dma_start3A_182 = tpu.memref_slice %arg8[%mul3A_150, %dma_start3A_181] : memref<250x80xi32, #tpu.memory_space<vmem>> -> memref<1x80xi32, #tpu.memory_space<vmem>>
        %dma_start3A_183 = tpu.memref_squeeze %dma_start3A_182 : memref<1x80xi32, #tpu.memory_space<vmem>> -> memref<80xi32, #tpu.memory_space<vmem>>
        %dma_start3A_184 = arith.constant 0 : i32
        %dma_start3A_185 = arith.constant 0 : i32
        %dma_start3A_186 = tpu.memref_slice %arg12[%dma_start3A_184, %dma_start3A_185] : memref<5128x128xf32, #tpu.memory_space<vmem_shared>> -> memref<5128x128xf32, #tpu.memory_space<vmem_shared>>
        tpu.enqueue_indirect_dma source(%arg9 : memref<80x128xf32, #tpu.memory_space<vmem>>) target(%dma_start3A_186 : memref<5128x128xf32, #tpu.memory_space<vmem_shared>>) offsets(%dma_start3A_183 : memref<80xi32, #tpu.memory_space<vmem>>) semaphore(%run_scoped3A_180 : memref<!tpu.dma_semaphore, #tpu.memory_space<semaphore_mem>>) {add = true}
        %dma_wait3A_187 = arith.constant 0 : i32
        %dma_wait3A_188 = tpu.memref_slice %arg8[%mul3A_150, %dma_wait3A_187] : memref<250x80xi32, #tpu.memory_space<vmem>> -> memref<1x80xi32, #tpu.memory_space<vmem>>
        %dma_wait3A_189 = tpu.memref_squeeze %dma_wait3A_188 : memref<1x80xi32, #tpu.memory_space<vmem>> -> memref<80xi32, #tpu.memory_space<vmem>>
        %dma_wait3A_190 = arith.constant 0 : i32
        %dma_wait3A_191 = arith.constant 0 : i32
        %dma_wait3A_192 = tpu.memref_slice %arg12[%dma_wait3A_190, %dma_wait3A_191] : memref<5128x128xf32, #tpu.memory_space<vmem_shared>> -> memref<5128x128xf32, #tpu.memory_space<vmem_shared>>
        tpu.wait_indirect_dma semaphore(%run_scoped3A_180 : memref<!tpu.dma_semaphore, #tpu.memory_space<semaphore_mem>>) src(%arg9 : memref<80x128xf32, #tpu.memory_space<vmem>>) dst(%dma_wait3A_192 : memref<5128x128xf32, #tpu.memory_space<vmem_shared>>)
        tpu.yield
      }) : () -> ()
      %dma_wait3A_164 = arith.constant 0 : i32
      %dma_wait3A_165 = tpu.memref_slice %arg7[%dma_wait3A_164] : memref<20000xi32, #tpu.memory_space<vmem>> -> memref<80xi32, #tpu.memory_space<vmem>>
      %dma_wait3A_166 = arith.constant 0 : i32
      %dma_wait3A_167 = arith.constant 0 : i32
      %dma_wait3A_168 = tpu.memref_slice %arg2[%dma_wait3A_166, %dma_wait3A_167] : memref<10000x128xf32, #tpu.memory_space<hbm>> -> memref<10000x128xf32, #tpu.memory_space<hbm>>
      tpu.wait_indirect_dma semaphore(%arg14 : memref<!tpu.dma_semaphore, #tpu.memory_space<semaphore_mem>>) src(%dma_wait3A_168 : memref<10000x128xf32, #tpu.memory_space<hbm>>) dst(%arg10 : memref<80x128xf32, #tpu.memory_space<vmem>>)
      %add3A_169 = arith.constant 2 : i32
      %add3A_170 = arith.addi %mul3A_150, %add3A_169 : i32
      %mul3A_171 = arith.constant 80 : i32
      %mul3A_172 = arith.muli %add3A_170, %mul3A_171 : i32
      %dma_start3A_173 = tpu.memref_slice %arg7[%mul3A_172] : memref<20000xi32, #tpu.memory_space<vmem>> -> memref<80xi32, #tpu.memory_space<vmem>>
      %dma_start3A_174 = arith.constant 0 : i32
      %dma_start3A_175 = arith.constant 0 : i32
      %dma_start3A_176 = tpu.memref_slice %arg2[%dma_start3A_174, %dma_start3A_175] : memref<10000x128xf32, #tpu.memory_space<hbm>> -> memref<10000x128xf32, #tpu.memory_space<hbm>>
      tpu.enqueue_indirect_dma source(%dma_start3A_176 : memref<10000x128xf32, #tpu.memory_space<hbm>>) target(%arg9 : memref<80x128xf32, #tpu.memory_space<vmem>>) offsets(%dma_start3A_173 : memref<80xi32, #tpu.memory_space<vmem>>) semaphore(%arg13 : memref<!tpu.dma_semaphore, #tpu.memory_space<semaphore_mem>>)
      %add3A_177 = arith.constant 1 : i32
      %add3A_178 = arith.addi %mul3A_150, %add3A_177 : i32
      "tpu.region"() ({
        %run_scoped3A_180 = tpu.sem_alloc : memref<!tpu.dma_semaphore, #tpu.memory_space<semaphore_mem>>
        %dma_start3A_181 = arith.constant 0 : i32
        %dma_start3A_182 = tpu.memref_slice %arg8[%add3A_178, %dma_start3A_181] : memref<250x80xi32, #tpu.memory_space<vmem>> -> memref<1x80xi32, #tpu.memory_space<vmem>>
        %dma_start3A_183 = tpu.memref_squeeze %dma_start3A_182 : memref<1x80xi32, #tpu.memory_space<vmem>> -> memref<80xi32, #tpu.memory_space<vmem>>
        %dma_start3A_184 = arith.constant 0 : i32
        %dma_start3A_185 = arith.constant 0 : i32
        %dma_start3A_186 = tpu.memref_slice %arg12[%dma_start3A_184, %dma_start3A_185] : memref<5128x128xf32, #tpu.memory_space<vmem_shared>> -> memref<5128x128xf32, #tpu.memory_space<vmem_shared>>
        tpu.enqueue_indirect_dma source(%arg10 : memref<80x128xf32, #tpu.memory_space<vmem>>) target(%dma_start3A_186 : memref<5128x128xf32, #tpu.memory_space<vmem_shared>>) offsets(%dma_start3A_183 : memref<80xi32, #tpu.memory_space<vmem>>) semaphore(%run_scoped3A_180 : memref<!tpu.dma_semaphore, #tpu.memory_space<semaphore_mem>>) {add = true}
        %dma_wait3A_187 = arith.constant 0 : i32
        %dma_wait3A_188 = tpu.memref_slice %arg8[%add3A_178, %dma_wait3A_187] : memref<250x80xi32, #tpu.memory_space<vmem>> -> memref<1x80xi32, #tpu.memory_space<vmem>>
        %dma_wait3A_189 = tpu.memref_squeeze %dma_wait3A_188 : memref<1x80xi32, #tpu.memory_space<vmem>> -> memref<80xi32, #tpu.memory_space<vmem>>
        %dma_wait3A_190 = arith.constant 0 : i32
        %dma_wait3A_191 = arith.constant 0 : i32
        %dma_wait3A_192 = tpu.memref_slice %arg12[%dma_wait3A_190, %dma_wait3A_191] : memref<5128x128xf32, #tpu.memory_space<vmem_shared>> -> memref<5128x128xf32, #tpu.memory_space<vmem_shared>>
        tpu.wait_indirect_dma semaphore(%run_scoped3A_180 : memref<!tpu.dma_semaphore, #tpu.memory_space<semaphore_mem>>) src(%arg10 : memref<80x128xf32, #tpu.memory_space<vmem>>) dst(%dma_wait3A_192 : memref<5128x128xf32, #tpu.memory_space<vmem_shared>>)
        tpu.yield
      }) : () -> ()
      %scan3A_179 = arith.constant 0 : i32
      scf.yield %scan3A_179 : i32
    }
    %scan3A_60 = arith.constant 124 : i32
    %dma_wait3A = arith.constant 0 : i32
    %dma_wait3A_61 = tpu.memref_slice %arg7[%dma_wait3A] : memref<20000xi32, #tpu.memory_space<vmem>> -> memref<80xi32, #tpu.memory_space<vmem>>
    %dma_wait3A_62 = arith.constant 0 : i32
    %dma_wait3A_63 = arith.constant 0 : i32
    %dma_wait3A_64 = tpu.memref_slice %arg2[%dma_wait3A_62, %dma_wait3A_63] : memref<10000x128xf32, #tpu.memory_space<hbm>> -> memref<10000x128xf32, #tpu.memory_space<hbm>>
    tpu.wait_indirect_dma semaphore(%arg13 : memref<!tpu.dma_semaphore, #tpu.memory_space<semaphore_mem>>) src(%dma_wait3A_64 : memref<10000x128xf32, #tpu.memory_space<hbm>>) dst(%arg9 : memref<80x128xf32, #tpu.memory_space<vmem>>)
    %dma_start3A_65 = arith.constant 19920 : i32
    %dma_start3A_66 = tpu.memref_slice %arg7[%dma_start3A_65] : memref<20000xi32, #tpu.memory_space<vmem>> -> memref<80xi32, #tpu.memory_space<vmem>>
    %dma_start3A_67 = arith.constant 0 : i32
    %dma_start3A_68 = arith.constant 0 : i32
    %dma_start3A_69 = tpu.memref_slice %arg2[%dma_start3A_67, %dma_start3A_68] : memref<10000x128xf32, #tpu.memory_space<hbm>> -> memref<10000x128xf32, #tpu.memory_space<hbm>>
    tpu.enqueue_indirect_dma source(%dma_start3A_69 : memref<10000x128xf32, #tpu.memory_space<hbm>>) target(%arg10 : memref<80x128xf32, #tpu.memory_space<vmem>>) offsets(%dma_start3A_66 : memref<80xi32, #tpu.memory_space<vmem>>) semaphore(%arg14 : memref<!tpu.dma_semaphore, #tpu.memory_space<semaphore_mem>>)
    %run_scoped3A = arith.constant 248 : i32
    "tpu.region"() ({
      %run_scoped3A_147 = tpu.sem_alloc : memref<!tpu.dma_semaphore, #tpu.memory_space<semaphore_mem>>
      %dma_start3A_148 = arith.constant 0 : i32
      %dma_start3A_149 = tpu.memref_slice %arg8[%run_scoped3A, %dma_start3A_148] : memref<250x80xi32, #tpu.memory_space<vmem>> -> memref<1x80xi32, #tpu.memory_space<vmem>>
      %dma_start3A_150 = tpu.memref_squeeze %dma_start3A_149 : memref<1x80xi32, #tpu.memory_space<vmem>> -> memref<80xi32, #tpu.memory_space<vmem>>
      %dma_start3A_151 = arith.constant 0 : i32
      %dma_start3A_152 = arith.constant 0 : i32
      %dma_start3A_153 = tpu.memref_slice %arg12[%dma_start3A_151, %dma_start3A_152] : memref<5128x128xf32, #tpu.memory_space<vmem_shared>> -> memref<5128x128xf32, #tpu.memory_space<vmem_shared>>
      tpu.enqueue_indirect_dma source(%arg9 : memref<80x128xf32, #tpu.memory_space<vmem>>) target(%dma_start3A_153 : memref<5128x128xf32, #tpu.memory_space<vmem_shared>>) offsets(%dma_start3A_150 : memref<80xi32, #tpu.memory_space<vmem>>) semaphore(%run_scoped3A_147 : memref<!tpu.dma_semaphore, #tpu.memory_space<semaphore_mem>>) {add = true}
      %dma_wait3A_154 = arith.constant 0 : i32
      %dma_wait3A_155 = tpu.memref_slice %arg8[%run_scoped3A, %dma_wait3A_154] : memref<250x80xi32, #tpu.memory_space<vmem>> -> memref<1x80xi32, #tpu.memory_space<vmem>>
      %dma_wait3A_156 = tpu.memref_squeeze %dma_wait3A_155 : memref<1x80xi32, #tpu.memory_space<vmem>> -> memref<80xi32, #tpu.memory_space<vmem>>
      %dma_wait3A_157 = arith.constant 0 : i32
      %dma_wait3A_158 = arith.constant 0 : i32
      %dma_wait3A_159 = tpu.memref_slice %arg12[%dma_wait3A_157, %dma_wait3A_158] : memref<5128x128xf32, #tpu.memory_space<vmem_shared>> -> memref<5128x128xf32, #tpu.memory_space<vmem_shared>>
      tpu.wait_indirect_dma semaphore(%run_scoped3A_147 : memref<!tpu.dma_semaphore, #tpu.memory_space<semaphore_mem>>) src(%arg9 : memref<80x128xf32, #tpu.memory_space<vmem>>) dst(%dma_wait3A_159 : memref<5128x128xf32, #tpu.memory_space<vmem_shared>>)
      tpu.yield
    }) : () -> ()
    %dma_wait3A_70 = arith.constant 0 : i32
    %dma_wait3A_71 = tpu.memref_slice %arg7[%dma_wait3A_70] : memref<20000xi32, #tpu.memory_space<vmem>> -> memref<80xi32, #tpu.memory_space<vmem>>
    %dma_wait3A_72 = arith.constant 0 : i32
    %dma_wait3A_73 = arith.constant 0 : i32
    %dma_wait3A_74 = tpu.memref_slice %arg2[%dma_wait3A_72, %dma_wait3A_73] : memref<10000x128xf32, #tpu.memory_space<hbm>> -> memref<10000x128xf32, #tpu.memory_space<hbm>>
    tpu.wait_indirect_dma semaphore(%arg14 : memref<!tpu.dma_semaphore, #tpu.memory_space<semaphore_mem>>) src(%dma_wait3A_74 : memref<10000x128xf32, #tpu.memory_space<hbm>>) dst(%arg10 : memref<80x128xf32, #tpu.memory_space<vmem>>)
    %run_scoped3A_75 = arith.constant 249 : i32
    "tpu.region"() ({
      %run_scoped3A_147 = tpu.sem_alloc : memref<!tpu.dma_semaphore, #tpu.memory_space<semaphore_mem>>
      %dma_start3A_148 = arith.constant 0 : i32
      %dma_start3A_149 = tpu.memref_slice %arg8[%run_scoped3A_75, %dma_start3A_148] : memref<250x80xi32, #tpu.memory_space<vmem>> -> memref<1x80xi32, #tpu.memory_space<vmem>>
      %dma_start3A_150 = tpu.memref_squeeze %dma_start3A_149 : memref<1x80xi32, #tpu.memory_space<vmem>> -> memref<80xi32, #tpu.memory_space<vmem>>
      %dma_start3A_151 = arith.constant 0 : i32
      %dma_start3A_152 = arith.constant 0 : i32
      %dma_start3A_153 = tpu.memref_slice %arg12[%dma_start3A_151, %dma_start3A_152] : memref<5128x128xf32, #tpu.memory_space<vmem_shared>> -> memref<5128x128xf32, #tpu.memory_space<vmem_shared>>
      tpu.enqueue_indirect_dma source(%arg10 : memref<80x128xf32, #tpu.memory_space<vmem>>) target(%dma_start3A_153 : memref<5128x128xf32, #tpu.memory_space<vmem_shared>>) offsets(%dma_start3A_150 : memref<80xi32, #tpu.memory_space<vmem>>) semaphore(%run_scoped3A_147 : memref<!tpu.dma_semaphore, #tpu.memory_space<semaphore_mem>>) {add = true}
      %dma_wait3A_154 = arith.constant 0 : i32
      %dma_wait3A_155 = tpu.memref_slice %arg8[%run_scoped3A_75, %dma_wait3A_154] : memref<250x80xi32, #tpu.memory_space<vmem>> -> memref<1x80xi32, #tpu.memory_space<vmem>>
      %dma_wait3A_156 = tpu.memref_squeeze %dma_wait3A_155 : memref<1x80xi32, #tpu.memory_space<vmem>> -> memref<80xi32, #tpu.memory_space<vmem>>
      %dma_wait3A_157 = arith.constant 0 : i32
      %dma_wait3A_158 = arith.constant 0 : i32
      %dma_wait3A_159 = tpu.memref_slice %arg12[%dma_wait3A_157, %dma_wait3A_158] : memref<5128x128xf32, #tpu.memory_space<vmem_shared>> -> memref<5128x128xf32, #tpu.memory_space<vmem_shared>>
      tpu.wait_indirect_dma semaphore(%run_scoped3A_147 : memref<!tpu.dma_semaphore, #tpu.memory_space<semaphore_mem>>) src(%arg10 : memref<80x128xf32, #tpu.memory_space<vmem>>) dst(%dma_wait3A_159 : memref<5128x128xf32, #tpu.memory_space<vmem_shared>>)
      tpu.yield
    }) : () -> ()
    %barrier3A_76 = arith.constant 0 : index
    tpu.barrier barrier_id(%barrier3A_76)
    %mul3A_77 = arith.constant 320 : i32
    %mul3A_78 = arith.muli %arg1, %mul3A_77 : i32
    %add3A_79 = arith.constant 0 : i32
    %add3A_80 = arith.addi %mul3A_78, %add3A_79 : i32
    "tpu.region"() ({
      %run_scoped3A_147 = tpu.sem_alloc : memref<!tpu.dma_semaphore, #tpu.memory_space<semaphore_mem>>
      %dma_start3A_148 = arith.constant 0 : i32
      %dma_start3A_149 = tpu.memref_slice %arg12[%add3A_80, %dma_start3A_148] : memref<5128x128xf32, #tpu.memory_space<vmem_shared>> -> memref<32x128xf32, #tpu.memory_space<vmem_shared>>
      %dma_start3A_150 = arith.constant 0 : i32
      %dma_start3A_151 = tpu.memref_slice %arg12[%add3A_80, %dma_start3A_150] : memref<5128x128xf32, #tpu.memory_space<vmem_shared>> -> memref<32x128xf32, #tpu.memory_space<vmem_shared>>
      tpu.enqueue_dma source(%dma_start3A_151 : memref<32x128xf32, #tpu.memory_space<vmem_shared>>) target(%arg11 : memref<32x128xf32, #tpu.memory_space<vmem>>) target_semaphore(%run_scoped3A_147 : memref<!tpu.dma_semaphore, #tpu.memory_space<semaphore_mem>>)
      %dma_wait3A_152 = arith.constant 0 : i32
      %dma_wait3A_153 = tpu.memref_slice %arg12[%add3A_80, %dma_wait3A_152] : memref<5128x128xf32, #tpu.memory_space<vmem_shared>> -> memref<32x128xf32, #tpu.memory_space<vmem_shared>>
      %dma_wait3A_154 = arith.constant 0 : i32
      %dma_wait3A_155 = tpu.memref_slice %arg12[%add3A_80, %dma_wait3A_154] : memref<5128x128xf32, #tpu.memory_space<vmem_shared>> -> memref<32x128xf32, #tpu.memory_space<vmem_shared>>
      tpu.wait_dma2 semaphore(%run_scoped3A_147 : memref<!tpu.dma_semaphore, #tpu.memory_space<semaphore_mem>>) src(%dma_wait3A_155 : memref<32x128xf32, #tpu.memory_space<vmem_shared>>) dst(%arg11 : memref<32x128xf32, #tpu.memory_space<vmem>>)
      tpu.yield
    }) : () -> ()
    %mul3A_81 = arith.constant 5120 : i32
    %mul3A_82 = arith.muli %arg0, %mul3A_81 : i32
    %add3A_83 = arith.addi %mul3A_82, %add3A_80 : i32
    "tpu.region"() ({
      %run_scoped3A_147 = tpu.sem_alloc : memref<!tpu.dma_semaphore, #tpu.memory_space<semaphore_mem>>
      %dma_start3A_148 = arith.constant 0 : i32
      %dma_start3A_149 = tpu.memref_slice %arg6[%add3A_83, %dma_start3A_148] : memref<10240x128xf32, #tpu.memory_space<hbm>> -> memref<32x128xf32, #tpu.memory_space<hbm>>
      %dma_start3A_150 = arith.constant 0 : i32
      %dma_start3A_151 = tpu.memref_slice %arg6[%add3A_83, %dma_start3A_150] : memref<10240x128xf32, #tpu.memory_space<hbm>> -> memref<32x128xf32, #tpu.memory_space<hbm>>
      tpu.enqueue_dma source(%arg11 : memref<32x128xf32, #tpu.memory_space<vmem>>) target(%dma_start3A_151 : memref<32x128xf32, #tpu.memory_space<hbm>>) target_semaphore(%run_scoped3A_147 : memref<!tpu.dma_semaphore, #tpu.memory_space<semaphore_mem>>)
      %dma_wait3A_152 = arith.constant 0 : i32
      %dma_wait3A_153 = tpu.memref_slice %arg6[%add3A_83, %dma_wait3A_152] : memref<10240x128xf32, #tpu.memory_space<hbm>> -> memref<32x128xf32, #tpu.memory_space<hbm>>
      %dma_wait3A_154 = arith.constant 0 : i32
      %dma_wait3A_155 = tpu.memref_slice %arg6[%add3A_83, %dma_wait3A_154] : memref<10240x128xf32, #tpu.memory_space<hbm>> -> memref<32x128xf32, #tpu.memory_space<hbm>>
      tpu.wait_dma2 semaphore(%run_scoped3A_147 : memref<!tpu.dma_semaphore, #tpu.memory_space<semaphore_mem>>) src(%arg11 : memref<32x128xf32, #tpu.memory_space<vmem>>) dst(%dma_wait3A_155 : memref<32x128xf32, #tpu.memory_space<hbm>>)
      tpu.yield
    }) : () -> ()
    %mul3A_84 = arith.constant 320 : i32
    %mul3A_85 = arith.muli %arg1, %mul3A_84 : i32
    %add3A_86 = arith.constant 32 : i32
    %add3A_87 = arith.addi %mul3A_85, %add3A_86 : i32
    "tpu.region"() ({
      %run_scoped3A_147 = tpu.sem_alloc : memref<!tpu.dma_semaphore, #tpu.memory_space<semaphore_mem>>
      %dma_start3A_148 = arith.constant 0 : i32
      %dma_start3A_149 = tpu.memref_slice %arg12[%add3A_87, %dma_start3A_148] : memref<5128x128xf32, #tpu.memory_space<vmem_shared>> -> memref<32x128xf32, #tpu.memory_space<vmem_shared>>
      %dma_start3A_150 = arith.constant 0 : i32
      %dma_start3A_151 = tpu.memref_slice %arg12[%add3A_87, %dma_start3A_150] : memref<5128x128xf32, #tpu.memory_space<vmem_shared>> -> memref<32x128xf32, #tpu.memory_space<vmem_shared>>
      tpu.enqueue_dma source(%dma_start3A_151 : memref<32x128xf32, #tpu.memory_space<vmem_shared>>) target(%arg11 : memref<32x128xf32, #tpu.memory_space<vmem>>) target_semaphore(%run_scoped3A_147 : memref<!tpu.dma_semaphore, #tpu.memory_space<semaphore_mem>>)
      %dma_wait3A_152 = arith.constant 0 : i32
      %dma_wait3A_153 = tpu.memref_slice %arg12[%add3A_87, %dma_wait3A_152] : memref<5128x128xf32, #tpu.memory_space<vmem_shared>> -> memref<32x128xf32, #tpu.memory_space<vmem_shared>>
      %dma_wait3A_154 = arith.constant 0 : i32
      %dma_wait3A_155 = tpu.memref_slice %arg12[%add3A_87, %dma_wait3A_154] : memref<5128x128xf32, #tpu.memory_space<vmem_shared>> -> memref<32x128xf32, #tpu.memory_space<vmem_shared>>
      tpu.wait_dma2 semaphore(%run_scoped3A_147 : memref<!tpu.dma_semaphore, #tpu.memory_space<semaphore_mem>>) src(%dma_wait3A_155 : memref<32x128xf32, #tpu.memory_space<vmem_shared>>) dst(%arg11 : memref<32x128xf32, #tpu.memory_space<vmem>>)
      tpu.yield
    }) : () -> ()
    %mul3A_88 = arith.constant 5120 : i32
    %mul3A_89 = arith.muli %arg0, %mul3A_88 : i32
    %add3A_90 = arith.addi %mul3A_89, %add3A_87 : i32
    "tpu.region"() ({
      %run_scoped3A_147 = tpu.sem_alloc : memref<!tpu.dma_semaphore, #tpu.memory_space<semaphore_mem>>
      %dma_start3A_148 = arith.constant 0 : i32
      %dma_start3A_149 = tpu.memref_slice %arg6[%add3A_90, %dma_start3A_148] : memref<10240x128xf32, #tpu.memory_space<hbm>> -> memref<32x128xf32, #tpu.memory_space<hbm>>
      %dma_start3A_150 = arith.constant 0 : i32
      %dma_start3A_151 = tpu.memref_slice %arg6[%add3A_90, %dma_start3A_150] : memref<10240x128xf32, #tpu.memory_space<hbm>> -> memref<32x128xf32, #tpu.memory_space<hbm>>
      tpu.enqueue_dma source(%arg11 : memref<32x128xf32, #tpu.memory_space<vmem>>) target(%dma_start3A_151 : memref<32x128xf32, #tpu.memory_space<hbm>>) target_semaphore(%run_scoped3A_147 : memref<!tpu.dma_semaphore, #tpu.memory_space<semaphore_mem>>)
      %dma_wait3A_152 = arith.constant 0 : i32
      %dma_wait3A_153 = tpu.memref_slice %arg6[%add3A_90, %dma_wait3A_152] : memref<10240x128xf32, #tpu.memory_space<hbm>> -> memref<32x128xf32, #tpu.memory_space<hbm>>
      %dma_wait3A_154 = arith.constant 0 : i32
      %dma_wait3A_155 = tpu.memref_slice %arg6[%add3A_90, %dma_wait3A_154] : memref<10240x128xf32, #tpu.memory_space<hbm>> -> memref<32x128xf32, #tpu.memory_space<hbm>>
      tpu.wait_dma2 semaphore(%run_scoped3A_147 : memref<!tpu.dma_semaphore, #tpu.memory_space<semaphore_mem>>) src(%arg11 : memref<32x128xf32, #tpu.memory_space<vmem>>) dst(%dma_wait3A_155 : memref<32x128xf32, #tpu.memory_space<hbm>>)
      tpu.yield
    }) : () -> ()
    %mul3A_91 = arith.constant 320 : i32
    %mul3A_92 = arith.muli %arg1, %mul3A_91 : i32
    %add3A_93 = arith.constant 64 : i32
    %add3A_94 = arith.addi %mul3A_92, %add3A_93 : i32
    "tpu.region"() ({
      %run_scoped3A_147 = tpu.sem_alloc : memref<!tpu.dma_semaphore, #tpu.memory_space<semaphore_mem>>
      %dma_start3A_148 = arith.constant 0 : i32
      %dma_start3A_149 = tpu.memref_slice %arg12[%add3A_94, %dma_start3A_148] : memref<5128x128xf32, #tpu.memory_space<vmem_shared>> -> memref<32x128xf32, #tpu.memory_space<vmem_shared>>
      %dma_start3A_150 = arith.constant 0 : i32
      %dma_start3A_151 = tpu.memref_slice %arg12[%add3A_94, %dma_start3A_150] : memref<5128x128xf32, #tpu.memory_space<vmem_shared>> -> memref<32x128xf32, #tpu.memory_space<vmem_shared>>
      tpu.enqueue_dma source(%dma_start3A_151 : memref<32x128xf32, #tpu.memory_space<vmem_shared>>) target(%arg11 : memref<32x128xf32, #tpu.memory_space<vmem>>) target_semaphore(%run_scoped3A_147 : memref<!tpu.dma_semaphore, #tpu.memory_space<semaphore_mem>>)
      %dma_wait3A_152 = arith.constant 0 : i32
      %dma_wait3A_153 = tpu.memref_slice %arg12[%add3A_94, %dma_wait3A_152] : memref<5128x128xf32, #tpu.memory_space<vmem_shared>> -> memref<32x128xf32, #tpu.memory_space<vmem_shared>>
      %dma_wait3A_154 = arith.constant 0 : i32
      %dma_wait3A_155 = tpu.memref_slice %arg12[%add3A_94, %dma_wait3A_154] : memref<5128x128xf32, #tpu.memory_space<vmem_shared>> -> memref<32x128xf32, #tpu.memory_space<vmem_shared>>
      tpu.wait_dma2 semaphore(%run_scoped3A_147 : memref<!tpu.dma_semaphore, #tpu.memory_space<semaphore_mem>>) src(%dma_wait3A_155 : memref<32x128xf32, #tpu.memory_space<vmem_shared>>) dst(%arg11 : memref<32x128xf32, #tpu.memory_space<vmem>>)
      tpu.yield
    }) : () -> ()
    %mul3A_95 = arith.constant 5120 : i32
    %mul3A_96 = arith.muli %arg0, %mul3A_95 : i32
    %add3A_97 = arith.addi %mul3A_96, %add3A_94 : i32
    "tpu.region"() ({
      %run_scoped3A_147 = tpu.sem_alloc : memref<!tpu.dma_semaphore, #tpu.memory_space<semaphore_mem>>
      %dma_start3A_148 = arith.constant 0 : i32
      %dma_start3A_149 = tpu.memref_slice %arg6[%add3A_97, %dma_start3A_148] : memref<10240x128xf32, #tpu.memory_space<hbm>> -> memref<32x128xf32, #tpu.memory_space<hbm>>
      %dma_start3A_150 = arith.constant 0 : i32
      %dma_start3A_151 = tpu.memref_slice %arg6[%add3A_97, %dma_start3A_150] : memref<10240x128xf32, #tpu.memory_space<hbm>> -> memref<32x128xf32, #tpu.memory_space<hbm>>
      tpu.enqueue_dma source(%arg11 : memref<32x128xf32, #tpu.memory_space<vmem>>) target(%dma_start3A_151 : memref<32x128xf32, #tpu.memory_space<hbm>>) target_semaphore(%run_scoped3A_147 : memref<!tpu.dma_semaphore, #tpu.memory_space<semaphore_mem>>)
      %dma_wait3A_152 = arith.constant 0 : i32
      %dma_wait3A_153 = tpu.memref_slice %arg6[%add3A_97, %dma_wait3A_152] : memref<10240x128xf32, #tpu.memory_space<hbm>> -> memref<32x128xf32, #tpu.memory_space<hbm>>
      %dma_wait3A_154 = arith.constant 0 : i32
      %dma_wait3A_155 = tpu.memref_slice %arg6[%add3A_97, %dma_wait3A_154] : memref<10240x128xf32, #tpu.memory_space<hbm>> -> memref<32x128xf32, #tpu.memory_space<hbm>>
      tpu.wait_dma2 semaphore(%run_scoped3A_147 : memref<!tpu.dma_semaphore, #tpu.memory_space<semaphore_mem>>) src(%arg11 : memref<32x128xf32, #tpu.memory_space<vmem>>) dst(%dma_wait3A_155 : memref<32x128xf32, #tpu.memory_space<hbm>>)
      tpu.yield
    }) : () -> ()
    %mul3A_98 = arith.constant 320 : i32
    %mul3A_99 = arith.muli %arg1, %mul3A_98 : i32
    %add3A_100 = arith.constant 96 : i32
    %add3A_101 = arith.addi %mul3A_99, %add3A_100 : i32
    "tpu.region"() ({
      %run_scoped3A_147 = tpu.sem_alloc : memref<!tpu.dma_semaphore, #tpu.memory_space<semaphore_mem>>
      %dma_start3A_148 = arith.constant 0 : i32
      %dma_start3A_149 = tpu.memref_slice %arg12[%add3A_101, %dma_start3A_148] : memref<5128x128xf32, #tpu.memory_space<vmem_shared>> -> memref<32x128xf32, #tpu.memory_space<vmem_shared>>
      %dma_start3A_150 = arith.constant 0 : i32
      %dma_start3A_151 = tpu.memref_slice %arg12[%add3A_101, %dma_start3A_150] : memref<5128x128xf32, #tpu.memory_space<vmem_shared>> -> memref<32x128xf32, #tpu.memory_space<vmem_shared>>
      tpu.enqueue_dma source(%dma_start3A_151 : memref<32x128xf32, #tpu.memory_space<vmem_shared>>) target(%arg11 : memref<32x128xf32, #tpu.memory_space<vmem>>) target_semaphore(%run_scoped3A_147 : memref<!tpu.dma_semaphore, #tpu.memory_space<semaphore_mem>>)
      %dma_wait3A_152 = arith.constant 0 : i32
      %dma_wait3A_153 = tpu.memref_slice %arg12[%add3A_101, %dma_wait3A_152] : memref<5128x128xf32, #tpu.memory_space<vmem_shared>> -> memref<32x128xf32, #tpu.memory_space<vmem_shared>>
      %dma_wait3A_154 = arith.constant 0 : i32
      %dma_wait3A_155 = tpu.memref_slice %arg12[%add3A_101, %dma_wait3A_154] : memref<5128x128xf32, #tpu.memory_space<vmem_shared>> -> memref<32x128xf32, #tpu.memory_space<vmem_shared>>
      tpu.wait_dma2 semaphore(%run_scoped3A_147 : memref<!tpu.dma_semaphore, #tpu.memory_space<semaphore_mem>>) src(%dma_wait3A_155 : memref<32x128xf32, #tpu.memory_space<vmem_shared>>) dst(%arg11 : memref<32x128xf32, #tpu.memory_space<vmem>>)
      tpu.yield
    }) : () -> ()
    %mul3A_102 = arith.constant 5120 : i32
    %mul3A_103 = arith.muli %arg0, %mul3A_102 : i32
    %add3A_104 = arith.addi %mul3A_103, %add3A_101 : i32
    "tpu.region"() ({
      %run_scoped3A_147 = tpu.sem_alloc : memref<!tpu.dma_semaphore, #tpu.memory_space<semaphore_mem>>
      %dma_start3A_148 = arith.constant 0 : i32
      %dma_start3A_149 = tpu.memref_slice %arg6[%add3A_104, %dma_start3A_148] : memref<10240x128xf32, #tpu.memory_space<hbm>> -> memref<32x128xf32, #tpu.memory_space<hbm>>
      %dma_start3A_150 = arith.constant 0 : i32
      %dma_start3A_151 = tpu.memref_slice %arg6[%add3A_104, %dma_start3A_150] : memref<10240x128xf32, #tpu.memory_space<hbm>> -> memref<32x128xf32, #tpu.memory_space<hbm>>
      tpu.enqueue_dma source(%arg11 : memref<32x128xf32, #tpu.memory_space<vmem>>) target(%dma_start3A_151 : memref<32x128xf32, #tpu.memory_space<hbm>>) target_semaphore(%run_scoped3A_147 : memref<!tpu.dma_semaphore, #tpu.memory_space<semaphore_mem>>)
      %dma_wait3A_152 = arith.constant 0 : i32
      %dma_wait3A_153 = tpu.memref_slice %arg6[%add3A_104, %dma_wait3A_152] : memref<10240x128xf32, #tpu.memory_space<hbm>> -> memref<32x128xf32, #tpu.memory_space<hbm>>
      %dma_wait3A_154 = arith.constant 0 : i32
      %dma_wait3A_155 = tpu.memref_slice %arg6[%add3A_104, %dma_wait3A_154] : memref<10240x128xf32, #tpu.memory_space<hbm>> -> memref<32x128xf32, #tpu.memory_space<hbm>>
      tpu.wait_dma2 semaphore(%run_scoped3A_147 : memref<!tpu.dma_semaphore, #tpu.memory_space<semaphore_mem>>) src(%arg11 : memref<32x128xf32, #tpu.memory_space<vmem>>) dst(%dma_wait3A_155 : memref<32x128xf32, #tpu.memory_space<hbm>>)
      tpu.yield
    }) : () -> ()
    %mul3A_105 = arith.constant 320 : i32
    %mul3A_106 = arith.muli %arg1, %mul3A_105 : i32
    %add3A_107 = arith.constant 128 : i32
    %add3A_108 = arith.addi %mul3A_106, %add3A_107 : i32
    "tpu.region"() ({
      %run_scoped3A_147 = tpu.sem_alloc : memref<!tpu.dma_semaphore, #tpu.memory_space<semaphore_mem>>
      %dma_start3A_148 = arith.constant 0 : i32
      %dma_start3A_149 = tpu.memref_slice %arg12[%add3A_108, %dma_start3A_148] : memref<5128x128xf32, #tpu.memory_space<vmem_shared>> -> memref<32x128xf32, #tpu.memory_space<vmem_shared>>
      %dma_start3A_150 = arith.constant 0 : i32
      %dma_start3A_151 = tpu.memref_slice %arg12[%add3A_108, %dma_start3A_150] : memref<5128x128xf32, #tpu.memory_space<vmem_shared>> -> memref<32x128xf32, #tpu.memory_space<vmem_shared>>
      tpu.enqueue_dma source(%dma_start3A_151 : memref<32x128xf32, #tpu.memory_space<vmem_shared>>) target(%arg11 : memref<32x128xf32, #tpu.memory_space<vmem>>) target_semaphore(%run_scoped3A_147 : memref<!tpu.dma_semaphore, #tpu.memory_space<semaphore_mem>>)
      %dma_wait3A_152 = arith.constant 0 : i32
      %dma_wait3A_153 = tpu.memref_slice %arg12[%add3A_108, %dma_wait3A_152] : memref<5128x128xf32, #tpu.memory_space<vmem_shared>> -> memref<32x128xf32, #tpu.memory_space<vmem_shared>>
      %dma_wait3A_154 = arith.constant 0 : i32
      %dma_wait3A_155 = tpu.memref_slice %arg12[%add3A_108, %dma_wait3A_154] : memref<5128x128xf32, #tpu.memory_space<vmem_shared>> -> memref<32x128xf32, #tpu.memory_space<vmem_shared>>
      tpu.wait_dma2 semaphore(%run_scoped3A_147 : memref<!tpu.dma_semaphore, #tpu.memory_space<semaphore_mem>>) src(%dma_wait3A_155 : memref<32x128xf32, #tpu.memory_space<vmem_shared>>) dst(%arg11 : memref<32x128xf32, #tpu.memory_space<vmem>>)
      tpu.yield
    }) : () -> ()
    %mul3A_109 = arith.constant 5120 : i32
    %mul3A_110 = arith.muli %arg0, %mul3A_109 : i32
    %add3A_111 = arith.addi %mul3A_110, %add3A_108 : i32
    "tpu.region"() ({
      %run_scoped3A_147 = tpu.sem_alloc : memref<!tpu.dma_semaphore, #tpu.memory_space<semaphore_mem>>
      %dma_start3A_148 = arith.constant 0 : i32
      %dma_start3A_149 = tpu.memref_slice %arg6[%add3A_111, %dma_start3A_148] : memref<10240x128xf32, #tpu.memory_space<hbm>> -> memref<32x128xf32, #tpu.memory_space<hbm>>
      %dma_start3A_150 = arith.constant 0 : i32
      %dma_start3A_151 = tpu.memref_slice %arg6[%add3A_111, %dma_start3A_150] : memref<10240x128xf32, #tpu.memory_space<hbm>> -> memref<32x128xf32, #tpu.memory_space<hbm>>
      tpu.enqueue_dma source(%arg11 : memref<32x128xf32, #tpu.memory_space<vmem>>) target(%dma_start3A_151 : memref<32x128xf32, #tpu.memory_space<hbm>>) target_semaphore(%run_scoped3A_147 : memref<!tpu.dma_semaphore, #tpu.memory_space<semaphore_mem>>)
      %dma_wait3A_152 = arith.constant 0 : i32
      %dma_wait3A_153 = tpu.memref_slice %arg6[%add3A_111, %dma_wait3A_152] : memref<10240x128xf32, #tpu.memory_space<hbm>> -> memref<32x128xf32, #tpu.memory_space<hbm>>
      %dma_wait3A_154 = arith.constant 0 : i32
      %dma_wait3A_155 = tpu.memref_slice %arg6[%add3A_111, %dma_wait3A_154] : memref<10240x128xf32, #tpu.memory_space<hbm>> -> memref<32x128xf32, #tpu.memory_space<hbm>>
      tpu.wait_dma2 semaphore(%run_scoped3A_147 : memref<!tpu.dma_semaphore, #tpu.memory_space<semaphore_mem>>) src(%arg11 : memref<32x128xf32, #tpu.memory_space<vmem>>) dst(%dma_wait3A_155 : memref<32x128xf32, #tpu.memory_space<hbm>>)
      tpu.yield
    }) : () -> ()
    %mul3A_112 = arith.constant 320 : i32
    %mul3A_113 = arith.muli %arg1, %mul3A_112 : i32
    %add3A_114 = arith.constant 160 : i32
    %add3A_115 = arith.addi %mul3A_113, %add3A_114 : i32
    "tpu.region"() ({
      %run_scoped3A_147 = tpu.sem_alloc : memref<!tpu.dma_semaphore, #tpu.memory_space<semaphore_mem>>
      %dma_start3A_148 = arith.constant 0 : i32
      %dma_start3A_149 = tpu.memref_slice %arg12[%add3A_115, %dma_start3A_148] : memref<5128x128xf32, #tpu.memory_space<vmem_shared>> -> memref<32x128xf32, #tpu.memory_space<vmem_shared>>
      %dma_start3A_150 = arith.constant 0 : i32
      %dma_start3A_151 = tpu.memref_slice %arg12[%add3A_115, %dma_start3A_150] : memref<5128x128xf32, #tpu.memory_space<vmem_shared>> -> memref<32x128xf32, #tpu.memory_space<vmem_shared>>
      tpu.enqueue_dma source(%dma_start3A_151 : memref<32x128xf32, #tpu.memory_space<vmem_shared>>) target(%arg11 : memref<32x128xf32, #tpu.memory_space<vmem>>) target_semaphore(%run_scoped3A_147 : memref<!tpu.dma_semaphore, #tpu.memory_space<semaphore_mem>>)
      %dma_wait3A_152 = arith.constant 0 : i32
      %dma_wait3A_153 = tpu.memref_slice %arg12[%add3A_115, %dma_wait3A_152] : memref<5128x128xf32, #tpu.memory_space<vmem_shared>> -> memref<32x128xf32, #tpu.memory_space<vmem_shared>>
      %dma_wait3A_154 = arith.constant 0 : i32
      %dma_wait3A_155 = tpu.memref_slice %arg12[%add3A_115, %dma_wait3A_154] : memref<5128x128xf32, #tpu.memory_space<vmem_shared>> -> memref<32x128xf32, #tpu.memory_space<vmem_shared>>
      tpu.wait_dma2 semaphore(%run_scoped3A_147 : memref<!tpu.dma_semaphore, #tpu.memory_space<semaphore_mem>>) src(%dma_wait3A_155 : memref<32x128xf32, #tpu.memory_space<vmem_shared>>) dst(%arg11 : memref<32x128xf32, #tpu.memory_space<vmem>>)
      tpu.yield
    }) : () -> ()
    %mul3A_116 = arith.constant 5120 : i32
    %mul3A_117 = arith.muli %arg0, %mul3A_116 : i32
    %add3A_118 = arith.addi %mul3A_117, %add3A_115 : i32
    "tpu.region"() ({
      %run_scoped3A_147 = tpu.sem_alloc : memref<!tpu.dma_semaphore, #tpu.memory_space<semaphore_mem>>
      %dma_start3A_148 = arith.constant 0 : i32
      %dma_start3A_149 = tpu.memref_slice %arg6[%add3A_118, %dma_start3A_148] : memref<10240x128xf32, #tpu.memory_space<hbm>> -> memref<32x128xf32, #tpu.memory_space<hbm>>
      %dma_start3A_150 = arith.constant 0 : i32
      %dma_start3A_151 = tpu.memref_slice %arg6[%add3A_118, %dma_start3A_150] : memref<10240x128xf32, #tpu.memory_space<hbm>> -> memref<32x128xf32, #tpu.memory_space<hbm>>
      tpu.enqueue_dma source(%arg11 : memref<32x128xf32, #tpu.memory_space<vmem>>) target(%dma_start3A_151 : memref<32x128xf32, #tpu.memory_space<hbm>>) target_semaphore(%run_scoped3A_147 : memref<!tpu.dma_semaphore, #tpu.memory_space<semaphore_mem>>)
      %dma_wait3A_152 = arith.constant 0 : i32
      %dma_wait3A_153 = tpu.memref_slice %arg6[%add3A_118, %dma_wait3A_152] : memref<10240x128xf32, #tpu.memory_space<hbm>> -> memref<32x128xf32, #tpu.memory_space<hbm>>
      %dma_wait3A_154 = arith.constant 0 : i32
      %dma_wait3A_155 = tpu.memref_slice %arg6[%add3A_118, %dma_wait3A_154] : memref<10240x128xf32, #tpu.memory_space<hbm>> -> memref<32x128xf32, #tpu.memory_space<hbm>>
      tpu.wait_dma2 semaphore(%run_scoped3A_147 : memref<!tpu.dma_semaphore, #tpu.memory_space<semaphore_mem>>) src(%arg11 : memref<32x128xf32, #tpu.memory_space<vmem>>) dst(%dma_wait3A_155 : memref<32x128xf32, #tpu.memory_space<hbm>>)
      tpu.yield
    }) : () -> ()
    %mul3A_119 = arith.constant 320 : i32
    %mul3A_120 = arith.muli %arg1, %mul3A_119 : i32
    %add3A_121 = arith.constant 192 : i32
    %add3A_122 = arith.addi %mul3A_120, %add3A_121 : i32
    "tpu.region"() ({
      %run_scoped3A_147 = tpu.sem_alloc : memref<!tpu.dma_semaphore, #tpu.memory_space<semaphore_mem>>
      %dma_start3A_148 = arith.constant 0 : i32
      %dma_start3A_149 = tpu.memref_slice %arg12[%add3A_122, %dma_start3A_148] : memref<5128x128xf32, #tpu.memory_space<vmem_shared>> -> memref<32x128xf32, #tpu.memory_space<vmem_shared>>
      %dma_start3A_150 = arith.constant 0 : i32
      %dma_start3A_151 = tpu.memref_slice %arg12[%add3A_122, %dma_start3A_150] : memref<5128x128xf32, #tpu.memory_space<vmem_shared>> -> memref<32x128xf32, #tpu.memory_space<vmem_shared>>
      tpu.enqueue_dma source(%dma_start3A_151 : memref<32x128xf32, #tpu.memory_space<vmem_shared>>) target(%arg11 : memref<32x128xf32, #tpu.memory_space<vmem>>) target_semaphore(%run_scoped3A_147 : memref<!tpu.dma_semaphore, #tpu.memory_space<semaphore_mem>>)
      %dma_wait3A_152 = arith.constant 0 : i32
      %dma_wait3A_153 = tpu.memref_slice %arg12[%add3A_122, %dma_wait3A_152] : memref<5128x128xf32, #tpu.memory_space<vmem_shared>> -> memref<32x128xf32, #tpu.memory_space<vmem_shared>>
      %dma_wait3A_154 = arith.constant 0 : i32
      %dma_wait3A_155 = tpu.memref_slice %arg12[%add3A_122, %dma_wait3A_154] : memref<5128x128xf32, #tpu.memory_space<vmem_shared>> -> memref<32x128xf32, #tpu.memory_space<vmem_shared>>
      tpu.wait_dma2 semaphore(%run_scoped3A_147 : memref<!tpu.dma_semaphore, #tpu.memory_space<semaphore_mem>>) src(%dma_wait3A_155 : memref<32x128xf32, #tpu.memory_space<vmem_shared>>) dst(%arg11 : memref<32x128xf32, #tpu.memory_space<vmem>>)
      tpu.yield
    }) : () -> ()
    %mul3A_123 = arith.constant 5120 : i32
    %mul3A_124 = arith.muli %arg0, %mul3A_123 : i32
    %add3A_125 = arith.addi %mul3A_124, %add3A_122 : i32
    "tpu.region"() ({
      %run_scoped3A_147 = tpu.sem_alloc : memref<!tpu.dma_semaphore, #tpu.memory_space<semaphore_mem>>
      %dma_start3A_148 = arith.constant 0 : i32
      %dma_start3A_149 = tpu.memref_slice %arg6[%add3A_125, %dma_start3A_148] : memref<10240x128xf32, #tpu.memory_space<hbm>> -> memref<32x128xf32, #tpu.memory_space<hbm>>
      %dma_start3A_150 = arith.constant 0 : i32
      %dma_start3A_151 = tpu.memref_slice %arg6[%add3A_125, %dma_start3A_150] : memref<10240x128xf32, #tpu.memory_space<hbm>> -> memref<32x128xf32, #tpu.memory_space<hbm>>
      tpu.enqueue_dma source(%arg11 : memref<32x128xf32, #tpu.memory_space<vmem>>) target(%dma_start3A_151 : memref<32x128xf32, #tpu.memory_space<hbm>>) target_semaphore(%run_scoped3A_147 : memref<!tpu.dma_semaphore, #tpu.memory_space<semaphore_mem>>)
      %dma_wait3A_152 = arith.constant 0 : i32
      %dma_wait3A_153 = tpu.memref_slice %arg6[%add3A_125, %dma_wait3A_152] : memref<10240x128xf32, #tpu.memory_space<hbm>> -> memref<32x128xf32, #tpu.memory_space<hbm>>
      %dma_wait3A_154 = arith.constant 0 : i32
      %dma_wait3A_155 = tpu.memref_slice %arg6[%add3A_125, %dma_wait3A_154] : memref<10240x128xf32, #tpu.memory_space<hbm>> -> memref<32x128xf32, #tpu.memory_space<hbm>>
      tpu.wait_dma2 semaphore(%run_scoped3A_147 : memref<!tpu.dma_semaphore, #tpu.memory_space<semaphore_mem>>) src(%arg11 : memref<32x128xf32, #tpu.memory_space<vmem>>) dst(%dma_wait3A_155 : memref<32x128xf32, #tpu.memory_space<hbm>>)
      tpu.yield
    }) : () -> ()
    %mul3A_126 = arith.constant 320 : i32
    %mul3A_127 = arith.muli %arg1, %mul3A_126 : i32
    %add3A_128 = arith.constant 224 : i32
    %add3A_129 = arith.addi %mul3A_127, %add3A_128 : i32
    "tpu.region"() ({
      %run_scoped3A_147 = tpu.sem_alloc : memref<!tpu.dma_semaphore, #tpu.memory_space<semaphore_mem>>
      %dma_start3A_148 = arith.constant 0 : i32
      %dma_start3A_149 = tpu.memref_slice %arg12[%add3A_129, %dma_start3A_148] : memref<5128x128xf32, #tpu.memory_space<vmem_shared>> -> memref<32x128xf32, #tpu.memory_space<vmem_shared>>
      %dma_start3A_150 = arith.constant 0 : i32
      %dma_start3A_151 = tpu.memref_slice %arg12[%add3A_129, %dma_start3A_150] : memref<5128x128xf32, #tpu.memory_space<vmem_shared>> -> memref<32x128xf32, #tpu.memory_space<vmem_shared>>
      tpu.enqueue_dma source(%dma_start3A_151 : memref<32x128xf32, #tpu.memory_space<vmem_shared>>) target(%arg11 : memref<32x128xf32, #tpu.memory_space<vmem>>) target_semaphore(%run_scoped3A_147 : memref<!tpu.dma_semaphore, #tpu.memory_space<semaphore_mem>>)
      %dma_wait3A_152 = arith.constant 0 : i32
      %dma_wait3A_153 = tpu.memref_slice %arg12[%add3A_129, %dma_wait3A_152] : memref<5128x128xf32, #tpu.memory_space<vmem_shared>> -> memref<32x128xf32, #tpu.memory_space<vmem_shared>>
      %dma_wait3A_154 = arith.constant 0 : i32
      %dma_wait3A_155 = tpu.memref_slice %arg12[%add3A_129, %dma_wait3A_154] : memref<5128x128xf32, #tpu.memory_space<vmem_shared>> -> memref<32x128xf32, #tpu.memory_space<vmem_shared>>
      tpu.wait_dma2 semaphore(%run_scoped3A_147 : memref<!tpu.dma_semaphore, #tpu.memory_space<semaphore_mem>>) src(%dma_wait3A_155 : memref<32x128xf32, #tpu.memory_space<vmem_shared>>) dst(%arg11 : memref<32x128xf32, #tpu.memory_space<vmem>>)
      tpu.yield
    }) : () -> ()
    %mul3A_130 = arith.constant 5120 : i32
    %mul3A_131 = arith.muli %arg0, %mul3A_130 : i32
    %add3A_132 = arith.addi %mul3A_131, %add3A_129 : i32
    "tpu.region"() ({
      %run_scoped3A_147 = tpu.sem_alloc : memref<!tpu.dma_semaphore, #tpu.memory_space<semaphore_mem>>
      %dma_start3A_148 = arith.constant 0 : i32
      %dma_start3A_149 = tpu.memref_slice %arg6[%add3A_132, %dma_start3A_148] : memref<10240x128xf32, #tpu.memory_space<hbm>> -> memref<32x128xf32, #tpu.memory_space<hbm>>
      %dma_start3A_150 = arith.constant 0 : i32
      %dma_start3A_151 = tpu.memref_slice %arg6[%add3A_132, %dma_start3A_150] : memref<10240x128xf32, #tpu.memory_space<hbm>> -> memref<32x128xf32, #tpu.memory_space<hbm>>
      tpu.enqueue_dma source(%arg11 : memref<32x128xf32, #tpu.memory_space<vmem>>) target(%dma_start3A_151 : memref<32x128xf32, #tpu.memory_space<hbm>>) target_semaphore(%run_scoped3A_147 : memref<!tpu.dma_semaphore, #tpu.memory_space<semaphore_mem>>)
      %dma_wait3A_152 = arith.constant 0 : i32
      %dma_wait3A_153 = tpu.memref_slice %arg6[%add3A_132, %dma_wait3A_152] : memref<10240x128xf32, #tpu.memory_space<hbm>> -> memref<32x128xf32, #tpu.memory_space<hbm>>
      %dma_wait3A_154 = arith.constant 0 : i32
      %dma_wait3A_155 = tpu.memref_slice %arg6[%add3A_132, %dma_wait3A_154] : memref<10240x128xf32, #tpu.memory_space<hbm>> -> memref<32x128xf32, #tpu.memory_space<hbm>>
      tpu.wait_dma2 semaphore(%run_scoped3A_147 : memref<!tpu.dma_semaphore, #tpu.memory_space<semaphore_mem>>) src(%arg11 : memref<32x128xf32, #tpu.memory_space<vmem>>) dst(%dma_wait3A_155 : memref<32x128xf32, #tpu.memory_space<hbm>>)
      tpu.yield
    }) : () -> ()
    %mul3A_133 = arith.constant 320 : i32
    %mul3A_134 = arith.muli %arg1, %mul3A_133 : i32
    %add3A_135 = arith.constant 256 : i32
    %add3A_136 = arith.addi %mul3A_134, %add3A_135 : i32
    "tpu.region"() ({
      %run_scoped3A_147 = tpu.sem_alloc : memref<!tpu.dma_semaphore, #tpu.memory_space<semaphore_mem>>
      %dma_start3A_148 = arith.constant 0 : i32
      %dma_start3A_149 = tpu.memref_slice %arg12[%add3A_136, %dma_start3A_148] : memref<5128x128xf32, #tpu.memory_space<vmem_shared>> -> memref<32x128xf32, #tpu.memory_space<vmem_shared>>
      %dma_start3A_150 = arith.constant 0 : i32
      %dma_start3A_151 = tpu.memref_slice %arg12[%add3A_136, %dma_start3A_150] : memref<5128x128xf32, #tpu.memory_space<vmem_shared>> -> memref<32x128xf32, #tpu.memory_space<vmem_shared>>
      tpu.enqueue_dma source(%dma_start3A_151 : memref<32x128xf32, #tpu.memory_space<vmem_shared>>) target(%arg11 : memref<32x128xf32, #tpu.memory_space<vmem>>) target_semaphore(%run_scoped3A_147 : memref<!tpu.dma_semaphore, #tpu.memory_space<semaphore_mem>>)
      %dma_wait3A_152 = arith.constant 0 : i32
      %dma_wait3A_153 = tpu.memref_slice %arg12[%add3A_136, %dma_wait3A_152] : memref<5128x128xf32, #tpu.memory_space<vmem_shared>> -> memref<32x128xf32, #tpu.memory_space<vmem_shared>>
      %dma_wait3A_154 = arith.constant 0 : i32
      %dma_wait3A_155 = tpu.memref_slice %arg12[%add3A_136, %dma_wait3A_154] : memref<5128x128xf32, #tpu.memory_space<vmem_shared>> -> memref<32x128xf32, #tpu.memory_space<vmem_shared>>
      tpu.wait_dma2 semaphore(%run_scoped3A_147 : memref<!tpu.dma_semaphore, #tpu.memory_space<semaphore_mem>>) src(%dma_wait3A_155 : memref<32x128xf32, #tpu.memory_space<vmem_shared>>) dst(%arg11 : memref<32x128xf32, #tpu.memory_space<vmem>>)
      tpu.yield
    }) : () -> ()
    %mul3A_137 = arith.constant 5120 : i32
    %mul3A_138 = arith.muli %arg0, %mul3A_137 : i32
    %add3A_139 = arith.addi %mul3A_138, %add3A_136 : i32
    "tpu.region"() ({
      %run_scoped3A_147 = tpu.sem_alloc : memref<!tpu.dma_semaphore, #tpu.memory_space<semaphore_mem>>
      %dma_start3A_148 = arith.constant 0 : i32
      %dma_start3A_149 = tpu.memref_slice %arg6[%add3A_139, %dma_start3A_148] : memref<10240x128xf32, #tpu.memory_space<hbm>> -> memref<32x128xf32, #tpu.memory_space<hbm>>
      %dma_start3A_150 = arith.constant 0 : i32
      %dma_start3A_151 = tpu.memref_slice %arg6[%add3A_139, %dma_start3A_150] : memref<10240x128xf32, #tpu.memory_space<hbm>> -> memref<32x128xf32, #tpu.memory_space<hbm>>
      tpu.enqueue_dma source(%arg11 : memref<32x128xf32, #tpu.memory_space<vmem>>) target(%dma_start3A_151 : memref<32x128xf32, #tpu.memory_space<hbm>>) target_semaphore(%run_scoped3A_147 : memref<!tpu.dma_semaphore, #tpu.memory_space<semaphore_mem>>)
      %dma_wait3A_152 = arith.constant 0 : i32
      %dma_wait3A_153 = tpu.memref_slice %arg6[%add3A_139, %dma_wait3A_152] : memref<10240x128xf32, #tpu.memory_space<hbm>> -> memref<32x128xf32, #tpu.memory_space<hbm>>
      %dma_wait3A_154 = arith.constant 0 : i32
      %dma_wait3A_155 = tpu.memref_slice %arg6[%add3A_139, %dma_wait3A_154] : memref<10240x128xf32, #tpu.memory_space<hbm>> -> memref<32x128xf32, #tpu.memory_space<hbm>>
      tpu.wait_dma2 semaphore(%run_scoped3A_147 : memref<!tpu.dma_semaphore, #tpu.memory_space<semaphore_mem>>) src(%arg11 : memref<32x128xf32, #tpu.memory_space<vmem>>) dst(%dma_wait3A_155 : memref<32x128xf32, #tpu.memory_space<hbm>>)
      tpu.yield
    }) : () -> ()
    %mul3A_140 = arith.constant 320 : i32
    %mul3A_141 = arith.muli %arg1, %mul3A_140 : i32
    %add3A_142 = arith.constant 288 : i32
    %add3A_143 = arith.addi %mul3A_141, %add3A_142 : i32
    "tpu.region"() ({
      %run_scoped3A_147 = tpu.sem_alloc : memref<!tpu.dma_semaphore, #tpu.memory_space<semaphore_mem>>
      %dma_start3A_148 = arith.constant 0 : i32
      %dma_start3A_149 = tpu.memref_slice %arg12[%add3A_143, %dma_start3A_148] : memref<5128x128xf32, #tpu.memory_space<vmem_shared>> -> memref<32x128xf32, #tpu.memory_space<vmem_shared>>
      %dma_start3A_150 = arith.constant 0 : i32
      %dma_start3A_151 = tpu.memref_slice %arg12[%add3A_143, %dma_start3A_150] : memref<5128x128xf32, #tpu.memory_space<vmem_shared>> -> memref<32x128xf32, #tpu.memory_space<vmem_shared>>
      tpu.enqueue_dma source(%dma_start3A_151 : memref<32x128xf32, #tpu.memory_space<vmem_shared>>) target(%arg11 : memref<32x128xf32, #tpu.memory_space<vmem>>) target_semaphore(%run_scoped3A_147 : memref<!tpu.dma_semaphore, #tpu.memory_space<semaphore_mem>>)
      %dma_wait3A_152 = arith.constant 0 : i32
      %dma_wait3A_153 = tpu.memref_slice %arg12[%add3A_143, %dma_wait3A_152] : memref<5128x128xf32, #tpu.memory_space<vmem_shared>> -> memref<32x128xf32, #tpu.memory_space<vmem_shared>>
      %dma_wait3A_154 = arith.constant 0 : i32
      %dma_wait3A_155 = tpu.memref_slice %arg12[%add3A_143, %dma_wait3A_154] : memref<5128x128xf32, #tpu.memory_space<vmem_shared>> -> memref<32x128xf32, #tpu.memory_space<vmem_shared>>
      tpu.wait_dma2 semaphore(%run_scoped3A_147 : memref<!tpu.dma_semaphore, #tpu.memory_space<semaphore_mem>>) src(%dma_wait3A_155 : memref<32x128xf32, #tpu.memory_space<vmem_shared>>) dst(%arg11 : memref<32x128xf32, #tpu.memory_space<vmem>>)
      tpu.yield
    }) : () -> ()
    %mul3A_144 = arith.constant 5120 : i32
    %mul3A_145 = arith.muli %arg0, %mul3A_144 : i32
    %add3A_146 = arith.addi %mul3A_145, %add3A_143 : i32
    "tpu.region"() ({
      %run_scoped3A_147 = tpu.sem_alloc : memref<!tpu.dma_semaphore, #tpu.memory_space<semaphore_mem>>
      %dma_start3A_148 = arith.constant 0 : i32
      %dma_start3A_149 = tpu.memref_slice %arg6[%add3A_146, %dma_start3A_148] : memref<10240x128xf32, #tpu.memory_space<hbm>> -> memref<32x128xf32, #tpu.memory_space<hbm>>
      %dma_start3A_150 = arith.constant 0 : i32
      %dma_start3A_151 = tpu.memref_slice %arg6[%add3A_146, %dma_start3A_150] : memref<10240x128xf32, #tpu.memory_space<hbm>> -> memref<32x128xf32, #tpu.memory_space<hbm>>
      tpu.enqueue_dma source(%arg11 : memref<32x128xf32, #tpu.memory_space<vmem>>) target(%dma_start3A_151 : memref<32x128xf32, #tpu.memory_space<hbm>>) target_semaphore(%run_scoped3A_147 : memref<!tpu.dma_semaphore, #tpu.memory_space<semaphore_mem>>)
      %dma_wait3A_152 = arith.constant 0 : i32
      %dma_wait3A_153 = tpu.memref_slice %arg6[%add3A_146, %dma_wait3A_152] : memref<10240x128xf32, #tpu.memory_space<hbm>> -> memref<32x128xf32, #tpu.memory_space<hbm>>
      %dma_wait3A_154 = arith.constant 0 : i32
      %dma_wait3A_155 = tpu.memref_slice %arg6[%add3A_146, %dma_wait3A_154] : memref<10240x128xf32, #tpu.memory_space<hbm>> -> memref<32x128xf32, #tpu.memory_space<hbm>>
      tpu.wait_dma2 semaphore(%run_scoped3A_147 : memref<!tpu.dma_semaphore, #tpu.memory_space<semaphore_mem>>) src(%arg11 : memref<32x128xf32, #tpu.memory_space<vmem>>) dst(%dma_wait3A_155 : memref<32x128xf32, #tpu.memory_space<hbm>>)
      tpu.yield
    }) : () -> ()
    return
  }
}

#map = affine_map<(d0, d1) -> (0, 0, 0)>
#map1 = affine_map<(d0, d1) -> (0, 0)>
module attributes {stable_mosaic.version = 14 : i64} {
  func.func @_deg_kernel(%arg0: i32, %arg1: i32, %arg2: memref<16x250x80xi32, #tpu.memory_space<hbm>>, %arg3: memref<80x128xf32, #tpu.memory_space<hbm>>, %arg4: memref<32x128xf32, #tpu.memory_space<hbm>>, %arg5: memref<10240x128xf32, #tpu.memory_space<hbm>>, %arg6: memref<250x80xi32, #tpu.memory_space<vmem>>, %arg7: memref<80x128xf32, #tpu.memory_space<vmem>>, %arg8: memref<32x128xf32, #tpu.memory_space<vmem>>, %arg9: memref<5128x128xf32, #tpu.memory_space<vmem_shared>>, %arg10: memref<!tpu.dma_semaphore, #tpu.memory_space<semaphore_mem>>) attributes {dimension_semantics = [#tpu.dimension_semantics<core_parallel>, #tpu.dimension_semantics<subcore_parallel>], iteration_bounds = array<i64: 2, 16>, scalar_prefetch = 0 : i64, scratch_operands = 5 : i64, tpu.core_type = #tpu.core_type<sc_vector_subcore>, window_params = [{transform_indices = #map}, {transform_indices = #map1}, {transform_indices = #map1}, {transform_indices = #map1}]} {
    "tpu.region"() ({
      %run_scoped3A = tpu.sem_alloc : memref<!tpu.dma_semaphore, #tpu.memory_space<semaphore_mem>>
      %dma_start3A = arith.constant 0 : i32
      %dma_start3A_126 = arith.constant 0 : i32
      %dma_start3A_127 = tpu.memref_slice %arg2[%arg1, %dma_start3A, %dma_start3A_126] : memref<16x250x80xi32, #tpu.memory_space<hbm>> -> memref<1x250x80xi32, #tpu.memory_space<hbm>>
      %dma_start3A_128 = tpu.memref_squeeze %dma_start3A_127 : memref<1x250x80xi32, #tpu.memory_space<hbm>> -> memref<250x80xi32, #tpu.memory_space<hbm>>
      %dma_start3A_129 = arith.constant 0 : i32
      %dma_start3A_130 = arith.constant 0 : i32
      %dma_start3A_131 = tpu.memref_slice %arg2[%arg1, %dma_start3A_129, %dma_start3A_130] : memref<16x250x80xi32, #tpu.memory_space<hbm>> -> memref<1x250x80xi32, #tpu.memory_space<hbm>>
      %dma_start3A_132 = tpu.memref_squeeze %dma_start3A_131 : memref<1x250x80xi32, #tpu.memory_space<hbm>> -> memref<250x80xi32, #tpu.memory_space<hbm>>
      tpu.enqueue_dma source(%dma_start3A_132 : memref<250x80xi32, #tpu.memory_space<hbm>>) target(%arg6 : memref<250x80xi32, #tpu.memory_space<vmem>>) target_semaphore(%run_scoped3A : memref<!tpu.dma_semaphore, #tpu.memory_space<semaphore_mem>>)
      %dma_wait3A = arith.constant 0 : i32
      %dma_wait3A_133 = arith.constant 0 : i32
      %dma_wait3A_134 = tpu.memref_slice %arg2[%arg1, %dma_wait3A, %dma_wait3A_133] : memref<16x250x80xi32, #tpu.memory_space<hbm>> -> memref<1x250x80xi32, #tpu.memory_space<hbm>>
      %dma_wait3A_135 = tpu.memref_squeeze %dma_wait3A_134 : memref<1x250x80xi32, #tpu.memory_space<hbm>> -> memref<250x80xi32, #tpu.memory_space<hbm>>
      %dma_wait3A_136 = arith.constant 0 : i32
      %dma_wait3A_137 = arith.constant 0 : i32
      %dma_wait3A_138 = tpu.memref_slice %arg2[%arg1, %dma_wait3A_136, %dma_wait3A_137] : memref<16x250x80xi32, #tpu.memory_space<hbm>> -> memref<1x250x80xi32, #tpu.memory_space<hbm>>
      %dma_wait3A_139 = tpu.memref_squeeze %dma_wait3A_138 : memref<1x250x80xi32, #tpu.memory_space<hbm>> -> memref<250x80xi32, #tpu.memory_space<hbm>>
      tpu.wait_dma2 semaphore(%run_scoped3A : memref<!tpu.dma_semaphore, #tpu.memory_space<semaphore_mem>>) src(%dma_wait3A_139 : memref<250x80xi32, #tpu.memory_space<hbm>>) dst(%arg6 : memref<250x80xi32, #tpu.memory_space<vmem>>)
      tpu.yield
    }) : () -> ()
    "tpu.region"() ({
      %run_scoped3A = tpu.sem_alloc : memref<!tpu.dma_semaphore, #tpu.memory_space<semaphore_mem>>
      tpu.enqueue_dma source(%arg3 : memref<80x128xf32, #tpu.memory_space<hbm>>) target(%arg7 : memref<80x128xf32, #tpu.memory_space<vmem>>) target_semaphore(%run_scoped3A : memref<!tpu.dma_semaphore, #tpu.memory_space<semaphore_mem>>)
      tpu.wait_dma2 semaphore(%run_scoped3A : memref<!tpu.dma_semaphore, #tpu.memory_space<semaphore_mem>>) src(%arg3 : memref<80x128xf32, #tpu.memory_space<hbm>>) dst(%arg7 : memref<80x128xf32, #tpu.memory_space<vmem>>)
      tpu.yield
    }) : () -> ()
    %mul3A = arith.constant 5120 : i32
    %mul3A_0 = arith.muli %arg0, %mul3A : i32
    %broadcast_in_dim3A = vector.broadcast %mul3A_0 : i32 to vector<16xi32>
    %broadcast_in_dim3A_1 = arith.constant 5120 : i32
    %broadcast_in_dim3A_2 = vector.broadcast %broadcast_in_dim3A_1 : i32 to vector<16xi32>
    %scan3A = arith.constant 0 : i32
    %scan3A_3 = arith.constant 0 : i32
    %scan3A_4 = arith.constant 250 : i32
    %scan3A_5 = arith.addi %scan3A_3, %scan3A_4 : i32
    %scan3A_6 = arith.constant 1 : i32
    %scan3A_7 = scf.for %scan3A_126 = %scan3A_3 to %scan3A_5 step %scan3A_6 iter_args(%scan3A_127 = %scan3A) -> (i32)  : i32 {
      %get3A = arith.index_cast %scan3A_126 : i32 to index
      %get3A_128 = arith.constant 0 : index
      %get3A_129 = tpu.vector_load %arg6[%get3A, %get3A_128] {strides = array<i32>} : memref<250x80xi32, #tpu.memory_space<vmem>>, vector<1x16xi32>,
      %get3A_130 = vector.shape_cast %get3A_129 : vector<1x16xi32> to vector<16xi32>
      %sub3A = arith.subi %get3A_130, %broadcast_in_dim3A : vector<16xi32>
      %ge3A = arith.constant 0 : i32
      %ge3A_131 = vector.broadcast %ge3A : i32 to vector<16xi32>
      %ge3A_132 = arith.cmpi sge, %sub3A, %ge3A_131 : vector<16xi32>
      %lt3A = arith.constant 5120 : i32
      %lt3A_133 = vector.broadcast %lt3A : i32 to vector<16xi32>
      %lt3A_134 = arith.cmpi slt, %sub3A, %lt3A_133 : vector<16xi32>
      %and3A = arith.andi %ge3A_132, %lt3A_134 : vector<16xi1>
      %select_n3A = arith.select %and3A, %sub3A, %broadcast_in_dim3A_2 : vector<16xi1>, vector<16xi32>
      %swap3A = arith.index_cast %scan3A_126 : i32 to index
      %swap3A_135 = arith.constant 0 : index
      %swap3A_136 = tpu.vector_load %arg6[%swap3A, %swap3A_135] {strides = array<i32>} : memref<250x80xi32, #tpu.memory_space<vmem>>, vector<1x16xi32>,
      %swap3A_137 = vector.shape_cast %swap3A_136 : vector<1x16xi32> to vector<16xi32>
      %swap3A_138 = vector.shape_cast %select_n3A : vector<16xi32> to vector<1x16xi32>
      tpu.vector_store %arg6[%swap3A, %swap3A_135], %swap3A_138 {strides = array<i32>} : memref<250x80xi32, #tpu.memory_space<vmem>>, vector<1x16xi32>,
      %get3A_139 = arith.index_cast %scan3A_126 : i32 to index
      %get3A_140 = arith.constant 16 : index
      %get3A_141 = tpu.vector_load %arg6[%get3A_139, %get3A_140] {strides = array<i32>} : memref<250x80xi32, #tpu.memory_space<vmem>>, vector<1x16xi32>,
      %get3A_142 = vector.shape_cast %get3A_141 : vector<1x16xi32> to vector<16xi32>
      %sub3A_143 = arith.subi %get3A_142, %broadcast_in_dim3A : vector<16xi32>
      %ge3A_144 = arith.constant 0 : i32
      %ge3A_145 = vector.broadcast %ge3A_144 : i32 to vector<16xi32>
      %ge3A_146 = arith.cmpi sge, %sub3A_143, %ge3A_145 : vector<16xi32>
      %lt3A_147 = arith.constant 5120 : i32
      %lt3A_148 = vector.broadcast %lt3A_147 : i32 to vector<16xi32>
      %lt3A_149 = arith.cmpi slt, %sub3A_143, %lt3A_148 : vector<16xi32>
      %and3A_150 = arith.andi %ge3A_146, %lt3A_149 : vector<16xi1>
      %select_n3A_151 = arith.select %and3A_150, %sub3A_143, %broadcast_in_dim3A_2 : vector<16xi1>, vector<16xi32>
      %swap3A_152 = arith.index_cast %scan3A_126 : i32 to index
      %swap3A_153 = arith.constant 16 : index
      %swap3A_154 = tpu.vector_load %arg6[%swap3A_152, %swap3A_153] {strides = array<i32>} : memref<250x80xi32, #tpu.memory_space<vmem>>, vector<1x16xi32>,
      %swap3A_155 = vector.shape_cast %swap3A_154 : vector<1x16xi32> to vector<16xi32>
      %swap3A_156 = vector.shape_cast %select_n3A_151 : vector<16xi32> to vector<1x16xi32>
      tpu.vector_store %arg6[%swap3A_152, %swap3A_153], %swap3A_156 {strides = array<i32>} : memref<250x80xi32, #tpu.memory_space<vmem>>, vector<1x16xi32>,
      %get3A_157 = arith.index_cast %scan3A_126 : i32 to index
      %get3A_158 = arith.constant 32 : index
      %get3A_159 = tpu.vector_load %arg6[%get3A_157, %get3A_158] {strides = array<i32>} : memref<250x80xi32, #tpu.memory_space<vmem>>, vector<1x16xi32>,
      %get3A_160 = vector.shape_cast %get3A_159 : vector<1x16xi32> to vector<16xi32>
      %sub3A_161 = arith.subi %get3A_160, %broadcast_in_dim3A : vector<16xi32>
      %ge3A_162 = arith.constant 0 : i32
      %ge3A_163 = vector.broadcast %ge3A_162 : i32 to vector<16xi32>
      %ge3A_164 = arith.cmpi sge, %sub3A_161, %ge3A_163 : vector<16xi32>
      %lt3A_165 = arith.constant 5120 : i32
      %lt3A_166 = vector.broadcast %lt3A_165 : i32 to vector<16xi32>
      %lt3A_167 = arith.cmpi slt, %sub3A_161, %lt3A_166 : vector<16xi32>
      %and3A_168 = arith.andi %ge3A_164, %lt3A_167 : vector<16xi1>
      %select_n3A_169 = arith.select %and3A_168, %sub3A_161, %broadcast_in_dim3A_2 : vector<16xi1>, vector<16xi32>
      %swap3A_170 = arith.index_cast %scan3A_126 : i32 to index
      %swap3A_171 = arith.constant 32 : index
      %swap3A_172 = tpu.vector_load %arg6[%swap3A_170, %swap3A_171] {strides = array<i32>} : memref<250x80xi32, #tpu.memory_space<vmem>>, vector<1x16xi32>,
      %swap3A_173 = vector.shape_cast %swap3A_172 : vector<1x16xi32> to vector<16xi32>
      %swap3A_174 = vector.shape_cast %select_n3A_169 : vector<16xi32> to vector<1x16xi32>
      tpu.vector_store %arg6[%swap3A_170, %swap3A_171], %swap3A_174 {strides = array<i32>} : memref<250x80xi32, #tpu.memory_space<vmem>>, vector<1x16xi32>,
      %get3A_175 = arith.index_cast %scan3A_126 : i32 to index
      %get3A_176 = arith.constant 48 : index
      %get3A_177 = tpu.vector_load %arg6[%get3A_175, %get3A_176] {strides = array<i32>} : memref<250x80xi32, #tpu.memory_space<vmem>>, vector<1x16xi32>,
      %get3A_178 = vector.shape_cast %get3A_177 : vector<1x16xi32> to vector<16xi32>
      %sub3A_179 = arith.subi %get3A_178, %broadcast_in_dim3A : vector<16xi32>
      %ge3A_180 = arith.constant 0 : i32
      %ge3A_181 = vector.broadcast %ge3A_180 : i32 to vector<16xi32>
      %ge3A_182 = arith.cmpi sge, %sub3A_179, %ge3A_181 : vector<16xi32>
      %lt3A_183 = arith.constant 5120 : i32
      %lt3A_184 = vector.broadcast %lt3A_183 : i32 to vector<16xi32>
      %lt3A_185 = arith.cmpi slt, %sub3A_179, %lt3A_184 : vector<16xi32>
      %and3A_186 = arith.andi %ge3A_182, %lt3A_185 : vector<16xi1>
      %select_n3A_187 = arith.select %and3A_186, %sub3A_179, %broadcast_in_dim3A_2 : vector<16xi1>, vector<16xi32>
      %swap3A_188 = arith.index_cast %scan3A_126 : i32 to index
      %swap3A_189 = arith.constant 48 : index
      %swap3A_190 = tpu.vector_load %arg6[%swap3A_188, %swap3A_189] {strides = array<i32>} : memref<250x80xi32, #tpu.memory_space<vmem>>, vector<1x16xi32>,
      %swap3A_191 = vector.shape_cast %swap3A_190 : vector<1x16xi32> to vector<16xi32>
      %swap3A_192 = vector.shape_cast %select_n3A_187 : vector<16xi32> to vector<1x16xi32>
      tpu.vector_store %arg6[%swap3A_188, %swap3A_189], %swap3A_192 {strides = array<i32>} : memref<250x80xi32, #tpu.memory_space<vmem>>, vector<1x16xi32>,
      %get3A_193 = arith.index_cast %scan3A_126 : i32 to index
      %get3A_194 = arith.constant 64 : index
      %get3A_195 = tpu.vector_load %arg6[%get3A_193, %get3A_194] {strides = array<i32>} : memref<250x80xi32, #tpu.memory_space<vmem>>, vector<1x16xi32>,
      %get3A_196 = vector.shape_cast %get3A_195 : vector<1x16xi32> to vector<16xi32>
      %sub3A_197 = arith.subi %get3A_196, %broadcast_in_dim3A : vector<16xi32>
      %ge3A_198 = arith.constant 0 : i32
      %ge3A_199 = vector.broadcast %ge3A_198 : i32 to vector<16xi32>
      %ge3A_200 = arith.cmpi sge, %sub3A_197, %ge3A_199 : vector<16xi32>
      %lt3A_201 = arith.constant 5120 : i32
      %lt3A_202 = vector.broadcast %lt3A_201 : i32 to vector<16xi32>
      %lt3A_203 = arith.cmpi slt, %sub3A_197, %lt3A_202 : vector<16xi32>
      %and3A_204 = arith.andi %ge3A_200, %lt3A_203 : vector<16xi1>
      %select_n3A_205 = arith.select %and3A_204, %sub3A_197, %broadcast_in_dim3A_2 : vector<16xi1>, vector<16xi32>
      %swap3A_206 = arith.index_cast %scan3A_126 : i32 to index
      %swap3A_207 = arith.constant 64 : index
      %swap3A_208 = tpu.vector_load %arg6[%swap3A_206, %swap3A_207] {strides = array<i32>} : memref<250x80xi32, #tpu.memory_space<vmem>>, vector<1x16xi32>,
      %swap3A_209 = vector.shape_cast %swap3A_208 : vector<1x16xi32> to vector<16xi32>
      %swap3A_210 = vector.shape_cast %select_n3A_205 : vector<16xi32> to vector<1x16xi32>
      tpu.vector_store %arg6[%swap3A_206, %swap3A_207], %swap3A_210 {strides = array<i32>} : memref<250x80xi32, #tpu.memory_space<vmem>>, vector<1x16xi32>,
      %scan3A_211 = arith.constant 0 : i32
      scf.yield %scan3A_211 : i32
    }
    %scan3A_8 = arith.constant 250 : i32
    "tpu.region"() ({
      %run_scoped3A = tpu.sem_alloc : memref<!tpu.dma_semaphore, #tpu.memory_space<semaphore_mem>>
      tpu.enqueue_dma source(%arg4 : memref<32x128xf32, #tpu.memory_space<hbm>>) target(%arg8 : memref<32x128xf32, #tpu.memory_space<vmem>>) target_semaphore(%run_scoped3A : memref<!tpu.dma_semaphore, #tpu.memory_space<semaphore_mem>>)
      tpu.wait_dma2 semaphore(%run_scoped3A : memref<!tpu.dma_semaphore, #tpu.memory_space<semaphore_mem>>) src(%arg4 : memref<32x128xf32, #tpu.memory_space<hbm>>) dst(%arg8 : memref<32x128xf32, #tpu.memory_space<vmem>>)
      tpu.yield
    }) : () -> ()
    %mul3A_9 = arith.constant 320 : i32
    %mul3A_10 = arith.muli %arg1, %mul3A_9 : i32
    %add3A = arith.constant 0 : i32
    %add3A_11 = arith.addi %mul3A_10, %add3A : i32
    "tpu.region"() ({
      %run_scoped3A = tpu.sem_alloc : memref<!tpu.dma_semaphore, #tpu.memory_space<semaphore_mem>>
      %dma_start3A = arith.constant 0 : i32
      %dma_start3A_126 = tpu.memref_slice %arg9[%add3A_11, %dma_start3A] : memref<5128x128xf32, #tpu.memory_space<vmem_shared>> -> memref<32x128xf32, #tpu.memory_space<vmem_shared>>
      %dma_start3A_127 = arith.constant 0 : i32
      %dma_start3A_128 = tpu.memref_slice %arg9[%add3A_11, %dma_start3A_127] : memref<5128x128xf32, #tpu.memory_space<vmem_shared>> -> memref<32x128xf32, #tpu.memory_space<vmem_shared>>
      tpu.enqueue_dma source(%arg8 : memref<32x128xf32, #tpu.memory_space<vmem>>) target(%dma_start3A_128 : memref<32x128xf32, #tpu.memory_space<vmem_shared>>) target_semaphore(%run_scoped3A : memref<!tpu.dma_semaphore, #tpu.memory_space<semaphore_mem>>)
      %dma_wait3A = arith.constant 0 : i32
      %dma_wait3A_129 = tpu.memref_slice %arg9[%add3A_11, %dma_wait3A] : memref<5128x128xf32, #tpu.memory_space<vmem_shared>> -> memref<32x128xf32, #tpu.memory_space<vmem_shared>>
      %dma_wait3A_130 = arith.constant 0 : i32
      %dma_wait3A_131 = tpu.memref_slice %arg9[%add3A_11, %dma_wait3A_130] : memref<5128x128xf32, #tpu.memory_space<vmem_shared>> -> memref<32x128xf32, #tpu.memory_space<vmem_shared>>
      tpu.wait_dma2 semaphore(%run_scoped3A : memref<!tpu.dma_semaphore, #tpu.memory_space<semaphore_mem>>) src(%arg8 : memref<32x128xf32, #tpu.memory_space<vmem>>) dst(%dma_wait3A_131 : memref<32x128xf32, #tpu.memory_space<vmem_shared>>)
      tpu.yield
    }) : () -> ()
    %mul3A_12 = arith.constant 320 : i32
    %mul3A_13 = arith.muli %arg1, %mul3A_12 : i32
    %add3A_14 = arith.constant 32 : i32
    %add3A_15 = arith.addi %mul3A_13, %add3A_14 : i32
    "tpu.region"() ({
      %run_scoped3A = tpu.sem_alloc : memref<!tpu.dma_semaphore, #tpu.memory_space<semaphore_mem>>
      %dma_start3A = arith.constant 0 : i32
      %dma_start3A_126 = tpu.memref_slice %arg9[%add3A_15, %dma_start3A] : memref<5128x128xf32, #tpu.memory_space<vmem_shared>> -> memref<32x128xf32, #tpu.memory_space<vmem_shared>>
      %dma_start3A_127 = arith.constant 0 : i32
      %dma_start3A_128 = tpu.memref_slice %arg9[%add3A_15, %dma_start3A_127] : memref<5128x128xf32, #tpu.memory_space<vmem_shared>> -> memref<32x128xf32, #tpu.memory_space<vmem_shared>>
      tpu.enqueue_dma source(%arg8 : memref<32x128xf32, #tpu.memory_space<vmem>>) target(%dma_start3A_128 : memref<32x128xf32, #tpu.memory_space<vmem_shared>>) target_semaphore(%run_scoped3A : memref<!tpu.dma_semaphore, #tpu.memory_space<semaphore_mem>>)
      %dma_wait3A = arith.constant 0 : i32
      %dma_wait3A_129 = tpu.memref_slice %arg9[%add3A_15, %dma_wait3A] : memref<5128x128xf32, #tpu.memory_space<vmem_shared>> -> memref<32x128xf32, #tpu.memory_space<vmem_shared>>
      %dma_wait3A_130 = arith.constant 0 : i32
      %dma_wait3A_131 = tpu.memref_slice %arg9[%add3A_15, %dma_wait3A_130] : memref<5128x128xf32, #tpu.memory_space<vmem_shared>> -> memref<32x128xf32, #tpu.memory_space<vmem_shared>>
      tpu.wait_dma2 semaphore(%run_scoped3A : memref<!tpu.dma_semaphore, #tpu.memory_space<semaphore_mem>>) src(%arg8 : memref<32x128xf32, #tpu.memory_space<vmem>>) dst(%dma_wait3A_131 : memref<32x128xf32, #tpu.memory_space<vmem_shared>>)
      tpu.yield
    }) : () -> ()
    %mul3A_16 = arith.constant 320 : i32
    %mul3A_17 = arith.muli %arg1, %mul3A_16 : i32
    %add3A_18 = arith.constant 64 : i32
    %add3A_19 = arith.addi %mul3A_17, %add3A_18 : i32
    "tpu.region"() ({
      %run_scoped3A = tpu.sem_alloc : memref<!tpu.dma_semaphore, #tpu.memory_space<semaphore_mem>>
      %dma_start3A = arith.constant 0 : i32
      %dma_start3A_126 = tpu.memref_slice %arg9[%add3A_19, %dma_start3A] : memref<5128x128xf32, #tpu.memory_space<vmem_shared>> -> memref<32x128xf32, #tpu.memory_space<vmem_shared>>
      %dma_start3A_127 = arith.constant 0 : i32
      %dma_start3A_128 = tpu.memref_slice %arg9[%add3A_19, %dma_start3A_127] : memref<5128x128xf32, #tpu.memory_space<vmem_shared>> -> memref<32x128xf32, #tpu.memory_space<vmem_shared>>
      tpu.enqueue_dma source(%arg8 : memref<32x128xf32, #tpu.memory_space<vmem>>) target(%dma_start3A_128 : memref<32x128xf32, #tpu.memory_space<vmem_shared>>) target_semaphore(%run_scoped3A : memref<!tpu.dma_semaphore, #tpu.memory_space<semaphore_mem>>)
      %dma_wait3A = arith.constant 0 : i32
      %dma_wait3A_129 = tpu.memref_slice %arg9[%add3A_19, %dma_wait3A] : memref<5128x128xf32, #tpu.memory_space<vmem_shared>> -> memref<32x128xf32, #tpu.memory_space<vmem_shared>>
      %dma_wait3A_130 = arith.constant 0 : i32
      %dma_wait3A_131 = tpu.memref_slice %arg9[%add3A_19, %dma_wait3A_130] : memref<5128x128xf32, #tpu.memory_space<vmem_shared>> -> memref<32x128xf32, #tpu.memory_space<vmem_shared>>
      tpu.wait_dma2 semaphore(%run_scoped3A : memref<!tpu.dma_semaphore, #tpu.memory_space<semaphore_mem>>) src(%arg8 : memref<32x128xf32, #tpu.memory_space<vmem>>) dst(%dma_wait3A_131 : memref<32x128xf32, #tpu.memory_space<vmem_shared>>)
      tpu.yield
    }) : () -> ()
    %mul3A_20 = arith.constant 320 : i32
    %mul3A_21 = arith.muli %arg1, %mul3A_20 : i32
    %add3A_22 = arith.constant 96 : i32
    %add3A_23 = arith.addi %mul3A_21, %add3A_22 : i32
    "tpu.region"() ({
      %run_scoped3A = tpu.sem_alloc : memref<!tpu.dma_semaphore, #tpu.memory_space<semaphore_mem>>
      %dma_start3A = arith.constant 0 : i32
      %dma_start3A_126 = tpu.memref_slice %arg9[%add3A_23, %dma_start3A] : memref<5128x128xf32, #tpu.memory_space<vmem_shared>> -> memref<32x128xf32, #tpu.memory_space<vmem_shared>>
      %dma_start3A_127 = arith.constant 0 : i32
      %dma_start3A_128 = tpu.memref_slice %arg9[%add3A_23, %dma_start3A_127] : memref<5128x128xf32, #tpu.memory_space<vmem_shared>> -> memref<32x128xf32, #tpu.memory_space<vmem_shared>>
      tpu.enqueue_dma source(%arg8 : memref<32x128xf32, #tpu.memory_space<vmem>>) target(%dma_start3A_128 : memref<32x128xf32, #tpu.memory_space<vmem_shared>>) target_semaphore(%run_scoped3A : memref<!tpu.dma_semaphore, #tpu.memory_space<semaphore_mem>>)
      %dma_wait3A = arith.constant 0 : i32
      %dma_wait3A_129 = tpu.memref_slice %arg9[%add3A_23, %dma_wait3A] : memref<5128x128xf32, #tpu.memory_space<vmem_shared>> -> memref<32x128xf32, #tpu.memory_space<vmem_shared>>
      %dma_wait3A_130 = arith.constant 0 : i32
      %dma_wait3A_131 = tpu.memref_slice %arg9[%add3A_23, %dma_wait3A_130] : memref<5128x128xf32, #tpu.memory_space<vmem_shared>> -> memref<32x128xf32, #tpu.memory_space<vmem_shared>>
      tpu.wait_dma2 semaphore(%run_scoped3A : memref<!tpu.dma_semaphore, #tpu.memory_space<semaphore_mem>>) src(%arg8 : memref<32x128xf32, #tpu.memory_space<vmem>>) dst(%dma_wait3A_131 : memref<32x128xf32, #tpu.memory_space<vmem_shared>>)
      tpu.yield
    }) : () -> ()
    %mul3A_24 = arith.constant 320 : i32
    %mul3A_25 = arith.muli %arg1, %mul3A_24 : i32
    %add3A_26 = arith.constant 128 : i32
    %add3A_27 = arith.addi %mul3A_25, %add3A_26 : i32
    "tpu.region"() ({
      %run_scoped3A = tpu.sem_alloc : memref<!tpu.dma_semaphore, #tpu.memory_space<semaphore_mem>>
      %dma_start3A = arith.constant 0 : i32
      %dma_start3A_126 = tpu.memref_slice %arg9[%add3A_27, %dma_start3A] : memref<5128x128xf32, #tpu.memory_space<vmem_shared>> -> memref<32x128xf32, #tpu.memory_space<vmem_shared>>
      %dma_start3A_127 = arith.constant 0 : i32
      %dma_start3A_128 = tpu.memref_slice %arg9[%add3A_27, %dma_start3A_127] : memref<5128x128xf32, #tpu.memory_space<vmem_shared>> -> memref<32x128xf32, #tpu.memory_space<vmem_shared>>
      tpu.enqueue_dma source(%arg8 : memref<32x128xf32, #tpu.memory_space<vmem>>) target(%dma_start3A_128 : memref<32x128xf32, #tpu.memory_space<vmem_shared>>) target_semaphore(%run_scoped3A : memref<!tpu.dma_semaphore, #tpu.memory_space<semaphore_mem>>)
      %dma_wait3A = arith.constant 0 : i32
      %dma_wait3A_129 = tpu.memref_slice %arg9[%add3A_27, %dma_wait3A] : memref<5128x128xf32, #tpu.memory_space<vmem_shared>> -> memref<32x128xf32, #tpu.memory_space<vmem_shared>>
      %dma_wait3A_130 = arith.constant 0 : i32
      %dma_wait3A_131 = tpu.memref_slice %arg9[%add3A_27, %dma_wait3A_130] : memref<5128x128xf32, #tpu.memory_space<vmem_shared>> -> memref<32x128xf32, #tpu.memory_space<vmem_shared>>
      tpu.wait_dma2 semaphore(%run_scoped3A : memref<!tpu.dma_semaphore, #tpu.memory_space<semaphore_mem>>) src(%arg8 : memref<32x128xf32, #tpu.memory_space<vmem>>) dst(%dma_wait3A_131 : memref<32x128xf32, #tpu.memory_space<vmem_shared>>)
      tpu.yield
    }) : () -> ()
    %mul3A_28 = arith.constant 320 : i32
    %mul3A_29 = arith.muli %arg1, %mul3A_28 : i32
    %add3A_30 = arith.constant 160 : i32
    %add3A_31 = arith.addi %mul3A_29, %add3A_30 : i32
    "tpu.region"() ({
      %run_scoped3A = tpu.sem_alloc : memref<!tpu.dma_semaphore, #tpu.memory_space<semaphore_mem>>
      %dma_start3A = arith.constant 0 : i32
      %dma_start3A_126 = tpu.memref_slice %arg9[%add3A_31, %dma_start3A] : memref<5128x128xf32, #tpu.memory_space<vmem_shared>> -> memref<32x128xf32, #tpu.memory_space<vmem_shared>>
      %dma_start3A_127 = arith.constant 0 : i32
      %dma_start3A_128 = tpu.memref_slice %arg9[%add3A_31, %dma_start3A_127] : memref<5128x128xf32, #tpu.memory_space<vmem_shared>> -> memref<32x128xf32, #tpu.memory_space<vmem_shared>>
      tpu.enqueue_dma source(%arg8 : memref<32x128xf32, #tpu.memory_space<vmem>>) target(%dma_start3A_128 : memref<32x128xf32, #tpu.memory_space<vmem_shared>>) target_semaphore(%run_scoped3A : memref<!tpu.dma_semaphore, #tpu.memory_space<semaphore_mem>>)
      %dma_wait3A = arith.constant 0 : i32
      %dma_wait3A_129 = tpu.memref_slice %arg9[%add3A_31, %dma_wait3A] : memref<5128x128xf32, #tpu.memory_space<vmem_shared>> -> memref<32x128xf32, #tpu.memory_space<vmem_shared>>
      %dma_wait3A_130 = arith.constant 0 : i32
      %dma_wait3A_131 = tpu.memref_slice %arg9[%add3A_31, %dma_wait3A_130] : memref<5128x128xf32, #tpu.memory_space<vmem_shared>> -> memref<32x128xf32, #tpu.memory_space<vmem_shared>>
      tpu.wait_dma2 semaphore(%run_scoped3A : memref<!tpu.dma_semaphore, #tpu.memory_space<semaphore_mem>>) src(%arg8 : memref<32x128xf32, #tpu.memory_space<vmem>>) dst(%dma_wait3A_131 : memref<32x128xf32, #tpu.memory_space<vmem_shared>>)
      tpu.yield
    }) : () -> ()
    %mul3A_32 = arith.constant 320 : i32
    %mul3A_33 = arith.muli %arg1, %mul3A_32 : i32
    %add3A_34 = arith.constant 192 : i32
    %add3A_35 = arith.addi %mul3A_33, %add3A_34 : i32
    "tpu.region"() ({
      %run_scoped3A = tpu.sem_alloc : memref<!tpu.dma_semaphore, #tpu.memory_space<semaphore_mem>>
      %dma_start3A = arith.constant 0 : i32
      %dma_start3A_126 = tpu.memref_slice %arg9[%add3A_35, %dma_start3A] : memref<5128x128xf32, #tpu.memory_space<vmem_shared>> -> memref<32x128xf32, #tpu.memory_space<vmem_shared>>
      %dma_start3A_127 = arith.constant 0 : i32
      %dma_start3A_128 = tpu.memref_slice %arg9[%add3A_35, %dma_start3A_127] : memref<5128x128xf32, #tpu.memory_space<vmem_shared>> -> memref<32x128xf32, #tpu.memory_space<vmem_shared>>
      tpu.enqueue_dma source(%arg8 : memref<32x128xf32, #tpu.memory_space<vmem>>) target(%dma_start3A_128 : memref<32x128xf32, #tpu.memory_space<vmem_shared>>) target_semaphore(%run_scoped3A : memref<!tpu.dma_semaphore, #tpu.memory_space<semaphore_mem>>)
      %dma_wait3A = arith.constant 0 : i32
      %dma_wait3A_129 = tpu.memref_slice %arg9[%add3A_35, %dma_wait3A] : memref<5128x128xf32, #tpu.memory_space<vmem_shared>> -> memref<32x128xf32, #tpu.memory_space<vmem_shared>>
      %dma_wait3A_130 = arith.constant 0 : i32
      %dma_wait3A_131 = tpu.memref_slice %arg9[%add3A_35, %dma_wait3A_130] : memref<5128x128xf32, #tpu.memory_space<vmem_shared>> -> memref<32x128xf32, #tpu.memory_space<vmem_shared>>
      tpu.wait_dma2 semaphore(%run_scoped3A : memref<!tpu.dma_semaphore, #tpu.memory_space<semaphore_mem>>) src(%arg8 : memref<32x128xf32, #tpu.memory_space<vmem>>) dst(%dma_wait3A_131 : memref<32x128xf32, #tpu.memory_space<vmem_shared>>)
      tpu.yield
    }) : () -> ()
    %mul3A_36 = arith.constant 320 : i32
    %mul3A_37 = arith.muli %arg1, %mul3A_36 : i32
    %add3A_38 = arith.constant 224 : i32
    %add3A_39 = arith.addi %mul3A_37, %add3A_38 : i32
    "tpu.region"() ({
      %run_scoped3A = tpu.sem_alloc : memref<!tpu.dma_semaphore, #tpu.memory_space<semaphore_mem>>
      %dma_start3A = arith.constant 0 : i32
      %dma_start3A_126 = tpu.memref_slice %arg9[%add3A_39, %dma_start3A] : memref<5128x128xf32, #tpu.memory_space<vmem_shared>> -> memref<32x128xf32, #tpu.memory_space<vmem_shared>>
      %dma_start3A_127 = arith.constant 0 : i32
      %dma_start3A_128 = tpu.memref_slice %arg9[%add3A_39, %dma_start3A_127] : memref<5128x128xf32, #tpu.memory_space<vmem_shared>> -> memref<32x128xf32, #tpu.memory_space<vmem_shared>>
      tpu.enqueue_dma source(%arg8 : memref<32x128xf32, #tpu.memory_space<vmem>>) target(%dma_start3A_128 : memref<32x128xf32, #tpu.memory_space<vmem_shared>>) target_semaphore(%run_scoped3A : memref<!tpu.dma_semaphore, #tpu.memory_space<semaphore_mem>>)
      %dma_wait3A = arith.constant 0 : i32
      %dma_wait3A_129 = tpu.memref_slice %arg9[%add3A_39, %dma_wait3A] : memref<5128x128xf32, #tpu.memory_space<vmem_shared>> -> memref<32x128xf32, #tpu.memory_space<vmem_shared>>
      %dma_wait3A_130 = arith.constant 0 : i32
      %dma_wait3A_131 = tpu.memref_slice %arg9[%add3A_39, %dma_wait3A_130] : memref<5128x128xf32, #tpu.memory_space<vmem_shared>> -> memref<32x128xf32, #tpu.memory_space<vmem_shared>>
      tpu.wait_dma2 semaphore(%run_scoped3A : memref<!tpu.dma_semaphore, #tpu.memory_space<semaphore_mem>>) src(%arg8 : memref<32x128xf32, #tpu.memory_space<vmem>>) dst(%dma_wait3A_131 : memref<32x128xf32, #tpu.memory_space<vmem_shared>>)
      tpu.yield
    }) : () -> ()
    %mul3A_40 = arith.constant 320 : i32
    %mul3A_41 = arith.muli %arg1, %mul3A_40 : i32
    %add3A_42 = arith.constant 256 : i32
    %add3A_43 = arith.addi %mul3A_41, %add3A_42 : i32
    "tpu.region"() ({
      %run_scoped3A = tpu.sem_alloc : memref<!tpu.dma_semaphore, #tpu.memory_space<semaphore_mem>>
      %dma_start3A = arith.constant 0 : i32
      %dma_start3A_126 = tpu.memref_slice %arg9[%add3A_43, %dma_start3A] : memref<5128x128xf32, #tpu.memory_space<vmem_shared>> -> memref<32x128xf32, #tpu.memory_space<vmem_shared>>
      %dma_start3A_127 = arith.constant 0 : i32
      %dma_start3A_128 = tpu.memref_slice %arg9[%add3A_43, %dma_start3A_127] : memref<5128x128xf32, #tpu.memory_space<vmem_shared>> -> memref<32x128xf32, #tpu.memory_space<vmem_shared>>
      tpu.enqueue_dma source(%arg8 : memref<32x128xf32, #tpu.memory_space<vmem>>) target(%dma_start3A_128 : memref<32x128xf32, #tpu.memory_space<vmem_shared>>) target_semaphore(%run_scoped3A : memref<!tpu.dma_semaphore, #tpu.memory_space<semaphore_mem>>)
      %dma_wait3A = arith.constant 0 : i32
      %dma_wait3A_129 = tpu.memref_slice %arg9[%add3A_43, %dma_wait3A] : memref<5128x128xf32, #tpu.memory_space<vmem_shared>> -> memref<32x128xf32, #tpu.memory_space<vmem_shared>>
      %dma_wait3A_130 = arith.constant 0 : i32
      %dma_wait3A_131 = tpu.memref_slice %arg9[%add3A_43, %dma_wait3A_130] : memref<5128x128xf32, #tpu.memory_space<vmem_shared>> -> memref<32x128xf32, #tpu.memory_space<vmem_shared>>
      tpu.wait_dma2 semaphore(%run_scoped3A : memref<!tpu.dma_semaphore, #tpu.memory_space<semaphore_mem>>) src(%arg8 : memref<32x128xf32, #tpu.memory_space<vmem>>) dst(%dma_wait3A_131 : memref<32x128xf32, #tpu.memory_space<vmem_shared>>)
      tpu.yield
    }) : () -> ()
    %mul3A_44 = arith.constant 320 : i32
    %mul3A_45 = arith.muli %arg1, %mul3A_44 : i32
    %add3A_46 = arith.constant 288 : i32
    %add3A_47 = arith.addi %mul3A_45, %add3A_46 : i32
    "tpu.region"() ({
      %run_scoped3A = tpu.sem_alloc : memref<!tpu.dma_semaphore, #tpu.memory_space<semaphore_mem>>
      %dma_start3A = arith.constant 0 : i32
      %dma_start3A_126 = tpu.memref_slice %arg9[%add3A_47, %dma_start3A] : memref<5128x128xf32, #tpu.memory_space<vmem_shared>> -> memref<32x128xf32, #tpu.memory_space<vmem_shared>>
      %dma_start3A_127 = arith.constant 0 : i32
      %dma_start3A_128 = tpu.memref_slice %arg9[%add3A_47, %dma_start3A_127] : memref<5128x128xf32, #tpu.memory_space<vmem_shared>> -> memref<32x128xf32, #tpu.memory_space<vmem_shared>>
      tpu.enqueue_dma source(%arg8 : memref<32x128xf32, #tpu.memory_space<vmem>>) target(%dma_start3A_128 : memref<32x128xf32, #tpu.memory_space<vmem_shared>>) target_semaphore(%run_scoped3A : memref<!tpu.dma_semaphore, #tpu.memory_space<semaphore_mem>>)
      %dma_wait3A = arith.constant 0 : i32
      %dma_wait3A_129 = tpu.memref_slice %arg9[%add3A_47, %dma_wait3A] : memref<5128x128xf32, #tpu.memory_space<vmem_shared>> -> memref<32x128xf32, #tpu.memory_space<vmem_shared>>
      %dma_wait3A_130 = arith.constant 0 : i32
      %dma_wait3A_131 = tpu.memref_slice %arg9[%add3A_47, %dma_wait3A_130] : memref<5128x128xf32, #tpu.memory_space<vmem_shared>> -> memref<32x128xf32, #tpu.memory_space<vmem_shared>>
      tpu.wait_dma2 semaphore(%run_scoped3A : memref<!tpu.dma_semaphore, #tpu.memory_space<semaphore_mem>>) src(%arg8 : memref<32x128xf32, #tpu.memory_space<vmem>>) dst(%dma_wait3A_131 : memref<32x128xf32, #tpu.memory_space<vmem_shared>>)
      tpu.yield
    }) : () -> ()
    %barrier3A = arith.constant 0 : index
    tpu.barrier barrier_id(%barrier3A)
    %scan3A_48 = arith.constant 0 : i32
    %scan3A_49 = arith.constant 0 : i32
    %scan3A_50 = arith.constant 250 : i32
    %scan3A_51 = arith.addi %scan3A_49, %scan3A_50 : i32
    %scan3A_52 = arith.constant 1 : i32
    %scan3A_53 = scf.for %scan3A_126 = %scan3A_49 to %scan3A_51 step %scan3A_52 iter_args(%scan3A_127 = %scan3A_48) -> (i32)  : i32 {
      "tpu.region"() ({
        %run_scoped3A = tpu.sem_alloc : memref<!tpu.dma_semaphore, #tpu.memory_space<semaphore_mem>>
        %dma_start3A = arith.constant 0 : i32
        %dma_start3A_129 = tpu.memref_slice %arg6[%scan3A_126, %dma_start3A] : memref<250x80xi32, #tpu.memory_space<vmem>> -> memref<1x80xi32, #tpu.memory_space<vmem>>
        %dma_start3A_130 = tpu.memref_squeeze %dma_start3A_129 : memref<1x80xi32, #tpu.memory_space<vmem>> -> memref<80xi32, #tpu.memory_space<vmem>>
        %dma_start3A_131 = arith.constant 0 : i32
        %dma_start3A_132 = arith.constant 0 : i32
        %dma_start3A_133 = tpu.memref_slice %arg9[%dma_start3A_131, %dma_start3A_132] : memref<5128x128xf32, #tpu.memory_space<vmem_shared>> -> memref<5128x128xf32, #tpu.memory_space<vmem_shared>>
        tpu.enqueue_indirect_dma source(%arg7 : memref<80x128xf32, #tpu.memory_space<vmem>>) target(%dma_start3A_133 : memref<5128x128xf32, #tpu.memory_space<vmem_shared>>) offsets(%dma_start3A_130 : memref<80xi32, #tpu.memory_space<vmem>>) semaphore(%run_scoped3A : memref<!tpu.dma_semaphore, #tpu.memory_space<semaphore_mem>>) {add = true}
        %dma_wait3A = arith.constant 0 : i32
        %dma_wait3A_134 = tpu.memref_slice %arg6[%scan3A_126, %dma_wait3A] : memref<250x80xi32, #tpu.memory_space<vmem>> -> memref<1x80xi32, #tpu.memory_space<vmem>>
        %dma_wait3A_135 = tpu.memref_squeeze %dma_wait3A_134 : memref<1x80xi32, #tpu.memory_space<vmem>> -> memref<80xi32, #tpu.memory_space<vmem>>
        %dma_wait3A_136 = arith.constant 0 : i32
        %dma_wait3A_137 = arith.constant 0 : i32
        %dma_wait3A_138 = tpu.memref_slice %arg9[%dma_wait3A_136, %dma_wait3A_137] : memref<5128x128xf32, #tpu.memory_space<vmem_shared>> -> memref<5128x128xf32, #tpu.memory_space<vmem_shared>>
        tpu.wait_indirect_dma semaphore(%run_scoped3A : memref<!tpu.dma_semaphore, #tpu.memory_space<semaphore_mem>>) src(%arg7 : memref<80x128xf32, #tpu.memory_space<vmem>>) dst(%dma_wait3A_138 : memref<5128x128xf32, #tpu.memory_space<vmem_shared>>)
        tpu.yield
      }) : () -> ()
      %scan3A_128 = arith.constant 0 : i32
      scf.yield %scan3A_128 : i32
    }
    %scan3A_54 = arith.constant 250 : i32
    %barrier3A_55 = arith.constant 0 : index
    tpu.barrier barrier_id(%barrier3A_55)
    %mul3A_56 = arith.constant 320 : i32
    %mul3A_57 = arith.muli %arg1, %mul3A_56 : i32
    %add3A_58 = arith.constant 0 : i32
    %add3A_59 = arith.addi %mul3A_57, %add3A_58 : i32
    "tpu.region"() ({
      %run_scoped3A = tpu.sem_alloc : memref<!tpu.dma_semaphore, #tpu.memory_space<semaphore_mem>>
      %dma_start3A = arith.constant 0 : i32
      %dma_start3A_126 = tpu.memref_slice %arg9[%add3A_59, %dma_start3A] : memref<5128x128xf32, #tpu.memory_space<vmem_shared>> -> memref<32x128xf32, #tpu.memory_space<vmem_shared>>
      %dma_start3A_127 = arith.constant 0 : i32
      %dma_start3A_128 = tpu.memref_slice %arg9[%add3A_59, %dma_start3A_127] : memref<5128x128xf32, #tpu.memory_space<vmem_shared>> -> memref<32x128xf32, #tpu.memory_space<vmem_shared>>
      tpu.enqueue_dma source(%dma_start3A_128 : memref<32x128xf32, #tpu.memory_space<vmem_shared>>) target(%arg8 : memref<32x128xf32, #tpu.memory_space<vmem>>) target_semaphore(%run_scoped3A : memref<!tpu.dma_semaphore, #tpu.memory_space<semaphore_mem>>)
      %dma_wait3A = arith.constant 0 : i32
      %dma_wait3A_129 = tpu.memref_slice %arg9[%add3A_59, %dma_wait3A] : memref<5128x128xf32, #tpu.memory_space<vmem_shared>> -> memref<32x128xf32, #tpu.memory_space<vmem_shared>>
      %dma_wait3A_130 = arith.constant 0 : i32
      %dma_wait3A_131 = tpu.memref_slice %arg9[%add3A_59, %dma_wait3A_130] : memref<5128x128xf32, #tpu.memory_space<vmem_shared>> -> memref<32x128xf32, #tpu.memory_space<vmem_shared>>
      tpu.wait_dma2 semaphore(%run_scoped3A : memref<!tpu.dma_semaphore, #tpu.memory_space<semaphore_mem>>) src(%dma_wait3A_131 : memref<32x128xf32, #tpu.memory_space<vmem_shared>>) dst(%arg8 : memref<32x128xf32, #tpu.memory_space<vmem>>)
      tpu.yield
    }) : () -> ()
    %mul3A_60 = arith.constant 5120 : i32
    %mul3A_61 = arith.muli %arg0, %mul3A_60 : i32
    %add3A_62 = arith.addi %mul3A_61, %add3A_59 : i32
    "tpu.region"() ({
      %run_scoped3A = tpu.sem_alloc : memref<!tpu.dma_semaphore, #tpu.memory_space<semaphore_mem>>
      %dma_start3A = arith.constant 0 : i32
      %dma_start3A_126 = tpu.memref_slice %arg5[%add3A_62, %dma_start3A] : memref<10240x128xf32, #tpu.memory_space<hbm>> -> memref<32x128xf32, #tpu.memory_space<hbm>>
      %dma_start3A_127 = arith.constant 0 : i32
      %dma_start3A_128 = tpu.memref_slice %arg5[%add3A_62, %dma_start3A_127] : memref<10240x128xf32, #tpu.memory_space<hbm>> -> memref<32x128xf32, #tpu.memory_space<hbm>>
      tpu.enqueue_dma source(%arg8 : memref<32x128xf32, #tpu.memory_space<vmem>>) target(%dma_start3A_128 : memref<32x128xf32, #tpu.memory_space<hbm>>) target_semaphore(%run_scoped3A : memref<!tpu.dma_semaphore, #tpu.memory_space<semaphore_mem>>)
      %dma_wait3A = arith.constant 0 : i32
      %dma_wait3A_129 = tpu.memref_slice %arg5[%add3A_62, %dma_wait3A] : memref<10240x128xf32, #tpu.memory_space<hbm>> -> memref<32x128xf32, #tpu.memory_space<hbm>>
      %dma_wait3A_130 = arith.constant 0 : i32
      %dma_wait3A_131 = tpu.memref_slice %arg5[%add3A_62, %dma_wait3A_130] : memref<10240x128xf32, #tpu.memory_space<hbm>> -> memref<32x128xf32, #tpu.memory_space<hbm>>
      tpu.wait_dma2 semaphore(%run_scoped3A : memref<!tpu.dma_semaphore, #tpu.memory_space<semaphore_mem>>) src(%arg8 : memref<32x128xf32, #tpu.memory_space<vmem>>) dst(%dma_wait3A_131 : memref<32x128xf32, #tpu.memory_space<hbm>>)
      tpu.yield
    }) : () -> ()
    %mul3A_63 = arith.constant 320 : i32
    %mul3A_64 = arith.muli %arg1, %mul3A_63 : i32
    %add3A_65 = arith.constant 32 : i32
    %add3A_66 = arith.addi %mul3A_64, %add3A_65 : i32
    "tpu.region"() ({
      %run_scoped3A = tpu.sem_alloc : memref<!tpu.dma_semaphore, #tpu.memory_space<semaphore_mem>>
      %dma_start3A = arith.constant 0 : i32
      %dma_start3A_126 = tpu.memref_slice %arg9[%add3A_66, %dma_start3A] : memref<5128x128xf32, #tpu.memory_space<vmem_shared>> -> memref<32x128xf32, #tpu.memory_space<vmem_shared>>
      %dma_start3A_127 = arith.constant 0 : i32
      %dma_start3A_128 = tpu.memref_slice %arg9[%add3A_66, %dma_start3A_127] : memref<5128x128xf32, #tpu.memory_space<vmem_shared>> -> memref<32x128xf32, #tpu.memory_space<vmem_shared>>
      tpu.enqueue_dma source(%dma_start3A_128 : memref<32x128xf32, #tpu.memory_space<vmem_shared>>) target(%arg8 : memref<32x128xf32, #tpu.memory_space<vmem>>) target_semaphore(%run_scoped3A : memref<!tpu.dma_semaphore, #tpu.memory_space<semaphore_mem>>)
      %dma_wait3A = arith.constant 0 : i32
      %dma_wait3A_129 = tpu.memref_slice %arg9[%add3A_66, %dma_wait3A] : memref<5128x128xf32, #tpu.memory_space<vmem_shared>> -> memref<32x128xf32, #tpu.memory_space<vmem_shared>>
      %dma_wait3A_130 = arith.constant 0 : i32
      %dma_wait3A_131 = tpu.memref_slice %arg9[%add3A_66, %dma_wait3A_130] : memref<5128x128xf32, #tpu.memory_space<vmem_shared>> -> memref<32x128xf32, #tpu.memory_space<vmem_shared>>
      tpu.wait_dma2 semaphore(%run_scoped3A : memref<!tpu.dma_semaphore, #tpu.memory_space<semaphore_mem>>) src(%dma_wait3A_131 : memref<32x128xf32, #tpu.memory_space<vmem_shared>>) dst(%arg8 : memref<32x128xf32, #tpu.memory_space<vmem>>)
      tpu.yield
    }) : () -> ()
    %mul3A_67 = arith.constant 5120 : i32
    %mul3A_68 = arith.muli %arg0, %mul3A_67 : i32
    %add3A_69 = arith.addi %mul3A_68, %add3A_66 : i32
    "tpu.region"() ({
      %run_scoped3A = tpu.sem_alloc : memref<!tpu.dma_semaphore, #tpu.memory_space<semaphore_mem>>
      %dma_start3A = arith.constant 0 : i32
      %dma_start3A_126 = tpu.memref_slice %arg5[%add3A_69, %dma_start3A] : memref<10240x128xf32, #tpu.memory_space<hbm>> -> memref<32x128xf32, #tpu.memory_space<hbm>>
      %dma_start3A_127 = arith.constant 0 : i32
      %dma_start3A_128 = tpu.memref_slice %arg5[%add3A_69, %dma_start3A_127] : memref<10240x128xf32, #tpu.memory_space<hbm>> -> memref<32x128xf32, #tpu.memory_space<hbm>>
      tpu.enqueue_dma source(%arg8 : memref<32x128xf32, #tpu.memory_space<vmem>>) target(%dma_start3A_128 : memref<32x128xf32, #tpu.memory_space<hbm>>) target_semaphore(%run_scoped3A : memref<!tpu.dma_semaphore, #tpu.memory_space<semaphore_mem>>)
      %dma_wait3A = arith.constant 0 : i32
      %dma_wait3A_129 = tpu.memref_slice %arg5[%add3A_69, %dma_wait3A] : memref<10240x128xf32, #tpu.memory_space<hbm>> -> memref<32x128xf32, #tpu.memory_space<hbm>>
      %dma_wait3A_130 = arith.constant 0 : i32
      %dma_wait3A_131 = tpu.memref_slice %arg5[%add3A_69, %dma_wait3A_130] : memref<10240x128xf32, #tpu.memory_space<hbm>> -> memref<32x128xf32, #tpu.memory_space<hbm>>
      tpu.wait_dma2 semaphore(%run_scoped3A : memref<!tpu.dma_semaphore, #tpu.memory_space<semaphore_mem>>) src(%arg8 : memref<32x128xf32, #tpu.memory_space<vmem>>) dst(%dma_wait3A_131 : memref<32x128xf32, #tpu.memory_space<hbm>>)
      tpu.yield
    }) : () -> ()
    %mul3A_70 = arith.constant 320 : i32
    %mul3A_71 = arith.muli %arg1, %mul3A_70 : i32
    %add3A_72 = arith.constant 64 : i32
    %add3A_73 = arith.addi %mul3A_71, %add3A_72 : i32
    "tpu.region"() ({
      %run_scoped3A = tpu.sem_alloc : memref<!tpu.dma_semaphore, #tpu.memory_space<semaphore_mem>>
      %dma_start3A = arith.constant 0 : i32
      %dma_start3A_126 = tpu.memref_slice %arg9[%add3A_73, %dma_start3A] : memref<5128x128xf32, #tpu.memory_space<vmem_shared>> -> memref<32x128xf32, #tpu.memory_space<vmem_shared>>
      %dma_start3A_127 = arith.constant 0 : i32
      %dma_start3A_128 = tpu.memref_slice %arg9[%add3A_73, %dma_start3A_127] : memref<5128x128xf32, #tpu.memory_space<vmem_shared>> -> memref<32x128xf32, #tpu.memory_space<vmem_shared>>
      tpu.enqueue_dma source(%dma_start3A_128 : memref<32x128xf32, #tpu.memory_space<vmem_shared>>) target(%arg8 : memref<32x128xf32, #tpu.memory_space<vmem>>) target_semaphore(%run_scoped3A : memref<!tpu.dma_semaphore, #tpu.memory_space<semaphore_mem>>)
      %dma_wait3A = arith.constant 0 : i32
      %dma_wait3A_129 = tpu.memref_slice %arg9[%add3A_73, %dma_wait3A] : memref<5128x128xf32, #tpu.memory_space<vmem_shared>> -> memref<32x128xf32, #tpu.memory_space<vmem_shared>>
      %dma_wait3A_130 = arith.constant 0 : i32
      %dma_wait3A_131 = tpu.memref_slice %arg9[%add3A_73, %dma_wait3A_130] : memref<5128x128xf32, #tpu.memory_space<vmem_shared>> -> memref<32x128xf32, #tpu.memory_space<vmem_shared>>
      tpu.wait_dma2 semaphore(%run_scoped3A : memref<!tpu.dma_semaphore, #tpu.memory_space<semaphore_mem>>) src(%dma_wait3A_131 : memref<32x128xf32, #tpu.memory_space<vmem_shared>>) dst(%arg8 : memref<32x128xf32, #tpu.memory_space<vmem>>)
      tpu.yield
    }) : () -> ()
    %mul3A_74 = arith.constant 5120 : i32
    %mul3A_75 = arith.muli %arg0, %mul3A_74 : i32
    %add3A_76 = arith.addi %mul3A_75, %add3A_73 : i32
    "tpu.region"() ({
      %run_scoped3A = tpu.sem_alloc : memref<!tpu.dma_semaphore, #tpu.memory_space<semaphore_mem>>
      %dma_start3A = arith.constant 0 : i32
      %dma_start3A_126 = tpu.memref_slice %arg5[%add3A_76, %dma_start3A] : memref<10240x128xf32, #tpu.memory_space<hbm>> -> memref<32x128xf32, #tpu.memory_space<hbm>>
      %dma_start3A_127 = arith.constant 0 : i32
      %dma_start3A_128 = tpu.memref_slice %arg5[%add3A_76, %dma_start3A_127] : memref<10240x128xf32, #tpu.memory_space<hbm>> -> memref<32x128xf32, #tpu.memory_space<hbm>>
      tpu.enqueue_dma source(%arg8 : memref<32x128xf32, #tpu.memory_space<vmem>>) target(%dma_start3A_128 : memref<32x128xf32, #tpu.memory_space<hbm>>) target_semaphore(%run_scoped3A : memref<!tpu.dma_semaphore, #tpu.memory_space<semaphore_mem>>)
      %dma_wait3A = arith.constant 0 : i32
      %dma_wait3A_129 = tpu.memref_slice %arg5[%add3A_76, %dma_wait3A] : memref<10240x128xf32, #tpu.memory_space<hbm>> -> memref<32x128xf32, #tpu.memory_space<hbm>>
      %dma_wait3A_130 = arith.constant 0 : i32
      %dma_wait3A_131 = tpu.memref_slice %arg5[%add3A_76, %dma_wait3A_130] : memref<10240x128xf32, #tpu.memory_space<hbm>> -> memref<32x128xf32, #tpu.memory_space<hbm>>
      tpu.wait_dma2 semaphore(%run_scoped3A : memref<!tpu.dma_semaphore, #tpu.memory_space<semaphore_mem>>) src(%arg8 : memref<32x128xf32, #tpu.memory_space<vmem>>) dst(%dma_wait3A_131 : memref<32x128xf32, #tpu.memory_space<hbm>>)
      tpu.yield
    }) : () -> ()
    %mul3A_77 = arith.constant 320 : i32
    %mul3A_78 = arith.muli %arg1, %mul3A_77 : i32
    %add3A_79 = arith.constant 96 : i32
    %add3A_80 = arith.addi %mul3A_78, %add3A_79 : i32
    "tpu.region"() ({
      %run_scoped3A = tpu.sem_alloc : memref<!tpu.dma_semaphore, #tpu.memory_space<semaphore_mem>>
      %dma_start3A = arith.constant 0 : i32
      %dma_start3A_126 = tpu.memref_slice %arg9[%add3A_80, %dma_start3A] : memref<5128x128xf32, #tpu.memory_space<vmem_shared>> -> memref<32x128xf32, #tpu.memory_space<vmem_shared>>
      %dma_start3A_127 = arith.constant 0 : i32
      %dma_start3A_128 = tpu.memref_slice %arg9[%add3A_80, %dma_start3A_127] : memref<5128x128xf32, #tpu.memory_space<vmem_shared>> -> memref<32x128xf32, #tpu.memory_space<vmem_shared>>
      tpu.enqueue_dma source(%dma_start3A_128 : memref<32x128xf32, #tpu.memory_space<vmem_shared>>) target(%arg8 : memref<32x128xf32, #tpu.memory_space<vmem>>) target_semaphore(%run_scoped3A : memref<!tpu.dma_semaphore, #tpu.memory_space<semaphore_mem>>)
      %dma_wait3A = arith.constant 0 : i32
      %dma_wait3A_129 = tpu.memref_slice %arg9[%add3A_80, %dma_wait3A] : memref<5128x128xf32, #tpu.memory_space<vmem_shared>> -> memref<32x128xf32, #tpu.memory_space<vmem_shared>>
      %dma_wait3A_130 = arith.constant 0 : i32
      %dma_wait3A_131 = tpu.memref_slice %arg9[%add3A_80, %dma_wait3A_130] : memref<5128x128xf32, #tpu.memory_space<vmem_shared>> -> memref<32x128xf32, #tpu.memory_space<vmem_shared>>
      tpu.wait_dma2 semaphore(%run_scoped3A : memref<!tpu.dma_semaphore, #tpu.memory_space<semaphore_mem>>) src(%dma_wait3A_131 : memref<32x128xf32, #tpu.memory_space<vmem_shared>>) dst(%arg8 : memref<32x128xf32, #tpu.memory_space<vmem>>)
      tpu.yield
    }) : () -> ()
    %mul3A_81 = arith.constant 5120 : i32
    %mul3A_82 = arith.muli %arg0, %mul3A_81 : i32
    %add3A_83 = arith.addi %mul3A_82, %add3A_80 : i32
    "tpu.region"() ({
      %run_scoped3A = tpu.sem_alloc : memref<!tpu.dma_semaphore, #tpu.memory_space<semaphore_mem>>
      %dma_start3A = arith.constant 0 : i32
      %dma_start3A_126 = tpu.memref_slice %arg5[%add3A_83, %dma_start3A] : memref<10240x128xf32, #tpu.memory_space<hbm>> -> memref<32x128xf32, #tpu.memory_space<hbm>>
      %dma_start3A_127 = arith.constant 0 : i32
      %dma_start3A_128 = tpu.memref_slice %arg5[%add3A_83, %dma_start3A_127] : memref<10240x128xf32, #tpu.memory_space<hbm>> -> memref<32x128xf32, #tpu.memory_space<hbm>>
      tpu.enqueue_dma source(%arg8 : memref<32x128xf32, #tpu.memory_space<vmem>>) target(%dma_start3A_128 : memref<32x128xf32, #tpu.memory_space<hbm>>) target_semaphore(%run_scoped3A : memref<!tpu.dma_semaphore, #tpu.memory_space<semaphore_mem>>)
      %dma_wait3A = arith.constant 0 : i32
      %dma_wait3A_129 = tpu.memref_slice %arg5[%add3A_83, %dma_wait3A] : memref<10240x128xf32, #tpu.memory_space<hbm>> -> memref<32x128xf32, #tpu.memory_space<hbm>>
      %dma_wait3A_130 = arith.constant 0 : i32
      %dma_wait3A_131 = tpu.memref_slice %arg5[%add3A_83, %dma_wait3A_130] : memref<10240x128xf32, #tpu.memory_space<hbm>> -> memref<32x128xf32, #tpu.memory_space<hbm>>
      tpu.wait_dma2 semaphore(%run_scoped3A : memref<!tpu.dma_semaphore, #tpu.memory_space<semaphore_mem>>) src(%arg8 : memref<32x128xf32, #tpu.memory_space<vmem>>) dst(%dma_wait3A_131 : memref<32x128xf32, #tpu.memory_space<hbm>>)
      tpu.yield
    }) : () -> ()
    %mul3A_84 = arith.constant 320 : i32
    %mul3A_85 = arith.muli %arg1, %mul3A_84 : i32
    %add3A_86 = arith.constant 128 : i32
    %add3A_87 = arith.addi %mul3A_85, %add3A_86 : i32
    "tpu.region"() ({
      %run_scoped3A = tpu.sem_alloc : memref<!tpu.dma_semaphore, #tpu.memory_space<semaphore_mem>>
      %dma_start3A = arith.constant 0 : i32
      %dma_start3A_126 = tpu.memref_slice %arg9[%add3A_87, %dma_start3A] : memref<5128x128xf32, #tpu.memory_space<vmem_shared>> -> memref<32x128xf32, #tpu.memory_space<vmem_shared>>
      %dma_start3A_127 = arith.constant 0 : i32
      %dma_start3A_128 = tpu.memref_slice %arg9[%add3A_87, %dma_start3A_127] : memref<5128x128xf32, #tpu.memory_space<vmem_shared>> -> memref<32x128xf32, #tpu.memory_space<vmem_shared>>
      tpu.enqueue_dma source(%dma_start3A_128 : memref<32x128xf32, #tpu.memory_space<vmem_shared>>) target(%arg8 : memref<32x128xf32, #tpu.memory_space<vmem>>) target_semaphore(%run_scoped3A : memref<!tpu.dma_semaphore, #tpu.memory_space<semaphore_mem>>)
      %dma_wait3A = arith.constant 0 : i32
      %dma_wait3A_129 = tpu.memref_slice %arg9[%add3A_87, %dma_wait3A] : memref<5128x128xf32, #tpu.memory_space<vmem_shared>> -> memref<32x128xf32, #tpu.memory_space<vmem_shared>>
      %dma_wait3A_130 = arith.constant 0 : i32
      %dma_wait3A_131 = tpu.memref_slice %arg9[%add3A_87, %dma_wait3A_130] : memref<5128x128xf32, #tpu.memory_space<vmem_shared>> -> memref<32x128xf32, #tpu.memory_space<vmem_shared>>
      tpu.wait_dma2 semaphore(%run_scoped3A : memref<!tpu.dma_semaphore, #tpu.memory_space<semaphore_mem>>) src(%dma_wait3A_131 : memref<32x128xf32, #tpu.memory_space<vmem_shared>>) dst(%arg8 : memref<32x128xf32, #tpu.memory_space<vmem>>)
      tpu.yield
    }) : () -> ()
    %mul3A_88 = arith.constant 5120 : i32
    %mul3A_89 = arith.muli %arg0, %mul3A_88 : i32
    %add3A_90 = arith.addi %mul3A_89, %add3A_87 : i32
    "tpu.region"() ({
      %run_scoped3A = tpu.sem_alloc : memref<!tpu.dma_semaphore, #tpu.memory_space<semaphore_mem>>
      %dma_start3A = arith.constant 0 : i32
      %dma_start3A_126 = tpu.memref_slice %arg5[%add3A_90, %dma_start3A] : memref<10240x128xf32, #tpu.memory_space<hbm>> -> memref<32x128xf32, #tpu.memory_space<hbm>>
      %dma_start3A_127 = arith.constant 0 : i32
      %dma_start3A_128 = tpu.memref_slice %arg5[%add3A_90, %dma_start3A_127] : memref<10240x128xf32, #tpu.memory_space<hbm>> -> memref<32x128xf32, #tpu.memory_space<hbm>>
      tpu.enqueue_dma source(%arg8 : memref<32x128xf32, #tpu.memory_space<vmem>>) target(%dma_start3A_128 : memref<32x128xf32, #tpu.memory_space<hbm>>) target_semaphore(%run_scoped3A : memref<!tpu.dma_semaphore, #tpu.memory_space<semaphore_mem>>)
      %dma_wait3A = arith.constant 0 : i32
      %dma_wait3A_129 = tpu.memref_slice %arg5[%add3A_90, %dma_wait3A] : memref<10240x128xf32, #tpu.memory_space<hbm>> -> memref<32x128xf32, #tpu.memory_space<hbm>>
      %dma_wait3A_130 = arith.constant 0 : i32
      %dma_wait3A_131 = tpu.memref_slice %arg5[%add3A_90, %dma_wait3A_130] : memref<10240x128xf32, #tpu.memory_space<hbm>> -> memref<32x128xf32, #tpu.memory_space<hbm>>
      tpu.wait_dma2 semaphore(%run_scoped3A : memref<!tpu.dma_semaphore, #tpu.memory_space<semaphore_mem>>) src(%arg8 : memref<32x128xf32, #tpu.memory_space<vmem>>) dst(%dma_wait3A_131 : memref<32x128xf32, #tpu.memory_space<hbm>>)
      tpu.yield
    }) : () -> ()
    %mul3A_91 = arith.constant 320 : i32
    %mul3A_92 = arith.muli %arg1, %mul3A_91 : i32
    %add3A_93 = arith.constant 160 : i32
    %add3A_94 = arith.addi %mul3A_92, %add3A_93 : i32
    "tpu.region"() ({
      %run_scoped3A = tpu.sem_alloc : memref<!tpu.dma_semaphore, #tpu.memory_space<semaphore_mem>>
      %dma_start3A = arith.constant 0 : i32
      %dma_start3A_126 = tpu.memref_slice %arg9[%add3A_94, %dma_start3A] : memref<5128x128xf32, #tpu.memory_space<vmem_shared>> -> memref<32x128xf32, #tpu.memory_space<vmem_shared>>
      %dma_start3A_127 = arith.constant 0 : i32
      %dma_start3A_128 = tpu.memref_slice %arg9[%add3A_94, %dma_start3A_127] : memref<5128x128xf32, #tpu.memory_space<vmem_shared>> -> memref<32x128xf32, #tpu.memory_space<vmem_shared>>
      tpu.enqueue_dma source(%dma_start3A_128 : memref<32x128xf32, #tpu.memory_space<vmem_shared>>) target(%arg8 : memref<32x128xf32, #tpu.memory_space<vmem>>) target_semaphore(%run_scoped3A : memref<!tpu.dma_semaphore, #tpu.memory_space<semaphore_mem>>)
      %dma_wait3A = arith.constant 0 : i32
      %dma_wait3A_129 = tpu.memref_slice %arg9[%add3A_94, %dma_wait3A] : memref<5128x128xf32, #tpu.memory_space<vmem_shared>> -> memref<32x128xf32, #tpu.memory_space<vmem_shared>>
      %dma_wait3A_130 = arith.constant 0 : i32
      %dma_wait3A_131 = tpu.memref_slice %arg9[%add3A_94, %dma_wait3A_130] : memref<5128x128xf32, #tpu.memory_space<vmem_shared>> -> memref<32x128xf32, #tpu.memory_space<vmem_shared>>
      tpu.wait_dma2 semaphore(%run_scoped3A : memref<!tpu.dma_semaphore, #tpu.memory_space<semaphore_mem>>) src(%dma_wait3A_131 : memref<32x128xf32, #tpu.memory_space<vmem_shared>>) dst(%arg8 : memref<32x128xf32, #tpu.memory_space<vmem>>)
      tpu.yield
    }) : () -> ()
    %mul3A_95 = arith.constant 5120 : i32
    %mul3A_96 = arith.muli %arg0, %mul3A_95 : i32
    %add3A_97 = arith.addi %mul3A_96, %add3A_94 : i32
    "tpu.region"() ({
      %run_scoped3A = tpu.sem_alloc : memref<!tpu.dma_semaphore, #tpu.memory_space<semaphore_mem>>
      %dma_start3A = arith.constant 0 : i32
      %dma_start3A_126 = tpu.memref_slice %arg5[%add3A_97, %dma_start3A] : memref<10240x128xf32, #tpu.memory_space<hbm>> -> memref<32x128xf32, #tpu.memory_space<hbm>>
      %dma_start3A_127 = arith.constant 0 : i32
      %dma_start3A_128 = tpu.memref_slice %arg5[%add3A_97, %dma_start3A_127] : memref<10240x128xf32, #tpu.memory_space<hbm>> -> memref<32x128xf32, #tpu.memory_space<hbm>>
      tpu.enqueue_dma source(%arg8 : memref<32x128xf32, #tpu.memory_space<vmem>>) target(%dma_start3A_128 : memref<32x128xf32, #tpu.memory_space<hbm>>) target_semaphore(%run_scoped3A : memref<!tpu.dma_semaphore, #tpu.memory_space<semaphore_mem>>)
      %dma_wait3A = arith.constant 0 : i32
      %dma_wait3A_129 = tpu.memref_slice %arg5[%add3A_97, %dma_wait3A] : memref<10240x128xf32, #tpu.memory_space<hbm>> -> memref<32x128xf32, #tpu.memory_space<hbm>>
      %dma_wait3A_130 = arith.constant 0 : i32
      %dma_wait3A_131 = tpu.memref_slice %arg5[%add3A_97, %dma_wait3A_130] : memref<10240x128xf32, #tpu.memory_space<hbm>> -> memref<32x128xf32, #tpu.memory_space<hbm>>
      tpu.wait_dma2 semaphore(%run_scoped3A : memref<!tpu.dma_semaphore, #tpu.memory_space<semaphore_mem>>) src(%arg8 : memref<32x128xf32, #tpu.memory_space<vmem>>) dst(%dma_wait3A_131 : memref<32x128xf32, #tpu.memory_space<hbm>>)
      tpu.yield
    }) : () -> ()
    %mul3A_98 = arith.constant 320 : i32
    %mul3A_99 = arith.muli %arg1, %mul3A_98 : i32
    %add3A_100 = arith.constant 192 : i32
    %add3A_101 = arith.addi %mul3A_99, %add3A_100 : i32
    "tpu.region"() ({
      %run_scoped3A = tpu.sem_alloc : memref<!tpu.dma_semaphore, #tpu.memory_space<semaphore_mem>>
      %dma_start3A = arith.constant 0 : i32
      %dma_start3A_126 = tpu.memref_slice %arg9[%add3A_101, %dma_start3A] : memref<5128x128xf32, #tpu.memory_space<vmem_shared>> -> memref<32x128xf32, #tpu.memory_space<vmem_shared>>
      %dma_start3A_127 = arith.constant 0 : i32
      %dma_start3A_128 = tpu.memref_slice %arg9[%add3A_101, %dma_start3A_127] : memref<5128x128xf32, #tpu.memory_space<vmem_shared>> -> memref<32x128xf32, #tpu.memory_space<vmem_shared>>
      tpu.enqueue_dma source(%dma_start3A_128 : memref<32x128xf32, #tpu.memory_space<vmem_shared>>) target(%arg8 : memref<32x128xf32, #tpu.memory_space<vmem>>) target_semaphore(%run_scoped3A : memref<!tpu.dma_semaphore, #tpu.memory_space<semaphore_mem>>)
      %dma_wait3A = arith.constant 0 : i32
      %dma_wait3A_129 = tpu.memref_slice %arg9[%add3A_101, %dma_wait3A] : memref<5128x128xf32, #tpu.memory_space<vmem_shared>> -> memref<32x128xf32, #tpu.memory_space<vmem_shared>>
      %dma_wait3A_130 = arith.constant 0 : i32
      %dma_wait3A_131 = tpu.memref_slice %arg9[%add3A_101, %dma_wait3A_130] : memref<5128x128xf32, #tpu.memory_space<vmem_shared>> -> memref<32x128xf32, #tpu.memory_space<vmem_shared>>
      tpu.wait_dma2 semaphore(%run_scoped3A : memref<!tpu.dma_semaphore, #tpu.memory_space<semaphore_mem>>) src(%dma_wait3A_131 : memref<32x128xf32, #tpu.memory_space<vmem_shared>>) dst(%arg8 : memref<32x128xf32, #tpu.memory_space<vmem>>)
      tpu.yield
    }) : () -> ()
    %mul3A_102 = arith.constant 5120 : i32
    %mul3A_103 = arith.muli %arg0, %mul3A_102 : i32
    %add3A_104 = arith.addi %mul3A_103, %add3A_101 : i32
    "tpu.region"() ({
      %run_scoped3A = tpu.sem_alloc : memref<!tpu.dma_semaphore, #tpu.memory_space<semaphore_mem>>
      %dma_start3A = arith.constant 0 : i32
      %dma_start3A_126 = tpu.memref_slice %arg5[%add3A_104, %dma_start3A] : memref<10240x128xf32, #tpu.memory_space<hbm>> -> memref<32x128xf32, #tpu.memory_space<hbm>>
      %dma_start3A_127 = arith.constant 0 : i32
      %dma_start3A_128 = tpu.memref_slice %arg5[%add3A_104, %dma_start3A_127] : memref<10240x128xf32, #tpu.memory_space<hbm>> -> memref<32x128xf32, #tpu.memory_space<hbm>>
      tpu.enqueue_dma source(%arg8 : memref<32x128xf32, #tpu.memory_space<vmem>>) target(%dma_start3A_128 : memref<32x128xf32, #tpu.memory_space<hbm>>) target_semaphore(%run_scoped3A : memref<!tpu.dma_semaphore, #tpu.memory_space<semaphore_mem>>)
      %dma_wait3A = arith.constant 0 : i32
      %dma_wait3A_129 = tpu.memref_slice %arg5[%add3A_104, %dma_wait3A] : memref<10240x128xf32, #tpu.memory_space<hbm>> -> memref<32x128xf32, #tpu.memory_space<hbm>>
      %dma_wait3A_130 = arith.constant 0 : i32
      %dma_wait3A_131 = tpu.memref_slice %arg5[%add3A_104, %dma_wait3A_130] : memref<10240x128xf32, #tpu.memory_space<hbm>> -> memref<32x128xf32, #tpu.memory_space<hbm>>
      tpu.wait_dma2 semaphore(%run_scoped3A : memref<!tpu.dma_semaphore, #tpu.memory_space<semaphore_mem>>) src(%arg8 : memref<32x128xf32, #tpu.memory_space<vmem>>) dst(%dma_wait3A_131 : memref<32x128xf32, #tpu.memory_space<hbm>>)
      tpu.yield
    }) : () -> ()
    %mul3A_105 = arith.constant 320 : i32
    %mul3A_106 = arith.muli %arg1, %mul3A_105 : i32
    %add3A_107 = arith.constant 224 : i32
    %add3A_108 = arith.addi %mul3A_106, %add3A_107 : i32
    "tpu.region"() ({
      %run_scoped3A = tpu.sem_alloc : memref<!tpu.dma_semaphore, #tpu.memory_space<semaphore_mem>>
      %dma_start3A = arith.constant 0 : i32
      %dma_start3A_126 = tpu.memref_slice %arg9[%add3A_108, %dma_start3A] : memref<5128x128xf32, #tpu.memory_space<vmem_shared>> -> memref<32x128xf32, #tpu.memory_space<vmem_shared>>
      %dma_start3A_127 = arith.constant 0 : i32
      %dma_start3A_128 = tpu.memref_slice %arg9[%add3A_108, %dma_start3A_127] : memref<5128x128xf32, #tpu.memory_space<vmem_shared>> -> memref<32x128xf32, #tpu.memory_space<vmem_shared>>
      tpu.enqueue_dma source(%dma_start3A_128 : memref<32x128xf32, #tpu.memory_space<vmem_shared>>) target(%arg8 : memref<32x128xf32, #tpu.memory_space<vmem>>) target_semaphore(%run_scoped3A : memref<!tpu.dma_semaphore, #tpu.memory_space<semaphore_mem>>)
      %dma_wait3A = arith.constant 0 : i32
      %dma_wait3A_129 = tpu.memref_slice %arg9[%add3A_108, %dma_wait3A] : memref<5128x128xf32, #tpu.memory_space<vmem_shared>> -> memref<32x128xf32, #tpu.memory_space<vmem_shared>>
      %dma_wait3A_130 = arith.constant 0 : i32
      %dma_wait3A_131 = tpu.memref_slice %arg9[%add3A_108, %dma_wait3A_130] : memref<5128x128xf32, #tpu.memory_space<vmem_shared>> -> memref<32x128xf32, #tpu.memory_space<vmem_shared>>
      tpu.wait_dma2 semaphore(%run_scoped3A : memref<!tpu.dma_semaphore, #tpu.memory_space<semaphore_mem>>) src(%dma_wait3A_131 : memref<32x128xf32, #tpu.memory_space<vmem_shared>>) dst(%arg8 : memref<32x128xf32, #tpu.memory_space<vmem>>)
      tpu.yield
    }) : () -> ()
    %mul3A_109 = arith.constant 5120 : i32
    %mul3A_110 = arith.muli %arg0, %mul3A_109 : i32
    %add3A_111 = arith.addi %mul3A_110, %add3A_108 : i32
    "tpu.region"() ({
      %run_scoped3A = tpu.sem_alloc : memref<!tpu.dma_semaphore, #tpu.memory_space<semaphore_mem>>
      %dma_start3A = arith.constant 0 : i32
      %dma_start3A_126 = tpu.memref_slice %arg5[%add3A_111, %dma_start3A] : memref<10240x128xf32, #tpu.memory_space<hbm>> -> memref<32x128xf32, #tpu.memory_space<hbm>>
      %dma_start3A_127 = arith.constant 0 : i32
      %dma_start3A_128 = tpu.memref_slice %arg5[%add3A_111, %dma_start3A_127] : memref<10240x128xf32, #tpu.memory_space<hbm>> -> memref<32x128xf32, #tpu.memory_space<hbm>>
      tpu.enqueue_dma source(%arg8 : memref<32x128xf32, #tpu.memory_space<vmem>>) target(%dma_start3A_128 : memref<32x128xf32, #tpu.memory_space<hbm>>) target_semaphore(%run_scoped3A : memref<!tpu.dma_semaphore, #tpu.memory_space<semaphore_mem>>)
      %dma_wait3A = arith.constant 0 : i32
      %dma_wait3A_129 = tpu.memref_slice %arg5[%add3A_111, %dma_wait3A] : memref<10240x128xf32, #tpu.memory_space<hbm>> -> memref<32x128xf32, #tpu.memory_space<hbm>>
      %dma_wait3A_130 = arith.constant 0 : i32
      %dma_wait3A_131 = tpu.memref_slice %arg5[%add3A_111, %dma_wait3A_130] : memref<10240x128xf32, #tpu.memory_space<hbm>> -> memref<32x128xf32, #tpu.memory_space<hbm>>
      tpu.wait_dma2 semaphore(%run_scoped3A : memref<!tpu.dma_semaphore, #tpu.memory_space<semaphore_mem>>) src(%arg8 : memref<32x128xf32, #tpu.memory_space<vmem>>) dst(%dma_wait3A_131 : memref<32x128xf32, #tpu.memory_space<hbm>>)
      tpu.yield
    }) : () -> ()
    %mul3A_112 = arith.constant 320 : i32
    %mul3A_113 = arith.muli %arg1, %mul3A_112 : i32
    %add3A_114 = arith.constant 256 : i32
    %add3A_115 = arith.addi %mul3A_113, %add3A_114 : i32
    "tpu.region"() ({
      %run_scoped3A = tpu.sem_alloc : memref<!tpu.dma_semaphore, #tpu.memory_space<semaphore_mem>>
      %dma_start3A = arith.constant 0 : i32
      %dma_start3A_126 = tpu.memref_slice %arg9[%add3A_115, %dma_start3A] : memref<5128x128xf32, #tpu.memory_space<vmem_shared>> -> memref<32x128xf32, #tpu.memory_space<vmem_shared>>
      %dma_start3A_127 = arith.constant 0 : i32
      %dma_start3A_128 = tpu.memref_slice %arg9[%add3A_115, %dma_start3A_127] : memref<5128x128xf32, #tpu.memory_space<vmem_shared>> -> memref<32x128xf32, #tpu.memory_space<vmem_shared>>
      tpu.enqueue_dma source(%dma_start3A_128 : memref<32x128xf32, #tpu.memory_space<vmem_shared>>) target(%arg8 : memref<32x128xf32, #tpu.memory_space<vmem>>) target_semaphore(%run_scoped3A : memref<!tpu.dma_semaphore, #tpu.memory_space<semaphore_mem>>)
      %dma_wait3A = arith.constant 0 : i32
      %dma_wait3A_129 = tpu.memref_slice %arg9[%add3A_115, %dma_wait3A] : memref<5128x128xf32, #tpu.memory_space<vmem_shared>> -> memref<32x128xf32, #tpu.memory_space<vmem_shared>>
      %dma_wait3A_130 = arith.constant 0 : i32
      %dma_wait3A_131 = tpu.memref_slice %arg9[%add3A_115, %dma_wait3A_130] : memref<5128x128xf32, #tpu.memory_space<vmem_shared>> -> memref<32x128xf32, #tpu.memory_space<vmem_shared>>
      tpu.wait_dma2 semaphore(%run_scoped3A : memref<!tpu.dma_semaphore, #tpu.memory_space<semaphore_mem>>) src(%dma_wait3A_131 : memref<32x128xf32, #tpu.memory_space<vmem_shared>>) dst(%arg8 : memref<32x128xf32, #tpu.memory_space<vmem>>)
      tpu.yield
    }) : () -> ()
    %mul3A_116 = arith.constant 5120 : i32
    %mul3A_117 = arith.muli %arg0, %mul3A_116 : i32
    %add3A_118 = arith.addi %mul3A_117, %add3A_115 : i32
    "tpu.region"() ({
      %run_scoped3A = tpu.sem_alloc : memref<!tpu.dma_semaphore, #tpu.memory_space<semaphore_mem>>
      %dma_start3A = arith.constant 0 : i32
      %dma_start3A_126 = tpu.memref_slice %arg5[%add3A_118, %dma_start3A] : memref<10240x128xf32, #tpu.memory_space<hbm>> -> memref<32x128xf32, #tpu.memory_space<hbm>>
      %dma_start3A_127 = arith.constant 0 : i32
      %dma_start3A_128 = tpu.memref_slice %arg5[%add3A_118, %dma_start3A_127] : memref<10240x128xf32, #tpu.memory_space<hbm>> -> memref<32x128xf32, #tpu.memory_space<hbm>>
      tpu.enqueue_dma source(%arg8 : memref<32x128xf32, #tpu.memory_space<vmem>>) target(%dma_start3A_128 : memref<32x128xf32, #tpu.memory_space<hbm>>) target_semaphore(%run_scoped3A : memref<!tpu.dma_semaphore, #tpu.memory_space<semaphore_mem>>)
      %dma_wait3A = arith.constant 0 : i32
      %dma_wait3A_129 = tpu.memref_slice %arg5[%add3A_118, %dma_wait3A] : memref<10240x128xf32, #tpu.memory_space<hbm>> -> memref<32x128xf32, #tpu.memory_space<hbm>>
      %dma_wait3A_130 = arith.constant 0 : i32
      %dma_wait3A_131 = tpu.memref_slice %arg5[%add3A_118, %dma_wait3A_130] : memref<10240x128xf32, #tpu.memory_space<hbm>> -> memref<32x128xf32, #tpu.memory_space<hbm>>
      tpu.wait_dma2 semaphore(%run_scoped3A : memref<!tpu.dma_semaphore, #tpu.memory_space<semaphore_mem>>) src(%arg8 : memref<32x128xf32, #tpu.memory_space<vmem>>) dst(%dma_wait3A_131 : memref<32x128xf32, #tpu.memory_space<hbm>>)
      tpu.yield
    }) : () -> ()
    %mul3A_119 = arith.constant 320 : i32
    %mul3A_120 = arith.muli %arg1, %mul3A_119 : i32
    %add3A_121 = arith.constant 288 : i32
    %add3A_122 = arith.addi %mul3A_120, %add3A_121 : i32
    "tpu.region"() ({
      %run_scoped3A = tpu.sem_alloc : memref<!tpu.dma_semaphore, #tpu.memory_space<semaphore_mem>>
      %dma_start3A = arith.constant 0 : i32
      %dma_start3A_126 = tpu.memref_slice %arg9[%add3A_122, %dma_start3A] : memref<5128x128xf32, #tpu.memory_space<vmem_shared>> -> memref<32x128xf32, #tpu.memory_space<vmem_shared>>
      %dma_start3A_127 = arith.constant 0 : i32
      %dma_start3A_128 = tpu.memref_slice %arg9[%add3A_122, %dma_start3A_127] : memref<5128x128xf32, #tpu.memory_space<vmem_shared>> -> memref<32x128xf32, #tpu.memory_space<vmem_shared>>
      tpu.enqueue_dma source(%dma_start3A_128 : memref<32x128xf32, #tpu.memory_space<vmem_shared>>) target(%arg8 : memref<32x128xf32, #tpu.memory_space<vmem>>) target_semaphore(%run_scoped3A : memref<!tpu.dma_semaphore, #tpu.memory_space<semaphore_mem>>)
      %dma_wait3A = arith.constant 0 : i32
      %dma_wait3A_129 = tpu.memref_slice %arg9[%add3A_122, %dma_wait3A] : memref<5128x128xf32, #tpu.memory_space<vmem_shared>> -> memref<32x128xf32, #tpu.memory_space<vmem_shared>>
      %dma_wait3A_130 = arith.constant 0 : i32
      %dma_wait3A_131 = tpu.memref_slice %arg9[%add3A_122, %dma_wait3A_130] : memref<5128x128xf32, #tpu.memory_space<vmem_shared>> -> memref<32x128xf32, #tpu.memory_space<vmem_shared>>
      tpu.wait_dma2 semaphore(%run_scoped3A : memref<!tpu.dma_semaphore, #tpu.memory_space<semaphore_mem>>) src(%dma_wait3A_131 : memref<32x128xf32, #tpu.memory_space<vmem_shared>>) dst(%arg8 : memref<32x128xf32, #tpu.memory_space<vmem>>)
      tpu.yield
    }) : () -> ()
    %mul3A_123 = arith.constant 5120 : i32
    %mul3A_124 = arith.muli %arg0, %mul3A_123 : i32
    %add3A_125 = arith.addi %mul3A_124, %add3A_122 : i32
    "tpu.region"() ({
      %run_scoped3A = tpu.sem_alloc : memref<!tpu.dma_semaphore, #tpu.memory_space<semaphore_mem>>
      %dma_start3A = arith.constant 0 : i32
      %dma_start3A_126 = tpu.memref_slice %arg5[%add3A_125, %dma_start3A] : memref<10240x128xf32, #tpu.memory_space<hbm>> -> memref<32x128xf32, #tpu.memory_space<hbm>>
      %dma_start3A_127 = arith.constant 0 : i32
      %dma_start3A_128 = tpu.memref_slice %arg5[%add3A_125, %dma_start3A_127] : memref<10240x128xf32, #tpu.memory_space<hbm>> -> memref<32x128xf32, #tpu.memory_space<hbm>>
      tpu.enqueue_dma source(%arg8 : memref<32x128xf32, #tpu.memory_space<vmem>>) target(%dma_start3A_128 : memref<32x128xf32, #tpu.memory_space<hbm>>) target_semaphore(%run_scoped3A : memref<!tpu.dma_semaphore, #tpu.memory_space<semaphore_mem>>)
      %dma_wait3A = arith.constant 0 : i32
      %dma_wait3A_129 = tpu.memref_slice %arg5[%add3A_125, %dma_wait3A] : memref<10240x128xf32, #tpu.memory_space<hbm>> -> memref<32x128xf32, #tpu.memory_space<hbm>>
      %dma_wait3A_130 = arith.constant 0 : i32
      %dma_wait3A_131 = tpu.memref_slice %arg5[%add3A_125, %dma_wait3A_130] : memref<10240x128xf32, #tpu.memory_space<hbm>> -> memref<32x128xf32, #tpu.memory_space<hbm>>
      tpu.wait_dma2 semaphore(%run_scoped3A : memref<!tpu.dma_semaphore, #tpu.memory_space<semaphore_mem>>) src(%arg8 : memref<32x128xf32, #tpu.memory_space<vmem>>) dst(%dma_wait3A_131 : memref<32x128xf32, #tpu.memory_space<hbm>>)
      tpu.yield
    }) : () -> ()
    return
  }
}

#map = affine_map<(d0, d1) -> (0, 0)>
#map1 = affine_map<(d0, d1) -> (0)>
#map2 = affine_map<(d0, d1) -> (0, 0, 0)>
module attributes {stable_mosaic.version = 14 : i64} {
  func.func @_edge_scatter(%arg0: i32, %arg1: i32, %arg2: memref<10000x128xf32, #tpu.memory_space<hbm>>, %arg3: memref<320000xi32, #tpu.memory_space<hbm>>, %arg4: memref<16x250x80xi32, #tpu.memory_space<hbm>>, %arg5: memref<32x128xf32, #tpu.memory_space<hbm>>, %arg6: memref<10240x128xf32, #tpu.memory_space<hbm>>, %arg7: memref<20000xi32, #tpu.memory_space<vmem>>, %arg8: memref<250x80xi32, #tpu.memory_space<vmem>>, %arg9: memref<80x128xf32, #tpu.memory_space<vmem>>, %arg10: memref<80x128xf32, #tpu.memory_space<vmem>>, %arg11: memref<32x128xf32, #tpu.memory_space<vmem>>, %arg12: memref<5128x128xf32, #tpu.memory_space<vmem_shared>>, %arg13: memref<!tpu.dma_semaphore, #tpu.memory_space<semaphore_mem>>, %arg14: memref<!tpu.dma_semaphore, #tpu.memory_space<semaphore_mem>>) attributes {dimension_semantics = [#tpu.dimension_semantics<core_parallel>, #tpu.dimension_semantics<subcore_parallel>], iteration_bounds = array<i64: 2, 16>, scalar_prefetch = 0 : i64, scratch_operands = 8 : i64, tpu.core_type = #tpu.core_type<sc_vector_subcore>, window_params = [{transform_indices = #map}, {transform_indices = #map1}, {transform_indices = #map2}, {transform_indices = #map}, {transform_indices = #map}]} {
    %mul3A = arith.constant 20000 : i32
    %mul3A_0 = arith.muli %arg1, %mul3A : i32
    "tpu.region"() ({
      %run_scoped3A_147 = tpu.sem_alloc : memref<!tpu.dma_semaphore, #tpu.memory_space<semaphore_mem>>
      %dma_start3A_148 = tpu.memref_slice %arg3[%mul3A_0] : memref<320000xi32, #tpu.memory_space<hbm>> -> memref<20000xi32, #tpu.memory_space<hbm>>
      %dma_start3A_149 = tpu.memref_slice %arg3[%mul3A_0] : memref<320000xi32, #tpu.memory_space<hbm>> -> memref<20000xi32, #tpu.memory_space<hbm>>
      tpu.enqueue_dma source(%dma_start3A_149 : memref<20000xi32, #tpu.memory_space<hbm>>) target(%arg7 : memref<20000xi32, #tpu.memory_space<vmem>>) target_semaphore(%run_scoped3A_147 : memref<!tpu.dma_semaphore, #tpu.memory_space<semaphore_mem>>)
      %dma_wait3A_150 = tpu.memref_slice %arg3[%mul3A_0] : memref<320000xi32, #tpu.memory_space<hbm>> -> memref<20000xi32, #tpu.memory_space<hbm>>
      %dma_wait3A_151 = tpu.memref_slice %arg3[%mul3A_0] : memref<320000xi32, #tpu.memory_space<hbm>> -> memref<20000xi32, #tpu.memory_space<hbm>>
      tpu.wait_dma2 semaphore(%run_scoped3A_147 : memref<!tpu.dma_semaphore, #tpu.memory_space<semaphore_mem>>) src(%dma_wait3A_151 : memref<20000xi32, #tpu.memory_space<hbm>>) dst(%arg7 : memref<20000xi32, #tpu.memory_space<vmem>>)
      tpu.yield
    }) : () -> ()
    "tpu.region"() ({
      %run_scoped3A_147 = tpu.sem_alloc : memref<!tpu.dma_semaphore, #tpu.memory_space<semaphore_mem>>
      %dma_start3A_148 = arith.constant 0 : i32
      %dma_start3A_149 = arith.constant 0 : i32
      %dma_start3A_150 = tpu.memref_slice %arg4[%arg1, %dma_start3A_148, %dma_start3A_149] : memref<16x250x80xi32, #tpu.memory_space<hbm>> -> memref<1x250x80xi32, #tpu.memory_space<hbm>>
      %dma_start3A_151 = tpu.memref_squeeze %dma_start3A_150 : memref<1x250x80xi32, #tpu.memory_space<hbm>> -> memref<250x80xi32, #tpu.memory_space<hbm>>
      %dma_start3A_152 = arith.constant 0 : i32
      %dma_start3A_153 = arith.constant 0 : i32
      %dma_start3A_154 = tpu.memref_slice %arg4[%arg1, %dma_start3A_152, %dma_start3A_153] : memref<16x250x80xi32, #tpu.memory_space<hbm>> -> memref<1x250x80xi32, #tpu.memory_space<hbm>>
      %dma_start3A_155 = tpu.memref_squeeze %dma_start3A_154 : memref<1x250x80xi32, #tpu.memory_space<hbm>> -> memref<250x80xi32, #tpu.memory_space<hbm>>
      tpu.enqueue_dma source(%dma_start3A_155 : memref<250x80xi32, #tpu.memory_space<hbm>>) target(%arg8 : memref<250x80xi32, #tpu.memory_space<vmem>>) target_semaphore(%run_scoped3A_147 : memref<!tpu.dma_semaphore, #tpu.memory_space<semaphore_mem>>)
      %dma_wait3A_156 = arith.constant 0 : i32
      %dma_wait3A_157 = arith.constant 0 : i32
      %dma_wait3A_158 = tpu.memref_slice %arg4[%arg1, %dma_wait3A_156, %dma_wait3A_157] : memref<16x250x80xi32, #tpu.memory_space<hbm>> -> memref<1x250x80xi32, #tpu.memory_space<hbm>>
      %dma_wait3A_159 = tpu.memref_squeeze %dma_wait3A_158 : memref<1x250x80xi32, #tpu.memory_space<hbm>> -> memref<250x80xi32, #tpu.memory_space<hbm>>
      %dma_wait3A_160 = arith.constant 0 : i32
      %dma_wait3A_161 = arith.constant 0 : i32
      %dma_wait3A_162 = tpu.memref_slice %arg4[%arg1, %dma_wait3A_160, %dma_wait3A_161] : memref<16x250x80xi32, #tpu.memory_space<hbm>> -> memref<1x250x80xi32, #tpu.memory_space<hbm>>
      %dma_wait3A_163 = tpu.memref_squeeze %dma_wait3A_162 : memref<1x250x80xi32, #tpu.memory_space<hbm>> -> memref<250x80xi32, #tpu.memory_space<hbm>>
      tpu.wait_dma2 semaphore(%run_scoped3A_147 : memref<!tpu.dma_semaphore, #tpu.memory_space<semaphore_mem>>) src(%dma_wait3A_163 : memref<250x80xi32, #tpu.memory_space<hbm>>) dst(%arg8 : memref<250x80xi32, #tpu.memory_space<vmem>>)
      tpu.yield
    }) : () -> ()
    %mul3A_1 = arith.constant 5120 : i32
    %mul3A_2 = arith.muli %arg0, %mul3A_1 : i32
    %broadcast_in_dim3A = vector.broadcast %mul3A_2 : i32 to vector<16xi32>
    %broadcast_in_dim3A_3 = arith.constant 5120 : i32
    %broadcast_in_dim3A_4 = vector.broadcast %broadcast_in_dim3A_3 : i32 to vector<16xi32>
    %scan3A = arith.constant 0 : i32
    %scan3A_5 = arith.constant 0 : i32
    %scan3A_6 = arith.constant 250 : i32
    %scan3A_7 = arith.addi %scan3A_5, %scan3A_6 : i32
    %scan3A_8 = arith.constant 1 : i32
    %scan3A_9 = scf.for %scan3A_147 = %scan3A_5 to %scan3A_7 step %scan3A_8 iter_args(%scan3A_148 = %scan3A) -> (i32)  : i32 {
      %get3A = arith.index_cast %scan3A_147 : i32 to index
      %get3A_149 = arith.constant 0 : index
      %get3A_150 = tpu.vector_load %arg8[%get3A, %get3A_149] {strides = array<i32>} : memref<250x80xi32, #tpu.memory_space<vmem>>, vector<1x16xi32>,
      %get3A_151 = vector.shape_cast %get3A_150 : vector<1x16xi32> to vector<16xi32>
      %sub3A = arith.subi %get3A_151, %broadcast_in_dim3A : vector<16xi32>
      %ge3A = arith.constant 0 : i32
      %ge3A_152 = vector.broadcast %ge3A : i32 to vector<16xi32>
      %ge3A_153 = arith.cmpi sge, %sub3A, %ge3A_152 : vector<16xi32>
      %lt3A = arith.constant 5120 : i32
      %lt3A_154 = vector.broadcast %lt3A : i32 to vector<16xi32>
      %lt3A_155 = arith.cmpi slt, %sub3A, %lt3A_154 : vector<16xi32>
      %and3A = arith.andi %ge3A_153, %lt3A_155 : vector<16xi1>
      %select_n3A = arith.select %and3A, %sub3A, %broadcast_in_dim3A_4 : vector<16xi1>, vector<16xi32>
      %swap3A = arith.index_cast %scan3A_147 : i32 to index
      %swap3A_156 = arith.constant 0 : index
      %swap3A_157 = tpu.vector_load %arg8[%swap3A, %swap3A_156] {strides = array<i32>} : memref<250x80xi32, #tpu.memory_space<vmem>>, vector<1x16xi32>,
      %swap3A_158 = vector.shape_cast %swap3A_157 : vector<1x16xi32> to vector<16xi32>
      %swap3A_159 = vector.shape_cast %select_n3A : vector<16xi32> to vector<1x16xi32>
      tpu.vector_store %arg8[%swap3A, %swap3A_156], %swap3A_159 {strides = array<i32>} : memref<250x80xi32, #tpu.memory_space<vmem>>, vector<1x16xi32>,
      %get3A_160 = arith.index_cast %scan3A_147 : i32 to index
      %get3A_161 = arith.constant 16 : index
      %get3A_162 = tpu.vector_load %arg8[%get3A_160, %get3A_161] {strides = array<i32>} : memref<250x80xi32, #tpu.memory_space<vmem>>, vector<1x16xi32>,
      %get3A_163 = vector.shape_cast %get3A_162 : vector<1x16xi32> to vector<16xi32>
      %sub3A_164 = arith.subi %get3A_163, %broadcast_in_dim3A : vector<16xi32>
      %ge3A_165 = arith.constant 0 : i32
      %ge3A_166 = vector.broadcast %ge3A_165 : i32 to vector<16xi32>
      %ge3A_167 = arith.cmpi sge, %sub3A_164, %ge3A_166 : vector<16xi32>
      %lt3A_168 = arith.constant 5120 : i32
      %lt3A_169 = vector.broadcast %lt3A_168 : i32 to vector<16xi32>
      %lt3A_170 = arith.cmpi slt, %sub3A_164, %lt3A_169 : vector<16xi32>
      %and3A_171 = arith.andi %ge3A_167, %lt3A_170 : vector<16xi1>
      %select_n3A_172 = arith.select %and3A_171, %sub3A_164, %broadcast_in_dim3A_4 : vector<16xi1>, vector<16xi32>
      %swap3A_173 = arith.index_cast %scan3A_147 : i32 to index
      %swap3A_174 = arith.constant 16 : index
      %swap3A_175 = tpu.vector_load %arg8[%swap3A_173, %swap3A_174] {strides = array<i32>} : memref<250x80xi32, #tpu.memory_space<vmem>>, vector<1x16xi32>,
      %swap3A_176 = vector.shape_cast %swap3A_175 : vector<1x16xi32> to vector<16xi32>
      %swap3A_177 = vector.shape_cast %select_n3A_172 : vector<16xi32> to vector<1x16xi32>
      tpu.vector_store %arg8[%swap3A_173, %swap3A_174], %swap3A_177 {strides = array<i32>} : memref<250x80xi32, #tpu.memory_space<vmem>>, vector<1x16xi32>,
      %get3A_178 = arith.index_cast %scan3A_147 : i32 to index
      %get3A_179 = arith.constant 32 : index
      %get3A_180 = tpu.vector_load %arg8[%get3A_178, %get3A_179] {strides = array<i32>} : memref<250x80xi32, #tpu.memory_space<vmem>>, vector<1x16xi32>,
      %get3A_181 = vector.shape_cast %get3A_180 : vector<1x16xi32> to vector<16xi32>
      %sub3A_182 = arith.subi %get3A_181, %broadcast_in_dim3A : vector<16xi32>
      %ge3A_183 = arith.constant 0 : i32
      %ge3A_184 = vector.broadcast %ge3A_183 : i32 to vector<16xi32>
      %ge3A_185 = arith.cmpi sge, %sub3A_182, %ge3A_184 : vector<16xi32>
      %lt3A_186 = arith.constant 5120 : i32
      %lt3A_187 = vector.broadcast %lt3A_186 : i32 to vector<16xi32>
      %lt3A_188 = arith.cmpi slt, %sub3A_182, %lt3A_187 : vector<16xi32>
      %and3A_189 = arith.andi %ge3A_185, %lt3A_188 : vector<16xi1>
      %select_n3A_190 = arith.select %and3A_189, %sub3A_182, %broadcast_in_dim3A_4 : vector<16xi1>, vector<16xi32>
      %swap3A_191 = arith.index_cast %scan3A_147 : i32 to index
      %swap3A_192 = arith.constant 32 : index
      %swap3A_193 = tpu.vector_load %arg8[%swap3A_191, %swap3A_192] {strides = array<i32>} : memref<250x80xi32, #tpu.memory_space<vmem>>, vector<1x16xi32>,
      %swap3A_194 = vector.shape_cast %swap3A_193 : vector<1x16xi32> to vector<16xi32>
      %swap3A_195 = vector.shape_cast %select_n3A_190 : vector<16xi32> to vector<1x16xi32>
      tpu.vector_store %arg8[%swap3A_191, %swap3A_192], %swap3A_195 {strides = array<i32>} : memref<250x80xi32, #tpu.memory_space<vmem>>, vector<1x16xi32>,
      %get3A_196 = arith.index_cast %scan3A_147 : i32 to index
      %get3A_197 = arith.constant 48 : index
      %get3A_198 = tpu.vector_load %arg8[%get3A_196, %get3A_197] {strides = array<i32>} : memref<250x80xi32, #tpu.memory_space<vmem>>, vector<1x16xi32>,
      %get3A_199 = vector.shape_cast %get3A_198 : vector<1x16xi32> to vector<16xi32>
      %sub3A_200 = arith.subi %get3A_199, %broadcast_in_dim3A : vector<16xi32>
      %ge3A_201 = arith.constant 0 : i32
      %ge3A_202 = vector.broadcast %ge3A_201 : i32 to vector<16xi32>
      %ge3A_203 = arith.cmpi sge, %sub3A_200, %ge3A_202 : vector<16xi32>
      %lt3A_204 = arith.constant 5120 : i32
      %lt3A_205 = vector.broadcast %lt3A_204 : i32 to vector<16xi32>
      %lt3A_206 = arith.cmpi slt, %sub3A_200, %lt3A_205 : vector<16xi32>
      %and3A_207 = arith.andi %ge3A_203, %lt3A_206 : vector<16xi1>
      %select_n3A_208 = arith.select %and3A_207, %sub3A_200, %broadcast_in_dim3A_4 : vector<16xi1>, vector<16xi32>
      %swap3A_209 = arith.index_cast %scan3A_147 : i32 to index
      %swap3A_210 = arith.constant 48 : index
      %swap3A_211 = tpu.vector_load %arg8[%swap3A_209, %swap3A_210] {strides = array<i32>} : memref<250x80xi32, #tpu.memory_space<vmem>>, vector<1x16xi32>,
      %swap3A_212 = vector.shape_cast %swap3A_211 : vector<1x16xi32> to vector<16xi32>
      %swap3A_213 = vector.shape_cast %select_n3A_208 : vector<16xi32> to vector<1x16xi32>
      tpu.vector_store %arg8[%swap3A_209, %swap3A_210], %swap3A_213 {strides = array<i32>} : memref<250x80xi32, #tpu.memory_space<vmem>>, vector<1x16xi32>,
      %get3A_214 = arith.index_cast %scan3A_147 : i32 to index
      %get3A_215 = arith.constant 64 : index
      %get3A_216 = tpu.vector_load %arg8[%get3A_214, %get3A_215] {strides = array<i32>} : memref<250x80xi32, #tpu.memory_space<vmem>>, vector<1x16xi32>,
      %get3A_217 = vector.shape_cast %get3A_216 : vector<1x16xi32> to vector<16xi32>
      %sub3A_218 = arith.subi %get3A_217, %broadcast_in_dim3A : vector<16xi32>
      %ge3A_219 = arith.constant 0 : i32
      %ge3A_220 = vector.broadcast %ge3A_219 : i32 to vector<16xi32>
      %ge3A_221 = arith.cmpi sge, %sub3A_218, %ge3A_220 : vector<16xi32>
      %lt3A_222 = arith.constant 5120 : i32
      %lt3A_223 = vector.broadcast %lt3A_222 : i32 to vector<16xi32>
      %lt3A_224 = arith.cmpi slt, %sub3A_218, %lt3A_223 : vector<16xi32>
      %and3A_225 = arith.andi %ge3A_221, %lt3A_224 : vector<16xi1>
      %select_n3A_226 = arith.select %and3A_225, %sub3A_218, %broadcast_in_dim3A_4 : vector<16xi1>, vector<16xi32>
      %swap3A_227 = arith.index_cast %scan3A_147 : i32 to index
      %swap3A_228 = arith.constant 64 : index
      %swap3A_229 = tpu.vector_load %arg8[%swap3A_227, %swap3A_228] {strides = array<i32>} : memref<250x80xi32, #tpu.memory_space<vmem>>, vector<1x16xi32>,
      %swap3A_230 = vector.shape_cast %swap3A_229 : vector<1x16xi32> to vector<16xi32>
      %swap3A_231 = vector.shape_cast %select_n3A_226 : vector<16xi32> to vector<1x16xi32>
      tpu.vector_store %arg8[%swap3A_227, %swap3A_228], %swap3A_231 {strides = array<i32>} : memref<250x80xi32, #tpu.memory_space<vmem>>, vector<1x16xi32>,
      %scan3A_232 = arith.constant 0 : i32
      scf.yield %scan3A_232 : i32
    }
    %scan3A_10 = arith.constant 250 : i32
    "tpu.region"() ({
      %run_scoped3A_147 = tpu.sem_alloc : memref<!tpu.dma_semaphore, #tpu.memory_space<semaphore_mem>>
      tpu.enqueue_dma source(%arg5 : memref<32x128xf32, #tpu.memory_space<hbm>>) target(%arg11 : memref<32x128xf32, #tpu.memory_space<vmem>>) target_semaphore(%run_scoped3A_147 : memref<!tpu.dma_semaphore, #tpu.memory_space<semaphore_mem>>)
      tpu.wait_dma2 semaphore(%run_scoped3A_147 : memref<!tpu.dma_semaphore, #tpu.memory_space<semaphore_mem>>) src(%arg5 : memref<32x128xf32, #tpu.memory_space<hbm>>) dst(%arg11 : memref<32x128xf32, #tpu.memory_space<vmem>>)
      tpu.yield
    }) : () -> ()
    %mul3A_11 = arith.constant 320 : i32
    %mul3A_12 = arith.muli %arg1, %mul3A_11 : i32
    %add3A = arith.constant 0 : i32
    %add3A_13 = arith.addi %mul3A_12, %add3A : i32
    "tpu.region"() ({
      %run_scoped3A_147 = tpu.sem_alloc : memref<!tpu.dma_semaphore, #tpu.memory_space<semaphore_mem>>
      %dma_start3A_148 = arith.constant 0 : i32
      %dma_start3A_149 = tpu.memref_slice %arg12[%add3A_13, %dma_start3A_148] : memref<5128x128xf32, #tpu.memory_space<vmem_shared>> -> memref<32x128xf32, #tpu.memory_space<vmem_shared>>
      %dma_start3A_150 = arith.constant 0 : i32
      %dma_start3A_151 = tpu.memref_slice %arg12[%add3A_13, %dma_start3A_150] : memref<5128x128xf32, #tpu.memory_space<vmem_shared>> -> memref<32x128xf32, #tpu.memory_space<vmem_shared>>
      tpu.enqueue_dma source(%arg11 : memref<32x128xf32, #tpu.memory_space<vmem>>) target(%dma_start3A_151 : memref<32x128xf32, #tpu.memory_space<vmem_shared>>) target_semaphore(%run_scoped3A_147 : memref<!tpu.dma_semaphore, #tpu.memory_space<semaphore_mem>>)
      %dma_wait3A_152 = arith.constant 0 : i32
      %dma_wait3A_153 = tpu.memref_slice %arg12[%add3A_13, %dma_wait3A_152] : memref<5128x128xf32, #tpu.memory_space<vmem_shared>> -> memref<32x128xf32, #tpu.memory_space<vmem_shared>>
      %dma_wait3A_154 = arith.constant 0 : i32
      %dma_wait3A_155 = tpu.memref_slice %arg12[%add3A_13, %dma_wait3A_154] : memref<5128x128xf32, #tpu.memory_space<vmem_shared>> -> memref<32x128xf32, #tpu.memory_space<vmem_shared>>
      tpu.wait_dma2 semaphore(%run_scoped3A_147 : memref<!tpu.dma_semaphore, #tpu.memory_space<semaphore_mem>>) src(%arg11 : memref<32x128xf32, #tpu.memory_space<vmem>>) dst(%dma_wait3A_155 : memref<32x128xf32, #tpu.memory_space<vmem_shared>>)
      tpu.yield
    }) : () -> ()
    %mul3A_14 = arith.constant 320 : i32
    %mul3A_15 = arith.muli %arg1, %mul3A_14 : i32
    %add3A_16 = arith.constant 32 : i32
    %add3A_17 = arith.addi %mul3A_15, %add3A_16 : i32
    "tpu.region"() ({
      %run_scoped3A_147 = tpu.sem_alloc : memref<!tpu.dma_semaphore, #tpu.memory_space<semaphore_mem>>
      %dma_start3A_148 = arith.constant 0 : i32
      %dma_start3A_149 = tpu.memref_slice %arg12[%add3A_17, %dma_start3A_148] : memref<5128x128xf32, #tpu.memory_space<vmem_shared>> -> memref<32x128xf32, #tpu.memory_space<vmem_shared>>
      %dma_start3A_150 = arith.constant 0 : i32
      %dma_start3A_151 = tpu.memref_slice %arg12[%add3A_17, %dma_start3A_150] : memref<5128x128xf32, #tpu.memory_space<vmem_shared>> -> memref<32x128xf32, #tpu.memory_space<vmem_shared>>
      tpu.enqueue_dma source(%arg11 : memref<32x128xf32, #tpu.memory_space<vmem>>) target(%dma_start3A_151 : memref<32x128xf32, #tpu.memory_space<vmem_shared>>) target_semaphore(%run_scoped3A_147 : memref<!tpu.dma_semaphore, #tpu.memory_space<semaphore_mem>>)
      %dma_wait3A_152 = arith.constant 0 : i32
      %dma_wait3A_153 = tpu.memref_slice %arg12[%add3A_17, %dma_wait3A_152] : memref<5128x128xf32, #tpu.memory_space<vmem_shared>> -> memref<32x128xf32, #tpu.memory_space<vmem_shared>>
      %dma_wait3A_154 = arith.constant 0 : i32
      %dma_wait3A_155 = tpu.memref_slice %arg12[%add3A_17, %dma_wait3A_154] : memref<5128x128xf32, #tpu.memory_space<vmem_shared>> -> memref<32x128xf32, #tpu.memory_space<vmem_shared>>
      tpu.wait_dma2 semaphore(%run_scoped3A_147 : memref<!tpu.dma_semaphore, #tpu.memory_space<semaphore_mem>>) src(%arg11 : memref<32x128xf32, #tpu.memory_space<vmem>>) dst(%dma_wait3A_155 : memref<32x128xf32, #tpu.memory_space<vmem_shared>>)
      tpu.yield
    }) : () -> ()
    %mul3A_18 = arith.constant 320 : i32
    %mul3A_19 = arith.muli %arg1, %mul3A_18 : i32
    %add3A_20 = arith.constant 64 : i32
    %add3A_21 = arith.addi %mul3A_19, %add3A_20 : i32
    "tpu.region"() ({
      %run_scoped3A_147 = tpu.sem_alloc : memref<!tpu.dma_semaphore, #tpu.memory_space<semaphore_mem>>
      %dma_start3A_148 = arith.constant 0 : i32
      %dma_start3A_149 = tpu.memref_slice %arg12[%add3A_21, %dma_start3A_148] : memref<5128x128xf32, #tpu.memory_space<vmem_shared>> -> memref<32x128xf32, #tpu.memory_space<vmem_shared>>
      %dma_start3A_150 = arith.constant 0 : i32
      %dma_start3A_151 = tpu.memref_slice %arg12[%add3A_21, %dma_start3A_150] : memref<5128x128xf32, #tpu.memory_space<vmem_shared>> -> memref<32x128xf32, #tpu.memory_space<vmem_shared>>
      tpu.enqueue_dma source(%arg11 : memref<32x128xf32, #tpu.memory_space<vmem>>) target(%dma_start3A_151 : memref<32x128xf32, #tpu.memory_space<vmem_shared>>) target_semaphore(%run_scoped3A_147 : memref<!tpu.dma_semaphore, #tpu.memory_space<semaphore_mem>>)
      %dma_wait3A_152 = arith.constant 0 : i32
      %dma_wait3A_153 = tpu.memref_slice %arg12[%add3A_21, %dma_wait3A_152] : memref<5128x128xf32, #tpu.memory_space<vmem_shared>> -> memref<32x128xf32, #tpu.memory_space<vmem_shared>>
      %dma_wait3A_154 = arith.constant 0 : i32
      %dma_wait3A_155 = tpu.memref_slice %arg12[%add3A_21, %dma_wait3A_154] : memref<5128x128xf32, #tpu.memory_space<vmem_shared>> -> memref<32x128xf32, #tpu.memory_space<vmem_shared>>
      tpu.wait_dma2 semaphore(%run_scoped3A_147 : memref<!tpu.dma_semaphore, #tpu.memory_space<semaphore_mem>>) src(%arg11 : memref<32x128xf32, #tpu.memory_space<vmem>>) dst(%dma_wait3A_155 : memref<32x128xf32, #tpu.memory_space<vmem_shared>>)
      tpu.yield
    }) : () -> ()
    %mul3A_22 = arith.constant 320 : i32
    %mul3A_23 = arith.muli %arg1, %mul3A_22 : i32
    %add3A_24 = arith.constant 96 : i32
    %add3A_25 = arith.addi %mul3A_23, %add3A_24 : i32
    "tpu.region"() ({
      %run_scoped3A_147 = tpu.sem_alloc : memref<!tpu.dma_semaphore, #tpu.memory_space<semaphore_mem>>
      %dma_start3A_148 = arith.constant 0 : i32
      %dma_start3A_149 = tpu.memref_slice %arg12[%add3A_25, %dma_start3A_148] : memref<5128x128xf32, #tpu.memory_space<vmem_shared>> -> memref<32x128xf32, #tpu.memory_space<vmem_shared>>
      %dma_start3A_150 = arith.constant 0 : i32
      %dma_start3A_151 = tpu.memref_slice %arg12[%add3A_25, %dma_start3A_150] : memref<5128x128xf32, #tpu.memory_space<vmem_shared>> -> memref<32x128xf32, #tpu.memory_space<vmem_shared>>
      tpu.enqueue_dma source(%arg11 : memref<32x128xf32, #tpu.memory_space<vmem>>) target(%dma_start3A_151 : memref<32x128xf32, #tpu.memory_space<vmem_shared>>) target_semaphore(%run_scoped3A_147 : memref<!tpu.dma_semaphore, #tpu.memory_space<semaphore_mem>>)
      %dma_wait3A_152 = arith.constant 0 : i32
      %dma_wait3A_153 = tpu.memref_slice %arg12[%add3A_25, %dma_wait3A_152] : memref<5128x128xf32, #tpu.memory_space<vmem_shared>> -> memref<32x128xf32, #tpu.memory_space<vmem_shared>>
      %dma_wait3A_154 = arith.constant 0 : i32
      %dma_wait3A_155 = tpu.memref_slice %arg12[%add3A_25, %dma_wait3A_154] : memref<5128x128xf32, #tpu.memory_space<vmem_shared>> -> memref<32x128xf32, #tpu.memory_space<vmem_shared>>
      tpu.wait_dma2 semaphore(%run_scoped3A_147 : memref<!tpu.dma_semaphore, #tpu.memory_space<semaphore_mem>>) src(%arg11 : memref<32x128xf32, #tpu.memory_space<vmem>>) dst(%dma_wait3A_155 : memref<32x128xf32, #tpu.memory_space<vmem_shared>>)
      tpu.yield
    }) : () -> ()
    %mul3A_26 = arith.constant 320 : i32
    %mul3A_27 = arith.muli %arg1, %mul3A_26 : i32
    %add3A_28 = arith.constant 128 : i32
    %add3A_29 = arith.addi %mul3A_27, %add3A_28 : i32
    "tpu.region"() ({
      %run_scoped3A_147 = tpu.sem_alloc : memref<!tpu.dma_semaphore, #tpu.memory_space<semaphore_mem>>
      %dma_start3A_148 = arith.constant 0 : i32
      %dma_start3A_149 = tpu.memref_slice %arg12[%add3A_29, %dma_start3A_148] : memref<5128x128xf32, #tpu.memory_space<vmem_shared>> -> memref<32x128xf32, #tpu.memory_space<vmem_shared>>
      %dma_start3A_150 = arith.constant 0 : i32
      %dma_start3A_151 = tpu.memref_slice %arg12[%add3A_29, %dma_start3A_150] : memref<5128x128xf32, #tpu.memory_space<vmem_shared>> -> memref<32x128xf32, #tpu.memory_space<vmem_shared>>
      tpu.enqueue_dma source(%arg11 : memref<32x128xf32, #tpu.memory_space<vmem>>) target(%dma_start3A_151 : memref<32x128xf32, #tpu.memory_space<vmem_shared>>) target_semaphore(%run_scoped3A_147 : memref<!tpu.dma_semaphore, #tpu.memory_space<semaphore_mem>>)
      %dma_wait3A_152 = arith.constant 0 : i32
      %dma_wait3A_153 = tpu.memref_slice %arg12[%add3A_29, %dma_wait3A_152] : memref<5128x128xf32, #tpu.memory_space<vmem_shared>> -> memref<32x128xf32, #tpu.memory_space<vmem_shared>>
      %dma_wait3A_154 = arith.constant 0 : i32
      %dma_wait3A_155 = tpu.memref_slice %arg12[%add3A_29, %dma_wait3A_154] : memref<5128x128xf32, #tpu.memory_space<vmem_shared>> -> memref<32x128xf32, #tpu.memory_space<vmem_shared>>
      tpu.wait_dma2 semaphore(%run_scoped3A_147 : memref<!tpu.dma_semaphore, #tpu.memory_space<semaphore_mem>>) src(%arg11 : memref<32x128xf32, #tpu.memory_space<vmem>>) dst(%dma_wait3A_155 : memref<32x128xf32, #tpu.memory_space<vmem_shared>>)
      tpu.yield
    }) : () -> ()
    %mul3A_30 = arith.constant 320 : i32
    %mul3A_31 = arith.muli %arg1, %mul3A_30 : i32
    %add3A_32 = arith.constant 160 : i32
    %add3A_33 = arith.addi %mul3A_31, %add3A_32 : i32
    "tpu.region"() ({
      %run_scoped3A_147 = tpu.sem_alloc : memref<!tpu.dma_semaphore, #tpu.memory_space<semaphore_mem>>
      %dma_start3A_148 = arith.constant 0 : i32
      %dma_start3A_149 = tpu.memref_slice %arg12[%add3A_33, %dma_start3A_148] : memref<5128x128xf32, #tpu.memory_space<vmem_shared>> -> memref<32x128xf32, #tpu.memory_space<vmem_shared>>
      %dma_start3A_150 = arith.constant 0 : i32
      %dma_start3A_151 = tpu.memref_slice %arg12[%add3A_33, %dma_start3A_150] : memref<5128x128xf32, #tpu.memory_space<vmem_shared>> -> memref<32x128xf32, #tpu.memory_space<vmem_shared>>
      tpu.enqueue_dma source(%arg11 : memref<32x128xf32, #tpu.memory_space<vmem>>) target(%dma_start3A_151 : memref<32x128xf32, #tpu.memory_space<vmem_shared>>) target_semaphore(%run_scoped3A_147 : memref<!tpu.dma_semaphore, #tpu.memory_space<semaphore_mem>>)
      %dma_wait3A_152 = arith.constant 0 : i32
      %dma_wait3A_153 = tpu.memref_slice %arg12[%add3A_33, %dma_wait3A_152] : memref<5128x128xf32, #tpu.memory_space<vmem_shared>> -> memref<32x128xf32, #tpu.memory_space<vmem_shared>>
      %dma_wait3A_154 = arith.constant 0 : i32
      %dma_wait3A_155 = tpu.memref_slice %arg12[%add3A_33, %dma_wait3A_154] : memref<5128x128xf32, #tpu.memory_space<vmem_shared>> -> memref<32x128xf32, #tpu.memory_space<vmem_shared>>
      tpu.wait_dma2 semaphore(%run_scoped3A_147 : memref<!tpu.dma_semaphore, #tpu.memory_space<semaphore_mem>>) src(%arg11 : memref<32x128xf32, #tpu.memory_space<vmem>>) dst(%dma_wait3A_155 : memref<32x128xf32, #tpu.memory_space<vmem_shared>>)
      tpu.yield
    }) : () -> ()
    %mul3A_34 = arith.constant 320 : i32
    %mul3A_35 = arith.muli %arg1, %mul3A_34 : i32
    %add3A_36 = arith.constant 192 : i32
    %add3A_37 = arith.addi %mul3A_35, %add3A_36 : i32
    "tpu.region"() ({
      %run_scoped3A_147 = tpu.sem_alloc : memref<!tpu.dma_semaphore, #tpu.memory_space<semaphore_mem>>
      %dma_start3A_148 = arith.constant 0 : i32
      %dma_start3A_149 = tpu.memref_slice %arg12[%add3A_37, %dma_start3A_148] : memref<5128x128xf32, #tpu.memory_space<vmem_shared>> -> memref<32x128xf32, #tpu.memory_space<vmem_shared>>
      %dma_start3A_150 = arith.constant 0 : i32
      %dma_start3A_151 = tpu.memref_slice %arg12[%add3A_37, %dma_start3A_150] : memref<5128x128xf32, #tpu.memory_space<vmem_shared>> -> memref<32x128xf32, #tpu.memory_space<vmem_shared>>
      tpu.enqueue_dma source(%arg11 : memref<32x128xf32, #tpu.memory_space<vmem>>) target(%dma_start3A_151 : memref<32x128xf32, #tpu.memory_space<vmem_shared>>) target_semaphore(%run_scoped3A_147 : memref<!tpu.dma_semaphore, #tpu.memory_space<semaphore_mem>>)
      %dma_wait3A_152 = arith.constant 0 : i32
      %dma_wait3A_153 = tpu.memref_slice %arg12[%add3A_37, %dma_wait3A_152] : memref<5128x128xf32, #tpu.memory_space<vmem_shared>> -> memref<32x128xf32, #tpu.memory_space<vmem_shared>>
      %dma_wait3A_154 = arith.constant 0 : i32
      %dma_wait3A_155 = tpu.memref_slice %arg12[%add3A_37, %dma_wait3A_154] : memref<5128x128xf32, #tpu.memory_space<vmem_shared>> -> memref<32x128xf32, #tpu.memory_space<vmem_shared>>
      tpu.wait_dma2 semaphore(%run_scoped3A_147 : memref<!tpu.dma_semaphore, #tpu.memory_space<semaphore_mem>>) src(%arg11 : memref<32x128xf32, #tpu.memory_space<vmem>>) dst(%dma_wait3A_155 : memref<32x128xf32, #tpu.memory_space<vmem_shared>>)
      tpu.yield
    }) : () -> ()
    %mul3A_38 = arith.constant 320 : i32
    %mul3A_39 = arith.muli %arg1, %mul3A_38 : i32
    %add3A_40 = arith.constant 224 : i32
    %add3A_41 = arith.addi %mul3A_39, %add3A_40 : i32
    "tpu.region"() ({
      %run_scoped3A_147 = tpu.sem_alloc : memref<!tpu.dma_semaphore, #tpu.memory_space<semaphore_mem>>
      %dma_start3A_148 = arith.constant 0 : i32
      %dma_start3A_149 = tpu.memref_slice %arg12[%add3A_41, %dma_start3A_148] : memref<5128x128xf32, #tpu.memory_space<vmem_shared>> -> memref<32x128xf32, #tpu.memory_space<vmem_shared>>
      %dma_start3A_150 = arith.constant 0 : i32
      %dma_start3A_151 = tpu.memref_slice %arg12[%add3A_41, %dma_start3A_150] : memref<5128x128xf32, #tpu.memory_space<vmem_shared>> -> memref<32x128xf32, #tpu.memory_space<vmem_shared>>
      tpu.enqueue_dma source(%arg11 : memref<32x128xf32, #tpu.memory_space<vmem>>) target(%dma_start3A_151 : memref<32x128xf32, #tpu.memory_space<vmem_shared>>) target_semaphore(%run_scoped3A_147 : memref<!tpu.dma_semaphore, #tpu.memory_space<semaphore_mem>>)
      %dma_wait3A_152 = arith.constant 0 : i32
      %dma_wait3A_153 = tpu.memref_slice %arg12[%add3A_41, %dma_wait3A_152] : memref<5128x128xf32, #tpu.memory_space<vmem_shared>> -> memref<32x128xf32, #tpu.memory_space<vmem_shared>>
      %dma_wait3A_154 = arith.constant 0 : i32
      %dma_wait3A_155 = tpu.memref_slice %arg12[%add3A_41, %dma_wait3A_154] : memref<5128x128xf32, #tpu.memory_space<vmem_shared>> -> memref<32x128xf32, #tpu.memory_space<vmem_shared>>
      tpu.wait_dma2 semaphore(%run_scoped3A_147 : memref<!tpu.dma_semaphore, #tpu.memory_space<semaphore_mem>>) src(%arg11 : memref<32x128xf32, #tpu.memory_space<vmem>>) dst(%dma_wait3A_155 : memref<32x128xf32, #tpu.memory_space<vmem_shared>>)
      tpu.yield
    }) : () -> ()
    %mul3A_42 = arith.constant 320 : i32
    %mul3A_43 = arith.muli %arg1, %mul3A_42 : i32
    %add3A_44 = arith.constant 256 : i32
    %add3A_45 = arith.addi %mul3A_43, %add3A_44 : i32
    "tpu.region"() ({
      %run_scoped3A_147 = tpu.sem_alloc : memref<!tpu.dma_semaphore, #tpu.memory_space<semaphore_mem>>
      %dma_start3A_148 = arith.constant 0 : i32
      %dma_start3A_149 = tpu.memref_slice %arg12[%add3A_45, %dma_start3A_148] : memref<5128x128xf32, #tpu.memory_space<vmem_shared>> -> memref<32x128xf32, #tpu.memory_space<vmem_shared>>
      %dma_start3A_150 = arith.constant 0 : i32
      %dma_start3A_151 = tpu.memref_slice %arg12[%add3A_45, %dma_start3A_150] : memref<5128x128xf32, #tpu.memory_space<vmem_shared>> -> memref<32x128xf32, #tpu.memory_space<vmem_shared>>
      tpu.enqueue_dma source(%arg11 : memref<32x128xf32, #tpu.memory_space<vmem>>) target(%dma_start3A_151 : memref<32x128xf32, #tpu.memory_space<vmem_shared>>) target_semaphore(%run_scoped3A_147 : memref<!tpu.dma_semaphore, #tpu.memory_space<semaphore_mem>>)
      %dma_wait3A_152 = arith.constant 0 : i32
      %dma_wait3A_153 = tpu.memref_slice %arg12[%add3A_45, %dma_wait3A_152] : memref<5128x128xf32, #tpu.memory_space<vmem_shared>> -> memref<32x128xf32, #tpu.memory_space<vmem_shared>>
      %dma_wait3A_154 = arith.constant 0 : i32
      %dma_wait3A_155 = tpu.memref_slice %arg12[%add3A_45, %dma_wait3A_154] : memref<5128x128xf32, #tpu.memory_space<vmem_shared>> -> memref<32x128xf32, #tpu.memory_space<vmem_shared>>
      tpu.wait_dma2 semaphore(%run_scoped3A_147 : memref<!tpu.dma_semaphore, #tpu.memory_space<semaphore_mem>>) src(%arg11 : memref<32x128xf32, #tpu.memory_space<vmem>>) dst(%dma_wait3A_155 : memref<32x128xf32, #tpu.memory_space<vmem_shared>>)
      tpu.yield
    }) : () -> ()
    %mul3A_46 = arith.constant 320 : i32
    %mul3A_47 = arith.muli %arg1, %mul3A_46 : i32
    %add3A_48 = arith.constant 288 : i32
    %add3A_49 = arith.addi %mul3A_47, %add3A_48 : i32
    "tpu.region"() ({
      %run_scoped3A_147 = tpu.sem_alloc : memref<!tpu.dma_semaphore, #tpu.memory_space<semaphore_mem>>
      %dma_start3A_148 = arith.constant 0 : i32
      %dma_start3A_149 = tpu.memref_slice %arg12[%add3A_49, %dma_start3A_148] : memref<5128x128xf32, #tpu.memory_space<vmem_shared>> -> memref<32x128xf32, #tpu.memory_space<vmem_shared>>
      %dma_start3A_150 = arith.constant 0 : i32
      %dma_start3A_151 = tpu.memref_slice %arg12[%add3A_49, %dma_start3A_150] : memref<5128x128xf32, #tpu.memory_space<vmem_shared>> -> memref<32x128xf32, #tpu.memory_space<vmem_shared>>
      tpu.enqueue_dma source(%arg11 : memref<32x128xf32, #tpu.memory_space<vmem>>) target(%dma_start3A_151 : memref<32x128xf32, #tpu.memory_space<vmem_shared>>) target_semaphore(%run_scoped3A_147 : memref<!tpu.dma_semaphore, #tpu.memory_space<semaphore_mem>>)
      %dma_wait3A_152 = arith.constant 0 : i32
      %dma_wait3A_153 = tpu.memref_slice %arg12[%add3A_49, %dma_wait3A_152] : memref<5128x128xf32, #tpu.memory_space<vmem_shared>> -> memref<32x128xf32, #tpu.memory_space<vmem_shared>>
      %dma_wait3A_154 = arith.constant 0 : i32
      %dma_wait3A_155 = tpu.memref_slice %arg12[%add3A_49, %dma_wait3A_154] : memref<5128x128xf32, #tpu.memory_space<vmem_shared>> -> memref<32x128xf32, #tpu.memory_space<vmem_shared>>
      tpu.wait_dma2 semaphore(%run_scoped3A_147 : memref<!tpu.dma_semaphore, #tpu.memory_space<semaphore_mem>>) src(%arg11 : memref<32x128xf32, #tpu.memory_space<vmem>>) dst(%dma_wait3A_155 : memref<32x128xf32, #tpu.memory_space<vmem_shared>>)
      tpu.yield
    }) : () -> ()
    %barrier3A = arith.constant 0 : index
    tpu.barrier barrier_id(%barrier3A)
    %dma_start3A = arith.constant 0 : i32
    %dma_start3A_50 = tpu.memref_slice %arg7[%dma_start3A] : memref<20000xi32, #tpu.memory_space<vmem>> -> memref<80xi32, #tpu.memory_space<vmem>>
    %dma_start3A_51 = arith.constant 0 : i32
    %dma_start3A_52 = arith.constant 0 : i32
    %dma_start3A_53 = tpu.memref_slice %arg2[%dma_start3A_51, %dma_start3A_52] : memref<10000x128xf32, #tpu.memory_space<hbm>> -> memref<10000x128xf32, #tpu.memory_space<hbm>>
    tpu.enqueue_indirect_dma source(%dma_start3A_53 : memref<10000x128xf32, #tpu.memory_space<hbm>>) target(%arg9 : memref<80x128xf32, #tpu.memory_space<vmem>>) offsets(%dma_start3A_50 : memref<80xi32, #tpu.memory_space<vmem>>) semaphore(%arg13 : memref<!tpu.dma_semaphore, #tpu.memory_space<semaphore_mem>>)
    %scan3A_54 = arith.constant 0 : i32
    %scan3A_55 = arith.constant 0 : i32
    %scan3A_56 = arith.constant 124 : i32
    %scan3A_57 = arith.addi %scan3A_55, %scan3A_56 : i32
    %scan3A_58 = arith.constant 1 : i32
    %scan3A_59 = scf.for %scan3A_147 = %scan3A_55 to %scan3A_57 step %scan3A_58 iter_args(%scan3A_148 = %scan3A_54) -> (i32)  : i32 {
      %mul3A_149 = arith.constant 2 : i32
      %mul3A_150 = arith.muli %scan3A_147, %mul3A_149 : i32
      %dma_wait3A_151 = arith.constant 0 : i32
      %dma_wait3A_152 = tpu.memref_slice %arg7[%dma_wait3A_151] : memref<20000xi32, #tpu.memory_space<vmem>> -> memref<80xi32, #tpu.memory_space<vmem>>
      %dma_wait3A_153 = arith.constant 0 : i32
      %dma_wait3A_154 = arith.constant 0 : i32
      %dma_wait3A_155 = tpu.memref_slice %arg2[%dma_wait3A_153, %dma_wait3A_154] : memref<10000x128xf32, #tpu.memory_space<hbm>> -> memref<10000x128xf32, #tpu.memory_space<hbm>>
      tpu.wait_indirect_dma semaphore(%arg13 : memref<!tpu.dma_semaphore, #tpu.memory_space<semaphore_mem>>) src(%dma_wait3A_155 : memref<10000x128xf32, #tpu.memory_space<hbm>>) dst(%arg9 : memref<80x128xf32, #tpu.memory_space<vmem>>)
      %add3A_156 = arith.constant 1 : i32
      %add3A_157 = arith.addi %mul3A_150, %add3A_156 : i32
      %mul3A_158 = arith.constant 80 : i32
      %mul3A_159 = arith.muli %add3A_157, %mul3A_158 : i32
      %dma_start3A_160 = tpu.memref_slice %arg7[%mul3A_159] : memref<20000xi32, #tpu.memory_space<vmem>> -> memref<80xi32, #tpu.memory_space<vmem>>
      %dma_start3A_161 = arith.constant 0 : i32
      %dma_start3A_162 = arith.constant 0 : i32
      %dma_start3A_163 = tpu.memref_slice %arg2[%dma_start3A_161, %dma_start3A_162] : memref<10000x128xf32, #tpu.memory_space<hbm>> -> memref<10000x128xf32, #tpu.memory_space<hbm>>
      tpu.enqueue_indirect_dma source(%dma_start3A_163 : memref<10000x128xf32, #tpu.memory_space<hbm>>) target(%arg10 : memref<80x128xf32, #tpu.memory_space<vmem>>) offsets(%dma_start3A_160 : memref<80xi32, #tpu.memory_space<vmem>>) semaphore(%arg14 : memref<!tpu.dma_semaphore, #tpu.memory_space<semaphore_mem>>)
      "tpu.region"() ({
        %run_scoped3A_180 = tpu.sem_alloc : memref<!tpu.dma_semaphore, #tpu.memory_space<semaphore_mem>>
        %dma_start3A_181 = arith.constant 0 : i32
        %dma_start3A_182 = tpu.memref_slice %arg8[%mul3A_150, %dma_start3A_181] : memref<250x80xi32, #tpu.memory_space<vmem>> -> memref<1x80xi32, #tpu.memory_space<vmem>>
        %dma_start3A_183 = tpu.memref_squeeze %dma_start3A_182 : memref<1x80xi32, #tpu.memory_space<vmem>> -> memref<80xi32, #tpu.memory_space<vmem>>
        %dma_start3A_184 = arith.constant 0 : i32
        %dma_start3A_185 = arith.constant 0 : i32
        %dma_start3A_186 = tpu.memref_slice %arg12[%dma_start3A_184, %dma_start3A_185] : memref<5128x128xf32, #tpu.memory_space<vmem_shared>> -> memref<5128x128xf32, #tpu.memory_space<vmem_shared>>
        tpu.enqueue_indirect_dma source(%arg9 : memref<80x128xf32, #tpu.memory_space<vmem>>) target(%dma_start3A_186 : memref<5128x128xf32, #tpu.memory_space<vmem_shared>>) offsets(%dma_start3A_183 : memref<80xi32, #tpu.memory_space<vmem>>) semaphore(%run_scoped3A_180 : memref<!tpu.dma_semaphore, #tpu.memory_space<semaphore_mem>>) {add = true}
        %dma_wait3A_187 = arith.constant 0 : i32
        %dma_wait3A_188 = tpu.memref_slice %arg8[%mul3A_150, %dma_wait3A_187] : memref<250x80xi32, #tpu.memory_space<vmem>> -> memref<1x80xi32, #tpu.memory_space<vmem>>
        %dma_wait3A_189 = tpu.memref_squeeze %dma_wait3A_188 : memref<1x80xi32, #tpu.memory_space<vmem>> -> memref<80xi32, #tpu.memory_space<vmem>>
        %dma_wait3A_190 = arith.constant 0 : i32
        %dma_wait3A_191 = arith.constant 0 : i32
        %dma_wait3A_192 = tpu.memref_slice %arg12[%dma_wait3A_190, %dma_wait3A_191] : memref<5128x128xf32, #tpu.memory_space<vmem_shared>> -> memref<5128x128xf32, #tpu.memory_space<vmem_shared>>
        tpu.wait_indirect_dma semaphore(%run_scoped3A_180 : memref<!tpu.dma_semaphore, #tpu.memory_space<semaphore_mem>>) src(%arg9 : memref<80x128xf32, #tpu.memory_space<vmem>>) dst(%dma_wait3A_192 : memref<5128x128xf32, #tpu.memory_space<vmem_shared>>)
        tpu.yield
      }) : () -> ()
      %dma_wait3A_164 = arith.constant 0 : i32
      %dma_wait3A_165 = tpu.memref_slice %arg7[%dma_wait3A_164] : memref<20000xi32, #tpu.memory_space<vmem>> -> memref<80xi32, #tpu.memory_space<vmem>>
      %dma_wait3A_166 = arith.constant 0 : i32
      %dma_wait3A_167 = arith.constant 0 : i32
      %dma_wait3A_168 = tpu.memref_slice %arg2[%dma_wait3A_166, %dma_wait3A_167] : memref<10000x128xf32, #tpu.memory_space<hbm>> -> memref<10000x128xf32, #tpu.memory_space<hbm>>
      tpu.wait_indirect_dma semaphore(%arg14 : memref<!tpu.dma_semaphore, #tpu.memory_space<semaphore_mem>>) src(%dma_wait3A_168 : memref<10000x128xf32, #tpu.memory_space<hbm>>) dst(%arg10 : memref<80x128xf32, #tpu.memory_space<vmem>>)
      %add3A_169 = arith.constant 2 : i32
      %add3A_170 = arith.addi %mul3A_150, %add3A_169 : i32
      %mul3A_171 = arith.constant 80 : i32
      %mul3A_172 = arith.muli %add3A_170, %mul3A_171 : i32
      %dma_start3A_173 = tpu.memref_slice %arg7[%mul3A_172] : memref<20000xi32, #tpu.memory_space<vmem>> -> memref<80xi32, #tpu.memory_space<vmem>>
      %dma_start3A_174 = arith.constant 0 : i32
      %dma_start3A_175 = arith.constant 0 : i32
      %dma_start3A_176 = tpu.memref_slice %arg2[%dma_start3A_174, %dma_start3A_175] : memref<10000x128xf32, #tpu.memory_space<hbm>> -> memref<10000x128xf32, #tpu.memory_space<hbm>>
      tpu.enqueue_indirect_dma source(%dma_start3A_176 : memref<10000x128xf32, #tpu.memory_space<hbm>>) target(%arg9 : memref<80x128xf32, #tpu.memory_space<vmem>>) offsets(%dma_start3A_173 : memref<80xi32, #tpu.memory_space<vmem>>) semaphore(%arg13 : memref<!tpu.dma_semaphore, #tpu.memory_space<semaphore_mem>>)
      %add3A_177 = arith.constant 1 : i32
      %add3A_178 = arith.addi %mul3A_150, %add3A_177 : i32
      "tpu.region"() ({
        %run_scoped3A_180 = tpu.sem_alloc : memref<!tpu.dma_semaphore, #tpu.memory_space<semaphore_mem>>
        %dma_start3A_181 = arith.constant 0 : i32
        %dma_start3A_182 = tpu.memref_slice %arg8[%add3A_178, %dma_start3A_181] : memref<250x80xi32, #tpu.memory_space<vmem>> -> memref<1x80xi32, #tpu.memory_space<vmem>>
        %dma_start3A_183 = tpu.memref_squeeze %dma_start3A_182 : memref<1x80xi32, #tpu.memory_space<vmem>> -> memref<80xi32, #tpu.memory_space<vmem>>
        %dma_start3A_184 = arith.constant 0 : i32
        %dma_start3A_185 = arith.constant 0 : i32
        %dma_start3A_186 = tpu.memref_slice %arg12[%dma_start3A_184, %dma_start3A_185] : memref<5128x128xf32, #tpu.memory_space<vmem_shared>> -> memref<5128x128xf32, #tpu.memory_space<vmem_shared>>
        tpu.enqueue_indirect_dma source(%arg10 : memref<80x128xf32, #tpu.memory_space<vmem>>) target(%dma_start3A_186 : memref<5128x128xf32, #tpu.memory_space<vmem_shared>>) offsets(%dma_start3A_183 : memref<80xi32, #tpu.memory_space<vmem>>) semaphore(%run_scoped3A_180 : memref<!tpu.dma_semaphore, #tpu.memory_space<semaphore_mem>>) {add = true}
        %dma_wait3A_187 = arith.constant 0 : i32
        %dma_wait3A_188 = tpu.memref_slice %arg8[%add3A_178, %dma_wait3A_187] : memref<250x80xi32, #tpu.memory_space<vmem>> -> memref<1x80xi32, #tpu.memory_space<vmem>>
        %dma_wait3A_189 = tpu.memref_squeeze %dma_wait3A_188 : memref<1x80xi32, #tpu.memory_space<vmem>> -> memref<80xi32, #tpu.memory_space<vmem>>
        %dma_wait3A_190 = arith.constant 0 : i32
        %dma_wait3A_191 = arith.constant 0 : i32
        %dma_wait3A_192 = tpu.memref_slice %arg12[%dma_wait3A_190, %dma_wait3A_191] : memref<5128x128xf32, #tpu.memory_space<vmem_shared>> -> memref<5128x128xf32, #tpu.memory_space<vmem_shared>>
        tpu.wait_indirect_dma semaphore(%run_scoped3A_180 : memref<!tpu.dma_semaphore, #tpu.memory_space<semaphore_mem>>) src(%arg10 : memref<80x128xf32, #tpu.memory_space<vmem>>) dst(%dma_wait3A_192 : memref<5128x128xf32, #tpu.memory_space<vmem_shared>>)
        tpu.yield
      }) : () -> ()
      %scan3A_179 = arith.constant 0 : i32
      scf.yield %scan3A_179 : i32
    }
    %scan3A_60 = arith.constant 124 : i32
    %dma_wait3A = arith.constant 0 : i32
    %dma_wait3A_61 = tpu.memref_slice %arg7[%dma_wait3A] : memref<20000xi32, #tpu.memory_space<vmem>> -> memref<80xi32, #tpu.memory_space<vmem>>
    %dma_wait3A_62 = arith.constant 0 : i32
    %dma_wait3A_63 = arith.constant 0 : i32
    %dma_wait3A_64 = tpu.memref_slice %arg2[%dma_wait3A_62, %dma_wait3A_63] : memref<10000x128xf32, #tpu.memory_space<hbm>> -> memref<10000x128xf32, #tpu.memory_space<hbm>>
    tpu.wait_indirect_dma semaphore(%arg13 : memref<!tpu.dma_semaphore, #tpu.memory_space<semaphore_mem>>) src(%dma_wait3A_64 : memref<10000x128xf32, #tpu.memory_space<hbm>>) dst(%arg9 : memref<80x128xf32, #tpu.memory_space<vmem>>)
    %dma_start3A_65 = arith.constant 19920 : i32
    %dma_start3A_66 = tpu.memref_slice %arg7[%dma_start3A_65] : memref<20000xi32, #tpu.memory_space<vmem>> -> memref<80xi32, #tpu.memory_space<vmem>>
    %dma_start3A_67 = arith.constant 0 : i32
    %dma_start3A_68 = arith.constant 0 : i32
    %dma_start3A_69 = tpu.memref_slice %arg2[%dma_start3A_67, %dma_start3A_68] : memref<10000x128xf32, #tpu.memory_space<hbm>> -> memref<10000x128xf32, #tpu.memory_space<hbm>>
    tpu.enqueue_indirect_dma source(%dma_start3A_69 : memref<10000x128xf32, #tpu.memory_space<hbm>>) target(%arg10 : memref<80x128xf32, #tpu.memory_space<vmem>>) offsets(%dma_start3A_66 : memref<80xi32, #tpu.memory_space<vmem>>) semaphore(%arg14 : memref<!tpu.dma_semaphore, #tpu.memory_space<semaphore_mem>>)
    %run_scoped3A = arith.constant 248 : i32
    "tpu.region"() ({
      %run_scoped3A_147 = tpu.sem_alloc : memref<!tpu.dma_semaphore, #tpu.memory_space<semaphore_mem>>
      %dma_start3A_148 = arith.constant 0 : i32
      %dma_start3A_149 = tpu.memref_slice %arg8[%run_scoped3A, %dma_start3A_148] : memref<250x80xi32, #tpu.memory_space<vmem>> -> memref<1x80xi32, #tpu.memory_space<vmem>>
      %dma_start3A_150 = tpu.memref_squeeze %dma_start3A_149 : memref<1x80xi32, #tpu.memory_space<vmem>> -> memref<80xi32, #tpu.memory_space<vmem>>
      %dma_start3A_151 = arith.constant 0 : i32
      %dma_start3A_152 = arith.constant 0 : i32
      %dma_start3A_153 = tpu.memref_slice %arg12[%dma_start3A_151, %dma_start3A_152] : memref<5128x128xf32, #tpu.memory_space<vmem_shared>> -> memref<5128x128xf32, #tpu.memory_space<vmem_shared>>
      tpu.enqueue_indirect_dma source(%arg9 : memref<80x128xf32, #tpu.memory_space<vmem>>) target(%dma_start3A_153 : memref<5128x128xf32, #tpu.memory_space<vmem_shared>>) offsets(%dma_start3A_150 : memref<80xi32, #tpu.memory_space<vmem>>) semaphore(%run_scoped3A_147 : memref<!tpu.dma_semaphore, #tpu.memory_space<semaphore_mem>>) {add = true}
      %dma_wait3A_154 = arith.constant 0 : i32
      %dma_wait3A_155 = tpu.memref_slice %arg8[%run_scoped3A, %dma_wait3A_154] : memref<250x80xi32, #tpu.memory_space<vmem>> -> memref<1x80xi32, #tpu.memory_space<vmem>>
      %dma_wait3A_156 = tpu.memref_squeeze %dma_wait3A_155 : memref<1x80xi32, #tpu.memory_space<vmem>> -> memref<80xi32, #tpu.memory_space<vmem>>
      %dma_wait3A_157 = arith.constant 0 : i32
      %dma_wait3A_158 = arith.constant 0 : i32
      %dma_wait3A_159 = tpu.memref_slice %arg12[%dma_wait3A_157, %dma_wait3A_158] : memref<5128x128xf32, #tpu.memory_space<vmem_shared>> -> memref<5128x128xf32, #tpu.memory_space<vmem_shared>>
      tpu.wait_indirect_dma semaphore(%run_scoped3A_147 : memref<!tpu.dma_semaphore, #tpu.memory_space<semaphore_mem>>) src(%arg9 : memref<80x128xf32, #tpu.memory_space<vmem>>) dst(%dma_wait3A_159 : memref<5128x128xf32, #tpu.memory_space<vmem_shared>>)
      tpu.yield
    }) : () -> ()
    %dma_wait3A_70 = arith.constant 0 : i32
    %dma_wait3A_71 = tpu.memref_slice %arg7[%dma_wait3A_70] : memref<20000xi32, #tpu.memory_space<vmem>> -> memref<80xi32, #tpu.memory_space<vmem>>
    %dma_wait3A_72 = arith.constant 0 : i32
    %dma_wait3A_73 = arith.constant 0 : i32
    %dma_wait3A_74 = tpu.memref_slice %arg2[%dma_wait3A_72, %dma_wait3A_73] : memref<10000x128xf32, #tpu.memory_space<hbm>> -> memref<10000x128xf32, #tpu.memory_space<hbm>>
    tpu.wait_indirect_dma semaphore(%arg14 : memref<!tpu.dma_semaphore, #tpu.memory_space<semaphore_mem>>) src(%dma_wait3A_74 : memref<10000x128xf32, #tpu.memory_space<hbm>>) dst(%arg10 : memref<80x128xf32, #tpu.memory_space<vmem>>)
    %run_scoped3A_75 = arith.constant 249 : i32
    "tpu.region"() ({
      %run_scoped3A_147 = tpu.sem_alloc : memref<!tpu.dma_semaphore, #tpu.memory_space<semaphore_mem>>
      %dma_start3A_148 = arith.constant 0 : i32
      %dma_start3A_149 = tpu.memref_slice %arg8[%run_scoped3A_75, %dma_start3A_148] : memref<250x80xi32, #tpu.memory_space<vmem>> -> memref<1x80xi32, #tpu.memory_space<vmem>>
      %dma_start3A_150 = tpu.memref_squeeze %dma_start3A_149 : memref<1x80xi32, #tpu.memory_space<vmem>> -> memref<80xi32, #tpu.memory_space<vmem>>
      %dma_start3A_151 = arith.constant 0 : i32
      %dma_start3A_152 = arith.constant 0 : i32
      %dma_start3A_153 = tpu.memref_slice %arg12[%dma_start3A_151, %dma_start3A_152] : memref<5128x128xf32, #tpu.memory_space<vmem_shared>> -> memref<5128x128xf32, #tpu.memory_space<vmem_shared>>
      tpu.enqueue_indirect_dma source(%arg10 : memref<80x128xf32, #tpu.memory_space<vmem>>) target(%dma_start3A_153 : memref<5128x128xf32, #tpu.memory_space<vmem_shared>>) offsets(%dma_start3A_150 : memref<80xi32, #tpu.memory_space<vmem>>) semaphore(%run_scoped3A_147 : memref<!tpu.dma_semaphore, #tpu.memory_space<semaphore_mem>>) {add = true}
      %dma_wait3A_154 = arith.constant 0 : i32
      %dma_wait3A_155 = tpu.memref_slice %arg8[%run_scoped3A_75, %dma_wait3A_154] : memref<250x80xi32, #tpu.memory_space<vmem>> -> memref<1x80xi32, #tpu.memory_space<vmem>>
      %dma_wait3A_156 = tpu.memref_squeeze %dma_wait3A_155 : memref<1x80xi32, #tpu.memory_space<vmem>> -> memref<80xi32, #tpu.memory_space<vmem>>
      %dma_wait3A_157 = arith.constant 0 : i32
      %dma_wait3A_158 = arith.constant 0 : i32
      %dma_wait3A_159 = tpu.memref_slice %arg12[%dma_wait3A_157, %dma_wait3A_158] : memref<5128x128xf32, #tpu.memory_space<vmem_shared>> -> memref<5128x128xf32, #tpu.memory_space<vmem_shared>>
      tpu.wait_indirect_dma semaphore(%run_scoped3A_147 : memref<!tpu.dma_semaphore, #tpu.memory_space<semaphore_mem>>) src(%arg10 : memref<80x128xf32, #tpu.memory_space<vmem>>) dst(%dma_wait3A_159 : memref<5128x128xf32, #tpu.memory_space<vmem_shared>>)
      tpu.yield
    }) : () -> ()
    %barrier3A_76 = arith.constant 0 : index
    tpu.barrier barrier_id(%barrier3A_76)
    %mul3A_77 = arith.constant 320 : i32
    %mul3A_78 = arith.muli %arg1, %mul3A_77 : i32
    %add3A_79 = arith.constant 0 : i32
    %add3A_80 = arith.addi %mul3A_78, %add3A_79 : i32
    "tpu.region"() ({
      %run_scoped3A_147 = tpu.sem_alloc : memref<!tpu.dma_semaphore, #tpu.memory_space<semaphore_mem>>
      %dma_start3A_148 = arith.constant 0 : i32
      %dma_start3A_149 = tpu.memref_slice %arg12[%add3A_80, %dma_start3A_148] : memref<5128x128xf32, #tpu.memory_space<vmem_shared>> -> memref<32x128xf32, #tpu.memory_space<vmem_shared>>
      %dma_start3A_150 = arith.constant 0 : i32
      %dma_start3A_151 = tpu.memref_slice %arg12[%add3A_80, %dma_start3A_150] : memref<5128x128xf32, #tpu.memory_space<vmem_shared>> -> memref<32x128xf32, #tpu.memory_space<vmem_shared>>
      tpu.enqueue_dma source(%dma_start3A_151 : memref<32x128xf32, #tpu.memory_space<vmem_shared>>) target(%arg11 : memref<32x128xf32, #tpu.memory_space<vmem>>) target_semaphore(%run_scoped3A_147 : memref<!tpu.dma_semaphore, #tpu.memory_space<semaphore_mem>>)
      %dma_wait3A_152 = arith.constant 0 : i32
      %dma_wait3A_153 = tpu.memref_slice %arg12[%add3A_80, %dma_wait3A_152] : memref<5128x128xf32, #tpu.memory_space<vmem_shared>> -> memref<32x128xf32, #tpu.memory_space<vmem_shared>>
      %dma_wait3A_154 = arith.constant 0 : i32
      %dma_wait3A_155 = tpu.memref_slice %arg12[%add3A_80, %dma_wait3A_154] : memref<5128x128xf32, #tpu.memory_space<vmem_shared>> -> memref<32x128xf32, #tpu.memory_space<vmem_shared>>
      tpu.wait_dma2 semaphore(%run_scoped3A_147 : memref<!tpu.dma_semaphore, #tpu.memory_space<semaphore_mem>>) src(%dma_wait3A_155 : memref<32x128xf32, #tpu.memory_space<vmem_shared>>) dst(%arg11 : memref<32x128xf32, #tpu.memory_space<vmem>>)
      tpu.yield
    }) : () -> ()
    %mul3A_81 = arith.constant 5120 : i32
    %mul3A_82 = arith.muli %arg0, %mul3A_81 : i32
    %add3A_83 = arith.addi %mul3A_82, %add3A_80 : i32
    "tpu.region"() ({
      %run_scoped3A_147 = tpu.sem_alloc : memref<!tpu.dma_semaphore, #tpu.memory_space<semaphore_mem>>
      %dma_start3A_148 = arith.constant 0 : i32
      %dma_start3A_149 = tpu.memref_slice %arg6[%add3A_83, %dma_start3A_148] : memref<10240x128xf32, #tpu.memory_space<hbm>> -> memref<32x128xf32, #tpu.memory_space<hbm>>
      %dma_start3A_150 = arith.constant 0 : i32
      %dma_start3A_151 = tpu.memref_slice %arg6[%add3A_83, %dma_start3A_150] : memref<10240x128xf32, #tpu.memory_space<hbm>> -> memref<32x128xf32, #tpu.memory_space<hbm>>
      tpu.enqueue_dma source(%arg11 : memref<32x128xf32, #tpu.memory_space<vmem>>) target(%dma_start3A_151 : memref<32x128xf32, #tpu.memory_space<hbm>>) target_semaphore(%run_scoped3A_147 : memref<!tpu.dma_semaphore, #tpu.memory_space<semaphore_mem>>)
      %dma_wait3A_152 = arith.constant 0 : i32
      %dma_wait3A_153 = tpu.memref_slice %arg6[%add3A_83, %dma_wait3A_152] : memref<10240x128xf32, #tpu.memory_space<hbm>> -> memref<32x128xf32, #tpu.memory_space<hbm>>
      %dma_wait3A_154 = arith.constant 0 : i32
      %dma_wait3A_155 = tpu.memref_slice %arg6[%add3A_83, %dma_wait3A_154] : memref<10240x128xf32, #tpu.memory_space<hbm>> -> memref<32x128xf32, #tpu.memory_space<hbm>>
      tpu.wait_dma2 semaphore(%run_scoped3A_147 : memref<!tpu.dma_semaphore, #tpu.memory_space<semaphore_mem>>) src(%arg11 : memref<32x128xf32, #tpu.memory_space<vmem>>) dst(%dma_wait3A_155 : memref<32x128xf32, #tpu.memory_space<hbm>>)
      tpu.yield
    }) : () -> ()
    %mul3A_84 = arith.constant 320 : i32
    %mul3A_85 = arith.muli %arg1, %mul3A_84 : i32
    %add3A_86 = arith.constant 32 : i32
    %add3A_87 = arith.addi %mul3A_85, %add3A_86 : i32
    "tpu.region"() ({
      %run_scoped3A_147 = tpu.sem_alloc : memref<!tpu.dma_semaphore, #tpu.memory_space<semaphore_mem>>
      %dma_start3A_148 = arith.constant 0 : i32
      %dma_start3A_149 = tpu.memref_slice %arg12[%add3A_87, %dma_start3A_148] : memref<5128x128xf32, #tpu.memory_space<vmem_shared>> -> memref<32x128xf32, #tpu.memory_space<vmem_shared>>
      %dma_start3A_150 = arith.constant 0 : i32
      %dma_start3A_151 = tpu.memref_slice %arg12[%add3A_87, %dma_start3A_150] : memref<5128x128xf32, #tpu.memory_space<vmem_shared>> -> memref<32x128xf32, #tpu.memory_space<vmem_shared>>
      tpu.enqueue_dma source(%dma_start3A_151 : memref<32x128xf32, #tpu.memory_space<vmem_shared>>) target(%arg11 : memref<32x128xf32, #tpu.memory_space<vmem>>) target_semaphore(%run_scoped3A_147 : memref<!tpu.dma_semaphore, #tpu.memory_space<semaphore_mem>>)
      %dma_wait3A_152 = arith.constant 0 : i32
      %dma_wait3A_153 = tpu.memref_slice %arg12[%add3A_87, %dma_wait3A_152] : memref<5128x128xf32, #tpu.memory_space<vmem_shared>> -> memref<32x128xf32, #tpu.memory_space<vmem_shared>>
      %dma_wait3A_154 = arith.constant 0 : i32
      %dma_wait3A_155 = tpu.memref_slice %arg12[%add3A_87, %dma_wait3A_154] : memref<5128x128xf32, #tpu.memory_space<vmem_shared>> -> memref<32x128xf32, #tpu.memory_space<vmem_shared>>
      tpu.wait_dma2 semaphore(%run_scoped3A_147 : memref<!tpu.dma_semaphore, #tpu.memory_space<semaphore_mem>>) src(%dma_wait3A_155 : memref<32x128xf32, #tpu.memory_space<vmem_shared>>) dst(%arg11 : memref<32x128xf32, #tpu.memory_space<vmem>>)
      tpu.yield
    }) : () -> ()
    %mul3A_88 = arith.constant 5120 : i32
    %mul3A_89 = arith.muli %arg0, %mul3A_88 : i32
    %add3A_90 = arith.addi %mul3A_89, %add3A_87 : i32
    "tpu.region"() ({
      %run_scoped3A_147 = tpu.sem_alloc : memref<!tpu.dma_semaphore, #tpu.memory_space<semaphore_mem>>
      %dma_start3A_148 = arith.constant 0 : i32
      %dma_start3A_149 = tpu.memref_slice %arg6[%add3A_90, %dma_start3A_148] : memref<10240x128xf32, #tpu.memory_space<hbm>> -> memref<32x128xf32, #tpu.memory_space<hbm>>
      %dma_start3A_150 = arith.constant 0 : i32
      %dma_start3A_151 = tpu.memref_slice %arg6[%add3A_90, %dma_start3A_150] : memref<10240x128xf32, #tpu.memory_space<hbm>> -> memref<32x128xf32, #tpu.memory_space<hbm>>
      tpu.enqueue_dma source(%arg11 : memref<32x128xf32, #tpu.memory_space<vmem>>) target(%dma_start3A_151 : memref<32x128xf32, #tpu.memory_space<hbm>>) target_semaphore(%run_scoped3A_147 : memref<!tpu.dma_semaphore, #tpu.memory_space<semaphore_mem>>)
      %dma_wait3A_152 = arith.constant 0 : i32
      %dma_wait3A_153 = tpu.memref_slice %arg6[%add3A_90, %dma_wait3A_152] : memref<10240x128xf32, #tpu.memory_space<hbm>> -> memref<32x128xf32, #tpu.memory_space<hbm>>
      %dma_wait3A_154 = arith.constant 0 : i32
      %dma_wait3A_155 = tpu.memref_slice %arg6[%add3A_90, %dma_wait3A_154] : memref<10240x128xf32, #tpu.memory_space<hbm>> -> memref<32x128xf32, #tpu.memory_space<hbm>>
      tpu.wait_dma2 semaphore(%run_scoped3A_147 : memref<!tpu.dma_semaphore, #tpu.memory_space<semaphore_mem>>) src(%arg11 : memref<32x128xf32, #tpu.memory_space<vmem>>) dst(%dma_wait3A_155 : memref<32x128xf32, #tpu.memory_space<hbm>>)
      tpu.yield
    }) : () -> ()
    %mul3A_91 = arith.constant 320 : i32
    %mul3A_92 = arith.muli %arg1, %mul3A_91 : i32
    %add3A_93 = arith.constant 64 : i32
    %add3A_94 = arith.addi %mul3A_92, %add3A_93 : i32
    "tpu.region"() ({
      %run_scoped3A_147 = tpu.sem_alloc : memref<!tpu.dma_semaphore, #tpu.memory_space<semaphore_mem>>
      %dma_start3A_148 = arith.constant 0 : i32
      %dma_start3A_149 = tpu.memref_slice %arg12[%add3A_94, %dma_start3A_148] : memref<5128x128xf32, #tpu.memory_space<vmem_shared>> -> memref<32x128xf32, #tpu.memory_space<vmem_shared>>
      %dma_start3A_150 = arith.constant 0 : i32
      %dma_start3A_151 = tpu.memref_slice %arg12[%add3A_94, %dma_start3A_150] : memref<5128x128xf32, #tpu.memory_space<vmem_shared>> -> memref<32x128xf32, #tpu.memory_space<vmem_shared>>
      tpu.enqueue_dma source(%dma_start3A_151 : memref<32x128xf32, #tpu.memory_space<vmem_shared>>) target(%arg11 : memref<32x128xf32, #tpu.memory_space<vmem>>) target_semaphore(%run_scoped3A_147 : memref<!tpu.dma_semaphore, #tpu.memory_space<semaphore_mem>>)
      %dma_wait3A_152 = arith.constant 0 : i32
      %dma_wait3A_153 = tpu.memref_slice %arg12[%add3A_94, %dma_wait3A_152] : memref<5128x128xf32, #tpu.memory_space<vmem_shared>> -> memref<32x128xf32, #tpu.memory_space<vmem_shared>>
      %dma_wait3A_154 = arith.constant 0 : i32
      %dma_wait3A_155 = tpu.memref_slice %arg12[%add3A_94, %dma_wait3A_154] : memref<5128x128xf32, #tpu.memory_space<vmem_shared>> -> memref<32x128xf32, #tpu.memory_space<vmem_shared>>
      tpu.wait_dma2 semaphore(%run_scoped3A_147 : memref<!tpu.dma_semaphore, #tpu.memory_space<semaphore_mem>>) src(%dma_wait3A_155 : memref<32x128xf32, #tpu.memory_space<vmem_shared>>) dst(%arg11 : memref<32x128xf32, #tpu.memory_space<vmem>>)
      tpu.yield
    }) : () -> ()
    %mul3A_95 = arith.constant 5120 : i32
    %mul3A_96 = arith.muli %arg0, %mul3A_95 : i32
    %add3A_97 = arith.addi %mul3A_96, %add3A_94 : i32
    "tpu.region"() ({
      %run_scoped3A_147 = tpu.sem_alloc : memref<!tpu.dma_semaphore, #tpu.memory_space<semaphore_mem>>
      %dma_start3A_148 = arith.constant 0 : i32
      %dma_start3A_149 = tpu.memref_slice %arg6[%add3A_97, %dma_start3A_148] : memref<10240x128xf32, #tpu.memory_space<hbm>> -> memref<32x128xf32, #tpu.memory_space<hbm>>
      %dma_start3A_150 = arith.constant 0 : i32
      %dma_start3A_151 = tpu.memref_slice %arg6[%add3A_97, %dma_start3A_150] : memref<10240x128xf32, #tpu.memory_space<hbm>> -> memref<32x128xf32, #tpu.memory_space<hbm>>
      tpu.enqueue_dma source(%arg11 : memref<32x128xf32, #tpu.memory_space<vmem>>) target(%dma_start3A_151 : memref<32x128xf32, #tpu.memory_space<hbm>>) target_semaphore(%run_scoped3A_147 : memref<!tpu.dma_semaphore, #tpu.memory_space<semaphore_mem>>)
      %dma_wait3A_152 = arith.constant 0 : i32
      %dma_wait3A_153 = tpu.memref_slice %arg6[%add3A_97, %dma_wait3A_152] : memref<10240x128xf32, #tpu.memory_space<hbm>> -> memref<32x128xf32, #tpu.memory_space<hbm>>
      %dma_wait3A_154 = arith.constant 0 : i32
      %dma_wait3A_155 = tpu.memref_slice %arg6[%add3A_97, %dma_wait3A_154] : memref<10240x128xf32, #tpu.memory_space<hbm>> -> memref<32x128xf32, #tpu.memory_space<hbm>>
      tpu.wait_dma2 semaphore(%run_scoped3A_147 : memref<!tpu.dma_semaphore, #tpu.memory_space<semaphore_mem>>) src(%arg11 : memref<32x128xf32, #tpu.memory_space<vmem>>) dst(%dma_wait3A_155 : memref<32x128xf32, #tpu.memory_space<hbm>>)
      tpu.yield
    }) : () -> ()
    %mul3A_98 = arith.constant 320 : i32
    %mul3A_99 = arith.muli %arg1, %mul3A_98 : i32
    %add3A_100 = arith.constant 96 : i32
    %add3A_101 = arith.addi %mul3A_99, %add3A_100 : i32
    "tpu.region"() ({
      %run_scoped3A_147 = tpu.sem_alloc : memref<!tpu.dma_semaphore, #tpu.memory_space<semaphore_mem>>
      %dma_start3A_148 = arith.constant 0 : i32
      %dma_start3A_149 = tpu.memref_slice %arg12[%add3A_101, %dma_start3A_148] : memref<5128x128xf32, #tpu.memory_space<vmem_shared>> -> memref<32x128xf32, #tpu.memory_space<vmem_shared>>
      %dma_start3A_150 = arith.constant 0 : i32
      %dma_start3A_151 = tpu.memref_slice %arg12[%add3A_101, %dma_start3A_150] : memref<5128x128xf32, #tpu.memory_space<vmem_shared>> -> memref<32x128xf32, #tpu.memory_space<vmem_shared>>
      tpu.enqueue_dma source(%dma_start3A_151 : memref<32x128xf32, #tpu.memory_space<vmem_shared>>) target(%arg11 : memref<32x128xf32, #tpu.memory_space<vmem>>) target_semaphore(%run_scoped3A_147 : memref<!tpu.dma_semaphore, #tpu.memory_space<semaphore_mem>>)
      %dma_wait3A_152 = arith.constant 0 : i32
      %dma_wait3A_153 = tpu.memref_slice %arg12[%add3A_101, %dma_wait3A_152] : memref<5128x128xf32, #tpu.memory_space<vmem_shared>> -> memref<32x128xf32, #tpu.memory_space<vmem_shared>>
      %dma_wait3A_154 = arith.constant 0 : i32
      %dma_wait3A_155 = tpu.memref_slice %arg12[%add3A_101, %dma_wait3A_154] : memref<5128x128xf32, #tpu.memory_space<vmem_shared>> -> memref<32x128xf32, #tpu.memory_space<vmem_shared>>
      tpu.wait_dma2 semaphore(%run_scoped3A_147 : memref<!tpu.dma_semaphore, #tpu.memory_space<semaphore_mem>>) src(%dma_wait3A_155 : memref<32x128xf32, #tpu.memory_space<vmem_shared>>) dst(%arg11 : memref<32x128xf32, #tpu.memory_space<vmem>>)
      tpu.yield
    }) : () -> ()
    %mul3A_102 = arith.constant 5120 : i32
    %mul3A_103 = arith.muli %arg0, %mul3A_102 : i32
    %add3A_104 = arith.addi %mul3A_103, %add3A_101 : i32
    "tpu.region"() ({
      %run_scoped3A_147 = tpu.sem_alloc : memref<!tpu.dma_semaphore, #tpu.memory_space<semaphore_mem>>
      %dma_start3A_148 = arith.constant 0 : i32
      %dma_start3A_149 = tpu.memref_slice %arg6[%add3A_104, %dma_start3A_148] : memref<10240x128xf32, #tpu.memory_space<hbm>> -> memref<32x128xf32, #tpu.memory_space<hbm>>
      %dma_start3A_150 = arith.constant 0 : i32
      %dma_start3A_151 = tpu.memref_slice %arg6[%add3A_104, %dma_start3A_150] : memref<10240x128xf32, #tpu.memory_space<hbm>> -> memref<32x128xf32, #tpu.memory_space<hbm>>
      tpu.enqueue_dma source(%arg11 : memref<32x128xf32, #tpu.memory_space<vmem>>) target(%dma_start3A_151 : memref<32x128xf32, #tpu.memory_space<hbm>>) target_semaphore(%run_scoped3A_147 : memref<!tpu.dma_semaphore, #tpu.memory_space<semaphore_mem>>)
      %dma_wait3A_152 = arith.constant 0 : i32
      %dma_wait3A_153 = tpu.memref_slice %arg6[%add3A_104, %dma_wait3A_152] : memref<10240x128xf32, #tpu.memory_space<hbm>> -> memref<32x128xf32, #tpu.memory_space<hbm>>
      %dma_wait3A_154 = arith.constant 0 : i32
      %dma_wait3A_155 = tpu.memref_slice %arg6[%add3A_104, %dma_wait3A_154] : memref<10240x128xf32, #tpu.memory_space<hbm>> -> memref<32x128xf32, #tpu.memory_space<hbm>>
      tpu.wait_dma2 semaphore(%run_scoped3A_147 : memref<!tpu.dma_semaphore, #tpu.memory_space<semaphore_mem>>) src(%arg11 : memref<32x128xf32, #tpu.memory_space<vmem>>) dst(%dma_wait3A_155 : memref<32x128xf32, #tpu.memory_space<hbm>>)
      tpu.yield
    }) : () -> ()
    %mul3A_105 = arith.constant 320 : i32
    %mul3A_106 = arith.muli %arg1, %mul3A_105 : i32
    %add3A_107 = arith.constant 128 : i32
    %add3A_108 = arith.addi %mul3A_106, %add3A_107 : i32
    "tpu.region"() ({
      %run_scoped3A_147 = tpu.sem_alloc : memref<!tpu.dma_semaphore, #tpu.memory_space<semaphore_mem>>
      %dma_start3A_148 = arith.constant 0 : i32
      %dma_start3A_149 = tpu.memref_slice %arg12[%add3A_108, %dma_start3A_148] : memref<5128x128xf32, #tpu.memory_space<vmem_shared>> -> memref<32x128xf32, #tpu.memory_space<vmem_shared>>
      %dma_start3A_150 = arith.constant 0 : i32
      %dma_start3A_151 = tpu.memref_slice %arg12[%add3A_108, %dma_start3A_150] : memref<5128x128xf32, #tpu.memory_space<vmem_shared>> -> memref<32x128xf32, #tpu.memory_space<vmem_shared>>
      tpu.enqueue_dma source(%dma_start3A_151 : memref<32x128xf32, #tpu.memory_space<vmem_shared>>) target(%arg11 : memref<32x128xf32, #tpu.memory_space<vmem>>) target_semaphore(%run_scoped3A_147 : memref<!tpu.dma_semaphore, #tpu.memory_space<semaphore_mem>>)
      %dma_wait3A_152 = arith.constant 0 : i32
      %dma_wait3A_153 = tpu.memref_slice %arg12[%add3A_108, %dma_wait3A_152] : memref<5128x128xf32, #tpu.memory_space<vmem_shared>> -> memref<32x128xf32, #tpu.memory_space<vmem_shared>>
      %dma_wait3A_154 = arith.constant 0 : i32
      %dma_wait3A_155 = tpu.memref_slice %arg12[%add3A_108, %dma_wait3A_154] : memref<5128x128xf32, #tpu.memory_space<vmem_shared>> -> memref<32x128xf32, #tpu.memory_space<vmem_shared>>
      tpu.wait_dma2 semaphore(%run_scoped3A_147 : memref<!tpu.dma_semaphore, #tpu.memory_space<semaphore_mem>>) src(%dma_wait3A_155 : memref<32x128xf32, #tpu.memory_space<vmem_shared>>) dst(%arg11 : memref<32x128xf32, #tpu.memory_space<vmem>>)
      tpu.yield
    }) : () -> ()
    %mul3A_109 = arith.constant 5120 : i32
    %mul3A_110 = arith.muli %arg0, %mul3A_109 : i32
    %add3A_111 = arith.addi %mul3A_110, %add3A_108 : i32
    "tpu.region"() ({
      %run_scoped3A_147 = tpu.sem_alloc : memref<!tpu.dma_semaphore, #tpu.memory_space<semaphore_mem>>
      %dma_start3A_148 = arith.constant 0 : i32
      %dma_start3A_149 = tpu.memref_slice %arg6[%add3A_111, %dma_start3A_148] : memref<10240x128xf32, #tpu.memory_space<hbm>> -> memref<32x128xf32, #tpu.memory_space<hbm>>
      %dma_start3A_150 = arith.constant 0 : i32
      %dma_start3A_151 = tpu.memref_slice %arg6[%add3A_111, %dma_start3A_150] : memref<10240x128xf32, #tpu.memory_space<hbm>> -> memref<32x128xf32, #tpu.memory_space<hbm>>
      tpu.enqueue_dma source(%arg11 : memref<32x128xf32, #tpu.memory_space<vmem>>) target(%dma_start3A_151 : memref<32x128xf32, #tpu.memory_space<hbm>>) target_semaphore(%run_scoped3A_147 : memref<!tpu.dma_semaphore, #tpu.memory_space<semaphore_mem>>)
      %dma_wait3A_152 = arith.constant 0 : i32
      %dma_wait3A_153 = tpu.memref_slice %arg6[%add3A_111, %dma_wait3A_152] : memref<10240x128xf32, #tpu.memory_space<hbm>> -> memref<32x128xf32, #tpu.memory_space<hbm>>
      %dma_wait3A_154 = arith.constant 0 : i32
      %dma_wait3A_155 = tpu.memref_slice %arg6[%add3A_111, %dma_wait3A_154] : memref<10240x128xf32, #tpu.memory_space<hbm>> -> memref<32x128xf32, #tpu.memory_space<hbm>>
      tpu.wait_dma2 semaphore(%run_scoped3A_147 : memref<!tpu.dma_semaphore, #tpu.memory_space<semaphore_mem>>) src(%arg11 : memref<32x128xf32, #tpu.memory_space<vmem>>) dst(%dma_wait3A_155 : memref<32x128xf32, #tpu.memory_space<hbm>>)
      tpu.yield
    }) : () -> ()
    %mul3A_112 = arith.constant 320 : i32
    %mul3A_113 = arith.muli %arg1, %mul3A_112 : i32
    %add3A_114 = arith.constant 160 : i32
    %add3A_115 = arith.addi %mul3A_113, %add3A_114 : i32
    "tpu.region"() ({
      %run_scoped3A_147 = tpu.sem_alloc : memref<!tpu.dma_semaphore, #tpu.memory_space<semaphore_mem>>
      %dma_start3A_148 = arith.constant 0 : i32
      %dma_start3A_149 = tpu.memref_slice %arg12[%add3A_115, %dma_start3A_148] : memref<5128x128xf32, #tpu.memory_space<vmem_shared>> -> memref<32x128xf32, #tpu.memory_space<vmem_shared>>
      %dma_start3A_150 = arith.constant 0 : i32
      %dma_start3A_151 = tpu.memref_slice %arg12[%add3A_115, %dma_start3A_150] : memref<5128x128xf32, #tpu.memory_space<vmem_shared>> -> memref<32x128xf32, #tpu.memory_space<vmem_shared>>
      tpu.enqueue_dma source(%dma_start3A_151 : memref<32x128xf32, #tpu.memory_space<vmem_shared>>) target(%arg11 : memref<32x128xf32, #tpu.memory_space<vmem>>) target_semaphore(%run_scoped3A_147 : memref<!tpu.dma_semaphore, #tpu.memory_space<semaphore_mem>>)
      %dma_wait3A_152 = arith.constant 0 : i32
      %dma_wait3A_153 = tpu.memref_slice %arg12[%add3A_115, %dma_wait3A_152] : memref<5128x128xf32, #tpu.memory_space<vmem_shared>> -> memref<32x128xf32, #tpu.memory_space<vmem_shared>>
      %dma_wait3A_154 = arith.constant 0 : i32
      %dma_wait3A_155 = tpu.memref_slice %arg12[%add3A_115, %dma_wait3A_154] : memref<5128x128xf32, #tpu.memory_space<vmem_shared>> -> memref<32x128xf32, #tpu.memory_space<vmem_shared>>
      tpu.wait_dma2 semaphore(%run_scoped3A_147 : memref<!tpu.dma_semaphore, #tpu.memory_space<semaphore_mem>>) src(%dma_wait3A_155 : memref<32x128xf32, #tpu.memory_space<vmem_shared>>) dst(%arg11 : memref<32x128xf32, #tpu.memory_space<vmem>>)
      tpu.yield
    }) : () -> ()
    %mul3A_116 = arith.constant 5120 : i32
    %mul3A_117 = arith.muli %arg0, %mul3A_116 : i32
    %add3A_118 = arith.addi %mul3A_117, %add3A_115 : i32
    "tpu.region"() ({
      %run_scoped3A_147 = tpu.sem_alloc : memref<!tpu.dma_semaphore, #tpu.memory_space<semaphore_mem>>
      %dma_start3A_148 = arith.constant 0 : i32
      %dma_start3A_149 = tpu.memref_slice %arg6[%add3A_118, %dma_start3A_148] : memref<10240x128xf32, #tpu.memory_space<hbm>> -> memref<32x128xf32, #tpu.memory_space<hbm>>
      %dma_start3A_150 = arith.constant 0 : i32
      %dma_start3A_151 = tpu.memref_slice %arg6[%add3A_118, %dma_start3A_150] : memref<10240x128xf32, #tpu.memory_space<hbm>> -> memref<32x128xf32, #tpu.memory_space<hbm>>
      tpu.enqueue_dma source(%arg11 : memref<32x128xf32, #tpu.memory_space<vmem>>) target(%dma_start3A_151 : memref<32x128xf32, #tpu.memory_space<hbm>>) target_semaphore(%run_scoped3A_147 : memref<!tpu.dma_semaphore, #tpu.memory_space<semaphore_mem>>)
      %dma_wait3A_152 = arith.constant 0 : i32
      %dma_wait3A_153 = tpu.memref_slice %arg6[%add3A_118, %dma_wait3A_152] : memref<10240x128xf32, #tpu.memory_space<hbm>> -> memref<32x128xf32, #tpu.memory_space<hbm>>
      %dma_wait3A_154 = arith.constant 0 : i32
      %dma_wait3A_155 = tpu.memref_slice %arg6[%add3A_118, %dma_wait3A_154] : memref<10240x128xf32, #tpu.memory_space<hbm>> -> memref<32x128xf32, #tpu.memory_space<hbm>>
      tpu.wait_dma2 semaphore(%run_scoped3A_147 : memref<!tpu.dma_semaphore, #tpu.memory_space<semaphore_mem>>) src(%arg11 : memref<32x128xf32, #tpu.memory_space<vmem>>) dst(%dma_wait3A_155 : memref<32x128xf32, #tpu.memory_space<hbm>>)
      tpu.yield
    }) : () -> ()
    %mul3A_119 = arith.constant 320 : i32
    %mul3A_120 = arith.muli %arg1, %mul3A_119 : i32
    %add3A_121 = arith.constant 192 : i32
    %add3A_122 = arith.addi %mul3A_120, %add3A_121 : i32
    "tpu.region"() ({
      %run_scoped3A_147 = tpu.sem_alloc : memref<!tpu.dma_semaphore, #tpu.memory_space<semaphore_mem>>
      %dma_start3A_148 = arith.constant 0 : i32
      %dma_start3A_149 = tpu.memref_slice %arg12[%add3A_122, %dma_start3A_148] : memref<5128x128xf32, #tpu.memory_space<vmem_shared>> -> memref<32x128xf32, #tpu.memory_space<vmem_shared>>
      %dma_start3A_150 = arith.constant 0 : i32
      %dma_start3A_151 = tpu.memref_slice %arg12[%add3A_122, %dma_start3A_150] : memref<5128x128xf32, #tpu.memory_space<vmem_shared>> -> memref<32x128xf32, #tpu.memory_space<vmem_shared>>
      tpu.enqueue_dma source(%dma_start3A_151 : memref<32x128xf32, #tpu.memory_space<vmem_shared>>) target(%arg11 : memref<32x128xf32, #tpu.memory_space<vmem>>) target_semaphore(%run_scoped3A_147 : memref<!tpu.dma_semaphore, #tpu.memory_space<semaphore_mem>>)
      %dma_wait3A_152 = arith.constant 0 : i32
      %dma_wait3A_153 = tpu.memref_slice %arg12[%add3A_122, %dma_wait3A_152] : memref<5128x128xf32, #tpu.memory_space<vmem_shared>> -> memref<32x128xf32, #tpu.memory_space<vmem_shared>>
      %dma_wait3A_154 = arith.constant 0 : i32
      %dma_wait3A_155 = tpu.memref_slice %arg12[%add3A_122, %dma_wait3A_154] : memref<5128x128xf32, #tpu.memory_space<vmem_shared>> -> memref<32x128xf32, #tpu.memory_space<vmem_shared>>
      tpu.wait_dma2 semaphore(%run_scoped3A_147 : memref<!tpu.dma_semaphore, #tpu.memory_space<semaphore_mem>>) src(%dma_wait3A_155 : memref<32x128xf32, #tpu.memory_space<vmem_shared>>) dst(%arg11 : memref<32x128xf32, #tpu.memory_space<vmem>>)
      tpu.yield
    }) : () -> ()
    %mul3A_123 = arith.constant 5120 : i32
    %mul3A_124 = arith.muli %arg0, %mul3A_123 : i32
    %add3A_125 = arith.addi %mul3A_124, %add3A_122 : i32
    "tpu.region"() ({
      %run_scoped3A_147 = tpu.sem_alloc : memref<!tpu.dma_semaphore, #tpu.memory_space<semaphore_mem>>
      %dma_start3A_148 = arith.constant 0 : i32
      %dma_start3A_149 = tpu.memref_slice %arg6[%add3A_125, %dma_start3A_148] : memref<10240x128xf32, #tpu.memory_space<hbm>> -> memref<32x128xf32, #tpu.memory_space<hbm>>
      %dma_start3A_150 = arith.constant 0 : i32
      %dma_start3A_151 = tpu.memref_slice %arg6[%add3A_125, %dma_start3A_150] : memref<10240x128xf32, #tpu.memory_space<hbm>> -> memref<32x128xf32, #tpu.memory_space<hbm>>
      tpu.enqueue_dma source(%arg11 : memref<32x128xf32, #tpu.memory_space<vmem>>) target(%dma_start3A_151 : memref<32x128xf32, #tpu.memory_space<hbm>>) target_semaphore(%run_scoped3A_147 : memref<!tpu.dma_semaphore, #tpu.memory_space<semaphore_mem>>)
      %dma_wait3A_152 = arith.constant 0 : i32
      %dma_wait3A_153 = tpu.memref_slice %arg6[%add3A_125, %dma_wait3A_152] : memref<10240x128xf32, #tpu.memory_space<hbm>> -> memref<32x128xf32, #tpu.memory_space<hbm>>
      %dma_wait3A_154 = arith.constant 0 : i32
      %dma_wait3A_155 = tpu.memref_slice %arg6[%add3A_125, %dma_wait3A_154] : memref<10240x128xf32, #tpu.memory_space<hbm>> -> memref<32x128xf32, #tpu.memory_space<hbm>>
      tpu.wait_dma2 semaphore(%run_scoped3A_147 : memref<!tpu.dma_semaphore, #tpu.memory_space<semaphore_mem>>) src(%arg11 : memref<32x128xf32, #tpu.memory_space<vmem>>) dst(%dma_wait3A_155 : memref<32x128xf32, #tpu.memory_space<hbm>>)
      tpu.yield
    }) : () -> ()
    %mul3A_126 = arith.constant 320 : i32
    %mul3A_127 = arith.muli %arg1, %mul3A_126 : i32
    %add3A_128 = arith.constant 224 : i32
    %add3A_129 = arith.addi %mul3A_127, %add3A_128 : i32
    "tpu.region"() ({
      %run_scoped3A_147 = tpu.sem_alloc : memref<!tpu.dma_semaphore, #tpu.memory_space<semaphore_mem>>
      %dma_start3A_148 = arith.constant 0 : i32
      %dma_start3A_149 = tpu.memref_slice %arg12[%add3A_129, %dma_start3A_148] : memref<5128x128xf32, #tpu.memory_space<vmem_shared>> -> memref<32x128xf32, #tpu.memory_space<vmem_shared>>
      %dma_start3A_150 = arith.constant 0 : i32
      %dma_start3A_151 = tpu.memref_slice %arg12[%add3A_129, %dma_start3A_150] : memref<5128x128xf32, #tpu.memory_space<vmem_shared>> -> memref<32x128xf32, #tpu.memory_space<vmem_shared>>
      tpu.enqueue_dma source(%dma_start3A_151 : memref<32x128xf32, #tpu.memory_space<vmem_shared>>) target(%arg11 : memref<32x128xf32, #tpu.memory_space<vmem>>) target_semaphore(%run_scoped3A_147 : memref<!tpu.dma_semaphore, #tpu.memory_space<semaphore_mem>>)
      %dma_wait3A_152 = arith.constant 0 : i32
      %dma_wait3A_153 = tpu.memref_slice %arg12[%add3A_129, %dma_wait3A_152] : memref<5128x128xf32, #tpu.memory_space<vmem_shared>> -> memref<32x128xf32, #tpu.memory_space<vmem_shared>>
      %dma_wait3A_154 = arith.constant 0 : i32
      %dma_wait3A_155 = tpu.memref_slice %arg12[%add3A_129, %dma_wait3A_154] : memref<5128x128xf32, #tpu.memory_space<vmem_shared>> -> memref<32x128xf32, #tpu.memory_space<vmem_shared>>
      tpu.wait_dma2 semaphore(%run_scoped3A_147 : memref<!tpu.dma_semaphore, #tpu.memory_space<semaphore_mem>>) src(%dma_wait3A_155 : memref<32x128xf32, #tpu.memory_space<vmem_shared>>) dst(%arg11 : memref<32x128xf32, #tpu.memory_space<vmem>>)
      tpu.yield
    }) : () -> ()
    %mul3A_130 = arith.constant 5120 : i32
    %mul3A_131 = arith.muli %arg0, %mul3A_130 : i32
    %add3A_132 = arith.addi %mul3A_131, %add3A_129 : i32
    "tpu.region"() ({
      %run_scoped3A_147 = tpu.sem_alloc : memref<!tpu.dma_semaphore, #tpu.memory_space<semaphore_mem>>
      %dma_start3A_148 = arith.constant 0 : i32
      %dma_start3A_149 = tpu.memref_slice %arg6[%add3A_132, %dma_start3A_148] : memref<10240x128xf32, #tpu.memory_space<hbm>> -> memref<32x128xf32, #tpu.memory_space<hbm>>
      %dma_start3A_150 = arith.constant 0 : i32
      %dma_start3A_151 = tpu.memref_slice %arg6[%add3A_132, %dma_start3A_150] : memref<10240x128xf32, #tpu.memory_space<hbm>> -> memref<32x128xf32, #tpu.memory_space<hbm>>
      tpu.enqueue_dma source(%arg11 : memref<32x128xf32, #tpu.memory_space<vmem>>) target(%dma_start3A_151 : memref<32x128xf32, #tpu.memory_space<hbm>>) target_semaphore(%run_scoped3A_147 : memref<!tpu.dma_semaphore, #tpu.memory_space<semaphore_mem>>)
      %dma_wait3A_152 = arith.constant 0 : i32
      %dma_wait3A_153 = tpu.memref_slice %arg6[%add3A_132, %dma_wait3A_152] : memref<10240x128xf32, #tpu.memory_space<hbm>> -> memref<32x128xf32, #tpu.memory_space<hbm>>
      %dma_wait3A_154 = arith.constant 0 : i32
      %dma_wait3A_155 = tpu.memref_slice %arg6[%add3A_132, %dma_wait3A_154] : memref<10240x128xf32, #tpu.memory_space<hbm>> -> memref<32x128xf32, #tpu.memory_space<hbm>>
      tpu.wait_dma2 semaphore(%run_scoped3A_147 : memref<!tpu.dma_semaphore, #tpu.memory_space<semaphore_mem>>) src(%arg11 : memref<32x128xf32, #tpu.memory_space<vmem>>) dst(%dma_wait3A_155 : memref<32x128xf32, #tpu.memory_space<hbm>>)
      tpu.yield
    }) : () -> ()
    %mul3A_133 = arith.constant 320 : i32
    %mul3A_134 = arith.muli %arg1, %mul3A_133 : i32
    %add3A_135 = arith.constant 256 : i32
    %add3A_136 = arith.addi %mul3A_134, %add3A_135 : i32
    "tpu.region"() ({
      %run_scoped3A_147 = tpu.sem_alloc : memref<!tpu.dma_semaphore, #tpu.memory_space<semaphore_mem>>
      %dma_start3A_148 = arith.constant 0 : i32
      %dma_start3A_149 = tpu.memref_slice %arg12[%add3A_136, %dma_start3A_148] : memref<5128x128xf32, #tpu.memory_space<vmem_shared>> -> memref<32x128xf32, #tpu.memory_space<vmem_shared>>
      %dma_start3A_150 = arith.constant 0 : i32
      %dma_start3A_151 = tpu.memref_slice %arg12[%add3A_136, %dma_start3A_150] : memref<5128x128xf32, #tpu.memory_space<vmem_shared>> -> memref<32x128xf32, #tpu.memory_space<vmem_shared>>
      tpu.enqueue_dma source(%dma_start3A_151 : memref<32x128xf32, #tpu.memory_space<vmem_shared>>) target(%arg11 : memref<32x128xf32, #tpu.memory_space<vmem>>) target_semaphore(%run_scoped3A_147 : memref<!tpu.dma_semaphore, #tpu.memory_space<semaphore_mem>>)
      %dma_wait3A_152 = arith.constant 0 : i32
      %dma_wait3A_153 = tpu.memref_slice %arg12[%add3A_136, %dma_wait3A_152] : memref<5128x128xf32, #tpu.memory_space<vmem_shared>> -> memref<32x128xf32, #tpu.memory_space<vmem_shared>>
      %dma_wait3A_154 = arith.constant 0 : i32
      %dma_wait3A_155 = tpu.memref_slice %arg12[%add3A_136, %dma_wait3A_154] : memref<5128x128xf32, #tpu.memory_space<vmem_shared>> -> memref<32x128xf32, #tpu.memory_space<vmem_shared>>
      tpu.wait_dma2 semaphore(%run_scoped3A_147 : memref<!tpu.dma_semaphore, #tpu.memory_space<semaphore_mem>>) src(%dma_wait3A_155 : memref<32x128xf32, #tpu.memory_space<vmem_shared>>) dst(%arg11 : memref<32x128xf32, #tpu.memory_space<vmem>>)
      tpu.yield
    }) : () -> ()
    %mul3A_137 = arith.constant 5120 : i32
    %mul3A_138 = arith.muli %arg0, %mul3A_137 : i32
    %add3A_139 = arith.addi %mul3A_138, %add3A_136 : i32
    "tpu.region"() ({
      %run_scoped3A_147 = tpu.sem_alloc : memref<!tpu.dma_semaphore, #tpu.memory_space<semaphore_mem>>
      %dma_start3A_148 = arith.constant 0 : i32
      %dma_start3A_149 = tpu.memref_slice %arg6[%add3A_139, %dma_start3A_148] : memref<10240x128xf32, #tpu.memory_space<hbm>> -> memref<32x128xf32, #tpu.memory_space<hbm>>
      %dma_start3A_150 = arith.constant 0 : i32
      %dma_start3A_151 = tpu.memref_slice %arg6[%add3A_139, %dma_start3A_150] : memref<10240x128xf32, #tpu.memory_space<hbm>> -> memref<32x128xf32, #tpu.memory_space<hbm>>
      tpu.enqueue_dma source(%arg11 : memref<32x128xf32, #tpu.memory_space<vmem>>) target(%dma_start3A_151 : memref<32x128xf32, #tpu.memory_space<hbm>>) target_semaphore(%run_scoped3A_147 : memref<!tpu.dma_semaphore, #tpu.memory_space<semaphore_mem>>)
      %dma_wait3A_152 = arith.constant 0 : i32
      %dma_wait3A_153 = tpu.memref_slice %arg6[%add3A_139, %dma_wait3A_152] : memref<10240x128xf32, #tpu.memory_space<hbm>> -> memref<32x128xf32, #tpu.memory_space<hbm>>
      %dma_wait3A_154 = arith.constant 0 : i32
      %dma_wait3A_155 = tpu.memref_slice %arg6[%add3A_139, %dma_wait3A_154] : memref<10240x128xf32, #tpu.memory_space<hbm>> -> memref<32x128xf32, #tpu.memory_space<hbm>>
      tpu.wait_dma2 semaphore(%run_scoped3A_147 : memref<!tpu.dma_semaphore, #tpu.memory_space<semaphore_mem>>) src(%arg11 : memref<32x128xf32, #tpu.memory_space<vmem>>) dst(%dma_wait3A_155 : memref<32x128xf32, #tpu.memory_space<hbm>>)
      tpu.yield
    }) : () -> ()
    %mul3A_140 = arith.constant 320 : i32
    %mul3A_141 = arith.muli %arg1, %mul3A_140 : i32
    %add3A_142 = arith.constant 288 : i32
    %add3A_143 = arith.addi %mul3A_141, %add3A_142 : i32
    "tpu.region"() ({
      %run_scoped3A_147 = tpu.sem_alloc : memref<!tpu.dma_semaphore, #tpu.memory_space<semaphore_mem>>
      %dma_start3A_148 = arith.constant 0 : i32
      %dma_start3A_149 = tpu.memref_slice %arg12[%add3A_143, %dma_start3A_148] : memref<5128x128xf32, #tpu.memory_space<vmem_shared>> -> memref<32x128xf32, #tpu.memory_space<vmem_shared>>
      %dma_start3A_150 = arith.constant 0 : i32
      %dma_start3A_151 = tpu.memref_slice %arg12[%add3A_143, %dma_start3A_150] : memref<5128x128xf32, #tpu.memory_space<vmem_shared>> -> memref<32x128xf32, #tpu.memory_space<vmem_shared>>
      tpu.enqueue_dma source(%dma_start3A_151 : memref<32x128xf32, #tpu.memory_space<vmem_shared>>) target(%arg11 : memref<32x128xf32, #tpu.memory_space<vmem>>) target_semaphore(%run_scoped3A_147 : memref<!tpu.dma_semaphore, #tpu.memory_space<semaphore_mem>>)
      %dma_wait3A_152 = arith.constant 0 : i32
      %dma_wait3A_153 = tpu.memref_slice %arg12[%add3A_143, %dma_wait3A_152] : memref<5128x128xf32, #tpu.memory_space<vmem_shared>> -> memref<32x128xf32, #tpu.memory_space<vmem_shared>>
      %dma_wait3A_154 = arith.constant 0 : i32
      %dma_wait3A_155 = tpu.memref_slice %arg12[%add3A_143, %dma_wait3A_154] : memref<5128x128xf32, #tpu.memory_space<vmem_shared>> -> memref<32x128xf32, #tpu.memory_space<vmem_shared>>
      tpu.wait_dma2 semaphore(%run_scoped3A_147 : memref<!tpu.dma_semaphore, #tpu.memory_space<semaphore_mem>>) src(%dma_wait3A_155 : memref<32x128xf32, #tpu.memory_space<vmem_shared>>) dst(%arg11 : memref<32x128xf32, #tpu.memory_space<vmem>>)
      tpu.yield
    }) : () -> ()
    %mul3A_144 = arith.constant 5120 : i32
    %mul3A_145 = arith.muli %arg0, %mul3A_144 : i32
    %add3A_146 = arith.addi %mul3A_145, %add3A_143 : i32
    "tpu.region"() ({
      %run_scoped3A_147 = tpu.sem_alloc : memref<!tpu.dma_semaphore, #tpu.memory_space<semaphore_mem>>
      %dma_start3A_148 = arith.constant 0 : i32
      %dma_start3A_149 = tpu.memref_slice %arg6[%add3A_146, %dma_start3A_148] : memref<10240x128xf32, #tpu.memory_space<hbm>> -> memref<32x128xf32, #tpu.memory_space<hbm>>
      %dma_start3A_150 = arith.constant 0 : i32
      %dma_start3A_151 = tpu.memref_slice %arg6[%add3A_146, %dma_start3A_150] : memref<10240x128xf32, #tpu.memory_space<hbm>> -> memref<32x128xf32, #tpu.memory_space<hbm>>
      tpu.enqueue_dma source(%arg11 : memref<32x128xf32, #tpu.memory_space<vmem>>) target(%dma_start3A_151 : memref<32x128xf32, #tpu.memory_space<hbm>>) target_semaphore(%run_scoped3A_147 : memref<!tpu.dma_semaphore, #tpu.memory_space<semaphore_mem>>)
      %dma_wait3A_152 = arith.constant 0 : i32
      %dma_wait3A_153 = tpu.memref_slice %arg6[%add3A_146, %dma_wait3A_152] : memref<10240x128xf32, #tpu.memory_space<hbm>> -> memref<32x128xf32, #tpu.memory_space<hbm>>
      %dma_wait3A_154 = arith.constant 0 : i32
      %dma_wait3A_155 = tpu.memref_slice %arg6[%add3A_146, %dma_wait3A_154] : memref<10240x128xf32, #tpu.memory_space<hbm>> -> memref<32x128xf32, #tpu.memory_space<hbm>>
      tpu.wait_dma2 semaphore(%run_scoped3A_147 : memref<!tpu.dma_semaphore, #tpu.memory_space<semaphore_mem>>) src(%arg11 : memref<32x128xf32, #tpu.memory_space<vmem>>) dst(%dma_wait3A_155 : memref<32x128xf32, #tpu.memory_space<hbm>>)
      tpu.yield
    }) : () -> ()
    return
  }
}

module attributes {stable_mosaic.version = 14 : i64} {
  func.func @_mm_scale_body(%arg0: i32, %arg1: memref<2000x128xf32, #tpu.memory_space<vmem>>, %arg2: memref<128x128xf32, #tpu.memory_space<vmem>>, %arg3: memref<1x128xf32, #tpu.memory_space<vmem>>, %arg4: memref<2000x1xf32, #tpu.memory_space<vmem>>, %arg5: memref<2000x128xf32, #tpu.memory_space<vmem>>) attributes {dimension_semantics = [#tpu.dimension_semantics<arbitrary>], iteration_bounds = array<i64: 5>, scalar_prefetch = 0 : i64, scratch_operands = 0 : i64, tpu.core_type = #tpu.core_type<tc>, window_params = [{transform_indices = @transform_0, window_bounds = array<i64: 2000, 128>}, {pipeline_mode = #tpu.pipeline_mode<synchronous>, transform_indices = @transform_1, window_bounds = array<i64: 128, 128>}, {pipeline_mode = #tpu.pipeline_mode<synchronous>, transform_indices = @transform_2, window_bounds = array<i64: 1, 128>}, {transform_indices = @transform_3, window_bounds = array<i64: 2000, 1>}, {transform_indices = @transform_4, window_bounds = array<i64: 2000, 128>}]} {
    %get3A = arith.constant 0 : index
    %get3A_0 = arith.constant 0 : index
    %get3A_1 = vector.load %arg1[%get3A, %get3A_0] : memref<2000x128xf32, #tpu.memory_space<vmem>>, vector<2000x128xf32>
    %get3A_2 = arith.constant 0 : index
    %get3A_3 = arith.constant 0 : index
    %get3A_4 = vector.load %arg2[%get3A_2, %get3A_3] : memref<128x128xf32, #tpu.memory_space<vmem>>, vector<128x128xf32>
    %dot_general3A = arith.constant dense<0.000000e+00> : vector<2000x128xf32>
    %dot_general3A_5 = tpu.matmul %get3A_1, %get3A_4, %dot_general3A {dimension_numbers = #tpu.dot_dimension_numbers<[1], [1], [0], [0], [0, 0, 1, 0], [], []>, transpose_lhs_hint = false} : vector<2000x128xf32>, vector<128x128xf32>, vector<2000x128xf32> -> vector<2000x128xf32>
    %get3A_6 = arith.constant 0 : index
    %get3A_7 = arith.constant 0 : index
    %get3A_8 = vector.load %arg3[%get3A_6, %get3A_7] : memref<1x128xf32, #tpu.memory_space<vmem>>, vector<1x128xf32>
    %add3A = vector.broadcast %get3A_8 : vector<1x128xf32> to vector<2000x128xf32>
    %add3A_9 = arith.addf %dot_general3A_5, %add3A : vector<2000x128xf32>
    %get3A_10 = arith.constant 0 : index
    %get3A_11 = arith.constant 0 : index
    %get3A_12 = vector.load %arg4[%get3A_10, %get3A_11] : memref<2000x1xf32, #tpu.memory_space<vmem>>, vector<2000x1xf32>
    %mul3A = vector.broadcast %get3A_12 : vector<2000x1xf32> to vector<2000x128xf32>
    %mul3A_13 = arith.mulf %add3A_9, %mul3A : vector<2000x128xf32>
    %swap3A = arith.constant 0 : index
    %swap3A_14 = arith.constant 0 : index
    %swap3A_15 = vector.load %arg5[%swap3A, %swap3A_14] : memref<2000x128xf32, #tpu.memory_space<vmem>>, vector<2000x128xf32>
    tpu.vector_store %arg5[%swap3A, %swap3A_14], %mul3A_13 {strides = array<i32>} : memref<2000x128xf32, #tpu.memory_space<vmem>>, vector<2000x128xf32>,
    return
  }
  func.func @transform_0(%arg0: i32) -> (i32, i32) {
    %c0_i32 = arith.constant 0 : i32
    %c0_i32_0 = arith.constant 0 : i32
    return %arg0, %c0_i32 : i32, i32
  }
  func.func @transform_1(%arg0: i32) -> (i32, i32) {
    %c0_i32 = arith.constant 0 : i32
    %c0_i32_0 = arith.constant 0 : i32
    %c0_i32_1 = arith.constant 0 : i32
    return %c0_i32, %c0_i32_0 : i32, i32
  }
  func.func @transform_2(%arg0: i32) -> (i32, i32) {
    %c0_i32 = arith.constant 0 : i32
    %c0_i32_0 = arith.constant 0 : i32
    %c0_i32_1 = arith.constant 0 : i32
    return %c0_i32, %c0_i32_0 : i32, i32
  }
  func.func @transform_3(%arg0: i32) -> (i32, i32) {
    %c0_i32 = arith.constant 0 : i32
    %c0_i32_0 = arith.constant 0 : i32
    return %arg0, %c0_i32 : i32, i32
  }
  func.func @transform_4(%arg0: i32) -> (i32, i32) {
    %c0_i32 = arith.constant 0 : i32
    %c0_i32_0 = arith.constant 0 : i32
    return %arg0, %c0_i32 : i32, i32
  }
}

module attributes {stable_mosaic.version = 14 : i64} {
  func.func @_mid_body(%arg0: i32, %arg1: memref<2000x128xf32, #tpu.memory_space<vmem>>, %arg2: memref<2000x128xf32, #tpu.memory_space<vmem>>, %arg3: memref<128x128xf32, #tpu.memory_space<vmem>>, %arg4: memref<1x128xf32, #tpu.memory_space<vmem>>, %arg5: memref<2000x1xf32, #tpu.memory_space<vmem>>, %arg6: memref<2000x128xf32, #tpu.memory_space<vmem>>) attributes {dimension_semantics = [#tpu.dimension_semantics<arbitrary>], iteration_bounds = array<i64: 5>, scalar_prefetch = 0 : i64, scratch_operands = 0 : i64, tpu.core_type = #tpu.core_type<tc>, window_params = [{transform_indices = @transform_0, window_bounds = array<i64: 2000, 128>}, {transform_indices = @transform_1, window_bounds = array<i64: 2000, 128>}, {pipeline_mode = #tpu.pipeline_mode<synchronous>, transform_indices = @transform_2, window_bounds = array<i64: 128, 128>}, {pipeline_mode = #tpu.pipeline_mode<synchronous>, transform_indices = @transform_3, window_bounds = array<i64: 1, 128>}, {transform_indices = @transform_4, window_bounds = array<i64: 2000, 1>}, {transform_indices = @transform_5, window_bounds = array<i64: 2000, 128>}]} {
    %get3A = arith.constant 0 : index
    %get3A_0 = arith.constant 0 : index
    %get3A_1 = vector.load %arg1[%get3A, %get3A_0] : memref<2000x128xf32, #tpu.memory_space<vmem>>, vector<2000x128xf32>
    %get3A_2 = arith.constant 0 : index
    %get3A_3 = arith.constant 0 : index
    %get3A_4 = vector.load %arg2[%get3A_2, %get3A_3] : memref<2000x128xf32, #tpu.memory_space<vmem>>, vector<2000x128xf32>
    %add3A = arith.addf %get3A_1, %get3A_4 : vector<2000x128xf32>
    %get3A_5 = arith.constant 0 : index
    %get3A_6 = arith.constant 0 : index
    %get3A_7 = vector.load %arg5[%get3A_5, %get3A_6] : memref<2000x1xf32, #tpu.memory_space<vmem>>, vector<2000x1xf32>
    %mul3A = vector.broadcast %get3A_7 : vector<2000x1xf32> to vector<2000x128xf32>
    %mul3A_8 = arith.mulf %add3A, %mul3A : vector<2000x128xf32>
    %max3A = arith.constant 0.000000e+00 : f32
    %max3A_9 = vector.broadcast %max3A : f32 to vector<2000x128xf32>
    %max3A_10 = arith.maximumf %mul3A_8, %max3A_9 : vector<2000x128xf32>
    %get3A_11 = arith.constant 0 : index
    %get3A_12 = arith.constant 0 : index
    %get3A_13 = vector.load %arg3[%get3A_11, %get3A_12] : memref<128x128xf32, #tpu.memory_space<vmem>>, vector<128x128xf32>
    %dot_general3A = arith.constant dense<0.000000e+00> : vector<2000x128xf32>
    %dot_general3A_14 = tpu.matmul %max3A_10, %get3A_13, %dot_general3A {dimension_numbers = #tpu.dot_dimension_numbers<[1], [1], [0], [0], [0, 0, 1, 0], [], []>, transpose_lhs_hint = false} : vector<2000x128xf32>, vector<128x128xf32>, vector<2000x128xf32> -> vector<2000x128xf32>
    %get3A_15 = arith.constant 0 : index
    %get3A_16 = arith.constant 0 : index
    %get3A_17 = vector.load %arg4[%get3A_15, %get3A_16] : memref<1x128xf32, #tpu.memory_space<vmem>>, vector<1x128xf32>
    %add3A_18 = vector.broadcast %get3A_17 : vector<1x128xf32> to vector<2000x128xf32>
    %add3A_19 = arith.addf %dot_general3A_14, %add3A_18 : vector<2000x128xf32>
    %get3A_20 = arith.constant 0 : index
    %get3A_21 = arith.constant 0 : index
    %get3A_22 = vector.load %arg5[%get3A_20, %get3A_21] : memref<2000x1xf32, #tpu.memory_space<vmem>>, vector<2000x1xf32>
    %mul3A_23 = vector.broadcast %get3A_22 : vector<2000x1xf32> to vector<2000x128xf32>
    %mul3A_24 = arith.mulf %add3A_19, %mul3A_23 : vector<2000x128xf32>
    %swap3A = arith.constant 0 : index
    %swap3A_25 = arith.constant 0 : index
    %swap3A_26 = vector.load %arg6[%swap3A, %swap3A_25] : memref<2000x128xf32, #tpu.memory_space<vmem>>, vector<2000x128xf32>
    tpu.vector_store %arg6[%swap3A, %swap3A_25], %mul3A_24 {strides = array<i32>} : memref<2000x128xf32, #tpu.memory_space<vmem>>, vector<2000x128xf32>,
    return
  }
  func.func @transform_0(%arg0: i32) -> (i32, i32) {
    %c0_i32 = arith.constant 0 : i32
    %c0_i32_0 = arith.constant 0 : i32
    return %arg0, %c0_i32 : i32, i32
  }
  func.func @transform_1(%arg0: i32) -> (i32, i32) {
    %c0_i32 = arith.constant 0 : i32
    %c0_i32_0 = arith.constant 0 : i32
    return %arg0, %c0_i32 : i32, i32
  }
  func.func @transform_2(%arg0: i32) -> (i32, i32) {
    %c0_i32 = arith.constant 0 : i32
    %c0_i32_0 = arith.constant 0 : i32
    %c0_i32_1 = arith.constant 0 : i32
    return %c0_i32, %c0_i32_0 : i32, i32
  }
  func.func @transform_3(%arg0: i32) -> (i32, i32) {
    %c0_i32 = arith.constant 0 : i32
    %c0_i32_0 = arith.constant 0 : i32
    %c0_i32_1 = arith.constant 0 : i32
    return %c0_i32, %c0_i32_0 : i32, i32
  }
  func.func @transform_4(%arg0: i32) -> (i32, i32) {
    %c0_i32 = arith.constant 0 : i32
    %c0_i32_0 = arith.constant 0 : i32
    return %arg0, %c0_i32 : i32, i32
  }
  func.func @transform_5(%arg0: i32) -> (i32, i32) {
    %c0_i32 = arith.constant 0 : i32
    %c0_i32_0 = arith.constant 0 : i32
    return %arg0, %c0_i32 : i32, i32
  }
}

module attributes {stable_mosaic.version = 14 : i64} {
  func.func @_final_body(%arg0: i32, %arg1: memref<2000x128xf32, #tpu.memory_space<vmem>>, %arg2: memref<2000x128xf32, #tpu.memory_space<vmem>>, %arg3: memref<2000x1xf32, #tpu.memory_space<vmem>>, %arg4: memref<2000x128xf32, #tpu.memory_space<vmem>>) attributes {dimension_semantics = [#tpu.dimension_semantics<arbitrary>], iteration_bounds = array<i64: 5>, scalar_prefetch = 0 : i64, scratch_operands = 0 : i64, tpu.core_type = #tpu.core_type<tc>, window_params = [{transform_indices = @transform_0, window_bounds = array<i64: 2000, 128>}, {transform_indices = @transform_1, window_bounds = array<i64: 2000, 128>}, {transform_indices = @transform_2, window_bounds = array<i64: 2000, 1>}, {transform_indices = @transform_3, window_bounds = array<i64: 2000, 128>}]} {
    %get3A = arith.constant 0 : index
    %get3A_0 = arith.constant 0 : index
    %get3A_1 = vector.load %arg1[%get3A, %get3A_0] : memref<2000x128xf32, #tpu.memory_space<vmem>>, vector<2000x128xf32>
    %get3A_2 = arith.constant 0 : index
    %get3A_3 = arith.constant 0 : index
    %get3A_4 = vector.load %arg2[%get3A_2, %get3A_3] : memref<2000x128xf32, #tpu.memory_space<vmem>>, vector<2000x128xf32>
    %add3A = arith.addf %get3A_1, %get3A_4 : vector<2000x128xf32>
    %get3A_5 = arith.constant 0 : index
    %get3A_6 = arith.constant 0 : index
    %get3A_7 = vector.load %arg3[%get3A_5, %get3A_6] : memref<2000x1xf32, #tpu.memory_space<vmem>>, vector<2000x1xf32>
    %mul3A = vector.broadcast %get3A_7 : vector<2000x1xf32> to vector<2000x128xf32>
    %mul3A_8 = arith.mulf %add3A, %mul3A : vector<2000x128xf32>
    %max3A = arith.constant 0.000000e+00 : f32
    %max3A_9 = vector.broadcast %max3A : f32 to vector<2000x128xf32>
    %max3A_10 = arith.maximumf %mul3A_8, %max3A_9 : vector<2000x128xf32>
    %swap3A = arith.constant 0 : index
    %swap3A_11 = arith.constant 0 : index
    %swap3A_12 = vector.load %arg4[%swap3A, %swap3A_11] : memref<2000x128xf32, #tpu.memory_space<vmem>>, vector<2000x128xf32>
    tpu.vector_store %arg4[%swap3A, %swap3A_11], %max3A_10 {strides = array<i32>} : memref<2000x128xf32, #tpu.memory_space<vmem>>, vector<2000x128xf32>,
    return
  }
  func.func @transform_0(%arg0: i32) -> (i32, i32) {
    %c0_i32 = arith.constant 0 : i32
    %c0_i32_0 = arith.constant 0 : i32
    return %arg0, %c0_i32 : i32, i32
  }
  func.func @transform_1(%arg0: i32) -> (i32, i32) {
    %c0_i32 = arith.constant 0 : i32
    %c0_i32_0 = arith.constant 0 : i32
    return %arg0, %c0_i32 : i32, i32
  }
  func.func @transform_2(%arg0: i32) -> (i32, i32) {
    %c0_i32 = arith.constant 0 : i32
    %c0_i32_0 = arith.constant 0 : i32
    return %arg0, %c0_i32 : i32, i32
  }
  func.func @transform_3(%arg0: i32) -> (i32, i32) {
    %c0_i32 = arith.constant 0 : i32
    %c0_i32_0 = arith.constant 0 : i32
    return %arg0, %c0_i32 : i32, i32
  }
}

</mosaic_0001>

<sc_bundles>
// kernel: kernel.11.cloned.1.call-start
scs
__scs_entry_jumppad:
0x0: {  	(pc) =	sbr.rel $0x88, $3  }
0x1: {  	(tag) =	ssettag $0x0;
	lr =	simm.s32 $0x1  }
0x2: {  	[smem:$0x3F9B] =	sst lr;
	_ =	strace $0xD0000000  }
0x3: {  	_ = 	snop  }
0x4: {  	_ = 	snop  }
0x5: {  	_ = 	snop  }
0x6: {  	_ = 	snop  }
0x7: {  	_ = 	snop  }
__scs_overlays_trampoline_lowered:
0x8: {  	[smem:$0x3FAA] =	sst s0  }
0x9: {  	[smem:$0x3FAB] =	sst s1  }
0xa: {  	[smem:$0x3FAC] =	sst s2  }
0xb: {  	[smem:$0x3FAD] =	sst s3  }
0xc: {  	[smem:$0x3FAE] =	sst s4  }
0xd: {  	[smem:$0x3FAF] =	sst s5  }
0xe: {  	[smem:$0x3FB0] =	sst s6  }
0xf: {  	[smem:$0x3FB1] =	sst s7  }
0x10: {  	[smem:$0x3FB2] =	sst s8  }
0x11: {  	[smem:$0x3FB3] =	sst s9;
	s0 =	simm.s32 @!p0 $0x0  }
0x12: {  	s1 =	sld [smem:$0x3F99];
	s0 =	simm.s32 @p0 $0x1  }
0x13: {  	[smem:$0x3FB4] =	sst s0;
	s0 =	simm.s32 @!p1 $0x0  }
0x14: {  	s2 =	sld [smem:$0x3F98];
	s0 =	simm.s32 @p1 $0x1  }
0x15: {  	[smem:$0x3FB5] =	sst s0;
	s0 =	simm.s32 @!p2 $0x0  }
0x16: {  	s3 =	sld [smem:$0x3FDB];
	s0 =	simm.s32 @p2 $0x1  }
0x17: {  	s4 =	simm.s32 $0x1BF5;
	[smem:$0x3FB7] =	sst s0  }
0x18: {  	s0 =	sld [smem:$0x3F9A];
	_ =	swait.ge [sflag:s4], $0x0  }
0x19: {  	s7 =	sld [smem:$0x3F9B]  }
0x1a: {  	s8 =	sadd.s32 $0xFFFFE003, lr  }
0x1b: {  	s9 =	sadd.s32 $0xFFFFFEF7, lr;
	s5 =	simm.s32 $0xFFFFFFFF;
	p2 =	slt.u32 s8, $0xFFFFF086  }
0x1c: {  	p1 =	slt.u32 s9, $0xF7A;
	s5 =	simm.s32 @!p2 $0x0  }
0x1d: {  	s5 =	simm.s32 @p1 $0x1;
	p0 =	seq.s32 s7, s2  }
0x1e: {  	s7 =	smul.u32 @!p0 $0xF7A, s2;
	p2 =	seq.s32 @!p0 s5, $0x0  }
0x1f: {  	s9 =	smul.u32 $0xF7A, s1;
	s8 =	simm.s32 @!p0 $0x1BF5;
	p2 =	por !p2, p0  }
0x20: {  	[sflag:s8] =	ssyncset.s32 @!p0 $0xFFFFF086;
	s6 =	sadd.s32 @!p0 s3, s7;
	s7 =	simm.s32 @!p0 $0x108  }
0x21: {  	s3 =	sadd.s32 s3, s9;
	s6 =	sadd.s32 @!p0 $0x88, s6;
	s7 =	simm.s32 @p2 $0x1082  }
0x22: {  	[simem:s7], [sflag:s8] =	dma.local @!p0 [hbm:s6], $0xF7A  }
0x23: {  	s9 =	sor.u32 $0xD0000000, s2;
	s6 =	simm.s32 $0x108;
	_ =	swait.ge @!p0 [sflag:s8], $0x0  }
0x24: {  	s3 =	sadd.s32 $0x88, s3;
	s6 =	simm.s32 @!p1 $0x1082;
	[sflag:s4] =	ssyncset.s32 $0xFFFFF086  }
0x25: {  	[simem:s6], [sflag:s4] =	dma.local [hbm:s3], $0xF7A  }
0x26: {  	[smem:$0x3F9B] =	sst s1;
	(tag) =	ssettag s2;
	_ =	strace s9  }
0x27: {  	s1 =	sld [smem:$0x3FAB]  }
0x28: {  	s2 =	sld [smem:$0x3FAC]  }
0x29: {  	s4 =	sld [smem:$0x3FAE]  }
0x2a: {  	p0 =	seq.s32 s5, $0x0;
	s5 =	sld [smem:$0x3FAF]  }
0x2b: {  	s6 =	sld [smem:$0x3FB0]  }
0x2c: {  	s7 =	sld [smem:$0x3FB1]  }
0x2d: {  	s3 =	simm.s32 $0x108;
	s8 =	sld [smem:$0x3FB2]  }
0x2e: {  	s3 =	simm.s32 @!p0 $0x1082;
	s9 =	sld [smem:$0x3FB3]  }
0x2f: {  	lr =	sadd.s32 s0, s3;
	s0 =	sld [smem:$0x3FAA]  }
0x30: {  	s3 =	sld [smem:$0x3FAD]  }
0x31: {  	[smem:$0x3FB6] =	sst s10  }
0x32: {  	s10 =	sld [smem:$0x3FB4];
	_ =	sdelay $0x3  }
0x33: {  	p0 =	seq.s32 s10, $0x1;
	s10 =	sld [smem:$0x3FB6];
	_ =	sdelay $0x3  }
0x34: {  	[smem:$0x3FB6] =	sst s10  }
0x35: {  	s10 =	sld [smem:$0x3FB5];
	_ =	sdelay $0x3  }
0x36: {  	p1 =	seq.s32 s10, $0x1;
	s10 =	sld [smem:$0x3FB6];
	_ =	sdelay $0x3  }
0x37: {  	[smem:$0x3FB6] =	sst s10  }
0x38: {  	s10 =	sld [smem:$0x3FB7]  }
0x39: {  	_ = 	snop;
	(pc) =	sbr.ind lr, $3  }
0x3a: {  	_ = 	snop  }
0x3b: {  	_ = 	snop  }
0x3c: {  	p2 =	seq.s32 s10, $0x1;
	s10 =	sld [smem:$0x3FB6]  }
0x3d: {  	_ =	shalt  }
0x3e: {  	_ =	shalt  }
0x3f: {  	_ =	shalt  }
0x40: {  	_ =	shalt  }
0x41: {  	_ =	shalt  }
0x42: {  	_ =	shalt  }
0x43: {  	_ =	shalt  }
0x44: {  	_ =	shalt  }
0x45: {  	_ =	shalt  }
0x46: {  	_ =	shalt  }
0x47: {  	_ =	shalt  }
0x48: {  	_ =	shalt  }
0x49: {  	_ =	shalt  }
0x4a: {  	_ =	shalt  }
0x4b: {  	_ =	shalt  }
0x4c: {  	_ =	shalt  }
0x4d: {  	_ =	shalt  }
0x4e: {  	_ =	shalt  }
0x4f: {  	_ =	shalt  }
0x50: {  	_ =	shalt  }
0x51: {  	_ =	shalt  }
0x52: {  	_ =	shalt  }
0x53: {  	_ =	shalt  }
0x54: {  	_ =	shalt  }
0x55: {  	_ =	shalt  }
0x56: {  	_ =	shalt  }
0x57: {  	_ =	shalt  }
0x58: {  	_ =	shalt  }
0x59: {  	_ =	shalt  }
0x5a: {  	_ =	shalt  }
0x5b: {  	_ =	shalt  }
0x5c: {  	_ =	shalt  }
0x5d: {  	_ =	shalt  }
0x5e: {  	_ =	shalt  }
0x5f: {  	_ =	shalt  }
0x60: {  	_ =	shalt  }
0x61: {  	_ =	shalt  }
0x62: {  	_ =	shalt  }
0x63: {  	_ =	shalt  }
0x64: {  	_ =	shalt  }
0x65: {  	_ =	shalt  }
0x66: {  	_ =	shalt  }
0x67: {  	_ =	shalt  }
0x68: {  	_ =	shalt  }
0x69: {  	_ =	shalt  }
0x6a: {  	_ =	shalt  }
0x6b: {  	_ =	shalt  }
0x6c: {  	_ =	shalt  }
0x6d: {  	_ =	shalt  }
0x6e: {  	_ =	shalt  }
0x6f: {  	_ =	shalt  }
0x70: {  	_ =	shalt  }
0x71: {  	_ =	shalt  }
0x72: {  	_ =	shalt  }
0x73: {  	_ =	shalt  }
0x74: {  	_ =	shalt  }
0x75: {  	_ =	shalt  }
0x76: {  	_ =	shalt  }
0x77: {  	_ =	shalt  }
0x78: {  	_ =	shalt  }
0x79: {  	_ =	shalt  }
0x7a: {  	_ =	shalt  }
0x7b: {  	_ =	shalt  }
0x7c: {  	_ =	shalt  }
0x7d: {  	_ =	shalt  }
0x7e: {  	_ =	shalt  }
0x7f: {  	_ =	shalt  }
0x80: {  	_ =	shalt  }
0x81: {  	_ =	shalt  }
0x82: {  	_ =	shalt  }
0x83: {  	_ =	shalt  }
0x84: {  	_ =	shalt  }
0x85: {  	_ =	shalt  }
0x86: {  	_ =	shalt  }
0x87: {  	_ =	shalt  }
.Lfunc_end0:
.L_simem_size_0:
called_computation.1_lowered:
.L_overlay_start_0:
0x88: {  	s2 =	sld [smem:$0x3FD9]  }
0x89: {  	s3 =	sld [smem:$0x3FFE];
	_ =	sdelay $0x1  }
0x8a: {  	s1 =	srdreg.scid  }
0x8b: {  	s0 =	sand.u32 $0x1, s1  }
0x8c: {  	s17 =	sshll.u32 s0, $0xA;
	s2 =	sadd.s32 s3, s2  }
0x8d: {  	s2 =	sadd.s32 s2, s17  }
0x8e: {  	[smem:$0x3FC2] =	sst s2  }
0x8f: {  	_ = 	snop  }
0x90: {  	s2 =	sld [smem:$0x3FD0];
	(tm) =	ssettm $0x1  }
0x91: {  	s18 =	sld [smem:$0x3FFB];
	_ =	sdelay $0x3  }
0x92: {  	_ =	strace s18  }
0x93: {  	s3 =	sld [smem:$0x3FFC];
	_ =	sdelay $0x3  }
0x94: {  	_ =	strace s3  }
0x95: {  	s3 =	sld [smem:$0x3FFD];
	_ =	sdelay $0x3  }
0x96: {  	_ =	strace s3  }
0x97: {  	_ =	strace $0x8FFFFFFF  }
0x98: {  	s19 =	sld [smem:$0x3FDB];
	_ =	sdelay $0x1  }
0x99: {  	s4 =	simm.s32 $_scs_section_size  }
0x9a: {  	s5 =	simm.s32 $_size__tile_overlayer_lowered;
	s6 =	simm.s32 $_tile_overlayer_lowered  }
0x9b: {  	s22 =	simm.s32 $0x1BFF;
	s21 =	sshll.u32 s6, $0x1;
	s3 =	sadd.s32 s4, s19  }
0x9c: {  	s7 =	simm.s32 $0x0;
	s20 =	sshll.u32 s5, $0x1;
	s5 =	sadd.s32 s21, s3  }
0x9d: {  	[timem:s7], [sflag:s22] =	dma.local [hbm:s5], s20  }
0x9e: {  	_ =	swait.ge [sflag:s22], s20  }
0x9f: {  	s4 =	ssub.s32 $0x0, s20;
	[sflag:s22] =	ssyncset.done $0x0  }
0xa0: {  	[sflag:s22] =	ssyncadd.s32 s4;
	_ =	sdelay $0x1  }
0xa1: {  	s23 =	simm.s32 $0x1B8B  }
0xa2: {  	_ =	swait.ge [sflag:s23], $0x1  }
0xa3: {  	[sflag:s23] =	ssyncset.done $0x0  }
0xa4: {  	s25 =	simm.s32 $0x1B8E;
	s24 =	sld [smem:$0x3FFE];
	[sflag:s23] =	ssyncadd.s32 $0xFFFFFFFF  }
0xa5: {  	s26 =	simm.s32 $execute0_lowered;
	[smem:$0x3FD2] =	sst s25  }
0xa6: {  	s5 =	sshll.u32 s26, $0x1;
	_ =	strace $0x80000049;
	[dreg:$0x1] =	wrdreg $0xFFFFFFFF  }
0xa7: {  	s28 =	simm.s32 $_size_execute0_lowered;
	s3 =	sadd.s32 s3, s5;
	[dreg:$0x0] =	wrdreg $0x0  }
0xa8: {  	s5 =	sshll.u32 s28, $0x1;
	[dreg:$0x2] =	wrdreg s3  }
0xa9: {  	[dreg:$0x3] =	wrdreg s5  }
0xaa: {  	[dreg:$0x4] =	wrdreg $0xC0  }
0xab: {  	_ =	task [dreg:s7], $0x5FFFF  }
0xac: {  	[dreg:$0x1] =	wrdreg $0xFFFFFFFF  }
0xad: {  	[dreg:$0x0] =	wrdreg $0x60  }
0xae: {  	[dreg:$0x2] =	wrdreg s2  }
0xaf: {  	[dreg:$0x3] =	wrdreg s24  }
0xb0: {  	[dreg:$0x4] =	wrdreg $0x12E800  }
0xb1: {  	[dreg:$0x5] =	wrdreg $0x9  }
0xb2: {  	_ =	task.clear_ibuf [dreg:s7], $0x6FFFF;
	_ =	strace $0x90000049  }
0xb3: {  	s29 =	simm.s32 $0x9;
	_ =	strace $0x8000004B  }
0xb4: {  	_ =	swait.ge [sflag:s29], $0x1  }
0xb5: {  	[sflag:s29] =	ssyncadd.s32 $0xFFFFFFFF  }
0xb6: {  	_ =	strace $0x9000004B  }
0xb7: {  	_ =	sfence  }
0xb8: {  	s30 =	sld [smem:$0x0];
	_ =	sdelay $0x2  }
0xb9: {  	s31 =	sshll.u32 s1, $0xD;
	s1 =	sshrl.u32 s1, $0x2  }
0xba: {  	s3 =	sand.u32 $0x4000, s31;
	s1 =	sadd.s32 s1, s30  }
0xbb: {  	s0 =	sor.u32 s3, s0;
	s1 =	sshll.u32 s1, $0x11  }
0xbc: {  	s0 =	sor.u32 s1, s0  }
0xbd: {  	s0 =	sadd.s32 $0x8F2B, s0  }
0xbe: {  	[sflag:s0] =	ssyncadd.remote.s32 $0x1  }
0xbf: {  	_ =	sfence.sel $0xFFFF  }
0xc0: {  	[dreg:$0x0] =	wrdreg $0xFFFFFFFF;
	(pc) =	sbr.abs _section_cstart, $3  }
0xc1: {  	[dreg:$0x1] =	wrdreg $0xFFFFFFFF  }
0xc2: {  	_ =	task.clear_ibuf [dreg:s7], $0x2FFFF;
	_ =	strace $0x9FFFFFFF  }
0xc3: {  	(tm) =	ssettm $0x7FFFFFFF  }
tec
execute0_lowered:
.L_overlay_start_1:
0x0: {  	(tag) =	ssettag $0x1  }
0x1: {  	s1 =	rddreg [dreg:$0x0]  }
0x2: {  	s0 =	srdreg.scid;
	s4 =	rddreg [dreg:$0x1]  }
0x3: {  	s16 =	stileid.u32;
	s2 =	rddreg [dreg:$0x2];
	s30 =	simm.s32 $0x3  }
0x4: {  	s31 =	simm.s32 $0xCE80;
	s3 =	sand.u32 $0x1, s0;
	s7 =	smul.u32 $0x140, s16  }
0x5: {  	s8 =	sadd.s32 $0xC200, s4;
	s0 =	ssub.s32 $0x2, s3;
	s6 =	smul.u32 $0x1400, s3  }
0x6: {  	s5 =	sshrl.u32 s0, $0x1;
	s3 =	sor.u32 $0x20, s7;
	s11 =	sadd.s32 $0x60, s7  }
0x7: {  	s22 =	sadd.s32 $0x80, s7;
	s23 =	sadd.s32 $0xA0, s7;
	s24 =	sadd.s32 $0xC0, s7  }
0x8: {  	s25 =	sadd.s32 $0xE0, s7;
	s26 =	sadd.s32 $0x100, s7;
	s0 =	ssub.s32 s0, s5  }
0x9: {  	s5 =	sadd.s32 $0x40, s7;
	s9 =	sadd.s32 s7, s6;
	s7 =	sadd.s32 $0x120, s7  }
0xa: {  	s10 =	sadd.s32 s6, s3;
	s17 =	sadd.s32 s6, s11;
	s19 =	sadd.s32 s6, s22  }
0xb: {  	s21 =	sadd.s32 s6, s23;
	s3 =	sshll.u32 s3, $0x7;
	s9 =	sshll.u32 s9, $0x4  }
0xc: {  	s13 =	sshll.u32 s10, $0x4;
	s14 =	sadd.s32 s6, s5;
	s18 =	sshll.u32 s17, $0x4  }
0xd: {  	s20 =	sshll.u32 s19, $0x4;
	s12 =	sshll.u32 s21, $0x4;
	s21 =	sshll.u32 s11, $0x7  }
0xe: {  	s11 =	sshll.u32 s7, $0x7;
	s29 =	smax.u32 s0, $0x1;
	s0 =	simm.s32 $0x50  }
0xf: {  	s9 =	sadd.s32 s8, s9;
	s15 =	sshll.u32 s14, $0x4;
	s21 =	sadd.s32 s21, s2  }
0x10: {  	s28 =	sadd.s32 s11, s2;
	[dreg:$0x4] =	wrdreg s9;
	s9 =	sadd.s32 s8, s13  }
0x11: {  	s11 =	simm.s32 $0x11E80;
	s13 =	sadd.s32 s6, s24;
	[dreg:$0x5] =	wrdreg s9  }
0x12: {  	s9 =	sadd.s32 s8, s15;
	s14 =	sshll.u32 s13, $0x4;
	s15 =	sadd.s32 s6, s25  }
0x13: {  	s13 =	sadd.s32 s6, s7;
	[dreg:$0x6] =	wrdreg s9;
	s9 =	sadd.s32 s8, s18  }
0x14: {  	s10 =	sshll.u32 s15, $0x4;
	s18 =	smul.u32 $0x9C4, s16;
	s15 =	sshll.u32 s16, $0xC  }
0x15: {  	[dreg:$0x7] =	wrdreg s9;
	s9 =	sadd.s32 s8, s20;
	s17 =	sadd.s32 s8, s10  }
0x16: {  	s20 =	sshll.u32 s5, $0x7;
	s5 =	sshll.u32 s23, $0x7;
	s10 =	sshll.u32 s26, $0x7  }
0x17: {  	[dreg:$0x8] =	wrdreg s9;
	s9 =	sadd.s32 s8, s12;
	s12 =	sadd.s32 s6, s26  }
0x18: {  	[dreg:$0xb] =	wrdreg s17;
	s17 =	smul.u32 $0x28000, s16;
	s20 =	sadd.s32 s20, s2  }
0x19: {  	s23 =	sadd.s32 s5, s2;
	s26 =	sadd.s32 s10, s2;
	s5 =	simm.s32 $0x2  }
0x1a: {  	v0 =	vmov s6;
	s6 =	simm.s32 $0x0;
	[dreg:$0x9] =	wrdreg s9;
	s9 =	sadd.s32 s8, s14  }
0x1b: {  	s12 =	sshll.u32 s12, $0x4;
	s14 =	sshll.u32 s13, $0x4;
	s13 =	simm.s32 $0x0  }
0x1c: {  	[dreg:$0xa] =	wrdreg s9;
	s12 =	sadd.s32 s8, s12;
	s14 =	sadd.s32 s8, s14  }
0x1d: {  	[smem:$0x7FF] =	sst s13;
	s8 =	sadd.s32 s18, s4;
	s18 =	sadd.s32 s15, s4  }
0x1e: {  	s15 =	sadd.s32 $0xC000, s4;
	s19 =	sshrl.u32 s17, $0x2;
	s4 =	sshll.u32 s22, $0x7  }
0x1f: {  	s9 =	sshll.u32 s25, $0x7;
	_ =	strace $0x8000004A;
	s16 =	sadd.s32 $0x2200, s8  }
0x20: {  	s17 =	sadd.s32 $0x34800, s18;
	s18 =	sadd.s32 s19, s2;
	s19 =	sadd.s32 s3, s2  }
0x21: {  	s22 =	sadd.s32 s4, s2;
	s8 =	sshll.u32 s24, $0x7;
	s25 =	sadd.s32 s9, s2  }
0x22: {  	s3 =	simm.s32 $0x1;
	s4 =	simm.s32 $0xF680;
	s24 =	sadd.s32 s8, s2  }
.LBB2_1:
0x23: {  	[tilespmem:s13], [sflag:$0x3] =	stream.linear.gather [hbm4b:s16+s13], $0x4E20, $0x38;
	[tilespmem:$0x1CEC0] =	vst v63  }
0x24: {  	_ =	swait.ge [sflag:s30], $0x4E20  }
0x25: {  	[sflag:s30] =	ssyncset.done $0x0  }
0x26: {  	s7 =	simm.s32 $0x4E80;
	[sflag:s30] =	ssyncadd.s32 $0xFFFFB1E0  }
0x27: {  	[tilespmem:s7], [sflag:$0x3] =	stream.linear.gather [hbm4b:s17+s13], $0x7D00, $0x38;
	[tilespmem:$0x1CEC0] =	vst v63  }
0x28: {  	_ =	swait.ge [sflag:s30], $0x7D00  }
0x29: {  	[sflag:s30] =	ssyncset.done $0x0  }
0x2a: {  	s7 =	simm.s32 $0x0;
	[sflag:s30] =	ssyncadd.s32 $0xFFFF8300  }
0x2b: {  	v3 =	vld [tilespmem:s7+$0x4E80]  }
0x2c: {  	v4 =	vld [tilespmem:s7+$0x4E90]  }
0x2d: {  	v2 =	vld [tilespmem:s7+$0x4EA0]  }
0x2e: {  	s8 =	simm.s32 $0x200;
	v1 =	vld [tilespmem:s7+$0x4EB0]  }
.LBB2_2:
0x2f: {  	p0 =	sne.s32 s8, $0x1F200;
	v5 =	vld [tilespmem:s7+$0x4EC0]  }
0x30: {  	v3 =	vsub.s32 v3, v0  }
0x31: {  	v3 =	vmin.u32 v3, $0x1400;
	v4 =	vsub.s32 v4, v0  }
.Ltmp0:
0x32: {  	s9 =	sshra.s32 s8, $0x2;
	[tilespmem:s7+$0x4E80] =	vst v3;
	v4 =	vmin.u32 v4, $0x1400;
	v2 =	vsub.s32 v2, v0;
	(pc) =	sbr.rel @p0 .LBB2_2-.Ltmp0, $4  }
0x33: {  	v3 =	vld [tilespmem:s9+$0x4E80];
	[tilespmem:s7+$0x4E90] =	vst v4;
	v2 =	vmin.u32 v2, $0x1400;
	v1 =	vsub.s32 v1, v0  }
0x34: {  	v4 =	vld [tilespmem:s9+$0x4E90];
	[tilespmem:s7+$0x4EA0] =	vst v2;
	v1 =	vmin.u32 v1, $0x1400;
	v5 =	vsub.s32 v5, v0  }
0x35: {  	v2 =	vld [tilespmem:s9+$0x4EA0];
	[tilespmem:s7+$0x4EB0] =	vst v1;
	v5 =	vmin.u32 v5, $0x1400  }
0x36: {  	s8 =	sadd.s32 $0x200, s8;
	v1 =	vld [tilespmem:s9+$0x4EB0];
	[tilespmem:s7+$0x4EC0] =	vst v5;
	s7 =	smov.u32 s9  }
0x37: {  	v5 =	vld [tilespmem:s7+$0x4EC0]  }
0x38: {  	v3 =	vsub.s32 v3, v0  }
0x39: {  	v3 =	vmin.u32 v3, $0x1400;
	v4 =	vsub.s32 v4, v0  }
0x3a: {  	[tilespmem:s7+$0x4E80] =	vst v3;
	v3 =	vmin.u32 v4, $0x1400;
	v2 =	vsub.s32 v2, v0  }
0x3b: {  	[tilespmem:s7+$0x4E90] =	vst v3;
	v2 =	vmin.u32 v2, $0x1400;
	v1 =	vsub.s32 v1, v0  }
0x3c: {  	[tilespmem:s7+$0x4EA0] =	vst v2;
	v1 =	vmin.u32 v1, $0x1400;
	v2 =	vsub.s32 v5, v0  }
0x3d: {  	[tilespmem:s7+$0x4EB0] =	vst v1;
	v1 =	vmin.u32 v2, $0x1400  }
0x3e: {  	s8 =	simm.s32 $0x0;
	[tilespmem:s7+$0x4EC0] =	vst v1  }
0x3f: {  	[tilespmem:s11], [sflag:$0x3] =	stream.linear.gather [hbm4b:s15+s8], $0x1000, $0x38;
	[tilespmem:$0x1CEC0] =	vst v63  }
0x40: {  	_ =	swait.ge [sflag:s30], $0x1000  }
0x41: {  	[sflag:s30] =	ssyncset.done $0x0  }
0x42: {  	[sflag:s30] =	ssyncadd.s32 $0xFFFFF000  }
0x43: {  	[spmem:s18] =	stream.linear.scatter [tilespmem:s11], [sflag:$0x3], $0x1000, $0x38;
	[tilespmem:$0x1CEC0] =	vst v63  }
0x44: {  	_ =	swait.ge [sflag:s30], $0x1000  }
0x45: {  	[sflag:s30] =	ssyncset.done $0x0  }
0x46: {  	[sflag:s30] =	ssyncadd.s32 $0xFFFFF000  }
0x47: {  	[spmem:s19] =	stream.linear.scatter [tilespmem:s11], [sflag:$0x3], $0x1000, $0x38;
	[tilespmem:$0x1CEC0] =	vst v63  }
0x48: {  	_ =	swait.ge [sflag:s30], $0x1000  }
0x49: {  	[sflag:s30] =	ssyncset.done $0x0  }
0x4a: {  	[sflag:s30] =	ssyncadd.s32 $0xFFFFF000  }
0x4b: {  	[spmem:s20] =	stream.linear.scatter [tilespmem:s11], [sflag:$0x3], $0x1000, $0x38;
	[tilespmem:$0x1CEC0] =	vst v63  }
0x4c: {  	_ =	swait.ge [sflag:s30], $0x1000  }
0x4d: {  	[sflag:s30] =	ssyncset.done $0x0  }
0x4e: {  	[sflag:s30] =	ssyncadd.s32 $0xFFFFF000  }
0x4f: {  	[spmem:s21] =	stream.linear.scatter [tilespmem:s11], [sflag:$0x3], $0x1000, $0x38;
	[tilespmem:$0x1CEC0] =	vst v63  }
0x50: {  	_ =	swait.ge [sflag:s30], $0x1000  }
0x51: {  	[sflag:s30] =	ssyncset.done $0x0  }
0x52: {  	[sflag:s30] =	ssyncadd.s32 $0xFFFFF000  }
0x53: {  	[spmem:s22] =	stream.linear.scatter [tilespmem:s11], [sflag:$0x3], $0x1000, $0x38;
	[tilespmem:$0x1CEC0] =	vst v63  }
0x54: {  	_ =	swait.ge [sflag:s30], $0x1000  }
0x55: {  	[sflag:s30] =	ssyncset.done $0x0  }
0x56: {  	[sflag:s30] =	ssyncadd.s32 $0xFFFFF000  }
0x57: {  	[spmem:s23] =	stream.linear.scatter [tilespmem:s11], [sflag:$0x3], $0x1000, $0x38;
	[tilespmem:$0x1CEC0] =	vst v63  }
0x58: {  	_ =	swait.ge [sflag:s30], $0x1000  }
0x59: {  	[sflag:s30] =	ssyncset.done $0x0  }
0x5a: {  	[sflag:s30] =	ssyncadd.s32 $0xFFFFF000  }
0x5b: {  	[spmem:s24] =	stream.linear.scatter [tilespmem:s11], [sflag:$0x3], $0x1000, $0x38;
	[tilespmem:$0x1CEC0] =	vst v63  }
0x5c: {  	_ =	swait.ge [sflag:s30], $0x1000  }
0x5d: {  	[sflag:s30] =	ssyncset.done $0x0  }
0x5e: {  	[sflag:s30] =	ssyncadd.s32 $0xFFFFF000  }
0x5f: {  	[spmem:s25] =	stream.linear.scatter [tilespmem:s11], [sflag:$0x3], $0x1000, $0x38;
	[tilespmem:$0x1CEC0] =	vst v63  }
0x60: {  	_ =	swait.ge [sflag:s30], $0x1000  }
0x61: {  	[sflag:s30] =	ssyncset.done $0x0  }
0x62: {  	[sflag:s30] =	ssyncadd.s32 $0xFFFFF000  }
0x63: {  	[spmem:s26] =	stream.linear.scatter [tilespmem:s11], [sflag:$0x3], $0x1000, $0x38;
	[tilespmem:$0x1CEC0] =	vst v63  }
0x64: {  	_ =	swait.ge [sflag:s30], $0x1000  }
0x65: {  	[sflag:s30] =	ssyncset.done $0x0  }
0x66: {  	[sflag:s30] =	ssyncadd.s32 $0xFFFFF000  }
0x67: {  	[spmem:s28] =	stream.linear.scatter [tilespmem:s11], [sflag:$0x3], $0x1000, $0x38;
	[tilespmem:$0x1CEC0] =	vst v63  }
0x68: {  	_ =	swait.ge [sflag:s30], $0x1000  }
0x69: {  	[sflag:s30] =	ssyncset.done $0x0  }
0x6a: {  	[sflag:s30] =	ssyncadd.s32 $0xFFFFF000  }
0x6b: {  	[bflag:$0x0] =	sbarrier.arrive $0xFFFF  }
0x6c: {  	[tilespmem:s31], [sflag:$0x1] =	stream.indirect.gather [hbm4b:s1+s0], $0x80, s8, s0, $0xb8;
	[tilespmem:$0x1CEC0] =	vst v63  }
0x6d: {  	_ =	swait.ge [sflag:s3], $0x2800  }
0x6e: {  	[sflag:s3] =	ssyncset.done $0x0  }
0x6f: {  	s9 =	simm.s32 $0x50;
	[sflag:s3] =	ssyncadd.s32 $0xFFFFD800  }
0x70: {  	[tilespmem:s4], [sflag:$0x2] =	stream.indirect.gather [hbm4b:s1+s0], $0x80, s9, s0, $0xb8;
	[tilespmem:$0x1CEC0] =	vst v63  }
0x71: {  	s10 =	simm.s32 $0x4E80  }
0x72: {  	[spmem:s2] =	stream.indirect.scatter.add.f32 [tilespmem:s31], [sflag:$0x3], $0x80, s10, s0, $0xb8;
	[tilespmem:$0x1CEC0] =	vst v63  }
0x73: {  	_ =	swait.ge [sflag:s30], $0x2800  }
0x74: {  	[sflag:s30] =	ssyncset.done $0x0  }
0x75: {  	[sflag:s30] =	ssyncadd.s32 $0xFFFFD800  }
0x76: {  	_ =	swait.ge [sflag:s5], $0x2800  }
0x77: {  	[sflag:s5] =	ssyncset.done $0x0  }
0x78: {  	s7 =	simm.s32 $0xA0;
	[sflag:s5] =	ssyncadd.s32 $0xFFFFD800  }
0x79: {  	[tilespmem:s31], [sflag:$0x1] =	stream.indirect.gather [hbm4b:s1+s0], $0x80, s7, s0, $0xb8;
	[tilespmem:$0x1CEC0] =	vst v63  }
0x7a: {  	s8 =	simm.s32 $0x4F00  }
0x7b: {  	[spmem:s2] =	stream.indirect.scatter.add.f32 [tilespmem:s4], [sflag:$0x3], $0x80, s8, s0, $0xb8;
	[tilespmem:$0x1CEC0] =	vst v63  }
0x7c: {  	_ =	swait.ge [sflag:s30], $0x2800  }
0x7d: {  	s8 =	simm.s32 $0x400;
	[sflag:s30] =	ssyncset.done $0x0  }
.LBB2_4:
0x7e: {  	p0 =	sne.s32 s8, $0x1EC00;
	[sflag:s30] =	ssyncadd.s32 $0xFFFFD800;
	s7 =	sadd.s32 $0xA0, s7  }
0x7f: {  	s9 =	smov.u32 s8;
	s8 =	sadd.s32 $0x400, s8  }
0x80: {  	_ =	swait.ge [sflag:s3], $0x2800  }
0x81: {  	[sflag:s3] =	ssyncset.done $0x0  }
0x82: {  	s10 =	sadd.s32 $0xFFFFFFB0, s7;
	s9 =	sshra.s32 s9, $0x2;
	[sflag:s3] =	ssyncadd.s32 $0xFFFFD800  }
0x83: {  	[tilespmem:s4], [sflag:$0x2] =	stream.indirect.gather [hbm4b:s1+s0], $0x80, s10, s0, $0xb8;
	[tilespmem:$0x1CEC0] =	vst v63  }
0x84: {  	s10 =	sadd.s32 $0x4E80, s9  }
0x85: {  	[spmem:s2] =	stream.indirect.scatter.add.f32 [tilespmem:s31], [sflag:$0x3], $0x80, s10, s0, $0xb8;
	[tilespmem:$0x1CEC0] =	vst v63  }
0x86: {  	_ =	swait.ge [sflag:s30], $0x2800  }
0x87: {  	[sflag:s30] =	ssyncset.done $0x0  }
0x88: {  	[sflag:s30] =	ssyncadd.s32 $0xFFFFD800  }
0x89: {  	_ =	swait.ge [sflag:s5], $0x2800  }
0x8a: {  	[sflag:s5] =	ssyncset.done $0x0  }
0x8b: {  	[sflag:s5] =	ssyncadd.s32 $0xFFFFD800  }
0x8c: {  	[tilespmem:s31], [sflag:$0x1] =	stream.indirect.gather [hbm4b:s1+s0], $0x80, s7, s0, $0xb8;
	[tilespmem:$0x1CEC0] =	vst v63  }
.Ltmp1:
0x8d: {  	_ = 	snop;
	(pc) =	sbr.rel @p0 .LBB2_4-.Ltmp1, $4  }
0x8e: {  	s9 =	sadd.s32 $0x4F00, s9  }
0x8f: {  	[spmem:s2] =	stream.indirect.scatter.add.f32 [tilespmem:s4], [sflag:$0x3], $0x80, s9, s0, $0xb8;
	[tilespmem:$0x1CEC0] =	vst v63  }
0x90: {  	_ =	swait.ge [sflag:s30], $0x2800  }
0x91: {  	[sflag:s30] =	ssyncset.done $0x0  }
0x92: {  	[sflag:s30] =	ssyncadd.s32 $0xFFFFD800  }
0x93: {  	_ =	swait.ge [sflag:s3], $0x2800  }
0x94: {  	[sflag:s3] =	ssyncset.done $0x0  }
0x95: {  	s7 =	simm.s32 $0x4DD0;
	[sflag:s3] =	ssyncadd.s32 $0xFFFFD800  }
0x96: {  	[tilespmem:s4], [sflag:$0x2] =	stream.indirect.gather [hbm4b:s1+s0], $0x80, s7, s0, $0xb8;
	[tilespmem:$0x1CEC0] =	vst v63  }
0x97: {  	s10 =	simm.s32 $0xCA80  }
0x98: {  	[spmem:s2] =	stream.indirect.scatter.add.f32 [tilespmem:s31], [sflag:$0x3], $0x80, s10, s0, $0xb8;
	[tilespmem:$0x1CEC0] =	vst v63  }
0x99: {  	_ =	swait.ge [sflag:s30], $0x2800  }
0x9a: {  	[sflag:s30] =	ssyncset.done $0x0  }
0x9b: {  	[sflag:s30] =	ssyncadd.s32 $0xFFFFD800  }
0x9c: {  	_ =	swait.ge [sflag:s5], $0x2800  }
0x9d: {  	[sflag:s5] =	ssyncset.done $0x0  }
0x9e: {  	s8 =	simm.s32 $0xCB00;
	[sflag:s5] =	ssyncadd.s32 $0xFFFFD800  }
0x9f: {  	[spmem:s2] =	stream.indirect.scatter.add.f32 [tilespmem:s4], [sflag:$0x3], $0x80, s8, s0, $0xb8;
	[tilespmem:$0x1CEC0] =	vst v63  }
0xa0: {  	_ =	swait.ge [sflag:s30], $0x2800  }
0xa1: {  	[sflag:s30] =	ssyncset.done $0x0  }
0xa2: {  	[sflag:s30] =	ssyncadd.s32 $0xFFFFD800  }
0xa3: {  	[bflag:$0x0] =	sbarrier.arrive $0xFFFF  }
0xa4: {  	[tilespmem:s11], [sflag:$0x3] =	stream.linear.gather [spmem:s18], $0x1000, $0x38;
	[tilespmem:$0x1CEC0] =	vst v63  }
0xa5: {  	_ =	swait.ge [sflag:s30], $0x1000  }
0xa6: {  	[sflag:s30] =	ssyncset.done $0x0  }
0xa7: {  	s9 =	rddreg [dreg:$0x4];
	[sflag:s30] =	ssyncadd.s32 $0xFFFFF000  }
0xa8: {  	[hbm4b:s9+s13] =	stream.linear.scatter [tilespmem:s11], [sflag:$0x3], $0x1000, $0x38;
	[tilespmem:$0x1CEC0] =	vst v63  }
0xa9: {  	_ =	swait.ge [sflag:s30], $0x1000  }
0xaa: {  	[sflag:s30] =	ssyncset.done $0x0  }
0xab: {  	[sflag:s30] =	ssyncadd.s32 $0xFFFFF000  }
0xac: {  	[tilespmem:s11], [sflag:$0x3] =	stream.linear.gather [spmem:s19], $0x1000, $0x38;
	[tilespmem:$0x1CEC0] =	vst v63  }
0xad: {  	_ =	swait.ge [sflag:s30], $0x1000  }
0xae: {  	[sflag:s30] =	ssyncset.done $0x0  }
0xaf: {  	s10 =	rddreg [dreg:$0x5];
	[sflag:s30] =	ssyncadd.s32 $0xFFFFF000  }
0xb0: {  	[hbm4b:s10+s13] =	stream.linear.scatter [tilespmem:s11], [sflag:$0x3], $0x1000, $0x38;
	[tilespmem:$0x1CEC0] =	vst v63  }
0xb1: {  	_ =	swait.ge [sflag:s30], $0x1000  }
0xb2: {  	[sflag:s30] =	ssyncset.done $0x0  }
0xb3: {  	[sflag:s30] =	ssyncadd.s32 $0xFFFFF000  }
0xb4: {  	[tilespmem:s11], [sflag:$0x3] =	stream.linear.gather [spmem:s20], $0x1000, $0x38;
	[tilespmem:$0x1CEC0] =	vst v63  }
0xb5: {  	_ =	swait.ge [sflag:s30], $0x1000  }
0xb6: {  	[sflag:s30] =	ssyncset.done $0x0  }
0xb7: {  	s8 =	rddreg [dreg:$0x6];
	[sflag:s30] =	ssyncadd.s32 $0xFFFFF000  }
0xb8: {  	[hbm4b:s8+s13] =	stream.linear.scatter [tilespmem:s11], [sflag:$0x3], $0x1000, $0x38;
	[tilespmem:$0x1CEC0] =	vst v63  }
0xb9: {  	_ =	swait.ge [sflag:s30], $0x1000  }
0xba: {  	[sflag:s30] =	ssyncset.done $0x0  }
0xbb: {  	[sflag:s30] =	ssyncadd.s32 $0xFFFFF000  }
0xbc: {  	[tilespmem:s11], [sflag:$0x3] =	stream.linear.gather [spmem:s21], $0x1000, $0x38;
	[tilespmem:$0x1CEC0] =	vst v63  }
0xbd: {  	_ =	swait.ge [sflag:s30], $0x1000  }
0xbe: {  	[sflag:s30] =	ssyncset.done $0x0  }
0xbf: {  	s9 =	rddreg [dreg:$0x7];
	[sflag:s30] =	ssyncadd.s32 $0xFFFFF000  }
0xc0: {  	[hbm4b:s9+s13] =	stream.linear.scatter [tilespmem:s11], [sflag:$0x3], $0x1000, $0x38;
	[tilespmem:$0x1CEC0] =	vst v63  }
0xc1: {  	_ =	swait.ge [sflag:s30], $0x1000  }
0xc2: {  	[sflag:s30] =	ssyncset.done $0x0  }
0xc3: {  	[sflag:s30] =	ssyncadd.s32 $0xFFFFF000  }
0xc4: {  	[tilespmem:s11], [sflag:$0x3] =	stream.linear.gather [spmem:s22], $0x1000, $0x38;
	[tilespmem:$0x1CEC0] =	vst v63  }
0xc5: {  	_ =	swait.ge [sflag:s30], $0x1000  }
0xc6: {  	[sflag:s30] =	ssyncset.done $0x0  }
0xc7: {  	s10 =	rddreg [dreg:$0x8];
	[sflag:s30] =	ssyncadd.s32 $0xFFFFF000  }
0xc8: {  	[hbm4b:s10+s13] =	stream.linear.scatter [tilespmem:s11], [sflag:$0x3], $0x1000, $0x38;
	[tilespmem:$0x1CEC0] =	vst v63  }
0xc9: {  	_ =	swait.ge [sflag:s30], $0x1000  }
0xca: {  	[sflag:s30] =	ssyncset.done $0x0  }
0xcb: {  	[sflag:s30] =	ssyncadd.s32 $0xFFFFF000  }
0xcc: {  	[tilespmem:s11], [sflag:$0x3] =	stream.linear.gather [spmem:s23], $0x1000, $0x38;
	[tilespmem:$0x1CEC0] =	vst v63  }
0xcd: {  	_ =	swait.ge [sflag:s30], $0x1000  }
0xce: {  	[sflag:s30] =	ssyncset.done $0x0  }
0xcf: {  	s8 =	rddreg [dreg:$0x9];
	[sflag:s30] =	ssyncadd.s32 $0xFFFFF000  }
0xd0: {  	[hbm4b:s8+s13] =	stream.linear.scatter [tilespmem:s11], [sflag:$0x3], $0x1000, $0x38;
	[tilespmem:$0x1CEC0] =	vst v63  }
0xd1: {  	_ =	swait.ge [sflag:s30], $0x1000  }
0xd2: {  	[sflag:s30] =	ssyncset.done $0x0  }
0xd3: {  	[sflag:s30] =	ssyncadd.s32 $0xFFFFF000  }
0xd4: {  	[tilespmem:s11], [sflag:$0x3] =	stream.linear.gather [spmem:s24], $0x1000, $0x38;
	[tilespmem:$0x1CEC0] =	vst v63  }
0xd5: {  	_ =	swait.ge [sflag:s30], $0x1000  }
0xd6: {  	[sflag:s30] =	ssyncset.done $0x0  }
0xd7: {  	s9 =	rddreg [dreg:$0xa];
	[sflag:s30] =	ssyncadd.s32 $0xFFFFF000  }
0xd8: {  	[hbm4b:s9+s13] =	stream.linear.scatter [tilespmem:s11], [sflag:$0x3], $0x1000, $0x38;
	[tilespmem:$0x1CEC0] =	vst v63  }
0xd9: {  	_ =	swait.ge [sflag:s30], $0x1000  }
0xda: {  	[sflag:s30] =	ssyncset.done $0x0  }
0xdb: {  	[sflag:s30] =	ssyncadd.s32 $0xFFFFF000  }
0xdc: {  	[tilespmem:s11], [sflag:$0x3] =	stream.linear.gather [spmem:s25], $0x1000, $0x38;
	[tilespmem:$0x1CEC0] =	vst v63  }
0xdd: {  	_ =	swait.ge [sflag:s30], $0x1000  }
0xde: {  	[sflag:s30] =	ssyncset.done $0x0  }
0xdf: {  	s10 =	rddreg [dreg:$0xb];
	[sflag:s30] =	ssyncadd.s32 $0xFFFFF000  }
0xe0: {  	[hbm4b:s10+s13] =	stream.linear.scatter [tilespmem:s11], [sflag:$0x3], $0x1000, $0x38;
	[tilespmem:$0x1CEC0] =	vst v63  }
0xe1: {  	_ =	swait.ge [sflag:s30], $0x1000  }
0xe2: {  	[sflag:s30] =	ssyncset.done $0x0  }
0xe3: {  	[sflag:s30] =	ssyncadd.s32 $0xFFFFF000  }
0xe4: {  	[tilespmem:s11], [sflag:$0x3] =	stream.linear.gather [spmem:s26], $0x1000, $0x38;
	[tilespmem:$0x1CEC0] =	vst v63  }
0xe5: {  	_ =	swait.ge [sflag:s30], $0x1000  }
0xe6: {  	[sflag:s30] =	ssyncset.done $0x0  }
0xe7: {  	[sflag:s30] =	ssyncadd.s32 $0xFFFFF000  }
0xe8: {  	[hbm4b:s12+s13] =	stream.linear.scatter [tilespmem:s11], [sflag:$0x3], $0x1000, $0x38;
	[tilespmem:$0x1CEC0] =	vst v63  }
0xe9: {  	_ =	swait.ge [sflag:s30], $0x1000  }
0xea: {  	[sflag:s30] =	ssyncset.done $0x0  }
0xeb: {  	[sflag:s30] =	ssyncadd.s32 $0xFFFFF000  }
0xec: {  	[tilespmem:s11], [sflag:$0x3] =	stream.linear.gather [spmem:s28], $0x1000, $0x38;
	[tilespmem:$0x1CEC0] =	vst v63  }
0xed: {  	s6 =	sadd.s32 $0x1, s6;
	_ =	swait.ge [sflag:s30], $0x1000  }
0xee: {  	p0 =	sne.s32 s6, s29;
	[sflag:s30] =	ssyncset.done $0x0  }
.Ltmp2:
0xef: {  	[sflag:s30] =	ssyncadd.s32 $0xFFFFF000;
	(pc) =	sbr.rel @p0 .LBB2_1-.Ltmp2, $4  }
0xf0: {  	[hbm4b:s14+s13] =	stream.linear.scatter [tilespmem:s11], [sflag:$0x3], $0x1000, $0x38;
	[tilespmem:$0x1CEC0] =	vst v63  }
0xf1: {  	_ =	swait.ge [sflag:s30], $0x1000  }
0xf2: {  	[sflag:s30] =	ssyncset.done $0x0  }
0xf3: {  	[sflag:s30] =	ssyncadd.s32 $0xFFFFF000  }
0xf4: {  	_ =	sfence.sel $0x180000  }
0xf5: {  	[bflag:$0x0] =	sbarrier.arrive $0xFFFF  }
0xf6: {  	_ =	strace $0x9000004A  }
0xf7: {  	s0 =	stileid.u32;
	[bflag:$0x2] =	sbarrier.arrive $0xFFFF  }
0xf8: {  	p0 =	sne.s32 s0, $0x0;
	s0 =	rddreg [dreg:$0x3]  }
0xf9: {  	s0 =	sadd.s32 @!p0 $0x100000, s0  }
0xfa: {  	[sflag:s0] =	ssyncadd.tile.s32 @!p0 $0x1;
	_ =	shalt  }
.Lfunc_end2:
_tile_overlayer_lowered:
.L_overlay_start_2:
0xfb: {  	(tag) =	ssettag $0x2  }
0xfc: {  	s0 =	rddreg [dreg:$0x0];
	s2 =	stileid.u32  }
0xfd: {  	s1 =	rddreg [dreg:$0x1];
	p0 =	sne.s32 s2, $0x0  }
0xfe: {  	s3 =	rddreg [dreg:$0x2];
	[bflag:$0x3] =	sbarrier.arrive $0xFFFF;
	s2 =	simm.s32 @!p0 $0x1C03  }
0xff: {  	[timem:s3], [sflag:s2] =	dma.local @!p0 [hbm:s0], s1  }
0x100: {  	s0 =	simm.s32 @!p0 $0x3  }
0x101: {  	_ =	swait.ge @!p0 [sflag:s0], s1  }
0x102: {  	s1 =	ssub.s32 @!p0 $0x0, s1;
	[sflag:s0] =	ssyncset.done @!p0 $0x0  }
0x103: {  	[sflag:s0] =	ssyncadd.s32 @!p0 s1  }
0x104: {  	[bflag:$0x3] =	sbarrier.arrive $0xFFFF  }
0x105: {  	_ =	shalt  }

// kernel: kernel.14.cloned.1.call-start
scs
__scs_entry_jumppad:
0x0: {  	(pc) =	sbr.rel $0x88, $3  }
0x1: {  	(tag) =	ssettag $0x0;
	lr =	simm.s32 $0x1  }
0x2: {  	[smem:$0x3F9B] =	sst lr;
	_ =	strace $0xD0000000  }
0x3: {  	_ = 	snop  }
0x4: {  	_ = 	snop  }
0x5: {  	_ = 	snop  }
0x6: {  	_ = 	snop  }
0x7: {  	_ = 	snop  }
__scs_overlays_trampoline_lowered:
0x8: {  	[smem:$0x3FAA] =	sst s0  }
0x9: {  	[smem:$0x3FAB] =	sst s1  }
0xa: {  	[smem:$0x3FAC] =	sst s2  }
0xb: {  	[smem:$0x3FAD] =	sst s3  }
0xc: {  	[smem:$0x3FAE] =	sst s4  }
0xd: {  	[smem:$0x3FAF] =	sst s5  }
0xe: {  	[smem:$0x3FB0] =	sst s6  }
0xf: {  	[smem:$0x3FB1] =	sst s7  }
0x10: {  	[smem:$0x3FB2] =	sst s8  }
0x11: {  	[smem:$0x3FB3] =	sst s9;
	s0 =	simm.s32 @!p0 $0x0  }
0x12: {  	s1 =	sld [smem:$0x3F99];
	s0 =	simm.s32 @p0 $0x1  }
0x13: {  	[smem:$0x3FB4] =	sst s0;
	s0 =	simm.s32 @!p1 $0x0  }
0x14: {  	s2 =	sld [smem:$0x3F98];
	s0 =	simm.s32 @p1 $0x1  }
0x15: {  	[smem:$0x3FB5] =	sst s0;
	s0 =	simm.s32 @!p2 $0x0  }
0x16: {  	s3 =	sld [smem:$0x3FDB];
	s0 =	simm.s32 @p2 $0x1  }
0x17: {  	s4 =	simm.s32 $0x1BF5;
	[smem:$0x3FB7] =	sst s0  }
0x18: {  	s0 =	sld [smem:$0x3F9A];
	_ =	swait.ge [sflag:s4], $0x0  }
0x19: {  	s7 =	sld [smem:$0x3F9B]  }
0x1a: {  	s8 =	sadd.s32 $0xFFFFE003, lr  }
0x1b: {  	s9 =	sadd.s32 $0xFFFFFEF7, lr;
	s5 =	simm.s32 $0xFFFFFFFF;
	p2 =	slt.u32 s8, $0xFFFFF086  }
0x1c: {  	p1 =	slt.u32 s9, $0xF7A;
	s5 =	simm.s32 @!p2 $0x0  }
0x1d: {  	s5 =	simm.s32 @p1 $0x1;
	p0 =	seq.s32 s7, s2  }
0x1e: {  	s7 =	smul.u32 @!p0 $0xF7A, s2;
	p2 =	seq.s32 @!p0 s5, $0x0  }
0x1f: {  	s9 =	smul.u32 $0xF7A, s1;
	s8 =	simm.s32 @!p0 $0x1BF5;
	p2 =	por !p2, p0  }
0x20: {  	[sflag:s8] =	ssyncset.s32 @!p0 $0xFFFFF086;
	s6 =	sadd.s32 @!p0 s3, s7;
	s7 =	simm.s32 @!p0 $0x108  }
0x21: {  	s3 =	sadd.s32 s3, s9;
	s6 =	sadd.s32 @!p0 $0x88, s6;
	s7 =	simm.s32 @p2 $0x1082  }
0x22: {  	[simem:s7], [sflag:s8] =	dma.local @!p0 [hbm:s6], $0xF7A  }
0x23: {  	s9 =	sor.u32 $0xD0000000, s2;
	s6 =	simm.s32 $0x108;
	_ =	swait.ge @!p0 [sflag:s8], $0x0  }
0x24: {  	s3 =	sadd.s32 $0x88, s3;
	s6 =	simm.s32 @!p1 $0x1082;
	[sflag:s4] =	ssyncset.s32 $0xFFFFF086  }
0x25: {  	[simem:s6], [sflag:s4] =	dma.local [hbm:s3], $0xF7A  }
0x26: {  	[smem:$0x3F9B] =	sst s1;
	(tag) =	ssettag s2;
	_ =	strace s9  }
0x27: {  	s1 =	sld [smem:$0x3FAB]  }
0x28: {  	s2 =	sld [smem:$0x3FAC]  }
0x29: {  	s4 =	sld [smem:$0x3FAE]  }
0x2a: {  	p0 =	seq.s32 s5, $0x0;
	s5 =	sld [smem:$0x3FAF]  }
0x2b: {  	s6 =	sld [smem:$0x3FB0]  }
0x2c: {  	s7 =	sld [smem:$0x3FB1]  }
0x2d: {  	s3 =	simm.s32 $0x108;
	s8 =	sld [smem:$0x3FB2]  }
0x2e: {  	s3 =	simm.s32 @!p0 $0x1082;
	s9 =	sld [smem:$0x3FB3]  }
0x2f: {  	lr =	sadd.s32 s0, s3;
	s0 =	sld [smem:$0x3FAA]  }
0x30: {  	s3 =	sld [smem:$0x3FAD]  }
0x31: {  	[smem:$0x3FB6] =	sst s10  }
0x32: {  	s10 =	sld [smem:$0x3FB4];
	_ =	sdelay $0x3  }
0x33: {  	p0 =	seq.s32 s10, $0x1;
	s10 =	sld [smem:$0x3FB6];
	_ =	sdelay $0x3  }
0x34: {  	[smem:$0x3FB6] =	sst s10  }
0x35: {  	s10 =	sld [smem:$0x3FB5];
	_ =	sdelay $0x3  }
0x36: {  	p1 =	seq.s32 s10, $0x1;
	s10 =	sld [smem:$0x3FB6];
	_ =	sdelay $0x3  }
0x37: {  	[smem:$0x3FB6] =	sst s10  }
0x38: {  	s10 =	sld [smem:$0x3FB7]  }
0x39: {  	_ = 	snop;
	(pc) =	sbr.ind lr, $3  }
0x3a: {  	_ = 	snop  }
0x3b: {  	_ = 	snop  }
0x3c: {  	p2 =	seq.s32 s10, $0x1;
	s10 =	sld [smem:$0x3FB6]  }
0x3d: {  	_ =	shalt  }
0x3e: {  	_ =	shalt  }
0x3f: {  	_ =	shalt  }
0x40: {  	_ =	shalt  }
0x41: {  	_ =	shalt  }
0x42: {  	_ =	shalt  }
0x43: {  	_ =	shalt  }
0x44: {  	_ =	shalt  }
0x45: {  	_ =	shalt  }
0x46: {  	_ =	shalt  }
0x47: {  	_ =	shalt  }
0x48: {  	_ =	shalt  }
0x49: {  	_ =	shalt  }
0x4a: {  	_ =	shalt  }
0x4b: {  	_ =	shalt  }
0x4c: {  	_ =	shalt  }
0x4d: {  	_ =	shalt  }
0x4e: {  	_ =	shalt  }
0x4f: {  	_ =	shalt  }
0x50: {  	_ =	shalt  }
0x51: {  	_ =	shalt  }
0x52: {  	_ =	shalt  }
0x53: {  	_ =	shalt  }
0x54: {  	_ =	shalt  }
0x55: {  	_ =	shalt  }
0x56: {  	_ =	shalt  }
0x57: {  	_ =	shalt  }
0x58: {  	_ =	shalt  }
0x59: {  	_ =	shalt  }
0x5a: {  	_ =	shalt  }
0x5b: {  	_ =	shalt  }
0x5c: {  	_ =	shalt  }
0x5d: {  	_ =	shalt  }
0x5e: {  	_ =	shalt  }
0x5f: {  	_ =	shalt  }
0x60: {  	_ =	shalt  }
0x61: {  	_ =	shalt  }
0x62: {  	_ =	shalt  }
0x63: {  	_ =	shalt  }
0x64: {  	_ =	shalt  }
0x65: {  	_ =	shalt  }
0x66: {  	_ =	shalt  }
0x67: {  	_ =	shalt  }
0x68: {  	_ =	shalt  }
0x69: {  	_ =	shalt  }
0x6a: {  	_ =	shalt  }
0x6b: {  	_ =	shalt  }
0x6c: {  	_ =	shalt  }
0x6d: {  	_ =	shalt  }
0x6e: {  	_ =	shalt  }
0x6f: {  	_ =	shalt  }
0x70: {  	_ =	shalt  }
0x71: {  	_ =	shalt  }
0x72: {  	_ =	shalt  }
0x73: {  	_ =	shalt  }
0x74: {  	_ =	shalt  }
0x75: {  	_ =	shalt  }
0x76: {  	_ =	shalt  }
0x77: {  	_ =	shalt  }
0x78: {  	_ =	shalt  }
0x79: {  	_ =	shalt  }
0x7a: {  	_ =	shalt  }
0x7b: {  	_ =	shalt  }
0x7c: {  	_ =	shalt  }
0x7d: {  	_ =	shalt  }
0x7e: {  	_ =	shalt  }
0x7f: {  	_ =	shalt  }
0x80: {  	_ =	shalt  }
0x81: {  	_ =	shalt  }
0x82: {  	_ =	shalt  }
0x83: {  	_ =	shalt  }
0x84: {  	_ =	shalt  }
0x85: {  	_ =	shalt  }
0x86: {  	_ =	shalt  }
0x87: {  	_ =	shalt  }
.Lfunc_end0:
.L_simem_size_0:
called_computation.2_lowered:
.L_overlay_start_0:
0x88: {  	s2 =	sld [smem:$0x3FD9]  }
0x89: {  	s3 =	sld [smem:$0x3FFE];
	_ =	sdelay $0x1  }
0x8a: {  	s1 =	srdreg.scid  }
0x8b: {  	s0 =	sand.u32 $0x1, s1  }
0x8c: {  	s17 =	sshll.u32 s0, $0xA;
	s2 =	sadd.s32 s3, s2  }
0x8d: {  	s2 =	sadd.s32 s2, s17  }
0x8e: {  	[smem:$0x3FC2] =	sst s2  }
0x8f: {  	_ = 	snop  }
0x90: {  	s2 =	sld [smem:$0x3FD0];
	(tm) =	ssettm $0x1  }
0x91: {  	s18 =	sld [smem:$0x3FFB];
	_ =	sdelay $0x3  }
0x92: {  	_ =	strace s18  }
0x93: {  	s3 =	sld [smem:$0x3FFC];
	_ =	sdelay $0x3  }
0x94: {  	_ =	strace s3  }
0x95: {  	s3 =	sld [smem:$0x3FFD];
	_ =	sdelay $0x3  }
0x96: {  	_ =	strace s3  }
0x97: {  	_ =	strace $0x8FFFFFFF  }
0x98: {  	s19 =	sld [smem:$0x3FDB];
	_ =	sdelay $0x1  }
0x99: {  	s4 =	simm.s32 $_scs_section_size  }
0x9a: {  	s5 =	simm.s32 $_size__tile_overlayer_lowered;
	s6 =	simm.s32 $_tile_overlayer_lowered  }
0x9b: {  	s22 =	simm.s32 $0x1BFF;
	s21 =	sshll.u32 s6, $0x1;
	s3 =	sadd.s32 s4, s19  }
0x9c: {  	s7 =	simm.s32 $0x0;
	s20 =	sshll.u32 s5, $0x1;
	s5 =	sadd.s32 s21, s3  }
0x9d: {  	[timem:s7], [sflag:s22] =	dma.local [hbm:s5], s20  }
0x9e: {  	_ =	swait.ge [sflag:s22], s20  }
0x9f: {  	s4 =	ssub.s32 $0x0, s20;
	[sflag:s22] =	ssyncset.done $0x0  }
0xa0: {  	[sflag:s22] =	ssyncadd.s32 s4;
	_ =	sdelay $0x1  }
0xa1: {  	s23 =	simm.s32 $0x1B8B  }
0xa2: {  	_ =	swait.ge [sflag:s23], $0x1  }
0xa3: {  	[sflag:s23] =	ssyncset.done $0x0  }
0xa4: {  	s25 =	simm.s32 $0x1B8E;
	s24 =	sld [smem:$0x3FFE];
	[sflag:s23] =	ssyncadd.s32 $0xFFFFFFFF  }
0xa5: {  	s26 =	simm.s32 $execute0_lowered;
	[smem:$0x3FD2] =	sst s25  }
0xa6: {  	s5 =	sshll.u32 s26, $0x1;
	_ =	strace $0x8000004C;
	[dreg:$0x1] =	wrdreg $0xFFFFFFFF  }
0xa7: {  	s28 =	simm.s32 $_size_execute0_lowered;
	s3 =	sadd.s32 s3, s5;
	[dreg:$0x0] =	wrdreg $0x0  }
0xa8: {  	s5 =	sshll.u32 s28, $0x1;
	[dreg:$0x2] =	wrdreg s3  }
0xa9: {  	[dreg:$0x3] =	wrdreg s5  }
0xaa: {  	[dreg:$0x4] =	wrdreg $0xC0  }
0xab: {  	_ =	task [dreg:s7], $0x5FFFF  }
0xac: {  	[dreg:$0x1] =	wrdreg $0xFFFFFFFF  }
0xad: {  	[dreg:$0x0] =	wrdreg $0x60  }
0xae: {  	[dreg:$0x2] =	wrdreg s2  }
0xaf: {  	[dreg:$0x3] =	wrdreg s24  }
0xb0: {  	[dreg:$0x4] =	wrdreg $0x12E800  }
0xb1: {  	[dreg:$0x5] =	wrdreg $0x9  }
0xb2: {  	_ =	task.clear_ibuf [dreg:s7], $0x6FFFF;
	_ =	strace $0x9000004C  }
0xb3: {  	s29 =	simm.s32 $0x9;
	_ =	strace $0x8000004E  }
0xb4: {  	_ =	swait.ge [sflag:s29], $0x1  }
0xb5: {  	[sflag:s29] =	ssyncadd.s32 $0xFFFFFFFF  }
0xb6: {  	_ =	strace $0x9000004E  }
0xb7: {  	_ =	sfence  }
0xb8: {  	s30 =	sld [smem:$0x0];
	_ =	sdelay $0x2  }
0xb9: {  	s31 =	sshll.u32 s1, $0xD;
	s1 =	sshrl.u32 s1, $0x2  }
0xba: {  	s3 =	sand.u32 $0x4000, s31;
	s1 =	sadd.s32 s1, s30  }
0xbb: {  	s0 =	sor.u32 s3, s0;
	s1 =	sshll.u32 s1, $0x11  }
0xbc: {  	s0 =	sor.u32 s1, s0  }
0xbd: {  	s0 =	sadd.s32 $0x8F2B, s0  }
0xbe: {  	[sflag:s0] =	ssyncadd.remote.s32 $0x1  }
0xbf: {  	_ =	sfence.sel $0xFFFF  }
0xc0: {  	[dreg:$0x0] =	wrdreg $0xFFFFFFFF;
	(pc) =	sbr.abs _section_cstart, $3  }
0xc1: {  	[dreg:$0x1] =	wrdreg $0xFFFFFFFF  }
0xc2: {  	_ =	task.clear_ibuf [dreg:s7], $0x2FFFF;
	_ =	strace $0x9FFFFFFF  }
0xc3: {  	(tm) =	ssettm $0x7FFFFFFF  }
tec
execute0_lowered:
.L_overlay_start_1:
0x0: {  	(tag) =	ssettag $0x1  }
0x1: {  	s1 =	rddreg [dreg:$0x0]  }
0x2: {  	s0 =	srdreg.scid;
	s4 =	rddreg [dreg:$0x1]  }
0x3: {  	s16 =	stileid.u32;
	s2 =	rddreg [dreg:$0x2];
	s30 =	simm.s32 $0x3  }
0x4: {  	s31 =	simm.s32 $0xCE80;
	s3 =	sand.u32 $0x1, s0;
	s7 =	smul.u32 $0x140, s16  }
0x5: {  	s8 =	sadd.s32 $0xC200, s4;
	s0 =	ssub.s32 $0x2, s3;
	s6 =	smul.u32 $0x1400, s3  }
0x6: {  	s5 =	sshrl.u32 s0, $0x1;
	s3 =	sor.u32 $0x20, s7;
	s11 =	sadd.s32 $0x60, s7  }
0x7: {  	s22 =	sadd.s32 $0x80, s7;
	s23 =	sadd.s32 $0xA0, s7;
	s24 =	sadd.s32 $0xC0, s7  }
0x8: {  	s25 =	sadd.s32 $0xE0, s7;
	s26 =	sadd.s32 $0x100, s7;
	s0 =	ssub.s32 s0, s5  }
0x9: {  	s5 =	sadd.s32 $0x40, s7;
	s9 =	sadd.s32 s7, s6;
	s7 =	sadd.s32 $0x120, s7  }
0xa: {  	s10 =	sadd.s32 s6, s3;
	s17 =	sadd.s32 s6, s11;
	s19 =	sadd.s32 s6, s22  }
0xb: {  	s21 =	sadd.s32 s6, s23;
	s3 =	sshll.u32 s3, $0x7;
	s9 =	sshll.u32 s9, $0x4  }
0xc: {  	s13 =	sshll.u32 s10, $0x4;
	s14 =	sadd.s32 s6, s5;
	s18 =	sshll.u32 s17, $0x4  }
0xd: {  	s20 =	sshll.u32 s19, $0x4;
	s12 =	sshll.u32 s21, $0x4;
	s21 =	sshll.u32 s11, $0x7  }
0xe: {  	s11 =	sshll.u32 s7, $0x7;
	s29 =	smax.u32 s0, $0x1;
	s0 =	simm.s32 $0x50  }
0xf: {  	s9 =	sadd.s32 s8, s9;
	s15 =	sshll.u32 s14, $0x4;
	s21 =	sadd.s32 s21, s2  }
0x10: {  	s28 =	sadd.s32 s11, s2;
	[dreg:$0x4] =	wrdreg s9;
	s9 =	sadd.s32 s8, s13  }
0x11: {  	s11 =	simm.s32 $0x11E80;
	s13 =	sadd.s32 s6, s24;
	[dreg:$0x5] =	wrdreg s9  }
0x12: {  	s9 =	sadd.s32 s8, s15;
	s14 =	sshll.u32 s13, $0x4;
	s15 =	sadd.s32 s6, s25  }
0x13: {  	s13 =	sadd.s32 s6, s7;
	[dreg:$0x6] =	wrdreg s9;
	s9 =	sadd.s32 s8, s18  }
0x14: {  	s10 =	sshll.u32 s15, $0x4;
	s18 =	smul.u32 $0x9C4, s16;
	s15 =	sshll.u32 s16, $0xC  }
0x15: {  	[dreg:$0x7] =	wrdreg s9;
	s9 =	sadd.s32 s8, s20;
	s17 =	sadd.s32 s8, s10  }
0x16: {  	s20 =	sshll.u32 s5, $0x7;
	s5 =	sshll.u32 s23, $0x7;
	s10 =	sshll.u32 s26, $0x7  }
0x17: {  	[dreg:$0x8] =	wrdreg s9;
	s9 =	sadd.s32 s8, s12;
	s12 =	sadd.s32 s6, s26  }
0x18: {  	[dreg:$0xb] =	wrdreg s17;
	s17 =	smul.u32 $0x28000, s16;
	s20 =	sadd.s32 s20, s2  }
0x19: {  	s23 =	sadd.s32 s5, s2;
	s26 =	sadd.s32 s10, s2;
	s5 =	simm.s32 $0x2  }
0x1a: {  	v0 =	vmov s6;
	s6 =	simm.s32 $0x0;
	[dreg:$0x9] =	wrdreg s9;
	s9 =	sadd.s32 s8, s14  }
0x1b: {  	s12 =	sshll.u32 s12, $0x4;
	s14 =	sshll.u32 s13, $0x4;
	s13 =	simm.s32 $0x0  }
0x1c: {  	[dreg:$0xa] =	wrdreg s9;
	s12 =	sadd.s32 s8, s12;
	s14 =	sadd.s32 s8, s14  }
0x1d: {  	[smem:$0x7FF] =	sst s13;
	s8 =	sadd.s32 s18, s4;
	s18 =	sadd.s32 s15, s4  }
0x1e: {  	s15 =	sadd.s32 $0xC000, s4;
	s19 =	sshrl.u32 s17, $0x2;
	s4 =	sshll.u32 s22, $0x7  }
0x1f: {  	s9 =	sshll.u32 s25, $0x7;
	_ =	strace $0x8000004D;
	s16 =	sadd.s32 $0x2200, s8  }
0x20: {  	s17 =	sadd.s32 $0x34800, s18;
	s18 =	sadd.s32 s19, s2;
	s19 =	sadd.s32 s3, s2  }
0x21: {  	s22 =	sadd.s32 s4, s2;
	s8 =	sshll.u32 s24, $0x7;
	s25 =	sadd.s32 s9, s2  }
0x22: {  	s3 =	simm.s32 $0x1;
	s4 =	simm.s32 $0xF680;
	s24 =	sadd.s32 s8, s2  }
.LBB2_1:
0x23: {  	[tilespmem:s13], [sflag:$0x3] =	stream.linear.gather [hbm4b:s16+s13], $0x4E20, $0x38;
	[tilespmem:$0x1CEC0] =	vst v63  }
0x24: {  	_ =	swait.ge [sflag:s30], $0x4E20  }
0x25: {  	[sflag:s30] =	ssyncset.done $0x0  }
0x26: {  	s7 =	simm.s32 $0x4E80;
	[sflag:s30] =	ssyncadd.s32 $0xFFFFB1E0  }
0x27: {  	[tilespmem:s7], [sflag:$0x3] =	stream.linear.gather [hbm4b:s17+s13], $0x7D00, $0x38;
	[tilespmem:$0x1CEC0] =	vst v63  }
0x28: {  	_ =	swait.ge [sflag:s30], $0x7D00  }
0x29: {  	[sflag:s30] =	ssyncset.done $0x0  }
0x2a: {  	s7 =	simm.s32 $0x0;
	[sflag:s30] =	ssyncadd.s32 $0xFFFF8300  }
0x2b: {  	v3 =	vld [tilespmem:s7+$0x4E80]  }
0x2c: {  	v4 =	vld [tilespmem:s7+$0x4E90]  }
0x2d: {  	v2 =	vld [tilespmem:s7+$0x4EA0]  }
0x2e: {  	s8 =	simm.s32 $0x200;
	v1 =	vld [tilespmem:s7+$0x4EB0]  }
.LBB2_2:
0x2f: {  	p0 =	sne.s32 s8, $0x1F200;
	v5 =	vld [tilespmem:s7+$0x4EC0]  }
0x30: {  	v3 =	vsub.s32 v3, v0  }
0x31: {  	v3 =	vmin.u32 v3, $0x1400;
	v4 =	vsub.s32 v4, v0  }
.Ltmp0:
0x32: {  	s9 =	sshra.s32 s8, $0x2;
	[tilespmem:s7+$0x4E80] =	vst v3;
	v4 =	vmin.u32 v4, $0x1400;
	v2 =	vsub.s32 v2, v0;
	(pc) =	sbr.rel @p0 .LBB2_2-.Ltmp0, $4  }
0x33: {  	v3 =	vld [tilespmem:s9+$0x4E80];
	[tilespmem:s7+$0x4E90] =	vst v4;
	v2 =	vmin.u32 v2, $0x1400;
	v1 =	vsub.s32 v1, v0  }
0x34: {  	v4 =	vld [tilespmem:s9+$0x4E90];
	[tilespmem:s7+$0x4EA0] =	vst v2;
	v1 =	vmin.u32 v1, $0x1400;
	v5 =	vsub.s32 v5, v0  }
0x35: {  	v2 =	vld [tilespmem:s9+$0x4EA0];
	[tilespmem:s7+$0x4EB0] =	vst v1;
	v5 =	vmin.u32 v5, $0x1400  }
0x36: {  	s8 =	sadd.s32 $0x200, s8;
	v1 =	vld [tilespmem:s9+$0x4EB0];
	[tilespmem:s7+$0x4EC0] =	vst v5;
	s7 =	smov.u32 s9  }
0x37: {  	v5 =	vld [tilespmem:s7+$0x4EC0]  }
0x38: {  	v3 =	vsub.s32 v3, v0  }
0x39: {  	v3 =	vmin.u32 v3, $0x1400;
	v4 =	vsub.s32 v4, v0  }
0x3a: {  	[tilespmem:s7+$0x4E80] =	vst v3;
	v3 =	vmin.u32 v4, $0x1400;
	v2 =	vsub.s32 v2, v0  }
0x3b: {  	[tilespmem:s7+$0x4E90] =	vst v3;
	v2 =	vmin.u32 v2, $0x1400;
	v1 =	vsub.s32 v1, v0  }
0x3c: {  	[tilespmem:s7+$0x4EA0] =	vst v2;
	v1 =	vmin.u32 v1, $0x1400;
	v2 =	vsub.s32 v5, v0  }
0x3d: {  	[tilespmem:s7+$0x4EB0] =	vst v1;
	v1 =	vmin.u32 v2, $0x1400  }
0x3e: {  	s8 =	simm.s32 $0x0;
	[tilespmem:s7+$0x4EC0] =	vst v1  }
0x3f: {  	[tilespmem:s11], [sflag:$0x3] =	stream.linear.gather [hbm4b:s15+s8], $0x1000, $0x38;
	[tilespmem:$0x1CEC0] =	vst v63  }
0x40: {  	_ =	swait.ge [sflag:s30], $0x1000  }
0x41: {  	[sflag:s30] =	ssyncset.done $0x0  }
0x42: {  	[sflag:s30] =	ssyncadd.s32 $0xFFFFF000  }
0x43: {  	[spmem:s18] =	stream.linear.scatter [tilespmem:s11], [sflag:$0x3], $0x1000, $0x38;
	[tilespmem:$0x1CEC0] =	vst v63  }
0x44: {  	_ =	swait.ge [sflag:s30], $0x1000  }
0x45: {  	[sflag:s30] =	ssyncset.done $0x0  }
0x46: {  	[sflag:s30] =	ssyncadd.s32 $0xFFFFF000  }
0x47: {  	[spmem:s19] =	stream.linear.scatter [tilespmem:s11], [sflag:$0x3], $0x1000, $0x38;
	[tilespmem:$0x1CEC0] =	vst v63  }
0x48: {  	_ =	swait.ge [sflag:s30], $0x1000  }
0x49: {  	[sflag:s30] =	ssyncset.done $0x0  }
0x4a: {  	[sflag:s30] =	ssyncadd.s32 $0xFFFFF000  }
0x4b: {  	[spmem:s20] =	stream.linear.scatter [tilespmem:s11], [sflag:$0x3], $0x1000, $0x38;
	[tilespmem:$0x1CEC0] =	vst v63  }
0x4c: {  	_ =	swait.ge [sflag:s30], $0x1000  }
0x4d: {  	[sflag:s30] =	ssyncset.done $0x0  }
0x4e: {  	[sflag:s30] =	ssyncadd.s32 $0xFFFFF000  }
0x4f: {  	[spmem:s21] =	stream.linear.scatter [tilespmem:s11], [sflag:$0x3], $0x1000, $0x38;
	[tilespmem:$0x1CEC0] =	vst v63  }
0x50: {  	_ =	swait.ge [sflag:s30], $0x1000  }
0x51: {  	[sflag:s30] =	ssyncset.done $0x0  }
0x52: {  	[sflag:s30] =	ssyncadd.s32 $0xFFFFF000  }
0x53: {  	[spmem:s22] =	stream.linear.scatter [tilespmem:s11], [sflag:$0x3], $0x1000, $0x38;
	[tilespmem:$0x1CEC0] =	vst v63  }
0x54: {  	_ =	swait.ge [sflag:s30], $0x1000  }
0x55: {  	[sflag:s30] =	ssyncset.done $0x0  }
0x56: {  	[sflag:s30] =	ssyncadd.s32 $0xFFFFF000  }
0x57: {  	[spmem:s23] =	stream.linear.scatter [tilespmem:s11], [sflag:$0x3], $0x1000, $0x38;
	[tilespmem:$0x1CEC0] =	vst v63  }
0x58: {  	_ =	swait.ge [sflag:s30], $0x1000  }
0x59: {  	[sflag:s30] =	ssyncset.done $0x0  }
0x5a: {  	[sflag:s30] =	ssyncadd.s32 $0xFFFFF000  }
0x5b: {  	[spmem:s24] =	stream.linear.scatter [tilespmem:s11], [sflag:$0x3], $0x1000, $0x38;
	[tilespmem:$0x1CEC0] =	vst v63  }
0x5c: {  	_ =	swait.ge [sflag:s30], $0x1000  }
0x5d: {  	[sflag:s30] =	ssyncset.done $0x0  }
0x5e: {  	[sflag:s30] =	ssyncadd.s32 $0xFFFFF000  }
0x5f: {  	[spmem:s25] =	stream.linear.scatter [tilespmem:s11], [sflag:$0x3], $0x1000, $0x38;
	[tilespmem:$0x1CEC0] =	vst v63  }
0x60: {  	_ =	swait.ge [sflag:s30], $0x1000  }
0x61: {  	[sflag:s30] =	ssyncset.done $0x0  }
0x62: {  	[sflag:s30] =	ssyncadd.s32 $0xFFFFF000  }
0x63: {  	[spmem:s26] =	stream.linear.scatter [tilespmem:s11], [sflag:$0x3], $0x1000, $0x38;
	[tilespmem:$0x1CEC0] =	vst v63  }
0x64: {  	_ =	swait.ge [sflag:s30], $0x1000  }
0x65: {  	[sflag:s30] =	ssyncset.done $0x0  }
0x66: {  	[sflag:s30] =	ssyncadd.s32 $0xFFFFF000  }
0x67: {  	[spmem:s28] =	stream.linear.scatter [tilespmem:s11], [sflag:$0x3], $0x1000, $0x38;
	[tilespmem:$0x1CEC0] =	vst v63  }
0x68: {  	_ =	swait.ge [sflag:s30], $0x1000  }
0x69: {  	[sflag:s30] =	ssyncset.done $0x0  }
0x6a: {  	[sflag:s30] =	ssyncadd.s32 $0xFFFFF000  }
0x6b: {  	[bflag:$0x0] =	sbarrier.arrive $0xFFFF  }
0x6c: {  	[tilespmem:s31], [sflag:$0x1] =	stream.indirect.gather [hbm4b:s1+s0], $0x80, s8, s0, $0xb8;
	[tilespmem:$0x1CEC0] =	vst v63  }
0x6d: {  	_ =	swait.ge [sflag:s3], $0x2800  }
0x6e: {  	[sflag:s3] =	ssyncset.done $0x0  }
0x6f: {  	s9 =	simm.s32 $0x50;
	[sflag:s3] =	ssyncadd.s32 $0xFFFFD800  }
0x70: {  	[tilespmem:s4], [sflag:$0x2] =	stream.indirect.gather [hbm4b:s1+s0], $0x80, s9, s0, $0xb8;
	[tilespmem:$0x1CEC0] =	vst v63  }
0x71: {  	s10 =	simm.s32 $0x4E80  }
0x72: {  	[spmem:s2] =	stream.indirect.scatter.add.f32 [tilespmem:s31], [sflag:$0x3], $0x80, s10, s0, $0xb8;
	[tilespmem:$0x1CEC0] =	vst v63  }
0x73: {  	_ =	swait.ge [sflag:s30], $0x2800  }
0x74: {  	[sflag:s30] =	ssyncset.done $0x0  }
0x75: {  	[sflag:s30] =	ssyncadd.s32 $0xFFFFD800  }
0x76: {  	_ =	swait.ge [sflag:s5], $0x2800  }
0x77: {  	[sflag:s5] =	ssyncset.done $0x0  }
0x78: {  	s7 =	simm.s32 $0xA0;
	[sflag:s5] =	ssyncadd.s32 $0xFFFFD800  }
0x79: {  	[tilespmem:s31], [sflag:$0x1] =	stream.indirect.gather [hbm4b:s1+s0], $0x80, s7, s0, $0xb8;
	[tilespmem:$0x1CEC0] =	vst v63  }
0x7a: {  	s8 =	simm.s32 $0x4F00  }
0x7b: {  	[spmem:s2] =	stream.indirect.scatter.add.f32 [tilespmem:s4], [sflag:$0x3], $0x80, s8, s0, $0xb8;
	[tilespmem:$0x1CEC0] =	vst v63  }
0x7c: {  	_ =	swait.ge [sflag:s30], $0x2800  }
0x7d: {  	s8 =	simm.s32 $0x400;
	[sflag:s30] =	ssyncset.done $0x0  }
.LBB2_4:
0x7e: {  	p0 =	sne.s32 s8, $0x1EC00;
	[sflag:s30] =	ssyncadd.s32 $0xFFFFD800;
	s7 =	sadd.s32 $0xA0, s7  }
0x7f: {  	s9 =	smov.u32 s8;
	s8 =	sadd.s32 $0x400, s8  }
0x80: {  	_ =	swait.ge [sflag:s3], $0x2800  }
0x81: {  	[sflag:s3] =	ssyncset.done $0x0  }
0x82: {  	s10 =	sadd.s32 $0xFFFFFFB0, s7;
	s9 =	sshra.s32 s9, $0x2;
	[sflag:s3] =	ssyncadd.s32 $0xFFFFD800  }
0x83: {  	[tilespmem:s4], [sflag:$0x2] =	stream.indirect.gather [hbm4b:s1+s0], $0x80, s10, s0, $0xb8;
	[tilespmem:$0x1CEC0] =	vst v63  }
0x84: {  	s10 =	sadd.s32 $0x4E80, s9  }
0x85: {  	[spmem:s2] =	stream.indirect.scatter.add.f32 [tilespmem:s31], [sflag:$0x3], $0x80, s10, s0, $0xb8;
	[tilespmem:$0x1CEC0] =	vst v63  }
0x86: {  	_ =	swait.ge [sflag:s30], $0x2800  }
0x87: {  	[sflag:s30] =	ssyncset.done $0x0  }
0x88: {  	[sflag:s30] =	ssyncadd.s32 $0xFFFFD800  }
0x89: {  	_ =	swait.ge [sflag:s5], $0x2800  }
0x8a: {  	[sflag:s5] =	ssyncset.done $0x0  }
0x8b: {  	[sflag:s5] =	ssyncadd.s32 $0xFFFFD800  }
0x8c: {  	[tilespmem:s31], [sflag:$0x1] =	stream.indirect.gather [hbm4b:s1+s0], $0x80, s7, s0, $0xb8;
	[tilespmem:$0x1CEC0] =	vst v63  }
.Ltmp1:
0x8d: {  	_ = 	snop;
	(pc) =	sbr.rel @p0 .LBB2_4-.Ltmp1, $4  }
0x8e: {  	s9 =	sadd.s32 $0x4F00, s9  }
0x8f: {  	[spmem:s2] =	stream.indirect.scatter.add.f32 [tilespmem:s4], [sflag:$0x3], $0x80, s9, s0, $0xb8;
	[tilespmem:$0x1CEC0] =	vst v63  }
0x90: {  	_ =	swait.ge [sflag:s30], $0x2800  }
0x91: {  	[sflag:s30] =	ssyncset.done $0x0  }
0x92: {  	[sflag:s30] =	ssyncadd.s32 $0xFFFFD800  }
0x93: {  	_ =	swait.ge [sflag:s3], $0x2800  }
0x94: {  	[sflag:s3] =	ssyncset.done $0x0  }
0x95: {  	s7 =	simm.s32 $0x4DD0;
	[sflag:s3] =	ssyncadd.s32 $0xFFFFD800  }
0x96: {  	[tilespmem:s4], [sflag:$0x2] =	stream.indirect.gather [hbm4b:s1+s0], $0x80, s7, s0, $0xb8;
	[tilespmem:$0x1CEC0] =	vst v63  }
0x97: {  	s10 =	simm.s32 $0xCA80  }
0x98: {  	[spmem:s2] =	stream.indirect.scatter.add.f32 [tilespmem:s31], [sflag:$0x3], $0x80, s10, s0, $0xb8;
	[tilespmem:$0x1CEC0] =	vst v63  }
0x99: {  	_ =	swait.ge [sflag:s30], $0x2800  }
0x9a: {  	[sflag:s30] =	ssyncset.done $0x0  }
0x9b: {  	[sflag:s30] =	ssyncadd.s32 $0xFFFFD800  }
0x9c: {  	_ =	swait.ge [sflag:s5], $0x2800  }
0x9d: {  	[sflag:s5] =	ssyncset.done $0x0  }
0x9e: {  	s8 =	simm.s32 $0xCB00;
	[sflag:s5] =	ssyncadd.s32 $0xFFFFD800  }
0x9f: {  	[spmem:s2] =	stream.indirect.scatter.add.f32 [tilespmem:s4], [sflag:$0x3], $0x80, s8, s0, $0xb8;
	[tilespmem:$0x1CEC0] =	vst v63  }
0xa0: {  	_ =	swait.ge [sflag:s30], $0x2800  }
0xa1: {  	[sflag:s30] =	ssyncset.done $0x0  }
0xa2: {  	[sflag:s30] =	ssyncadd.s32 $0xFFFFD800  }
0xa3: {  	[bflag:$0x0] =	sbarrier.arrive $0xFFFF  }
0xa4: {  	[tilespmem:s11], [sflag:$0x3] =	stream.linear.gather [spmem:s18], $0x1000, $0x38;
	[tilespmem:$0x1CEC0] =	vst v63  }
0xa5: {  	_ =	swait.ge [sflag:s30], $0x1000  }
0xa6: {  	[sflag:s30] =	ssyncset.done $0x0  }
0xa7: {  	s9 =	rddreg [dreg:$0x4];
	[sflag:s30] =	ssyncadd.s32 $0xFFFFF000  }
0xa8: {  	[hbm4b:s9+s13] =	stream.linear.scatter [tilespmem:s11], [sflag:$0x3], $0x1000, $0x38;
	[tilespmem:$0x1CEC0] =	vst v63  }
0xa9: {  	_ =	swait.ge [sflag:s30], $0x1000  }
0xaa: {  	[sflag:s30] =	ssyncset.done $0x0  }
0xab: {  	[sflag:s30] =	ssyncadd.s32 $0xFFFFF000  }
0xac: {  	[tilespmem:s11], [sflag:$0x3] =	stream.linear.gather [spmem:s19], $0x1000, $0x38;
	[tilespmem:$0x1CEC0] =	vst v63  }
0xad: {  	_ =	swait.ge [sflag:s30], $0x1000  }
0xae: {  	[sflag:s30] =	ssyncset.done $0x0  }
0xaf: {  	s10 =	rddreg [dreg:$0x5];
	[sflag:s30] =	ssyncadd.s32 $0xFFFFF000  }
0xb0: {  	[hbm4b:s10+s13] =	stream.linear.scatter [tilespmem:s11], [sflag:$0x3], $0x1000, $0x38;
	[tilespmem:$0x1CEC0] =	vst v63  }
0xb1: {  	_ =	swait.ge [sflag:s30], $0x1000  }
0xb2: {  	[sflag:s30] =	ssyncset.done $0x0  }
0xb3: {  	[sflag:s30] =	ssyncadd.s32 $0xFFFFF000  }
0xb4: {  	[tilespmem:s11], [sflag:$0x3] =	stream.linear.gather [spmem:s20], $0x1000, $0x38;
	[tilespmem:$0x1CEC0] =	vst v63  }
0xb5: {  	_ =	swait.ge [sflag:s30], $0x1000  }
0xb6: {  	[sflag:s30] =	ssyncset.done $0x0  }
0xb7: {  	s8 =	rddreg [dreg:$0x6];
	[sflag:s30] =	ssyncadd.s32 $0xFFFFF000  }
0xb8: {  	[hbm4b:s8+s13] =	stream.linear.scatter [tilespmem:s11], [sflag:$0x3], $0x1000, $0x38;
	[tilespmem:$0x1CEC0] =	vst v63  }
0xb9: {  	_ =	swait.ge [sflag:s30], $0x1000  }
0xba: {  	[sflag:s30] =	ssyncset.done $0x0  }
0xbb: {  	[sflag:s30] =	ssyncadd.s32 $0xFFFFF000  }
0xbc: {  	[tilespmem:s11], [sflag:$0x3] =	stream.linear.gather [spmem:s21], $0x1000, $0x38;
	[tilespmem:$0x1CEC0] =	vst v63  }
0xbd: {  	_ =	swait.ge [sflag:s30], $0x1000  }
0xbe: {  	[sflag:s30] =	ssyncset.done $0x0  }
0xbf: {  	s9 =	rddreg [dreg:$0x7];
	[sflag:s30] =	ssyncadd.s32 $0xFFFFF000  }
0xc0: {  	[hbm4b:s9+s13] =	stream.linear.scatter [tilespmem:s11], [sflag:$0x3], $0x1000, $0x38;
	[tilespmem:$0x1CEC0] =	vst v63  }
0xc1: {  	_ =	swait.ge [sflag:s30], $0x1000  }
0xc2: {  	[sflag:s30] =	ssyncset.done $0x0  }
0xc3: {  	[sflag:s30] =	ssyncadd.s32 $0xFFFFF000  }
0xc4: {  	[tilespmem:s11], [sflag:$0x3] =	stream.linear.gather [spmem:s22], $0x1000, $0x38;
	[tilespmem:$0x1CEC0] =	vst v63  }
0xc5: {  	_ =	swait.ge [sflag:s30], $0x1000  }
0xc6: {  	[sflag:s30] =	ssyncset.done $0x0  }
0xc7: {  	s10 =	rddreg [dreg:$0x8];
	[sflag:s30] =	ssyncadd.s32 $0xFFFFF000  }
0xc8: {  	[hbm4b:s10+s13] =	stream.linear.scatter [tilespmem:s11], [sflag:$0x3], $0x1000, $0x38;
	[tilespmem:$0x1CEC0] =	vst v63  }
0xc9: {  	_ =	swait.ge [sflag:s30], $0x1000  }
0xca: {  	[sflag:s30] =	ssyncset.done $0x0  }
0xcb: {  	[sflag:s30] =	ssyncadd.s32 $0xFFFFF000  }
0xcc: {  	[tilespmem:s11], [sflag:$0x3] =	stream.linear.gather [spmem:s23], $0x1000, $0x38;
	[tilespmem:$0x1CEC0] =	vst v63  }
0xcd: {  	_ =	swait.ge [sflag:s30], $0x1000  }
0xce: {  	[sflag:s30] =	ssyncset.done $0x0  }
0xcf: {  	s8 =	rddreg [dreg:$0x9];
	[sflag:s30] =	ssyncadd.s32 $0xFFFFF000  }
0xd0: {  	[hbm4b:s8+s13] =	stream.linear.scatter [tilespmem:s11], [sflag:$0x3], $0x1000, $0x38;
	[tilespmem:$0x1CEC0] =	vst v63  }
0xd1: {  	_ =	swait.ge [sflag:s30], $0x1000  }
0xd2: {  	[sflag:s30] =	ssyncset.done $0x0  }
0xd3: {  	[sflag:s30] =	ssyncadd.s32 $0xFFFFF000  }
0xd4: {  	[tilespmem:s11], [sflag:$0x3] =	stream.linear.gather [spmem:s24], $0x1000, $0x38;
	[tilespmem:$0x1CEC0] =	vst v63  }
0xd5: {  	_ =	swait.ge [sflag:s30], $0x1000  }
0xd6: {  	[sflag:s30] =	ssyncset.done $0x0  }
0xd7: {  	s9 =	rddreg [dreg:$0xa];
	[sflag:s30] =	ssyncadd.s32 $0xFFFFF000  }
0xd8: {  	[hbm4b:s9+s13] =	stream.linear.scatter [tilespmem:s11], [sflag:$0x3], $0x1000, $0x38;
	[tilespmem:$0x1CEC0] =	vst v63  }
0xd9: {  	_ =	swait.ge [sflag:s30], $0x1000  }
0xda: {  	[sflag:s30] =	ssyncset.done $0x0  }
0xdb: {  	[sflag:s30] =	ssyncadd.s32 $0xFFFFF000  }
0xdc: {  	[tilespmem:s11], [sflag:$0x3] =	stream.linear.gather [spmem:s25], $0x1000, $0x38;
	[tilespmem:$0x1CEC0] =	vst v63  }
0xdd: {  	_ =	swait.ge [sflag:s30], $0x1000  }
0xde: {  	[sflag:s30] =	ssyncset.done $0x0  }
0xdf: {  	s10 =	rddreg [dreg:$0xb];
	[sflag:s30] =	ssyncadd.s32 $0xFFFFF000  }
0xe0: {  	[hbm4b:s10+s13] =	stream.linear.scatter [tilespmem:s11], [sflag:$0x3], $0x1000, $0x38;
	[tilespmem:$0x1CEC0] =	vst v63  }
0xe1: {  	_ =	swait.ge [sflag:s30], $0x1000  }
0xe2: {  	[sflag:s30] =	ssyncset.done $0x0  }
0xe3: {  	[sflag:s30] =	ssyncadd.s32 $0xFFFFF000  }
0xe4: {  	[tilespmem:s11], [sflag:$0x3] =	stream.linear.gather [spmem:s26], $0x1000, $0x38;
	[tilespmem:$0x1CEC0] =	vst v63  }
0xe5: {  	_ =	swait.ge [sflag:s30], $0x1000  }
0xe6: {  	[sflag:s30] =	ssyncset.done $0x0  }
0xe7: {  	[sflag:s30] =	ssyncadd.s32 $0xFFFFF000  }
0xe8: {  	[hbm4b:s12+s13] =	stream.linear.scatter [tilespmem:s11], [sflag:$0x3], $0x1000, $0x38;
	[tilespmem:$0x1CEC0] =	vst v63  }
0xe9: {  	_ =	swait.ge [sflag:s30], $0x1000  }
0xea: {  	[sflag:s30] =	ssyncset.done $0x0  }
0xeb: {  	[sflag:s30] =	ssyncadd.s32 $0xFFFFF000  }
0xec: {  	[tilespmem:s11], [sflag:$0x3] =	stream.linear.gather [spmem:s28], $0x1000, $0x38;
	[tilespmem:$0x1CEC0] =	vst v63  }
0xed: {  	s6 =	sadd.s32 $0x1, s6;
	_ =	swait.ge [sflag:s30], $0x1000  }
0xee: {  	p0 =	sne.s32 s6, s29;
	[sflag:s30] =	ssyncset.done $0x0  }
.Ltmp2:
0xef: {  	[sflag:s30] =	ssyncadd.s32 $0xFFFFF000;
	(pc) =	sbr.rel @p0 .LBB2_1-.Ltmp2, $4  }
0xf0: {  	[hbm4b:s14+s13] =	stream.linear.scatter [tilespmem:s11], [sflag:$0x3], $0x1000, $0x38;
	[tilespmem:$0x1CEC0] =	vst v63  }
0xf1: {  	_ =	swait.ge [sflag:s30], $0x1000  }
0xf2: {  	[sflag:s30] =	ssyncset.done $0x0  }
0xf3: {  	[sflag:s30] =	ssyncadd.s32 $0xFFFFF000  }
0xf4: {  	_ =	sfence.sel $0x180000  }
0xf5: {  	[bflag:$0x0] =	sbarrier.arrive $0xFFFF  }
0xf6: {  	_ =	strace $0x9000004D  }
0xf7: {  	s0 =	stileid.u32;
	[bflag:$0x2] =	sbarrier.arrive $0xFFFF  }
0xf8: {  	p0 =	sne.s32 s0, $0x0;
	s0 =	rddreg [dreg:$0x3]  }
0xf9: {  	s0 =	sadd.s32 @!p0 $0x100000, s0  }
0xfa: {  	[sflag:s0] =	ssyncadd.tile.s32 @!p0 $0x1;
	_ =	shalt  }
.Lfunc_end2:
_tile_overlayer_lowered:
.L_overlay_start_2:
0xfb: {  	(tag) =	ssettag $0x2  }
0xfc: {  	s0 =	rddreg [dreg:$0x0];
	s2 =	stileid.u32  }
0xfd: {  	s1 =	rddreg [dreg:$0x1];
	p0 =	sne.s32 s2, $0x0  }
0xfe: {  	s3 =	rddreg [dreg:$0x2];
	[bflag:$0x3] =	sbarrier.arrive $0xFFFF;
	s2 =	simm.s32 @!p0 $0x1C03  }
0xff: {  	[timem:s3], [sflag:s2] =	dma.local @!p0 [hbm:s0], s1  }
0x100: {  	s0 =	simm.s32 @!p0 $0x3  }
0x101: {  	_ =	swait.ge @!p0 [sflag:s0], s1  }
0x102: {  	s1 =	ssub.s32 @!p0 $0x0, s1;
	[sflag:s0] =	ssyncset.done @!p0 $0x0  }
0x103: {  	[sflag:s0] =	ssyncadd.s32 @!p0 s1  }
0x104: {  	[bflag:$0x3] =	sbarrier.arrive $0xFFFF  }
0x105: {  	_ =	shalt  }

// kernel: kernel.8.cloned.1.call-start
scs
__scs_entry_jumppad:
0x0: {  	(pc) =	sbr.rel $0x88, $3  }
0x1: {  	(tag) =	ssettag $0x0;
	lr =	simm.s32 $0x1  }
0x2: {  	[smem:$0x3F9B] =	sst lr;
	_ =	strace $0xD0000000  }
0x3: {  	_ = 	snop  }
0x4: {  	_ = 	snop  }
0x5: {  	_ = 	snop  }
0x6: {  	_ = 	snop  }
0x7: {  	_ = 	snop  }
__scs_overlays_trampoline_lowered:
0x8: {  	[smem:$0x3FAA] =	sst s0  }
0x9: {  	[smem:$0x3FAB] =	sst s1  }
0xa: {  	[smem:$0x3FAC] =	sst s2  }
0xb: {  	[smem:$0x3FAD] =	sst s3  }
0xc: {  	[smem:$0x3FAE] =	sst s4  }
0xd: {  	[smem:$0x3FAF] =	sst s5  }
0xe: {  	[smem:$0x3FB0] =	sst s6  }
0xf: {  	[smem:$0x3FB1] =	sst s7  }
0x10: {  	[smem:$0x3FB2] =	sst s8  }
0x11: {  	[smem:$0x3FB3] =	sst s9;
	s0 =	simm.s32 @!p0 $0x0  }
0x12: {  	s1 =	sld [smem:$0x3F99];
	s0 =	simm.s32 @p0 $0x1  }
0x13: {  	[smem:$0x3FB4] =	sst s0;
	s0 =	simm.s32 @!p1 $0x0  }
0x14: {  	s2 =	sld [smem:$0x3F98];
	s0 =	simm.s32 @p1 $0x1  }
0x15: {  	[smem:$0x3FB5] =	sst s0;
	s0 =	simm.s32 @!p2 $0x0  }
0x16: {  	s3 =	sld [smem:$0x3FDB];
	s0 =	simm.s32 @p2 $0x1  }
0x17: {  	s4 =	simm.s32 $0x1BF5;
	[smem:$0x3FB7] =	sst s0  }
0x18: {  	s0 =	sld [smem:$0x3F9A];
	_ =	swait.ge [sflag:s4], $0x0  }
0x19: {  	s7 =	sld [smem:$0x3F9B]  }
0x1a: {  	s8 =	sadd.s32 $0xFFFFE003, lr  }
0x1b: {  	s9 =	sadd.s32 $0xFFFFFEF7, lr;
	s5 =	simm.s32 $0xFFFFFFFF;
	p2 =	slt.u32 s8, $0xFFFFF086  }
0x1c: {  	p1 =	slt.u32 s9, $0xF7A;
	s5 =	simm.s32 @!p2 $0x0  }
0x1d: {  	s5 =	simm.s32 @p1 $0x1;
	p0 =	seq.s32 s7, s2  }
0x1e: {  	s7 =	smul.u32 @!p0 $0xF7A, s2;
	p2 =	seq.s32 @!p0 s5, $0x0  }
0x1f: {  	s9 =	smul.u32 $0xF7A, s1;
	s8 =	simm.s32 @!p0 $0x1BF5;
	p2 =	por !p2, p0  }
0x20: {  	[sflag:s8] =	ssyncset.s32 @!p0 $0xFFFFF086;
	s6 =	sadd.s32 @!p0 s3, s7;
	s7 =	simm.s32 @!p0 $0x108  }
0x21: {  	s3 =	sadd.s32 s3, s9;
	s6 =	sadd.s32 @!p0 $0x88, s6;
	s7 =	simm.s32 @p2 $0x1082  }
0x22: {  	[simem:s7], [sflag:s8] =	dma.local @!p0 [hbm:s6], $0xF7A  }
0x23: {  	s9 =	sor.u32 $0xD0000000, s2;
	s6 =	simm.s32 $0x108;
	_ =	swait.ge @!p0 [sflag:s8], $0x0  }
0x24: {  	s3 =	sadd.s32 $0x88, s3;
	s6 =	simm.s32 @!p1 $0x1082;
	[sflag:s4] =	ssyncset.s32 $0xFFFFF086  }
0x25: {  	[simem:s6], [sflag:s4] =	dma.local [hbm:s3], $0xF7A  }
0x26: {  	[smem:$0x3F9B] =	sst s1;
	(tag) =	ssettag s2;
	_ =	strace s9  }
0x27: {  	s1 =	sld [smem:$0x3FAB]  }
0x28: {  	s2 =	sld [smem:$0x3FAC]  }
0x29: {  	s4 =	sld [smem:$0x3FAE]  }
0x2a: {  	p0 =	seq.s32 s5, $0x0;
	s5 =	sld [smem:$0x3FAF]  }
0x2b: {  	s6 =	sld [smem:$0x3FB0]  }
0x2c: {  	s7 =	sld [smem:$0x3FB1]  }
0x2d: {  	s3 =	simm.s32 $0x108;
	s8 =	sld [smem:$0x3FB2]  }
0x2e: {  	s3 =	simm.s32 @!p0 $0x1082;
	s9 =	sld [smem:$0x3FB3]  }
0x2f: {  	lr =	sadd.s32 s0, s3;
	s0 =	sld [smem:$0x3FAA]  }
0x30: {  	s3 =	sld [smem:$0x3FAD]  }
0x31: {  	[smem:$0x3FB6] =	sst s10  }
0x32: {  	s10 =	sld [smem:$0x3FB4];
	_ =	sdelay $0x3  }
0x33: {  	p0 =	seq.s32 s10, $0x1;
	s10 =	sld [smem:$0x3FB6];
	_ =	sdelay $0x3  }
0x34: {  	[smem:$0x3FB6] =	sst s10  }
0x35: {  	s10 =	sld [smem:$0x3FB5];
	_ =	sdelay $0x3  }
0x36: {  	p1 =	seq.s32 s10, $0x1;
	s10 =	sld [smem:$0x3FB6];
	_ =	sdelay $0x3  }
0x37: {  	[smem:$0x3FB6] =	sst s10  }
0x38: {  	s10 =	sld [smem:$0x3FB7]  }
0x39: {  	_ = 	snop;
	(pc) =	sbr.ind lr, $3  }
0x3a: {  	_ = 	snop  }
0x3b: {  	_ = 	snop  }
0x3c: {  	p2 =	seq.s32 s10, $0x1;
	s10 =	sld [smem:$0x3FB6]  }
0x3d: {  	_ =	shalt  }
0x3e: {  	_ =	shalt  }
0x3f: {  	_ =	shalt  }
0x40: {  	_ =	shalt  }
0x41: {  	_ =	shalt  }
0x42: {  	_ =	shalt  }
0x43: {  	_ =	shalt  }
0x44: {  	_ =	shalt  }
0x45: {  	_ =	shalt  }
0x46: {  	_ =	shalt  }
0x47: {  	_ =	shalt  }
0x48: {  	_ =	shalt  }
0x49: {  	_ =	shalt  }
0x4a: {  	_ =	shalt  }
0x4b: {  	_ =	shalt  }
0x4c: {  	_ =	shalt  }
0x4d: {  	_ =	shalt  }
0x4e: {  	_ =	shalt  }
0x4f: {  	_ =	shalt  }
0x50: {  	_ =	shalt  }
0x51: {  	_ =	shalt  }
0x52: {  	_ =	shalt  }
0x53: {  	_ =	shalt  }
0x54: {  	_ =	shalt  }
0x55: {  	_ =	shalt  }
0x56: {  	_ =	shalt  }
0x57: {  	_ =	shalt  }
0x58: {  	_ =	shalt  }
0x59: {  	_ =	shalt  }
0x5a: {  	_ =	shalt  }
0x5b: {  	_ =	shalt  }
0x5c: {  	_ =	shalt  }
0x5d: {  	_ =	shalt  }
0x5e: {  	_ =	shalt  }
0x5f: {  	_ =	shalt  }
0x60: {  	_ =	shalt  }
0x61: {  	_ =	shalt  }
0x62: {  	_ =	shalt  }
0x63: {  	_ =	shalt  }
0x64: {  	_ =	shalt  }
0x65: {  	_ =	shalt  }
0x66: {  	_ =	shalt  }
0x67: {  	_ =	shalt  }
0x68: {  	_ =	shalt  }
0x69: {  	_ =	shalt  }
0x6a: {  	_ =	shalt  }
0x6b: {  	_ =	shalt  }
0x6c: {  	_ =	shalt  }
0x6d: {  	_ =	shalt  }
0x6e: {  	_ =	shalt  }
0x6f: {  	_ =	shalt  }
0x70: {  	_ =	shalt  }
0x71: {  	_ =	shalt  }
0x72: {  	_ =	shalt  }
0x73: {  	_ =	shalt  }
0x74: {  	_ =	shalt  }
0x75: {  	_ =	shalt  }
0x76: {  	_ =	shalt  }
0x77: {  	_ =	shalt  }
0x78: {  	_ =	shalt  }
0x79: {  	_ =	shalt  }
0x7a: {  	_ =	shalt  }
0x7b: {  	_ =	shalt  }
0x7c: {  	_ =	shalt  }
0x7d: {  	_ =	shalt  }
0x7e: {  	_ =	shalt  }
0x7f: {  	_ =	shalt  }
0x80: {  	_ =	shalt  }
0x81: {  	_ =	shalt  }
0x82: {  	_ =	shalt  }
0x83: {  	_ =	shalt  }
0x84: {  	_ =	shalt  }
0x85: {  	_ =	shalt  }
0x86: {  	_ =	shalt  }
0x87: {  	_ =	shalt  }
.Lfunc_end0:
.L_simem_size_0:
called_computation_lowered:
.L_overlay_start_0:
0x88: {  	s2 =	sld [smem:$0x3FD9]  }
0x89: {  	s3 =	sld [smem:$0x3FFE];
	_ =	sdelay $0x1  }
0x8a: {  	s1 =	srdreg.scid  }
0x8b: {  	s0 =	sand.u32 $0x1, s1  }
0x8c: {  	s17 =	sshll.u32 s0, $0xA;
	s2 =	sadd.s32 s3, s2  }
0x8d: {  	s2 =	sadd.s32 s2, s17  }
0x8e: {  	[smem:$0x3FC2] =	sst s2  }
0x8f: {  	_ = 	snop  }
0x90: {  	s2 =	sld [smem:$0x3FD0];
	(tm) =	ssettm $0x1  }
0x91: {  	s18 =	sld [smem:$0x3FFB];
	_ =	sdelay $0x3  }
0x92: {  	_ =	strace s18  }
0x93: {  	s3 =	sld [smem:$0x3FFC];
	_ =	sdelay $0x3  }
0x94: {  	_ =	strace s3  }
0x95: {  	s3 =	sld [smem:$0x3FFD];
	_ =	sdelay $0x3  }
0x96: {  	_ =	strace s3  }
0x97: {  	_ =	strace $0x8FFFFFFF  }
0x98: {  	s19 =	sld [smem:$0x3FDB];
	_ =	sdelay $0x1  }
0x99: {  	s4 =	simm.s32 $_scs_section_size  }
0x9a: {  	s5 =	simm.s32 $_size__tile_overlayer_lowered;
	s6 =	simm.s32 $_tile_overlayer_lowered  }
0x9b: {  	s22 =	simm.s32 $0x1BFF;
	s21 =	sshll.u32 s6, $0x1;
	s3 =	sadd.s32 s4, s19  }
0x9c: {  	s7 =	simm.s32 $0x0;
	s20 =	sshll.u32 s5, $0x1;
	s5 =	sadd.s32 s21, s3  }
0x9d: {  	[timem:s7], [sflag:s22] =	dma.local [hbm:s5], s20  }
0x9e: {  	_ =	swait.ge [sflag:s22], s20  }
0x9f: {  	s4 =	ssub.s32 $0x0, s20;
	[sflag:s22] =	ssyncset.done $0x0  }
0xa0: {  	[sflag:s22] =	ssyncadd.s32 s4;
	_ =	sdelay $0x1  }
0xa1: {  	s23 =	simm.s32 $0x1B8B  }
0xa2: {  	_ =	swait.ge [sflag:s23], $0x1  }
0xa3: {  	[sflag:s23] =	ssyncset.done $0x0  }
0xa4: {  	s25 =	simm.s32 $0x1B8E;
	s24 =	sld [smem:$0x3FFE];
	[sflag:s23] =	ssyncadd.s32 $0xFFFFFFFF  }
0xa5: {  	s26 =	simm.s32 $execute0_lowered;
	[smem:$0x3FD2] =	sst s25  }
0xa6: {  	s5 =	sshll.u32 s26, $0x1;
	_ =	strace $0x80000046;
	[dreg:$0x1] =	wrdreg $0xFFFFFFFF  }
0xa7: {  	s28 =	simm.s32 $_size_execute0_lowered;
	s3 =	sadd.s32 s3, s5;
	[dreg:$0x0] =	wrdreg $0x0  }
0xa8: {  	s5 =	sshll.u32 s28, $0x1;
	[dreg:$0x2] =	wrdreg s3  }
0xa9: {  	[dreg:$0x3] =	wrdreg s5  }
0xaa: {  	[dreg:$0x4] =	wrdreg $0xC0  }
0xab: {  	_ =	task [dreg:s7], $0x5FFFF  }
0xac: {  	[dreg:$0x1] =	wrdreg $0xFFFFFFFF  }
0xad: {  	[dreg:$0x0] =	wrdreg $0x60  }
0xae: {  	[dreg:$0x2] =	wrdreg s2  }
0xaf: {  	[dreg:$0x3] =	wrdreg s24  }
0xb0: {  	[dreg:$0x4] =	wrdreg $0xB8000  }
0xb1: {  	[dreg:$0x5] =	wrdreg $0x9  }
0xb2: {  	_ =	task.clear_ibuf [dreg:s7], $0x6FFFF;
	_ =	strace $0x90000046  }
0xb3: {  	s29 =	simm.s32 $0x9;
	_ =	strace $0x80000048  }
0xb4: {  	_ =	swait.ge [sflag:s29], $0x1  }
0xb5: {  	[sflag:s29] =	ssyncadd.s32 $0xFFFFFFFF  }
0xb6: {  	_ =	strace $0x90000048  }
0xb7: {  	_ =	sfence  }
0xb8: {  	s30 =	sld [smem:$0x0];
	_ =	sdelay $0x2  }
0xb9: {  	s31 =	sshll.u32 s1, $0xD;
	s1 =	sshrl.u32 s1, $0x2  }
0xba: {  	s3 =	sand.u32 $0x4000, s31;
	s1 =	sadd.s32 s1, s30  }
0xbb: {  	s0 =	sor.u32 s3, s0;
	s1 =	sshll.u32 s1, $0x11  }
0xbc: {  	s0 =	sor.u32 s1, s0  }
0xbd: {  	s0 =	sadd.s32 $0x8F2B, s0  }
0xbe: {  	[sflag:s0] =	ssyncadd.remote.s32 $0x1  }
0xbf: {  	_ =	sfence.sel $0xFFFF  }
0xc0: {  	[dreg:$0x0] =	wrdreg $0xFFFFFFFF;
	(pc) =	sbr.abs _section_cstart, $3  }
0xc1: {  	[dreg:$0x1] =	wrdreg $0xFFFFFFFF  }
0xc2: {  	_ =	task.clear_ibuf [dreg:s7], $0x2FFFF;
	_ =	strace $0x9FFFFFFF  }
0xc3: {  	(tm) =	ssettm $0x7FFFFFFF  }
tec
execute0_lowered:
.L_overlay_start_1:
0x0: {  	(tag) =	ssettag $0x1  }
0x1: {  	s3 =	rddreg [dreg:$0x0]  }
0x2: {  	s4 =	rddreg [dreg:$0x1]  }
0x3: {  	s0 =	srdreg.scid;
	s1 =	rddreg [dreg:$0x2]  }
0x4: {  	s2 =	simm.s32 $0x0;
	s15 =	stileid.u32;
	s29 =	simm.s32 $0x1  }
0x5: {  	s30 =	simm.s32 $0x8000;
	s31 =	simm.s32 $0xA800;
	s5 =	sand.u32 $0x1, s0  }
0x6: {  	[smem:$0x7FF] =	sst s2;
	s7 =	smul.u32 $0x140, s15;
	s14 =	sadd.s32 $0xC800, s4  }
0x7: {  	s12 =	sshll.u32 s15, $0xC;
	s15 =	smul.u32 $0x28000, s15;
	s0 =	ssub.s32 $0x2, s5  }
0x8: {  	s3 =	sadd.s32 s3, s12;
	s12 =	smul.u32 $0x1400, s5;
	s6 =	sshrl.u32 s0, $0x1  }
0x9: {  	[dreg:$0x4] =	wrdreg s3;
	s3 =	sor.u32 $0x20, s7;
	s18 =	sadd.s32 $0x40, s7  }
0xa: {  	s19 =	sadd.s32 $0x60, s7;
	s21 =	sadd.s32 $0x80, s7;
	s22 =	sadd.s32 $0xA0, s7  }
0xb: {  	s23 =	sadd.s32 $0xC0, s7;
	s24 =	sadd.s32 $0xE0, s7;
	s25 =	sadd.s32 $0x100, s7  }
0xc: {  	s26 =	sadd.s32 $0x120, s7;
	s0 =	ssub.s32 s0, s6;
	s5 =	sadd.s32 s7, s12  }
0xd: {  	s13 =	sadd.s32 s12, s3;
	s17 =	sadd.s32 s12, s18;
	s20 =	sadd.s32 s12, s19  }
0xe: {  	s8 =	sadd.s32 s12, s21;
	s9 =	sadd.s32 s12, s22;
	s10 =	sadd.s32 s12, s23  }
0xf: {  	s11 =	sadd.s32 s12, s24;
	s3 =	sshll.u32 s3, $0x7;
	s21 =	sshll.u32 s21, $0x7  }
0x10: {  	s22 =	sshll.u32 s22, $0x7;
	s23 =	sshll.u32 s23, $0x7;
	s24 =	sshll.u32 s24, $0x7  }
0x11: {  	s5 =	sshll.u32 s5, $0x4;
	s6 =	sshll.u32 s13, $0x4;
	s7 =	sshll.u32 s20, $0x4  }
0x12: {  	s8 =	sshll.u32 s8, $0x4;
	s9 =	sshll.u32 s9, $0x4;
	s10 =	sshll.u32 s10, $0x4  }
0x13: {  	s11 =	sshll.u32 s11, $0x4;
	s13 =	sadd.s32 s12, s25;
	s20 =	sshll.u32 s19, $0x7  }
0x14: {  	s21 =	sadd.s32 s21, s1;
	s22 =	sadd.s32 s22, s1;
	s23 =	sadd.s32 s23, s1  }
0x15: {  	s25 =	sshll.u32 s25, $0x7;
	s24 =	sadd.s32 s24, s1;
	s28 =	smax.u32 s0, $0x1  }
0x16: {  	s0 =	simm.s32 $0x0;
	s5 =	sadd.s32 s14, s5;
	s16 =	sadd.s32 s14, s6  }
0x17: {  	s6 =	sshll.u32 s17, $0x4;
	s7 =	sadd.s32 s14, s7;
	s8 =	sadd.s32 s14, s8  }
0x18: {  	s9 =	sadd.s32 s14, s9;
	s10 =	sadd.s32 s14, s10;
	s11 =	sadd.s32 s14, s11  }
0x19: {  	s13 =	sshll.u32 s13, $0x4;
	s17 =	sshrl.u32 s15, $0x2;
	s15 =	sadd.s32 $0xC200, s4  }
0x1a: {  	s20 =	sadd.s32 s20, s1;
	s25 =	sadd.s32 s25, s1;
	[dreg:$0x5] =	wrdreg s5  }
0x1b: {  	[dreg:$0x6] =	wrdreg s16;
	s6 =	sadd.s32 s14, s6;
	s16 =	sadd.s32 s12, s26  }
0x1c: {  	s13 =	sadd.s32 s14, s13;
	s17 =	sadd.s32 s17, s1;
	s5 =	sshll.u32 s18, $0x7  }
0x1d: {  	v0 =	vmov s12;
	s18 =	sadd.s32 s3, s1;
	s26 =	sshll.u32 s26, $0x7;
	s12 =	simm.s32 $0x50  }
0x1e: {  	s16 =	sshll.u32 s16, $0x4;
	_ =	strace $0x80000047;
	s19 =	sadd.s32 s5, s1  }
0x1f: {  	s26 =	sadd.s32 s26, s1;
	s14 =	sadd.s32 s14, s16;
	s16 =	sadd.s32 $0xC000, s4  }
.LBB2_1:
0x20: {  	s3 =	rddreg [dreg:$0x4]  }
0x21: {  	[tilespmem:s2], [sflag:$0x1] =	stream.linear.gather [hbm4b:s3+s2], $0x7D00, $0x38;
	[tilespmem:$0x15840] =	vst v63  }
0x22: {  	_ =	swait.ge [sflag:s29], $0x7D00  }
0x23: {  	[sflag:s29] =	ssyncset.done $0x0  }
0x24: {  	[sflag:s29] =	ssyncadd.s32 $0xFFFF8300  }
0x25: {  	[tilespmem:s30], [sflag:$0x1] =	stream.linear.gather [hbm4b:s15+s2], $0x2800, $0x38;
	[tilespmem:$0x15840] =	vst v63  }
0x26: {  	_ =	swait.ge [sflag:s29], $0x2800  }
0x27: {  	[sflag:s29] =	ssyncset.done $0x0  }
0x28: {  	s3 =	simm.s32 $0x0;
	[sflag:s29] =	ssyncadd.s32 $0xFFFFD800  }
0x29: {  	v3 =	vld [tilespmem:s3+$0x0]  }
0x2a: {  	v4 =	vld [tilespmem:s3+$0x10]  }
0x2b: {  	v2 =	vld [tilespmem:s3+$0x20]  }
0x2c: {  	s4 =	simm.s32 $0x200;
	v1 =	vld [tilespmem:s3+$0x30]  }
.LBB2_2:
0x2d: {  	p0 =	sne.s32 s4, $0x1F200;
	v5 =	vld [tilespmem:s3+$0x40]  }
0x2e: {  	v3 =	vsub.s32 v3, v0  }
0x2f: {  	v3 =	vmin.u32 v3, $0x1400;
	v4 =	vsub.s32 v4, v0  }
.Ltmp0:
0x30: {  	s5 =	sshra.s32 s4, $0x2;
	[tilespmem:s3+$0x0] =	vst v3;
	v4 =	vmin.u32 v4, $0x1400;
	v2 =	vsub.s32 v2, v0;
	(pc) =	sbr.rel @p0 .LBB2_2-.Ltmp0, $4  }
0x31: {  	v3 =	vld [tilespmem:s5+$0x0];
	[tilespmem:s3+$0x10] =	vst v4;
	v2 =	vmin.u32 v2, $0x1400;
	v1 =	vsub.s32 v1, v0  }
0x32: {  	v4 =	vld [tilespmem:s5+$0x10];
	[tilespmem:s3+$0x20] =	vst v2;
	v1 =	vmin.u32 v1, $0x1400;
	v5 =	vsub.s32 v5, v0  }
0x33: {  	v2 =	vld [tilespmem:s5+$0x20];
	[tilespmem:s3+$0x30] =	vst v1;
	v5 =	vmin.u32 v5, $0x1400  }
0x34: {  	s4 =	sadd.s32 $0x200, s4;
	v1 =	vld [tilespmem:s5+$0x30];
	[tilespmem:s3+$0x40] =	vst v5;
	s3 =	smov.u32 s5  }
0x35: {  	v5 =	vld [tilespmem:s3+$0x40]  }
0x36: {  	v3 =	vsub.s32 v3, v0  }
0x37: {  	v3 =	vmin.u32 v3, $0x1400;
	v4 =	vsub.s32 v4, v0  }
0x38: {  	[tilespmem:s3+$0x0] =	vst v3;
	v3 =	vmin.u32 v4, $0x1400;
	v2 =	vsub.s32 v2, v0  }
0x39: {  	[tilespmem:s3+$0x10] =	vst v3;
	v2 =	vmin.u32 v2, $0x1400;
	v1 =	vsub.s32 v1, v0  }
0x3a: {  	[tilespmem:s3+$0x20] =	vst v2;
	v1 =	vmin.u32 v1, $0x1400;
	v2 =	vsub.s32 v5, v0  }
0x3b: {  	[tilespmem:s3+$0x30] =	vst v1;
	v1 =	vmin.u32 v2, $0x1400  }
0x3c: {  	s4 =	simm.s32 $0x0;
	[tilespmem:s3+$0x40] =	vst v1  }
0x3d: {  	[tilespmem:s31], [sflag:$0x1] =	stream.linear.gather [hbm4b:s16+s4], $0x1000, $0x38;
	[tilespmem:$0x15840] =	vst v63  }
0x3e: {  	_ =	swait.ge [sflag:s29], $0x1000  }
0x3f: {  	[sflag:s29] =	ssyncset.done $0x0  }
0x40: {  	[sflag:s29] =	ssyncadd.s32 $0xFFFFF000  }
0x41: {  	[spmem:s17] =	stream.linear.scatter [tilespmem:s31], [sflag:$0x1], $0x1000, $0x38;
	[tilespmem:$0x15840] =	vst v63  }
0x42: {  	_ =	swait.ge [sflag:s29], $0x1000  }
0x43: {  	[sflag:s29] =	ssyncset.done $0x0  }
0x44: {  	[sflag:s29] =	ssyncadd.s32 $0xFFFFF000  }
0x45: {  	[spmem:s18] =	stream.linear.scatter [tilespmem:s31], [sflag:$0x1], $0x1000, $0x38;
	[tilespmem:$0x15840] =	vst v63  }
0x46: {  	_ =	swait.ge [sflag:s29], $0x1000  }
0x47: {  	[sflag:s29] =	ssyncset.done $0x0  }
0x48: {  	[sflag:s29] =	ssyncadd.s32 $0xFFFFF000  }
0x49: {  	[spmem:s19] =	stream.linear.scatter [tilespmem:s31], [sflag:$0x1], $0x1000, $0x38;
	[tilespmem:$0x15840] =	vst v63  }
0x4a: {  	_ =	swait.ge [sflag:s29], $0x1000  }
0x4b: {  	[sflag:s29] =	ssyncset.done $0x0  }
0x4c: {  	[sflag:s29] =	ssyncadd.s32 $0xFFFFF000  }
0x4d: {  	[spmem:s20] =	stream.linear.scatter [tilespmem:s31], [sflag:$0x1], $0x1000, $0x38;
	[tilespmem:$0x15840] =	vst v63  }
0x4e: {  	_ =	swait.ge [sflag:s29], $0x1000  }
0x4f: {  	[sflag:s29] =	ssyncset.done $0x0  }
0x50: {  	[sflag:s29] =	ssyncadd.s32 $0xFFFFF000  }
0x51: {  	[spmem:s21] =	stream.linear.scatter [tilespmem:s31], [sflag:$0x1], $0x1000, $0x38;
	[tilespmem:$0x15840] =	vst v63  }
0x52: {  	_ =	swait.ge [sflag:s29], $0x1000  }
0x53: {  	[sflag:s29] =	ssyncset.done $0x0  }
0x54: {  	[sflag:s29] =	ssyncadd.s32 $0xFFFFF000  }
0x55: {  	[spmem:s22] =	stream.linear.scatter [tilespmem:s31], [sflag:$0x1], $0x1000, $0x38;
	[tilespmem:$0x15840] =	vst v63  }
0x56: {  	_ =	swait.ge [sflag:s29], $0x1000  }
0x57: {  	[sflag:s29] =	ssyncset.done $0x0  }
0x58: {  	[sflag:s29] =	ssyncadd.s32 $0xFFFFF000  }
0x59: {  	[spmem:s23] =	stream.linear.scatter [tilespmem:s31], [sflag:$0x1], $0x1000, $0x38;
	[tilespmem:$0x15840] =	vst v63  }
0x5a: {  	_ =	swait.ge [sflag:s29], $0x1000  }
0x5b: {  	[sflag:s29] =	ssyncset.done $0x0  }
0x5c: {  	[sflag:s29] =	ssyncadd.s32 $0xFFFFF000  }
0x5d: {  	[spmem:s24] =	stream.linear.scatter [tilespmem:s31], [sflag:$0x1], $0x1000, $0x38;
	[tilespmem:$0x15840] =	vst v63  }
0x5e: {  	_ =	swait.ge [sflag:s29], $0x1000  }
0x5f: {  	[sflag:s29] =	ssyncset.done $0x0  }
0x60: {  	[sflag:s29] =	ssyncadd.s32 $0xFFFFF000  }
0x61: {  	[spmem:s25] =	stream.linear.scatter [tilespmem:s31], [sflag:$0x1], $0x1000, $0x38;
	[tilespmem:$0x15840] =	vst v63  }
0x62: {  	_ =	swait.ge [sflag:s29], $0x1000  }
0x63: {  	[sflag:s29] =	ssyncset.done $0x0  }
0x64: {  	[sflag:s29] =	ssyncadd.s32 $0xFFFFF000  }
0x65: {  	[spmem:s26] =	stream.linear.scatter [tilespmem:s31], [sflag:$0x1], $0x1000, $0x38;
	[tilespmem:$0x15840] =	vst v63  }
0x66: {  	_ =	swait.ge [sflag:s29], $0x1000  }
0x67: {  	[sflag:s29] =	ssyncset.done $0x0  }
0x68: {  	[sflag:s29] =	ssyncadd.s32 $0xFFFFF000  }
0x69: {  	s5 =	simm.s32 $0x0;
	[bflag:$0x0] =	sbarrier.arrive $0xFFFF  }
0x6a: {  	[spmem:s1] =	stream.indirect.scatter.add.f32 [tilespmem:s30], [sflag:$0x1], $0x80, s5, s12, $0xb8;
	[tilespmem:$0x15840] =	vst v63  }
0x6b: {  	_ =	swait.ge [sflag:s29], $0x2800  }
0x6c: {  	s3 =	simm.s32 $0x200;
	[sflag:s29] =	ssyncset.done $0x0  }
.LBB2_4:
0x6d: {  	s4 =	sshra.s32 s3, $0x2;
	[sflag:s29] =	ssyncadd.s32 $0xFFFFD800;
	p0 =	sne.s32 s3, $0x1F200  }
0x6e: {  	[spmem:s1] =	stream.indirect.scatter.add.f32 [tilespmem:s30], [sflag:$0x1], $0x80, s4, s12, $0xb8;
	[tilespmem:$0x15840] =	vst v63  }
.Ltmp1:
0x6f: {  	_ = 	snop;
	(pc) =	sbr.rel @p0 .LBB2_4-.Ltmp1, $4  }
0x70: {  	_ = 	snop  }
0x71: {  	s3 =	sadd.s32 $0x200, s3  }
0x72: {  	_ =	swait.ge [sflag:s29], $0x2800  }
0x73: {  	[sflag:s29] =	ssyncset.done $0x0  }
0x74: {  	[sflag:s29] =	ssyncadd.s32 $0xFFFFD800  }
0x75: {  	[bflag:$0x0] =	sbarrier.arrive $0xFFFF  }
0x76: {  	[tilespmem:s31], [sflag:$0x1] =	stream.linear.gather [spmem:s17], $0x1000, $0x38;
	[tilespmem:$0x15840] =	vst v63  }
0x77: {  	_ =	swait.ge [sflag:s29], $0x1000  }
0x78: {  	[sflag:s29] =	ssyncset.done $0x0  }
0x79: {  	s3 =	rddreg [dreg:$0x5];
	[sflag:s29] =	ssyncadd.s32 $0xFFFFF000  }
0x7a: {  	[hbm4b:s3+s2] =	stream.linear.scatter [tilespmem:s31], [sflag:$0x1], $0x1000, $0x38;
	[tilespmem:$0x15840] =	vst v63  }
0x7b: {  	_ =	swait.ge [sflag:s29], $0x1000  }
0x7c: {  	[sflag:s29] =	ssyncset.done $0x0  }
0x7d: {  	[sflag:s29] =	ssyncadd.s32 $0xFFFFF000  }
0x7e: {  	[tilespmem:s31], [sflag:$0x1] =	stream.linear.gather [spmem:s18], $0x1000, $0x38;
	[tilespmem:$0x15840] =	vst v63  }
0x7f: {  	_ =	swait.ge [sflag:s29], $0x1000  }
0x80: {  	[sflag:s29] =	ssyncset.done $0x0  }
0x81: {  	s5 =	rddreg [dreg:$0x6];
	[sflag:s29] =	ssyncadd.s32 $0xFFFFF000  }
0x82: {  	[hbm4b:s5+s2] =	stream.linear.scatter [tilespmem:s31], [sflag:$0x1], $0x1000, $0x38;
	[tilespmem:$0x15840] =	vst v63  }
0x83: {  	_ =	swait.ge [sflag:s29], $0x1000  }
0x84: {  	[sflag:s29] =	ssyncset.done $0x0  }
0x85: {  	[sflag:s29] =	ssyncadd.s32 $0xFFFFF000  }
0x86: {  	[tilespmem:s31], [sflag:$0x1] =	stream.linear.gather [spmem:s19], $0x1000, $0x38;
	[tilespmem:$0x15840] =	vst v63  }
0x87: {  	_ =	swait.ge [sflag:s29], $0x1000  }
0x88: {  	[sflag:s29] =	ssyncset.done $0x0  }
0x89: {  	[sflag:s29] =	ssyncadd.s32 $0xFFFFF000  }
0x8a: {  	[hbm4b:s6+s2] =	stream.linear.scatter [tilespmem:s31], [sflag:$0x1], $0x1000, $0x38;
	[tilespmem:$0x15840] =	vst v63  }
0x8b: {  	_ =	swait.ge [sflag:s29], $0x1000  }
0x8c: {  	[sflag:s29] =	ssyncset.done $0x0  }
0x8d: {  	[sflag:s29] =	ssyncadd.s32 $0xFFFFF000  }
0x8e: {  	[tilespmem:s31], [sflag:$0x1] =	stream.linear.gather [spmem:s20], $0x1000, $0x38;
	[tilespmem:$0x15840] =	vst v63  }
0x8f: {  	_ =	swait.ge [sflag:s29], $0x1000  }
0x90: {  	[sflag:s29] =	ssyncset.done $0x0  }
0x91: {  	[sflag:s29] =	ssyncadd.s32 $0xFFFFF000  }
0x92: {  	[hbm4b:s7+s2] =	stream.linear.scatter [tilespmem:s31], [sflag:$0x1], $0x1000, $0x38;
	[tilespmem:$0x15840] =	vst v63  }
0x93: {  	_ =	swait.ge [sflag:s29], $0x1000  }
0x94: {  	[sflag:s29] =	ssyncset.done $0x0  }
0x95: {  	[sflag:s29] =	ssyncadd.s32 $0xFFFFF000  }
0x96: {  	[tilespmem:s31], [sflag:$0x1] =	stream.linear.gather [spmem:s21], $0x1000, $0x38;
	[tilespmem:$0x15840] =	vst v63  }
0x97: {  	_ =	swait.ge [sflag:s29], $0x1000  }
0x98: {  	[sflag:s29] =	ssyncset.done $0x0  }
0x99: {  	[sflag:s29] =	ssyncadd.s32 $0xFFFFF000  }
0x9a: {  	[hbm4b:s8+s2] =	stream.linear.scatter [tilespmem:s31], [sflag:$0x1], $0x1000, $0x38;
	[tilespmem:$0x15840] =	vst v63  }
0x9b: {  	_ =	swait.ge [sflag:s29], $0x1000  }
0x9c: {  	[sflag:s29] =	ssyncset.done $0x0  }
0x9d: {  	[sflag:s29] =	ssyncadd.s32 $0xFFFFF000  }
0x9e: {  	[tilespmem:s31], [sflag:$0x1] =	stream.linear.gather [spmem:s22], $0x1000, $0x38;
	[tilespmem:$0x15840] =	vst v63  }
0x9f: {  	_ =	swait.ge [sflag:s29], $0x1000  }
0xa0: {  	[sflag:s29] =	ssyncset.done $0x0  }
0xa1: {  	[sflag:s29] =	ssyncadd.s32 $0xFFFFF000  }
0xa2: {  	[hbm4b:s9+s2] =	stream.linear.scatter [tilespmem:s31], [sflag:$0x1], $0x1000, $0x38;
	[tilespmem:$0x15840] =	vst v63  }
0xa3: {  	_ =	swait.ge [sflag:s29], $0x1000  }
0xa4: {  	[sflag:s29] =	ssyncset.done $0x0  }
0xa5: {  	[sflag:s29] =	ssyncadd.s32 $0xFFFFF000  }
0xa6: {  	[tilespmem:s31], [sflag:$0x1] =	stream.linear.gather [spmem:s23], $0x1000, $0x38;
	[tilespmem:$0x15840] =	vst v63  }
0xa7: {  	_ =	swait.ge [sflag:s29], $0x1000  }
0xa8: {  	[sflag:s29] =	ssyncset.done $0x0  }
0xa9: {  	[sflag:s29] =	ssyncadd.s32 $0xFFFFF000  }
0xaa: {  	[hbm4b:s10+s2] =	stream.linear.scatter [tilespmem:s31], [sflag:$0x1], $0x1000, $0x38;
	[tilespmem:$0x15840] =	vst v63  }
0xab: {  	_ =	swait.ge [sflag:s29], $0x1000  }
0xac: {  	[sflag:s29] =	ssyncset.done $0x0  }
0xad: {  	[sflag:s29] =	ssyncadd.s32 $0xFFFFF000  }
0xae: {  	[tilespmem:s31], [sflag:$0x1] =	stream.linear.gather [spmem:s24], $0x1000, $0x38;
	[tilespmem:$0x15840] =	vst v63  }
0xaf: {  	_ =	swait.ge [sflag:s29], $0x1000  }
0xb0: {  	[sflag:s29] =	ssyncset.done $0x0  }
0xb1: {  	[sflag:s29] =	ssyncadd.s32 $0xFFFFF000  }
0xb2: {  	[hbm4b:s11+s2] =	stream.linear.scatter [tilespmem:s31], [sflag:$0x1], $0x1000, $0x38;
	[tilespmem:$0x15840] =	vst v63  }
0xb3: {  	_ =	swait.ge [sflag:s29], $0x1000  }
0xb4: {  	[sflag:s29] =	ssyncset.done $0x0  }
0xb5: {  	[sflag:s29] =	ssyncadd.s32 $0xFFFFF000  }
0xb6: {  	[tilespmem:s31], [sflag:$0x1] =	stream.linear.gather [spmem:s25], $0x1000, $0x38;
	[tilespmem:$0x15840] =	vst v63  }
0xb7: {  	_ =	swait.ge [sflag:s29], $0x1000  }
0xb8: {  	[sflag:s29] =	ssyncset.done $0x0  }
0xb9: {  	[sflag:s29] =	ssyncadd.s32 $0xFFFFF000  }
0xba: {  	[hbm4b:s13+s2] =	stream.linear.scatter [tilespmem:s31], [sflag:$0x1], $0x1000, $0x38;
	[tilespmem:$0x15840] =	vst v63  }
0xbb: {  	_ =	swait.ge [sflag:s29], $0x1000  }
0xbc: {  	[sflag:s29] =	ssyncset.done $0x0  }
0xbd: {  	[sflag:s29] =	ssyncadd.s32 $0xFFFFF000  }
0xbe: {  	[tilespmem:s31], [sflag:$0x1] =	stream.linear.gather [spmem:s26], $0x1000, $0x38;
	[tilespmem:$0x15840] =	vst v63  }
0xbf: {  	s0 =	sadd.s32 $0x1, s0;
	_ =	swait.ge [sflag:s29], $0x1000  }
0xc0: {  	p0 =	sne.s32 s0, s28;
	[sflag:s29] =	ssyncset.done $0x0  }
.Ltmp2:
0xc1: {  	[sflag:s29] =	ssyncadd.s32 $0xFFFFF000;
	(pc) =	sbr.rel @p0 .LBB2_1-.Ltmp2, $4  }
0xc2: {  	[hbm4b:s14+s2] =	stream.linear.scatter [tilespmem:s31], [sflag:$0x1], $0x1000, $0x38;
	[tilespmem:$0x15840] =	vst v63  }
0xc3: {  	_ =	swait.ge [sflag:s29], $0x1000  }
0xc4: {  	[sflag:s29] =	ssyncset.done $0x0  }
0xc5: {  	[sflag:s29] =	ssyncadd.s32 $0xFFFFF000  }
0xc6: {  	_ =	sfence.sel $0x180000  }
0xc7: {  	[bflag:$0x0] =	sbarrier.arrive $0xFFFF  }
0xc8: {  	_ =	strace $0x90000047  }
0xc9: {  	s0 =	stileid.u32;
	[bflag:$0x2] =	sbarrier.arrive $0xFFFF  }
0xca: {  	p0 =	sne.s32 s0, $0x0;
	s0 =	rddreg [dreg:$0x3]  }
0xcb: {  	s0 =	sadd.s32 @!p0 $0x100000, s0  }
0xcc: {  	[sflag:s0] =	ssyncadd.tile.s32 @!p0 $0x1;
	_ =	shalt  }
.Lfunc_end2:
_tile_overlayer_lowered:
.L_overlay_start_2:
0xcd: {  	(tag) =	ssettag $0x2  }
0xce: {  	s0 =	rddreg [dreg:$0x0];
	s2 =	stileid.u32  }
0xcf: {  	s1 =	rddreg [dreg:$0x1];
	p0 =	sne.s32 s2, $0x0  }
0xd0: {  	s3 =	rddreg [dreg:$0x2];
	[bflag:$0x3] =	sbarrier.arrive $0xFFFF;
	s2 =	simm.s32 @!p0 $0x1C01  }
0xd1: {  	[timem:s3], [sflag:s2] =	dma.local @!p0 [hbm:s0], s1  }
0xd2: {  	s0 =	simm.s32 @!p0 $0x1  }
0xd3: {  	_ =	swait.ge @!p0 [sflag:s0], s1  }
0xd4: {  	s1 =	ssub.s32 @!p0 $0x0, s1;
	[sflag:s0] =	ssyncset.done @!p0 $0x0  }
0xd5: {  	[sflag:s0] =	ssyncadd.s32 @!p0 s1  }
0xd6: {  	[bflag:$0x3] =	sbarrier.arrive $0xFFFF  }
0xd7: {  	_ =	shalt  }

</sc_bundles>
